<compile_context>
chip_gen: v7x
topology: tpu7x:2x2x1
jax: 0.10.2.dev20260603
libtpu: 0.0.44.dev20260713+nightly
codegen_flags: <defaults>
</compile_context>

<pallas_src>
import functools

import jax
import jax.numpy as jnp
from jax import lax
from jax.experimental import pallas as pl
from jax.experimental.pallas import tpu as pltpu
from jax.experimental.pallas import tpu_sc as plsc

HIDDEN = 4096
NUM_EXPERTS = 64
TOKENS = 32768
BLK = 1024
NCHUNK = 2
CHUNK = TOKENS // NCHUNK

NW = 32
TPW = CHUNK // NW
LANES = 16


def _matmul_kernel(x_ref, w_ref, b_ref, logits_ref):
    logits = jax.lax.dot_general(
        x_ref[...], w_ref[...], (((1,), (1,)), ((), ())),
        preferred_element_type=jnp.float32,
    )
    logits_ref[...] = logits + b_ref[...]


def _tc_logits(x, W, b2d, c):
    grid = (CHUNK // BLK,)
    off = c * (CHUNK // BLK)
    return pl.pallas_call(
        _matmul_kernel,
        grid=grid,
        in_specs=[
            pl.BlockSpec((BLK, HIDDEN), lambda i: (i + off, 0)),
            pl.BlockSpec((NUM_EXPERTS, HIDDEN), lambda i: (0, 0)),
            pl.BlockSpec((1, NUM_EXPERTS), lambda i: (0, 0)),
        ],
        out_specs=pl.BlockSpec((BLK, NUM_EXPERTS), lambda i: (i, 0)),
        out_shape=jax.ShapeDtypeStruct((CHUNK, NUM_EXPERTS), jnp.float32),
    )(x, W, b2d)


def _sc_top2_body(logits_hbm, probs_hbm, idx_hbm, buf_v, probs_v, idx_v):
    wid = lax.axis_index("s") * 2 + lax.axis_index("c")
    base = wid * TPW
    pltpu.sync_copy(logits_hbm.at[pl.ds(base * NUM_EXPERTS, TPW * NUM_EXPERTS)],
                    buf_v)

    def group(g, carry):
        t_ids = lax.iota(jnp.int32, LANES) + g * LANES
        flat = t_ids * NUM_EXPERTS
        a = jnp.full((LANES,), -jnp.inf, jnp.float32)
        bsec = jnp.full((LANES,), -jnp.inf, jnp.float32)
        ai = jnp.zeros((LANES,), jnp.int32)
        bi = jnp.zeros((LANES,), jnp.int32)
        for e in range(NUM_EXPERTS):
            ve = plsc.load_gather(buf_v, [flat + e])
            ei = jnp.full((LANES,), e, jnp.int32)
            new_best = ve > a
            beats_sec = ve > bsec
            nb = jnp.where(beats_sec, ve, bsec)
            nbi = jnp.where(beats_sec, ei, bi)
            bsec = jnp.where(new_best, a, nb)
            bi = jnp.where(new_best, ai, nbi)
            a = jnp.where(new_best, ve, a)
            ai = jnp.where(new_best, ei, ai)
        e2 = jnp.exp(bsec - a)
        den = 1.0 + e2
        two_t = t_ids * 2
        plsc.store_scatter(probs_v, [two_t], 1.0 / den)
        plsc.store_scatter(probs_v, [two_t + 1], e2 / den)
        plsc.store_scatter(idx_v, [two_t], ai)
        plsc.store_scatter(idx_v, [two_t + 1], bi)
        return carry

    lax.fori_loop(0, TPW // LANES, group, 0)
    pltpu.sync_copy(probs_v, probs_hbm.at[pl.ds(base * 2, TPW * 2)])
    pltpu.sync_copy(idx_v, idx_hbm.at[pl.ds(base * 2, TPW * 2)])


_sc_top2 = functools.partial(
    pl.kernel,
    out_type=[
        jax.ShapeDtypeStruct((CHUNK * 2,), jnp.float32),
        jax.ShapeDtypeStruct((CHUNK * 2,), jnp.int32),
    ],
    mesh=plsc.VectorSubcoreMesh(core_axis_name="c", subcore_axis_name="s"),
    compiler_params=pltpu.CompilerParams(needs_layout_passes=False),
    scratch_types=[
        pltpu.VMEM((TPW * NUM_EXPERTS,), jnp.float32),
        pltpu.VMEM((TPW * 2,), jnp.float32),
        pltpu.VMEM((TPW * 2,), jnp.int32),
    ],
)(_sc_top2_body)


@jax.jit
def kernel(x, W, b):
    b2d = b.reshape(1, NUM_EXPERTS)
    logits_c, probs_c, idx_c = [], [], []
    for c in range(NCHUNK):
        logits = _tc_logits(x, W, b2d, c)
        pf, xf = _sc_top2(logits.reshape(-1))
        logits_c.append(logits)
        probs_c.append(pf.reshape(CHUNK, 2))
        idx_c.append(xf.reshape(CHUNK, 2))
    return (
        jnp.concatenate(probs_c, 0),
        jnp.concatenate(idx_c, 0),
        jnp.concatenate(logits_c, 0),
    )

# --- scband reference (transcript-rebuilt; emitter-appended) ---
"""Pipeline reference for scband-dynamic-router-37864431681969 (READ-ONLY COPY).

The authoritative reference and input builder live on the scoring server;
editing this copy changes nothing except your own understanding.
"""

import jax, jax.numpy as jnp
import numpy as np

HIDDEN = 4096
NUM_EXPERTS = 64
TOKENS = 32768


def setup_inputs(seed: int = 0) -> dict:
    key = jax.random.key(seed)
    k1, k2, k3 = jax.random.split(key, 3)
    x = jax.random.normal(k1, (TOKENS, HIDDEN), dtype=jnp.float32)
    # nn.Linear(hidden_size, num_experts): weight [num_experts, hidden], bias [num_experts]
    bound = 1.0 / np.sqrt(HIDDEN)
    W = jax.random.uniform(k2, (NUM_EXPERTS, HIDDEN), dtype=jnp.float32, minval=-bound, maxval=bound)
    b = jax.random.uniform(k3, (NUM_EXPERTS,), dtype=jnp.float32, minval=-bound, maxval=bound)
    return {"x": x, "W": W, "b": b}


def reference(x, W, b):
    # routing_logits = self.router(x)
    routing_logits = x @ W.T + b
    # routing_probs = softmax(routing_logits, dim=-1)
    routing_probs = jax.nn.softmax(routing_logits, axis=-1)
    # top_k_probs, top_k_indices = torch.topk(routing_probs, k=2, dim=-1)
    top_k_probs, top_k_indices = jax.lax.top_k(routing_probs, 2)
    # normalize
    top_k_probs = top_k_probs / jnp.sum(top_k_probs, axis=-1, keepdims=True)
    return (top_k_probs, top_k_indices, routing_logits)

if __name__ == "__main__":
    import jax
    _d = setup_inputs()
    print(jax.jit(kernel)(*tuple(_d.values())))

</pallas_src>

<mosaic_0001>
#map = affine_map<(d0, d1) -> (0)>
module attributes {stable_mosaic.version = 14 : i64} {
  func.func @_sc_top2_body(%arg0: i32, %arg1: i32, %arg2: memref<1048576xf32, #tpu.memory_space<hbm>>, %arg3: memref<32768xf32, #tpu.memory_space<hbm>>, %arg4: memref<32768xi32, #tpu.memory_space<hbm>>, %arg5: memref<32768xf32, #tpu.memory_space<vmem>>, %arg6: memref<1024xf32, #tpu.memory_space<vmem>>, %arg7: memref<1024xi32, #tpu.memory_space<vmem>>) attributes {dimension_semantics = [#tpu.dimension_semantics<core_parallel>, #tpu.dimension_semantics<subcore_parallel>], iteration_bounds = array<i64: 2, 16>, scalar_prefetch = 0 : i64, scratch_operands = 3 : i64, tpu.core_type = #tpu.core_type<sc_vector_subcore>, window_params = [{transform_indices = #map}, {transform_indices = #map}, {transform_indices = #map}]} {
    %mul3A = arith.constant 2 : i32
    %mul3A_0 = arith.muli %arg1, %mul3A : i32
    %add3A = arith.addi %mul3A_0, %arg0 : i32
    %mul3A_1 = arith.constant 512 : i32
    %mul3A_2 = arith.muli %add3A, %mul3A_1 : i32
    %mul3A_3 = arith.constant 64 : i32
    %mul3A_4 = arith.muli %mul3A_2, %mul3A_3 : i32
    "tpu.region"() ({
      %run_scoped3A = tpu.sem_alloc : memref<!tpu.dma_semaphore, #tpu.memory_space<semaphore_mem>>
      %dma_start3A = tpu.memref_slice %arg2[%mul3A_4] : memref<1048576xf32, #tpu.memory_space<hbm>> -> memref<32768xf32, #tpu.memory_space<hbm>>
      %dma_start3A_14 = tpu.memref_slice %arg2[%mul3A_4] : memref<1048576xf32, #tpu.memory_space<hbm>> -> memref<32768xf32, #tpu.memory_space<hbm>>
      tpu.enqueue_dma source(%dma_start3A_14 : memref<32768xf32, #tpu.memory_space<hbm>>) target(%arg5 : memref<32768xf32, #tpu.memory_space<vmem>>) target_semaphore(%run_scoped3A : memref<!tpu.dma_semaphore, #tpu.memory_space<semaphore_mem>>)
      %dma_wait3A = tpu.memref_slice %arg2[%mul3A_4] : memref<1048576xf32, #tpu.memory_space<hbm>> -> memref<32768xf32, #tpu.memory_space<hbm>>
      %dma_wait3A_15 = tpu.memref_slice %arg2[%mul3A_4] : memref<1048576xf32, #tpu.memory_space<hbm>> -> memref<32768xf32, #tpu.memory_space<hbm>>
      tpu.wait_dma2 semaphore(%run_scoped3A : memref<!tpu.dma_semaphore, #tpu.memory_space<semaphore_mem>>) src(%dma_wait3A_15 : memref<32768xf32, #tpu.memory_space<hbm>>) dst(%arg5 : memref<32768xf32, #tpu.memory_space<vmem>>)
      tpu.yield
    }) : () -> ()
    %scan3A = arith.constant 0 : i32
    %scan3A_5 = arith.constant 0 : i32
    %scan3A_6 = arith.constant 32 : i32
    %scan3A_7 = arith.addi %scan3A_5, %scan3A_6 : i32
    %scan3A_8 = arith.constant 1 : i32
    scf.for %scan3A_14 = %scan3A_5 to %scan3A_7 step %scan3A_8  : i32 {
      %iota3A = tpu.iota {dimensions = array<i32: 0>} : vector<16xi32>
      %mul3A_15 = arith.constant 16 : i32
      %mul3A_16 = arith.muli %scan3A_14, %mul3A_15 : i32
      %add3A_17 = vector.broadcast %mul3A_16 : i32 to vector<16xi32>
      %add3A_18 = arith.addi %iota3A, %add3A_17 : vector<16xi32>
      %mul3A_19 = arith.constant 64 : i32
      %mul3A_20 = vector.broadcast %mul3A_19 : i32 to vector<16xi32>
      %mul3A_21 = arith.muli %add3A_18, %mul3A_20 : vector<16xi32>
      %broadcast_in_dim3A = arith.constant 0xFF800000 : f32
      %broadcast_in_dim3A_22 = vector.broadcast %broadcast_in_dim3A : f32 to vector<16xf32>
      %broadcast_in_dim3A_23 = arith.constant 0xFF800000 : f32
      %broadcast_in_dim3A_24 = vector.broadcast %broadcast_in_dim3A_23 : f32 to vector<16xf32>
      %broadcast_in_dim3A_25 = arith.constant 0 : i32
      %broadcast_in_dim3A_26 = vector.broadcast %broadcast_in_dim3A_25 : i32 to vector<16xi32>
      %broadcast_in_dim3A_27 = arith.constant 0 : i32
      %broadcast_in_dim3A_28 = vector.broadcast %broadcast_in_dim3A_27 : i32 to vector<16xi32>
      %add3A_29 = arith.constant 0 : i32
      %add3A_30 = vector.broadcast %add3A_29 : i32 to vector<16xi32>
      %add3A_31 = arith.addi %mul3A_21, %add3A_30 : vector<16xi32>
      %gather3A = tpu.vector_load_idx %arg5[%add3A_31] : memref<32768xf32, #tpu.memory_space<vmem>>[vector<16xi32>], vector<16xf32>,
      %broadcast_in_dim3A_32 = arith.constant 0 : i32
      %broadcast_in_dim3A_33 = vector.broadcast %broadcast_in_dim3A_32 : i32 to vector<16xi32>
      %gt3A = arith.cmpf ogt, %gather3A, %broadcast_in_dim3A_22 : vector<16xf32>
      %gt3A_34 = arith.cmpf ogt, %gather3A, %broadcast_in_dim3A_24 : vector<16xf32>
      %select_n3A = arith.select %gt3A_34, %gather3A, %broadcast_in_dim3A_24 : vector<16xi1>, vector<16xf32>
      %select_n3A_35 = arith.select %gt3A_34, %broadcast_in_dim3A_33, %broadcast_in_dim3A_28 : vector<16xi1>, vector<16xi32>
      %select_n3A_36 = arith.select %gt3A, %broadcast_in_dim3A_22, %select_n3A : vector<16xi1>, vector<16xf32>
      %select_n3A_37 = arith.select %gt3A, %broadcast_in_dim3A_26, %select_n3A_35 : vector<16xi1>, vector<16xi32>
      %select_n3A_38 = arith.select %gt3A, %gather3A, %broadcast_in_dim3A_22 : vector<16xi1>, vector<16xf32>
      %select_n3A_39 = arith.select %gt3A, %broadcast_in_dim3A_33, %broadcast_in_dim3A_26 : vector<16xi1>, vector<16xi32>
      %add3A_40 = arith.constant 1 : i32
      %add3A_41 = vector.broadcast %add3A_40 : i32 to vector<16xi32>
      %add3A_42 = arith.addi %mul3A_21, %add3A_41 : vector<16xi32>
      %gather3A_43 = tpu.vector_load_idx %arg5[%add3A_42] : memref<32768xf32, #tpu.memory_space<vmem>>[vector<16xi32>], vector<16xf32>,
      %broadcast_in_dim3A_44 = arith.constant 1 : i32
      %broadcast_in_dim3A_45 = vector.broadcast %broadcast_in_dim3A_44 : i32 to vector<16xi32>
      %gt3A_46 = arith.cmpf ogt, %gather3A_43, %select_n3A_38 : vector<16xf32>
      %gt3A_47 = arith.cmpf ogt, %gather3A_43, %select_n3A_36 : vector<16xf32>
      %select_n3A_48 = arith.select %gt3A_47, %gather3A_43, %select_n3A_36 : vector<16xi1>, vector<16xf32>
      %select_n3A_49 = arith.select %gt3A_47, %broadcast_in_dim3A_45, %select_n3A_37 : vector<16xi1>, vector<16xi32>
      %select_n3A_50 = arith.select %gt3A_46, %select_n3A_38, %select_n3A_48 : vector<16xi1>, vector<16xf32>
      %select_n3A_51 = arith.select %gt3A_46, %select_n3A_39, %select_n3A_49 : vector<16xi1>, vector<16xi32>
      %select_n3A_52 = arith.select %gt3A_46, %gather3A_43, %select_n3A_38 : vector<16xi1>, vector<16xf32>
      %select_n3A_53 = arith.select %gt3A_46, %broadcast_in_dim3A_45, %select_n3A_39 : vector<16xi1>, vector<16xi32>
      %add3A_54 = arith.constant 2 : i32
      %add3A_55 = vector.broadcast %add3A_54 : i32 to vector<16xi32>
      %add3A_56 = arith.addi %mul3A_21, %add3A_55 : vector<16xi32>
      %gather3A_57 = tpu.vector_load_idx %arg5[%add3A_56] : memref<32768xf32, #tpu.memory_space<vmem>>[vector<16xi32>], vector<16xf32>,
      %broadcast_in_dim3A_58 = arith.constant 2 : i32
      %broadcast_in_dim3A_59 = vector.broadcast %broadcast_in_dim3A_58 : i32 to vector<16xi32>
      %gt3A_60 = arith.cmpf ogt, %gather3A_57, %select_n3A_52 : vector<16xf32>
      %gt3A_61 = arith.cmpf ogt, %gather3A_57, %select_n3A_50 : vector<16xf32>
      %select_n3A_62 = arith.select %gt3A_61, %gather3A_57, %select_n3A_50 : vector<16xi1>, vector<16xf32>
      %select_n3A_63 = arith.select %gt3A_61, %broadcast_in_dim3A_59, %select_n3A_51 : vector<16xi1>, vector<16xi32>
      %select_n3A_64 = arith.select %gt3A_60, %select_n3A_52, %select_n3A_62 : vector<16xi1>, vector<16xf32>
      %select_n3A_65 = arith.select %gt3A_60, %select_n3A_53, %select_n3A_63 : vector<16xi1>, vector<16xi32>
      %select_n3A_66 = arith.select %gt3A_60, %gather3A_57, %select_n3A_52 : vector<16xi1>, vector<16xf32>
      %select_n3A_67 = arith.select %gt3A_60, %broadcast_in_dim3A_59, %select_n3A_53 : vector<16xi1>, vector<16xi32>
      %add3A_68 = arith.constant 3 : i32
      %add3A_69 = vector.broadcast %add3A_68 : i32 to vector<16xi32>
      %add3A_70 = arith.addi %mul3A_21, %add3A_69 : vector<16xi32>
      %gather3A_71 = tpu.vector_load_idx %arg5[%add3A_70] : memref<32768xf32, #tpu.memory_space<vmem>>[vector<16xi32>], vector<16xf32>,
      %broadcast_in_dim3A_72 = arith.constant 3 : i32
      %broadcast_in_dim3A_73 = vector.broadcast %broadcast_in_dim3A_72 : i32 to vector<16xi32>
      %gt3A_74 = arith.cmpf ogt, %gather3A_71, %select_n3A_66 : vector<16xf32>
      %gt3A_75 = arith.cmpf ogt, %gather3A_71, %select_n3A_64 : vector<16xf32>
      %select_n3A_76 = arith.select %gt3A_75, %gather3A_71, %select_n3A_64 : vector<16xi1>, vector<16xf32>
      %select_n3A_77 = arith.select %gt3A_75, %broadcast_in_dim3A_73, %select_n3A_65 : vector<16xi1>, vector<16xi32>
      %select_n3A_78 = arith.select %gt3A_74, %select_n3A_66, %select_n3A_76 : vector<16xi1>, vector<16xf32>
      %select_n3A_79 = arith.select %gt3A_74, %select_n3A_67, %select_n3A_77 : vector<16xi1>, vector<16xi32>
      %select_n3A_80 = arith.select %gt3A_74, %gather3A_71, %select_n3A_66 : vector<16xi1>, vector<16xf32>
      %select_n3A_81 = arith.select %gt3A_74, %broadcast_in_dim3A_73, %select_n3A_67 : vector<16xi1>, vector<16xi32>
      %add3A_82 = arith.constant 4 : i32
      %add3A_83 = vector.broadcast %add3A_82 : i32 to vector<16xi32>
      %add3A_84 = arith.addi %mul3A_21, %add3A_83 : vector<16xi32>
      %gather3A_85 = tpu.vector_load_idx %arg5[%add3A_84] : memref<32768xf32, #tpu.memory_space<vmem>>[vector<16xi32>], vector<16xf32>,
      %broadcast_in_dim3A_86 = arith.constant 4 : i32
      %broadcast_in_dim3A_87 = vector.broadcast %broadcast_in_dim3A_86 : i32 to vector<16xi32>
      %gt3A_88 = arith.cmpf ogt, %gather3A_85, %select_n3A_80 : vector<16xf32>
      %gt3A_89 = arith.cmpf ogt, %gather3A_85, %select_n3A_78 : vector<16xf32>
      %select_n3A_90 = arith.select %gt3A_89, %gather3A_85, %select_n3A_78 : vector<16xi1>, vector<16xf32>
      %select_n3A_91 = arith.select %gt3A_89, %broadcast_in_dim3A_87, %select_n3A_79 : vector<16xi1>, vector<16xi32>
      %select_n3A_92 = arith.select %gt3A_88, %select_n3A_80, %select_n3A_90 : vector<16xi1>, vector<16xf32>
      %select_n3A_93 = arith.select %gt3A_88, %select_n3A_81, %select_n3A_91 : vector<16xi1>, vector<16xi32>
      %select_n3A_94 = arith.select %gt3A_88, %gather3A_85, %select_n3A_80 : vector<16xi1>, vector<16xf32>
      %select_n3A_95 = arith.select %gt3A_88, %broadcast_in_dim3A_87, %select_n3A_81 : vector<16xi1>, vector<16xi32>
      %add3A_96 = arith.constant 5 : i32
      %add3A_97 = vector.broadcast %add3A_96 : i32 to vector<16xi32>
      %add3A_98 = arith.addi %mul3A_21, %add3A_97 : vector<16xi32>
      %gather3A_99 = tpu.vector_load_idx %arg5[%add3A_98] : memref<32768xf32, #tpu.memory_space<vmem>>[vector<16xi32>], vector<16xf32>,
      %broadcast_in_dim3A_100 = arith.constant 5 : i32
      %broadcast_in_dim3A_101 = vector.broadcast %broadcast_in_dim3A_100 : i32 to vector<16xi32>
      %gt3A_102 = arith.cmpf ogt, %gather3A_99, %select_n3A_94 : vector<16xf32>
      %gt3A_103 = arith.cmpf ogt, %gather3A_99, %select_n3A_92 : vector<16xf32>
      %select_n3A_104 = arith.select %gt3A_103, %gather3A_99, %select_n3A_92 : vector<16xi1>, vector<16xf32>
      %select_n3A_105 = arith.select %gt3A_103, %broadcast_in_dim3A_101, %select_n3A_93 : vector<16xi1>, vector<16xi32>
      %select_n3A_106 = arith.select %gt3A_102, %select_n3A_94, %select_n3A_104 : vector<16xi1>, vector<16xf32>
      %select_n3A_107 = arith.select %gt3A_102, %select_n3A_95, %select_n3A_105 : vector<16xi1>, vector<16xi32>
      %select_n3A_108 = arith.select %gt3A_102, %gather3A_99, %select_n3A_94 : vector<16xi1>, vector<16xf32>
      %select_n3A_109 = arith.select %gt3A_102, %broadcast_in_dim3A_101, %select_n3A_95 : vector<16xi1>, vector<16xi32>
      %add3A_110 = arith.constant 6 : i32
      %add3A_111 = vector.broadcast %add3A_110 : i32 to vector<16xi32>
      %add3A_112 = arith.addi %mul3A_21, %add3A_111 : vector<16xi32>
      %gather3A_113 = tpu.vector_load_idx %arg5[%add3A_112] : memref<32768xf32, #tpu.memory_space<vmem>>[vector<16xi32>], vector<16xf32>,
      %broadcast_in_dim3A_114 = arith.constant 6 : i32
      %broadcast_in_dim3A_115 = vector.broadcast %broadcast_in_dim3A_114 : i32 to vector<16xi32>
      %gt3A_116 = arith.cmpf ogt, %gather3A_113, %select_n3A_108 : vector<16xf32>
      %gt3A_117 = arith.cmpf ogt, %gather3A_113, %select_n3A_106 : vector<16xf32>
      %select_n3A_118 = arith.select %gt3A_117, %gather3A_113, %select_n3A_106 : vector<16xi1>, vector<16xf32>
      %select_n3A_119 = arith.select %gt3A_117, %broadcast_in_dim3A_115, %select_n3A_107 : vector<16xi1>, vector<16xi32>
      %select_n3A_120 = arith.select %gt3A_116, %select_n3A_108, %select_n3A_118 : vector<16xi1>, vector<16xf32>
      %select_n3A_121 = arith.select %gt3A_116, %select_n3A_109, %select_n3A_119 : vector<16xi1>, vector<16xi32>
      %select_n3A_122 = arith.select %gt3A_116, %gather3A_113, %select_n3A_108 : vector<16xi1>, vector<16xf32>
      %select_n3A_123 = arith.select %gt3A_116, %broadcast_in_dim3A_115, %select_n3A_109 : vector<16xi1>, vector<16xi32>
      %add3A_124 = arith.constant 7 : i32
      %add3A_125 = vector.broadcast %add3A_124 : i32 to vector<16xi32>
      %add3A_126 = arith.addi %mul3A_21, %add3A_125 : vector<16xi32>
      %gather3A_127 = tpu.vector_load_idx %arg5[%add3A_126] : memref<32768xf32, #tpu.memory_space<vmem>>[vector<16xi32>], vector<16xf32>,
      %broadcast_in_dim3A_128 = arith.constant 7 : i32
      %broadcast_in_dim3A_129 = vector.broadcast %broadcast_in_dim3A_128 : i32 to vector<16xi32>
      %gt3A_130 = arith.cmpf ogt, %gather3A_127, %select_n3A_122 : vector<16xf32>
      %gt3A_131 = arith.cmpf ogt, %gather3A_127, %select_n3A_120 : vector<16xf32>
      %select_n3A_132 = arith.select %gt3A_131, %gather3A_127, %select_n3A_120 : vector<16xi1>, vector<16xf32>
      %select_n3A_133 = arith.select %gt3A_131, %broadcast_in_dim3A_129, %select_n3A_121 : vector<16xi1>, vector<16xi32>
      %select_n3A_134 = arith.select %gt3A_130, %select_n3A_122, %select_n3A_132 : vector<16xi1>, vector<16xf32>
      %select_n3A_135 = arith.select %gt3A_130, %select_n3A_123, %select_n3A_133 : vector<16xi1>, vector<16xi32>
      %select_n3A_136 = arith.select %gt3A_130, %gather3A_127, %select_n3A_122 : vector<16xi1>, vector<16xf32>
      %select_n3A_137 = arith.select %gt3A_130, %broadcast_in_dim3A_129, %select_n3A_123 : vector<16xi1>, vector<16xi32>
      %add3A_138 = arith.constant 8 : i32
      %add3A_139 = vector.broadcast %add3A_138 : i32 to vector<16xi32>
      %add3A_140 = arith.addi %mul3A_21, %add3A_139 : vector<16xi32>
      %gather3A_141 = tpu.vector_load_idx %arg5[%add3A_140] : memref<32768xf32, #tpu.memory_space<vmem>>[vector<16xi32>], vector<16xf32>,
      %broadcast_in_dim3A_142 = arith.constant 8 : i32
      %broadcast_in_dim3A_143 = vector.broadcast %broadcast_in_dim3A_142 : i32 to vector<16xi32>
      %gt3A_144 = arith.cmpf ogt, %gather3A_141, %select_n3A_136 : vector<16xf32>
      %gt3A_145 = arith.cmpf ogt, %gather3A_141, %select_n3A_134 : vector<16xf32>
      %select_n3A_146 = arith.select %gt3A_145, %gather3A_141, %select_n3A_134 : vector<16xi1>, vector<16xf32>
      %select_n3A_147 = arith.select %gt3A_145, %broadcast_in_dim3A_143, %select_n3A_135 : vector<16xi1>, vector<16xi32>
      %select_n3A_148 = arith.select %gt3A_144, %select_n3A_136, %select_n3A_146 : vector<16xi1>, vector<16xf32>
      %select_n3A_149 = arith.select %gt3A_144, %select_n3A_137, %select_n3A_147 : vector<16xi1>, vector<16xi32>
      %select_n3A_150 = arith.select %gt3A_144, %gather3A_141, %select_n3A_136 : vector<16xi1>, vector<16xf32>
      %select_n3A_151 = arith.select %gt3A_144, %broadcast_in_dim3A_143, %select_n3A_137 : vector<16xi1>, vector<16xi32>
      %add3A_152 = arith.constant 9 : i32
      %add3A_153 = vector.broadcast %add3A_152 : i32 to vector<16xi32>
      %add3A_154 = arith.addi %mul3A_21, %add3A_153 : vector<16xi32>
      %gather3A_155 = tpu.vector_load_idx %arg5[%add3A_154] : memref<32768xf32, #tpu.memory_space<vmem>>[vector<16xi32>], vector<16xf32>,
      %broadcast_in_dim3A_156 = arith.constant 9 : i32
      %broadcast_in_dim3A_157 = vector.broadcast %broadcast_in_dim3A_156 : i32 to vector<16xi32>
      %gt3A_158 = arith.cmpf ogt, %gather3A_155, %select_n3A_150 : vector<16xf32>
      %gt3A_159 = arith.cmpf ogt, %gather3A_155, %select_n3A_148 : vector<16xf32>
      %select_n3A_160 = arith.select %gt3A_159, %gather3A_155, %select_n3A_148 : vector<16xi1>, vector<16xf32>
      %select_n3A_161 = arith.select %gt3A_159, %broadcast_in_dim3A_157, %select_n3A_149 : vector<16xi1>, vector<16xi32>
      %select_n3A_162 = arith.select %gt3A_158, %select_n3A_150, %select_n3A_160 : vector<16xi1>, vector<16xf32>
      %select_n3A_163 = arith.select %gt3A_158, %select_n3A_151, %select_n3A_161 : vector<16xi1>, vector<16xi32>
      %select_n3A_164 = arith.select %gt3A_158, %gather3A_155, %select_n3A_150 : vector<16xi1>, vector<16xf32>
      %select_n3A_165 = arith.select %gt3A_158, %broadcast_in_dim3A_157, %select_n3A_151 : vector<16xi1>, vector<16xi32>
      %add3A_166 = arith.constant 10 : i32
      %add3A_167 = vector.broadcast %add3A_166 : i32 to vector<16xi32>
      %add3A_168 = arith.addi %mul3A_21, %add3A_167 : vector<16xi32>
      %gather3A_169 = tpu.vector_load_idx %arg5[%add3A_168] : memref<32768xf32, #tpu.memory_space<vmem>>[vector<16xi32>], vector<16xf32>,
      %broadcast_in_dim3A_170 = arith.constant 10 : i32
      %broadcast_in_dim3A_171 = vector.broadcast %broadcast_in_dim3A_170 : i32 to vector<16xi32>
      %gt3A_172 = arith.cmpf ogt, %gather3A_169, %select_n3A_164 : vector<16xf32>
      %gt3A_173 = arith.cmpf ogt, %gather3A_169, %select_n3A_162 : vector<16xf32>
      %select_n3A_174 = arith.select %gt3A_173, %gather3A_169, %select_n3A_162 : vector<16xi1>, vector<16xf32>
      %select_n3A_175 = arith.select %gt3A_173, %broadcast_in_dim3A_171, %select_n3A_163 : vector<16xi1>, vector<16xi32>
      %select_n3A_176 = arith.select %gt3A_172, %select_n3A_164, %select_n3A_174 : vector<16xi1>, vector<16xf32>
      %select_n3A_177 = arith.select %gt3A_172, %select_n3A_165, %select_n3A_175 : vector<16xi1>, vector<16xi32>
      %select_n3A_178 = arith.select %gt3A_172, %gather3A_169, %select_n3A_164 : vector<16xi1>, vector<16xf32>
      %select_n3A_179 = arith.select %gt3A_172, %broadcast_in_dim3A_171, %select_n3A_165 : vector<16xi1>, vector<16xi32>
      %add3A_180 = arith.constant 11 : i32
      %add3A_181 = vector.broadcast %add3A_180 : i32 to vector<16xi32>
      %add3A_182 = arith.addi %mul3A_21, %add3A_181 : vector<16xi32>
      %gather3A_183 = tpu.vector_load_idx %arg5[%add3A_182] : memref<32768xf32, #tpu.memory_space<vmem>>[vector<16xi32>], vector<16xf32>,
      %broadcast_in_dim3A_184 = arith.constant 11 : i32
      %broadcast_in_dim3A_185 = vector.broadcast %broadcast_in_dim3A_184 : i32 to vector<16xi32>
      %gt3A_186 = arith.cmpf ogt, %gather3A_183, %select_n3A_178 : vector<16xf32>
      %gt3A_187 = arith.cmpf ogt, %gather3A_183, %select_n3A_176 : vector<16xf32>
      %select_n3A_188 = arith.select %gt3A_187, %gather3A_183, %select_n3A_176 : vector<16xi1>, vector<16xf32>
      %select_n3A_189 = arith.select %gt3A_187, %broadcast_in_dim3A_185, %select_n3A_177 : vector<16xi1>, vector<16xi32>
      %select_n3A_190 = arith.select %gt3A_186, %select_n3A_178, %select_n3A_188 : vector<16xi1>, vector<16xf32>
      %select_n3A_191 = arith.select %gt3A_186, %select_n3A_179, %select_n3A_189 : vector<16xi1>, vector<16xi32>
      %select_n3A_192 = arith.select %gt3A_186, %gather3A_183, %select_n3A_178 : vector<16xi1>, vector<16xf32>
      %select_n3A_193 = arith.select %gt3A_186, %broadcast_in_dim3A_185, %select_n3A_179 : vector<16xi1>, vector<16xi32>
      %add3A_194 = arith.constant 12 : i32
      %add3A_195 = vector.broadcast %add3A_194 : i32 to vector<16xi32>
      %add3A_196 = arith.addi %mul3A_21, %add3A_195 : vector<16xi32>
      %gather3A_197 = tpu.vector_load_idx %arg5[%add3A_196] : memref<32768xf32, #tpu.memory_space<vmem>>[vector<16xi32>], vector<16xf32>,
      %broadcast_in_dim3A_198 = arith.constant 12 : i32
      %broadcast_in_dim3A_199 = vector.broadcast %broadcast_in_dim3A_198 : i32 to vector<16xi32>
      %gt3A_200 = arith.cmpf ogt, %gather3A_197, %select_n3A_192 : vector<16xf32>
      %gt3A_201 = arith.cmpf ogt, %gather3A_197, %select_n3A_190 : vector<16xf32>
      %select_n3A_202 = arith.select %gt3A_201, %gather3A_197, %select_n3A_190 : vector<16xi1>, vector<16xf32>
      %select_n3A_203 = arith.select %gt3A_201, %broadcast_in_dim3A_199, %select_n3A_191 : vector<16xi1>, vector<16xi32>
      %select_n3A_204 = arith.select %gt3A_200, %select_n3A_192, %select_n3A_202 : vector<16xi1>, vector<16xf32>
      %select_n3A_205 = arith.select %gt3A_200, %select_n3A_193, %select_n3A_203 : vector<16xi1>, vector<16xi32>
      %select_n3A_206 = arith.select %gt3A_200, %gather3A_197, %select_n3A_192 : vector<16xi1>, vector<16xf32>
      %select_n3A_207 = arith.select %gt3A_200, %broadcast_in_dim3A_199, %select_n3A_193 : vector<16xi1>, vector<16xi32>
      %add3A_208 = arith.constant 13 : i32
      %add3A_209 = vector.broadcast %add3A_208 : i32 to vector<16xi32>
      %add3A_210 = arith.addi %mul3A_21, %add3A_209 : vector<16xi32>
      %gather3A_211 = tpu.vector_load_idx %arg5[%add3A_210] : memref<32768xf32, #tpu.memory_space<vmem>>[vector<16xi32>], vector<16xf32>,
      %broadcast_in_dim3A_212 = arith.constant 13 : i32
      %broadcast_in_dim3A_213 = vector.broadcast %broadcast_in_dim3A_212 : i32 to vector<16xi32>
      %gt3A_214 = arith.cmpf ogt, %gather3A_211, %select_n3A_206 : vector<16xf32>
      %gt3A_215 = arith.cmpf ogt, %gather3A_211, %select_n3A_204 : vector<16xf32>
      %select_n3A_216 = arith.select %gt3A_215, %gather3A_211, %select_n3A_204 : vector<16xi1>, vector<16xf32>
      %select_n3A_217 = arith.select %gt3A_215, %broadcast_in_dim3A_213, %select_n3A_205 : vector<16xi1>, vector<16xi32>
      %select_n3A_218 = arith.select %gt3A_214, %select_n3A_206, %select_n3A_216 : vector<16xi1>, vector<16xf32>
      %select_n3A_219 = arith.select %gt3A_214, %select_n3A_207, %select_n3A_217 : vector<16xi1>, vector<16xi32>
      %select_n3A_220 = arith.select %gt3A_214, %gather3A_211, %select_n3A_206 : vector<16xi1>, vector<16xf32>
      %select_n3A_221 = arith.select %gt3A_214, %broadcast_in_dim3A_213, %select_n3A_207 : vector<16xi1>, vector<16xi32>
      %add3A_222 = arith.constant 14 : i32
      %add3A_223 = vector.broadcast %add3A_222 : i32 to vector<16xi32>
      %add3A_224 = arith.addi %mul3A_21, %add3A_223 : vector<16xi32>
      %gather3A_225 = tpu.vector_load_idx %arg5[%add3A_224] : memref<32768xf32, #tpu.memory_space<vmem>>[vector<16xi32>], vector<16xf32>,
      %broadcast_in_dim3A_226 = arith.constant 14 : i32
      %broadcast_in_dim3A_227 = vector.broadcast %broadcast_in_dim3A_226 : i32 to vector<16xi32>
      %gt3A_228 = arith.cmpf ogt, %gather3A_225, %select_n3A_220 : vector<16xf32>
      %gt3A_229 = arith.cmpf ogt, %gather3A_225, %select_n3A_218 : vector<16xf32>
      %select_n3A_230 = arith.select %gt3A_229, %gather3A_225, %select_n3A_218 : vector<16xi1>, vector<16xf32>
      %select_n3A_231 = arith.select %gt3A_229, %broadcast_in_dim3A_227, %select_n3A_219 : vector<16xi1>, vector<16xi32>
      %select_n3A_232 = arith.select %gt3A_228, %select_n3A_220, %select_n3A_230 : vector<16xi1>, vector<16xf32>
      %select_n3A_233 = arith.select %gt3A_228, %select_n3A_221, %select_n3A_231 : vector<16xi1>, vector<16xi32>
      %select_n3A_234 = arith.select %gt3A_228, %gather3A_225, %select_n3A_220 : vector<16xi1>, vector<16xf32>
      %select_n3A_235 = arith.select %gt3A_228, %broadcast_in_dim3A_227, %select_n3A_221 : vector<16xi1>, vector<16xi32>
      %add3A_236 = arith.constant 15 : i32
      %add3A_237 = vector.broadcast %add3A_236 : i32 to vector<16xi32>
      %add3A_238 = arith.addi %mul3A_21, %add3A_237 : vector<16xi32>
      %gather3A_239 = tpu.vector_load_idx %arg5[%add3A_238] : memref<32768xf32, #tpu.memory_space<vmem>>[vector<16xi32>], vector<16xf32>,
      %broadcast_in_dim3A_240 = arith.constant 15 : i32
      %broadcast_in_dim3A_241 = vector.broadcast %broadcast_in_dim3A_240 : i32 to vector<16xi32>
      %gt3A_242 = arith.cmpf ogt, %gather3A_239, %select_n3A_234 : vector<16xf32>
      %gt3A_243 = arith.cmpf ogt, %gather3A_239, %select_n3A_232 : vector<16xf32>
      %select_n3A_244 = arith.select %gt3A_243, %gather3A_239, %select_n3A_232 : vector<16xi1>, vector<16xf32>
      %select_n3A_245 = arith.select %gt3A_243, %broadcast_in_dim3A_241, %select_n3A_233 : vector<16xi1>, vector<16xi32>
      %select_n3A_246 = arith.select %gt3A_242, %select_n3A_234, %select_n3A_244 : vector<16xi1>, vector<16xf32>
      %select_n3A_247 = arith.select %gt3A_242, %select_n3A_235, %select_n3A_245 : vector<16xi1>, vector<16xi32>
      %select_n3A_248 = arith.select %gt3A_242, %gather3A_239, %select_n3A_234 : vector<16xi1>, vector<16xf32>
      %select_n3A_249 = arith.select %gt3A_242, %broadcast_in_dim3A_241, %select_n3A_235 : vector<16xi1>, vector<16xi32>
      %add3A_250 = arith.constant 16 : i32
      %add3A_251 = vector.broadcast %add3A_250 : i32 to vector<16xi32>
      %add3A_252 = arith.addi %mul3A_21, %add3A_251 : vector<16xi32>
      %gather3A_253 = tpu.vector_load_idx %arg5[%add3A_252] : memref<32768xf32, #tpu.memory_space<vmem>>[vector<16xi32>], vector<16xf32>,
      %broadcast_in_dim3A_254 = arith.constant 16 : i32
      %broadcast_in_dim3A_255 = vector.broadcast %broadcast_in_dim3A_254 : i32 to vector<16xi32>
      %gt3A_256 = arith.cmpf ogt, %gather3A_253, %select_n3A_248 : vector<16xf32>
      %gt3A_257 = arith.cmpf ogt, %gather3A_253, %select_n3A_246 : vector<16xf32>
      %select_n3A_258 = arith.select %gt3A_257, %gather3A_253, %select_n3A_246 : vector<16xi1>, vector<16xf32>
      %select_n3A_259 = arith.select %gt3A_257, %broadcast_in_dim3A_255, %select_n3A_247 : vector<16xi1>, vector<16xi32>
      %select_n3A_260 = arith.select %gt3A_256, %select_n3A_248, %select_n3A_258 : vector<16xi1>, vector<16xf32>
      %select_n3A_261 = arith.select %gt3A_256, %select_n3A_249, %select_n3A_259 : vector<16xi1>, vector<16xi32>
      %select_n3A_262 = arith.select %gt3A_256, %gather3A_253, %select_n3A_248 : vector<16xi1>, vector<16xf32>
      %select_n3A_263 = arith.select %gt3A_256, %broadcast_in_dim3A_255, %select_n3A_249 : vector<16xi1>, vector<16xi32>
      %add3A_264 = arith.constant 17 : i32
      %add3A_265 = vector.broadcast %add3A_264 : i32 to vector<16xi32>
      %add3A_266 = arith.addi %mul3A_21, %add3A_265 : vector<16xi32>
      %gather3A_267 = tpu.vector_load_idx %arg5[%add3A_266] : memref<32768xf32, #tpu.memory_space<vmem>>[vector<16xi32>], vector<16xf32>,
      %broadcast_in_dim3A_268 = arith.constant 17 : i32
      %broadcast_in_dim3A_269 = vector.broadcast %broadcast_in_dim3A_268 : i32 to vector<16xi32>
      %gt3A_270 = arith.cmpf ogt, %gather3A_267, %select_n3A_262 : vector<16xf32>
      %gt3A_271 = arith.cmpf ogt, %gather3A_267, %select_n3A_260 : vector<16xf32>
      %select_n3A_272 = arith.select %gt3A_271, %gather3A_267, %select_n3A_260 : vector<16xi1>, vector<16xf32>
      %select_n3A_273 = arith.select %gt3A_271, %broadcast_in_dim3A_269, %select_n3A_261 : vector<16xi1>, vector<16xi32>
      %select_n3A_274 = arith.select %gt3A_270, %select_n3A_262, %select_n3A_272 : vector<16xi1>, vector<16xf32>
      %select_n3A_275 = arith.select %gt3A_270, %select_n3A_263, %select_n3A_273 : vector<16xi1>, vector<16xi32>
      %select_n3A_276 = arith.select %gt3A_270, %gather3A_267, %select_n3A_262 : vector<16xi1>, vector<16xf32>
      %select_n3A_277 = arith.select %gt3A_270, %broadcast_in_dim3A_269, %select_n3A_263 : vector<16xi1>, vector<16xi32>
      %add3A_278 = arith.constant 18 : i32
      %add3A_279 = vector.broadcast %add3A_278 : i32 to vector<16xi32>
      %add3A_280 = arith.addi %mul3A_21, %add3A_279 : vector<16xi32>
      %gather3A_281 = tpu.vector_load_idx %arg5[%add3A_280] : memref<32768xf32, #tpu.memory_space<vmem>>[vector<16xi32>], vector<16xf32>,
      %broadcast_in_dim3A_282 = arith.constant 18 : i32
      %broadcast_in_dim3A_283 = vector.broadcast %broadcast_in_dim3A_282 : i32 to vector<16xi32>
      %gt3A_284 = arith.cmpf ogt, %gather3A_281, %select_n3A_276 : vector<16xf32>
      %gt3A_285 = arith.cmpf ogt, %gather3A_281, %select_n3A_274 : vector<16xf32>
      %select_n3A_286 = arith.select %gt3A_285, %gather3A_281, %select_n3A_274 : vector<16xi1>, vector<16xf32>
      %select_n3A_287 = arith.select %gt3A_285, %broadcast_in_dim3A_283, %select_n3A_275 : vector<16xi1>, vector<16xi32>
      %select_n3A_288 = arith.select %gt3A_284, %select_n3A_276, %select_n3A_286 : vector<16xi1>, vector<16xf32>
      %select_n3A_289 = arith.select %gt3A_284, %select_n3A_277, %select_n3A_287 : vector<16xi1>, vector<16xi32>
      %select_n3A_290 = arith.select %gt3A_284, %gather3A_281, %select_n3A_276 : vector<16xi1>, vector<16xf32>
      %select_n3A_291 = arith.select %gt3A_284, %broadcast_in_dim3A_283, %select_n3A_277 : vector<16xi1>, vector<16xi32>
      %add3A_292 = arith.constant 19 : i32
      %add3A_293 = vector.broadcast %add3A_292 : i32 to vector<16xi32>
      %add3A_294 = arith.addi %mul3A_21, %add3A_293 : vector<16xi32>
      %gather3A_295 = tpu.vector_load_idx %arg5[%add3A_294] : memref<32768xf32, #tpu.memory_space<vmem>>[vector<16xi32>], vector<16xf32>,
      %broadcast_in_dim3A_296 = arith.constant 19 : i32
      %broadcast_in_dim3A_297 = vector.broadcast %broadcast_in_dim3A_296 : i32 to vector<16xi32>
      %gt3A_298 = arith.cmpf ogt, %gather3A_295, %select_n3A_290 : vector<16xf32>
      %gt3A_299 = arith.cmpf ogt, %gather3A_295, %select_n3A_288 : vector<16xf32>
      %select_n3A_300 = arith.select %gt3A_299, %gather3A_295, %select_n3A_288 : vector<16xi1>, vector<16xf32>
      %select_n3A_301 = arith.select %gt3A_299, %broadcast_in_dim3A_297, %select_n3A_289 : vector<16xi1>, vector<16xi32>
      %select_n3A_302 = arith.select %gt3A_298, %select_n3A_290, %select_n3A_300 : vector<16xi1>, vector<16xf32>
      %select_n3A_303 = arith.select %gt3A_298, %select_n3A_291, %select_n3A_301 : vector<16xi1>, vector<16xi32>
      %select_n3A_304 = arith.select %gt3A_298, %gather3A_295, %select_n3A_290 : vector<16xi1>, vector<16xf32>
      %select_n3A_305 = arith.select %gt3A_298, %broadcast_in_dim3A_297, %select_n3A_291 : vector<16xi1>, vector<16xi32>
      %add3A_306 = arith.constant 20 : i32
      %add3A_307 = vector.broadcast %add3A_306 : i32 to vector<16xi32>
      %add3A_308 = arith.addi %mul3A_21, %add3A_307 : vector<16xi32>
      %gather3A_309 = tpu.vector_load_idx %arg5[%add3A_308] : memref<32768xf32, #tpu.memory_space<vmem>>[vector<16xi32>], vector<16xf32>,
      %broadcast_in_dim3A_310 = arith.constant 20 : i32
      %broadcast_in_dim3A_311 = vector.broadcast %broadcast_in_dim3A_310 : i32 to vector<16xi32>
      %gt3A_312 = arith.cmpf ogt, %gather3A_309, %select_n3A_304 : vector<16xf32>
      %gt3A_313 = arith.cmpf ogt, %gather3A_309, %select_n3A_302 : vector<16xf32>
      %select_n3A_314 = arith.select %gt3A_313, %gather3A_309, %select_n3A_302 : vector<16xi1>, vector<16xf32>
      %select_n3A_315 = arith.select %gt3A_313, %broadcast_in_dim3A_311, %select_n3A_303 : vector<16xi1>, vector<16xi32>
      %select_n3A_316 = arith.select %gt3A_312, %select_n3A_304, %select_n3A_314 : vector<16xi1>, vector<16xf32>
      %select_n3A_317 = arith.select %gt3A_312, %select_n3A_305, %select_n3A_315 : vector<16xi1>, vector<16xi32>
      %select_n3A_318 = arith.select %gt3A_312, %gather3A_309, %select_n3A_304 : vector<16xi1>, vector<16xf32>
      %select_n3A_319 = arith.select %gt3A_312, %broadcast_in_dim3A_311, %select_n3A_305 : vector<16xi1>, vector<16xi32>
      %add3A_320 = arith.constant 21 : i32
      %add3A_321 = vector.broadcast %add3A_320 : i32 to vector<16xi32>
      %add3A_322 = arith.addi %mul3A_21, %add3A_321 : vector<16xi32>
      %gather3A_323 = tpu.vector_load_idx %arg5[%add3A_322] : memref<32768xf32, #tpu.memory_space<vmem>>[vector<16xi32>], vector<16xf32>,
      %broadcast_in_dim3A_324 = arith.constant 21 : i32
      %broadcast_in_dim3A_325 = vector.broadcast %broadcast_in_dim3A_324 : i32 to vector<16xi32>
      %gt3A_326 = arith.cmpf ogt, %gather3A_323, %select_n3A_318 : vector<16xf32>
      %gt3A_327 = arith.cmpf ogt, %gather3A_323, %select_n3A_316 : vector<16xf32>
      %select_n3A_328 = arith.select %gt3A_327, %gather3A_323, %select_n3A_316 : vector<16xi1>, vector<16xf32>
      %select_n3A_329 = arith.select %gt3A_327, %broadcast_in_dim3A_325, %select_n3A_317 : vector<16xi1>, vector<16xi32>
      %select_n3A_330 = arith.select %gt3A_326, %select_n3A_318, %select_n3A_328 : vector<16xi1>, vector<16xf32>
      %select_n3A_331 = arith.select %gt3A_326, %select_n3A_319, %select_n3A_329 : vector<16xi1>, vector<16xi32>
      %select_n3A_332 = arith.select %gt3A_326, %gather3A_323, %select_n3A_318 : vector<16xi1>, vector<16xf32>
      %select_n3A_333 = arith.select %gt3A_326, %broadcast_in_dim3A_325, %select_n3A_319 : vector<16xi1>, vector<16xi32>
      %add3A_334 = arith.constant 22 : i32
      %add3A_335 = vector.broadcast %add3A_334 : i32 to vector<16xi32>
      %add3A_336 = arith.addi %mul3A_21, %add3A_335 : vector<16xi32>
      %gather3A_337 = tpu.vector_load_idx %arg5[%add3A_336] : memref<32768xf32, #tpu.memory_space<vmem>>[vector<16xi32>], vector<16xf32>,
      %broadcast_in_dim3A_338 = arith.constant 22 : i32
      %broadcast_in_dim3A_339 = vector.broadcast %broadcast_in_dim3A_338 : i32 to vector<16xi32>
      %gt3A_340 = arith.cmpf ogt, %gather3A_337, %select_n3A_332 : vector<16xf32>
      %gt3A_341 = arith.cmpf ogt, %gather3A_337, %select_n3A_330 : vector<16xf32>
      %select_n3A_342 = arith.select %gt3A_341, %gather3A_337, %select_n3A_330 : vector<16xi1>, vector<16xf32>
      %select_n3A_343 = arith.select %gt3A_341, %broadcast_in_dim3A_339, %select_n3A_331 : vector<16xi1>, vector<16xi32>
      %select_n3A_344 = arith.select %gt3A_340, %select_n3A_332, %select_n3A_342 : vector<16xi1>, vector<16xf32>
      %select_n3A_345 = arith.select %gt3A_340, %select_n3A_333, %select_n3A_343 : vector<16xi1>, vector<16xi32>
      %select_n3A_346 = arith.select %gt3A_340, %gather3A_337, %select_n3A_332 : vector<16xi1>, vector<16xf32>
      %select_n3A_347 = arith.select %gt3A_340, %broadcast_in_dim3A_339, %select_n3A_333 : vector<16xi1>, vector<16xi32>
      %add3A_348 = arith.constant 23 : i32
      %add3A_349 = vector.broadcast %add3A_348 : i32 to vector<16xi32>
      %add3A_350 = arith.addi %mul3A_21, %add3A_349 : vector<16xi32>
      %gather3A_351 = tpu.vector_load_idx %arg5[%add3A_350] : memref<32768xf32, #tpu.memory_space<vmem>>[vector<16xi32>], vector<16xf32>,
      %broadcast_in_dim3A_352 = arith.constant 23 : i32
      %broadcast_in_dim3A_353 = vector.broadcast %broadcast_in_dim3A_352 : i32 to vector<16xi32>
      %gt3A_354 = arith.cmpf ogt, %gather3A_351, %select_n3A_346 : vector<16xf32>
      %gt3A_355 = arith.cmpf ogt, %gather3A_351, %select_n3A_344 : vector<16xf32>
      %select_n3A_356 = arith.select %gt3A_355, %gather3A_351, %select_n3A_344 : vector<16xi1>, vector<16xf32>
      %select_n3A_357 = arith.select %gt3A_355, %broadcast_in_dim3A_353, %select_n3A_345 : vector<16xi1>, vector<16xi32>
      %select_n3A_358 = arith.select %gt3A_354, %select_n3A_346, %select_n3A_356 : vector<16xi1>, vector<16xf32>
      %select_n3A_359 = arith.select %gt3A_354, %select_n3A_347, %select_n3A_357 : vector<16xi1>, vector<16xi32>
      %select_n3A_360 = arith.select %gt3A_354, %gather3A_351, %select_n3A_346 : vector<16xi1>, vector<16xf32>
      %select_n3A_361 = arith.select %gt3A_354, %broadcast_in_dim3A_353, %select_n3A_347 : vector<16xi1>, vector<16xi32>
      %add3A_362 = arith.constant 24 : i32
      %add3A_363 = vector.broadcast %add3A_362 : i32 to vector<16xi32>
      %add3A_364 = arith.addi %mul3A_21, %add3A_363 : vector<16xi32>
      %gather3A_365 = tpu.vector_load_idx %arg5[%add3A_364] : memref<32768xf32, #tpu.memory_space<vmem>>[vector<16xi32>], vector<16xf32>,
      %broadcast_in_dim3A_366 = arith.constant 24 : i32
      %broadcast_in_dim3A_367 = vector.broadcast %broadcast_in_dim3A_366 : i32 to vector<16xi32>
      %gt3A_368 = arith.cmpf ogt, %gather3A_365, %select_n3A_360 : vector<16xf32>
      %gt3A_369 = arith.cmpf ogt, %gather3A_365, %select_n3A_358 : vector<16xf32>
      %select_n3A_370 = arith.select %gt3A_369, %gather3A_365, %select_n3A_358 : vector<16xi1>, vector<16xf32>
      %select_n3A_371 = arith.select %gt3A_369, %broadcast_in_dim3A_367, %select_n3A_359 : vector<16xi1>, vector<16xi32>
      %select_n3A_372 = arith.select %gt3A_368, %select_n3A_360, %select_n3A_370 : vector<16xi1>, vector<16xf32>
      %select_n3A_373 = arith.select %gt3A_368, %select_n3A_361, %select_n3A_371 : vector<16xi1>, vector<16xi32>
      %select_n3A_374 = arith.select %gt3A_368, %gather3A_365, %select_n3A_360 : vector<16xi1>, vector<16xf32>
      %select_n3A_375 = arith.select %gt3A_368, %broadcast_in_dim3A_367, %select_n3A_361 : vector<16xi1>, vector<16xi32>
      %add3A_376 = arith.constant 25 : i32
      %add3A_377 = vector.broadcast %add3A_376 : i32 to vector<16xi32>
      %add3A_378 = arith.addi %mul3A_21, %add3A_377 : vector<16xi32>
      %gather3A_379 = tpu.vector_load_idx %arg5[%add3A_378] : memref<32768xf32, #tpu.memory_space<vmem>>[vector<16xi32>], vector<16xf32>,
      %broadcast_in_dim3A_380 = arith.constant 25 : i32
      %broadcast_in_dim3A_381 = vector.broadcast %broadcast_in_dim3A_380 : i32 to vector<16xi32>
      %gt3A_382 = arith.cmpf ogt, %gather3A_379, %select_n3A_374 : vector<16xf32>
      %gt3A_383 = arith.cmpf ogt, %gather3A_379, %select_n3A_372 : vector<16xf32>
      %select_n3A_384 = arith.select %gt3A_383, %gather3A_379, %select_n3A_372 : vector<16xi1>, vector<16xf32>
      %select_n3A_385 = arith.select %gt3A_383, %broadcast_in_dim3A_381, %select_n3A_373 : vector<16xi1>, vector<16xi32>
      %select_n3A_386 = arith.select %gt3A_382, %select_n3A_374, %select_n3A_384 : vector<16xi1>, vector<16xf32>
      %select_n3A_387 = arith.select %gt3A_382, %select_n3A_375, %select_n3A_385 : vector<16xi1>, vector<16xi32>
      %select_n3A_388 = arith.select %gt3A_382, %gather3A_379, %select_n3A_374 : vector<16xi1>, vector<16xf32>
      %select_n3A_389 = arith.select %gt3A_382, %broadcast_in_dim3A_381, %select_n3A_375 : vector<16xi1>, vector<16xi32>
      %add3A_390 = arith.constant 26 : i32
      %add3A_391 = vector.broadcast %add3A_390 : i32 to vector<16xi32>
      %add3A_392 = arith.addi %mul3A_21, %add3A_391 : vector<16xi32>
      %gather3A_393 = tpu.vector_load_idx %arg5[%add3A_392] : memref<32768xf32, #tpu.memory_space<vmem>>[vector<16xi32>], vector<16xf32>,
      %broadcast_in_dim3A_394 = arith.constant 26 : i32
      %broadcast_in_dim3A_395 = vector.broadcast %broadcast_in_dim3A_394 : i32 to vector<16xi32>
      %gt3A_396 = arith.cmpf ogt, %gather3A_393, %select_n3A_388 : vector<16xf32>
      %gt3A_397 = arith.cmpf ogt, %gather3A_393, %select_n3A_386 : vector<16xf32>
      %select_n3A_398 = arith.select %gt3A_397, %gather3A_393, %select_n3A_386 : vector<16xi1>, vector<16xf32>
      %select_n3A_399 = arith.select %gt3A_397, %broadcast_in_dim3A_395, %select_n3A_387 : vector<16xi1>, vector<16xi32>
      %select_n3A_400 = arith.select %gt3A_396, %select_n3A_388, %select_n3A_398 : vector<16xi1>, vector<16xf32>
      %select_n3A_401 = arith.select %gt3A_396, %select_n3A_389, %select_n3A_399 : vector<16xi1>, vector<16xi32>
      %select_n3A_402 = arith.select %gt3A_396, %gather3A_393, %select_n3A_388 : vector<16xi1>, vector<16xf32>
      %select_n3A_403 = arith.select %gt3A_396, %broadcast_in_dim3A_395, %select_n3A_389 : vector<16xi1>, vector<16xi32>
      %add3A_404 = arith.constant 27 : i32
      %add3A_405 = vector.broadcast %add3A_404 : i32 to vector<16xi32>
      %add3A_406 = arith.addi %mul3A_21, %add3A_405 : vector<16xi32>
      %gather3A_407 = tpu.vector_load_idx %arg5[%add3A_406] : memref<32768xf32, #tpu.memory_space<vmem>>[vector<16xi32>], vector<16xf32>,
      %broadcast_in_dim3A_408 = arith.constant 27 : i32
      %broadcast_in_dim3A_409 = vector.broadcast %broadcast_in_dim3A_408 : i32 to vector<16xi32>
      %gt3A_410 = arith.cmpf ogt, %gather3A_407, %select_n3A_402 : vector<16xf32>
      %gt3A_411 = arith.cmpf ogt, %gather3A_407, %select_n3A_400 : vector<16xf32>
      %select_n3A_412 = arith.select %gt3A_411, %gather3A_407, %select_n3A_400 : vector<16xi1>, vector<16xf32>
      %select_n3A_413 = arith.select %gt3A_411, %broadcast_in_dim3A_409, %select_n3A_401 : vector<16xi1>, vector<16xi32>
      %select_n3A_414 = arith.select %gt3A_410, %select_n3A_402, %select_n3A_412 : vector<16xi1>, vector<16xf32>
      %select_n3A_415 = arith.select %gt3A_410, %select_n3A_403, %select_n3A_413 : vector<16xi1>, vector<16xi32>
      %select_n3A_416 = arith.select %gt3A_410, %gather3A_407, %select_n3A_402 : vector<16xi1>, vector<16xf32>
      %select_n3A_417 = arith.select %gt3A_410, %broadcast_in_dim3A_409, %select_n3A_403 : vector<16xi1>, vector<16xi32>
      %add3A_418 = arith.constant 28 : i32
      %add3A_419 = vector.broadcast %add3A_418 : i32 to vector<16xi32>
      %add3A_420 = arith.addi %mul3A_21, %add3A_419 : vector<16xi32>
      %gather3A_421 = tpu.vector_load_idx %arg5[%add3A_420] : memref<32768xf32, #tpu.memory_space<vmem>>[vector<16xi32>], vector<16xf32>,
      %broadcast_in_dim3A_422 = arith.constant 28 : i32
      %broadcast_in_dim3A_423 = vector.broadcast %broadcast_in_dim3A_422 : i32 to vector<16xi32>
      %gt3A_424 = arith.cmpf ogt, %gather3A_421, %select_n3A_416 : vector<16xf32>
      %gt3A_425 = arith.cmpf ogt, %gather3A_421, %select_n3A_414 : vector<16xf32>
      %select_n3A_426 = arith.select %gt3A_425, %gather3A_421, %select_n3A_414 : vector<16xi1>, vector<16xf32>
      %select_n3A_427 = arith.select %gt3A_425, %broadcast_in_dim3A_423, %select_n3A_415 : vector<16xi1>, vector<16xi32>
      %select_n3A_428 = arith.select %gt3A_424, %select_n3A_416, %select_n3A_426 : vector<16xi1>, vector<16xf32>
      %select_n3A_429 = arith.select %gt3A_424, %select_n3A_417, %select_n3A_427 : vector<16xi1>, vector<16xi32>
      %select_n3A_430 = arith.select %gt3A_424, %gather3A_421, %select_n3A_416 : vector<16xi1>, vector<16xf32>
      %select_n3A_431 = arith.select %gt3A_424, %broadcast_in_dim3A_423, %select_n3A_417 : vector<16xi1>, vector<16xi32>
      %add3A_432 = arith.constant 29 : i32
      %add3A_433 = vector.broadcast %add3A_432 : i32 to vector<16xi32>
      %add3A_434 = arith.addi %mul3A_21, %add3A_433 : vector<16xi32>
      %gather3A_435 = tpu.vector_load_idx %arg5[%add3A_434] : memref<32768xf32, #tpu.memory_space<vmem>>[vector<16xi32>], vector<16xf32>,
      %broadcast_in_dim3A_436 = arith.constant 29 : i32
      %broadcast_in_dim3A_437 = vector.broadcast %broadcast_in_dim3A_436 : i32 to vector<16xi32>
      %gt3A_438 = arith.cmpf ogt, %gather3A_435, %select_n3A_430 : vector<16xf32>
      %gt3A_439 = arith.cmpf ogt, %gather3A_435, %select_n3A_428 : vector<16xf32>
      %select_n3A_440 = arith.select %gt3A_439, %gather3A_435, %select_n3A_428 : vector<16xi1>, vector<16xf32>
      %select_n3A_441 = arith.select %gt3A_439, %broadcast_in_dim3A_437, %select_n3A_429 : vector<16xi1>, vector<16xi32>
      %select_n3A_442 = arith.select %gt3A_438, %select_n3A_430, %select_n3A_440 : vector<16xi1>, vector<16xf32>
      %select_n3A_443 = arith.select %gt3A_438, %select_n3A_431, %select_n3A_441 : vector<16xi1>, vector<16xi32>
      %select_n3A_444 = arith.select %gt3A_438, %gather3A_435, %select_n3A_430 : vector<16xi1>, vector<16xf32>
      %select_n3A_445 = arith.select %gt3A_438, %broadcast_in_dim3A_437, %select_n3A_431 : vector<16xi1>, vector<16xi32>
      %add3A_446 = arith.constant 30 : i32
      %add3A_447 = vector.broadcast %add3A_446 : i32 to vector<16xi32>
      %add3A_448 = arith.addi %mul3A_21, %add3A_447 : vector<16xi32>
      %gather3A_449 = tpu.vector_load_idx %arg5[%add3A_448] : memref<32768xf32, #tpu.memory_space<vmem>>[vector<16xi32>], vector<16xf32>,
      %broadcast_in_dim3A_450 = arith.constant 30 : i32
      %broadcast_in_dim3A_451 = vector.broadcast %broadcast_in_dim3A_450 : i32 to vector<16xi32>
      %gt3A_452 = arith.cmpf ogt, %gather3A_449, %select_n3A_444 : vector<16xf32>
      %gt3A_453 = arith.cmpf ogt, %gather3A_449, %select_n3A_442 : vector<16xf32>
      %select_n3A_454 = arith.select %gt3A_453, %gather3A_449, %select_n3A_442 : vector<16xi1>, vector<16xf32>
      %select_n3A_455 = arith.select %gt3A_453, %broadcast_in_dim3A_451, %select_n3A_443 : vector<16xi1>, vector<16xi32>
      %select_n3A_456 = arith.select %gt3A_452, %select_n3A_444, %select_n3A_454 : vector<16xi1>, vector<16xf32>
      %select_n3A_457 = arith.select %gt3A_452, %select_n3A_445, %select_n3A_455 : vector<16xi1>, vector<16xi32>
      %select_n3A_458 = arith.select %gt3A_452, %gather3A_449, %select_n3A_444 : vector<16xi1>, vector<16xf32>
      %select_n3A_459 = arith.select %gt3A_452, %broadcast_in_dim3A_451, %select_n3A_445 : vector<16xi1>, vector<16xi32>
      %add3A_460 = arith.constant 31 : i32
      %add3A_461 = vector.broadcast %add3A_460 : i32 to vector<16xi32>
      %add3A_462 = arith.addi %mul3A_21, %add3A_461 : vector<16xi32>
      %gather3A_463 = tpu.vector_load_idx %arg5[%add3A_462] : memref<32768xf32, #tpu.memory_space<vmem>>[vector<16xi32>], vector<16xf32>,
      %broadcast_in_dim3A_464 = arith.constant 31 : i32
      %broadcast_in_dim3A_465 = vector.broadcast %broadcast_in_dim3A_464 : i32 to vector<16xi32>
      %gt3A_466 = arith.cmpf ogt, %gather3A_463, %select_n3A_458 : vector<16xf32>
      %gt3A_467 = arith.cmpf ogt, %gather3A_463, %select_n3A_456 : vector<16xf32>
      %select_n3A_468 = arith.select %gt3A_467, %gather3A_463, %select_n3A_456 : vector<16xi1>, vector<16xf32>
      %select_n3A_469 = arith.select %gt3A_467, %broadcast_in_dim3A_465, %select_n3A_457 : vector<16xi1>, vector<16xi32>
      %select_n3A_470 = arith.select %gt3A_466, %select_n3A_458, %select_n3A_468 : vector<16xi1>, vector<16xf32>
      %select_n3A_471 = arith.select %gt3A_466, %select_n3A_459, %select_n3A_469 : vector<16xi1>, vector<16xi32>
      %select_n3A_472 = arith.select %gt3A_466, %gather3A_463, %select_n3A_458 : vector<16xi1>, vector<16xf32>
      %select_n3A_473 = arith.select %gt3A_466, %broadcast_in_dim3A_465, %select_n3A_459 : vector<16xi1>, vector<16xi32>
      %add3A_474 = arith.constant 32 : i32
      %add3A_475 = vector.broadcast %add3A_474 : i32 to vector<16xi32>
      %add3A_476 = arith.addi %mul3A_21, %add3A_475 : vector<16xi32>
      %gather3A_477 = tpu.vector_load_idx %arg5[%add3A_476] : memref<32768xf32, #tpu.memory_space<vmem>>[vector<16xi32>], vector<16xf32>,
      %broadcast_in_dim3A_478 = arith.constant 32 : i32
      %broadcast_in_dim3A_479 = vector.broadcast %broadcast_in_dim3A_478 : i32 to vector<16xi32>
      %gt3A_480 = arith.cmpf ogt, %gather3A_477, %select_n3A_472 : vector<16xf32>
      %gt3A_481 = arith.cmpf ogt, %gather3A_477, %select_n3A_470 : vector<16xf32>
      %select_n3A_482 = arith.select %gt3A_481, %gather3A_477, %select_n3A_470 : vector<16xi1>, vector<16xf32>
      %select_n3A_483 = arith.select %gt3A_481, %broadcast_in_dim3A_479, %select_n3A_471 : vector<16xi1>, vector<16xi32>
      %select_n3A_484 = arith.select %gt3A_480, %select_n3A_472, %select_n3A_482 : vector<16xi1>, vector<16xf32>
      %select_n3A_485 = arith.select %gt3A_480, %select_n3A_473, %select_n3A_483 : vector<16xi1>, vector<16xi32>
      %select_n3A_486 = arith.select %gt3A_480, %gather3A_477, %select_n3A_472 : vector<16xi1>, vector<16xf32>
      %select_n3A_487 = arith.select %gt3A_480, %broadcast_in_dim3A_479, %select_n3A_473 : vector<16xi1>, vector<16xi32>
      %add3A_488 = arith.constant 33 : i32
      %add3A_489 = vector.broadcast %add3A_488 : i32 to vector<16xi32>
      %add3A_490 = arith.addi %mul3A_21, %add3A_489 : vector<16xi32>
      %gather3A_491 = tpu.vector_load_idx %arg5[%add3A_490] : memref<32768xf32, #tpu.memory_space<vmem>>[vector<16xi32>], vector<16xf32>,
      %broadcast_in_dim3A_492 = arith.constant 33 : i32
      %broadcast_in_dim3A_493 = vector.broadcast %broadcast_in_dim3A_492 : i32 to vector<16xi32>
      %gt3A_494 = arith.cmpf ogt, %gather3A_491, %select_n3A_486 : vector<16xf32>
      %gt3A_495 = arith.cmpf ogt, %gather3A_491, %select_n3A_484 : vector<16xf32>
      %select_n3A_496 = arith.select %gt3A_495, %gather3A_491, %select_n3A_484 : vector<16xi1>, vector<16xf32>
      %select_n3A_497 = arith.select %gt3A_495, %broadcast_in_dim3A_493, %select_n3A_485 : vector<16xi1>, vector<16xi32>
      %select_n3A_498 = arith.select %gt3A_494, %select_n3A_486, %select_n3A_496 : vector<16xi1>, vector<16xf32>
      %select_n3A_499 = arith.select %gt3A_494, %select_n3A_487, %select_n3A_497 : vector<16xi1>, vector<16xi32>
      %select_n3A_500 = arith.select %gt3A_494, %gather3A_491, %select_n3A_486 : vector<16xi1>, vector<16xf32>
      %select_n3A_501 = arith.select %gt3A_494, %broadcast_in_dim3A_493, %select_n3A_487 : vector<16xi1>, vector<16xi32>
      %add3A_502 = arith.constant 34 : i32
      %add3A_503 = vector.broadcast %add3A_502 : i32 to vector<16xi32>
      %add3A_504 = arith.addi %mul3A_21, %add3A_503 : vector<16xi32>
      %gather3A_505 = tpu.vector_load_idx %arg5[%add3A_504] : memref<32768xf32, #tpu.memory_space<vmem>>[vector<16xi32>], vector<16xf32>,
      %broadcast_in_dim3A_506 = arith.constant 34 : i32
      %broadcast_in_dim3A_507 = vector.broadcast %broadcast_in_dim3A_506 : i32 to vector<16xi32>
      %gt3A_508 = arith.cmpf ogt, %gather3A_505, %select_n3A_500 : vector<16xf32>
      %gt3A_509 = arith.cmpf ogt, %gather3A_505, %select_n3A_498 : vector<16xf32>
      %select_n3A_510 = arith.select %gt3A_509, %gather3A_505, %select_n3A_498 : vector<16xi1>, vector<16xf32>
      %select_n3A_511 = arith.select %gt3A_509, %broadcast_in_dim3A_507, %select_n3A_499 : vector<16xi1>, vector<16xi32>
      %select_n3A_512 = arith.select %gt3A_508, %select_n3A_500, %select_n3A_510 : vector<16xi1>, vector<16xf32>
      %select_n3A_513 = arith.select %gt3A_508, %select_n3A_501, %select_n3A_511 : vector<16xi1>, vector<16xi32>
      %select_n3A_514 = arith.select %gt3A_508, %gather3A_505, %select_n3A_500 : vector<16xi1>, vector<16xf32>
      %select_n3A_515 = arith.select %gt3A_508, %broadcast_in_dim3A_507, %select_n3A_501 : vector<16xi1>, vector<16xi32>
      %add3A_516 = arith.constant 35 : i32
      %add3A_517 = vector.broadcast %add3A_516 : i32 to vector<16xi32>
      %add3A_518 = arith.addi %mul3A_21, %add3A_517 : vector<16xi32>
      %gather3A_519 = tpu.vector_load_idx %arg5[%add3A_518] : memref<32768xf32, #tpu.memory_space<vmem>>[vector<16xi32>], vector<16xf32>,
      %broadcast_in_dim3A_520 = arith.constant 35 : i32
      %broadcast_in_dim3A_521 = vector.broadcast %broadcast_in_dim3A_520 : i32 to vector<16xi32>
      %gt3A_522 = arith.cmpf ogt, %gather3A_519, %select_n3A_514 : vector<16xf32>
      %gt3A_523 = arith.cmpf ogt, %gather3A_519, %select_n3A_512 : vector<16xf32>
      %select_n3A_524 = arith.select %gt3A_523, %gather3A_519, %select_n3A_512 : vector<16xi1>, vector<16xf32>
      %select_n3A_525 = arith.select %gt3A_523, %broadcast_in_dim3A_521, %select_n3A_513 : vector<16xi1>, vector<16xi32>
      %select_n3A_526 = arith.select %gt3A_522, %select_n3A_514, %select_n3A_524 : vector<16xi1>, vector<16xf32>
      %select_n3A_527 = arith.select %gt3A_522, %select_n3A_515, %select_n3A_525 : vector<16xi1>, vector<16xi32>
      %select_n3A_528 = arith.select %gt3A_522, %gather3A_519, %select_n3A_514 : vector<16xi1>, vector<16xf32>
      %select_n3A_529 = arith.select %gt3A_522, %broadcast_in_dim3A_521, %select_n3A_515 : vector<16xi1>, vector<16xi32>
      %add3A_530 = arith.constant 36 : i32
      %add3A_531 = vector.broadcast %add3A_530 : i32 to vector<16xi32>
      %add3A_532 = arith.addi %mul3A_21, %add3A_531 : vector<16xi32>
      %gather3A_533 = tpu.vector_load_idx %arg5[%add3A_532] : memref<32768xf32, #tpu.memory_space<vmem>>[vector<16xi32>], vector<16xf32>,
      %broadcast_in_dim3A_534 = arith.constant 36 : i32
      %broadcast_in_dim3A_535 = vector.broadcast %broadcast_in_dim3A_534 : i32 to vector<16xi32>
      %gt3A_536 = arith.cmpf ogt, %gather3A_533, %select_n3A_528 : vector<16xf32>
      %gt3A_537 = arith.cmpf ogt, %gather3A_533, %select_n3A_526 : vector<16xf32>
      %select_n3A_538 = arith.select %gt3A_537, %gather3A_533, %select_n3A_526 : vector<16xi1>, vector<16xf32>
      %select_n3A_539 = arith.select %gt3A_537, %broadcast_in_dim3A_535, %select_n3A_527 : vector<16xi1>, vector<16xi32>
      %select_n3A_540 = arith.select %gt3A_536, %select_n3A_528, %select_n3A_538 : vector<16xi1>, vector<16xf32>
      %select_n3A_541 = arith.select %gt3A_536, %select_n3A_529, %select_n3A_539 : vector<16xi1>, vector<16xi32>
      %select_n3A_542 = arith.select %gt3A_536, %gather3A_533, %select_n3A_528 : vector<16xi1>, vector<16xf32>
      %select_n3A_543 = arith.select %gt3A_536, %broadcast_in_dim3A_535, %select_n3A_529 : vector<16xi1>, vector<16xi32>
      %add3A_544 = arith.constant 37 : i32
      %add3A_545 = vector.broadcast %add3A_544 : i32 to vector<16xi32>
      %add3A_546 = arith.addi %mul3A_21, %add3A_545 : vector<16xi32>
      %gather3A_547 = tpu.vector_load_idx %arg5[%add3A_546] : memref<32768xf32, #tpu.memory_space<vmem>>[vector<16xi32>], vector<16xf32>,
      %broadcast_in_dim3A_548 = arith.constant 37 : i32
      %broadcast_in_dim3A_549 = vector.broadcast %broadcast_in_dim3A_548 : i32 to vector<16xi32>
      %gt3A_550 = arith.cmpf ogt, %gather3A_547, %select_n3A_542 : vector<16xf32>
      %gt3A_551 = arith.cmpf ogt, %gather3A_547, %select_n3A_540 : vector<16xf32>
      %select_n3A_552 = arith.select %gt3A_551, %gather3A_547, %select_n3A_540 : vector<16xi1>, vector<16xf32>
      %select_n3A_553 = arith.select %gt3A_551, %broadcast_in_dim3A_549, %select_n3A_541 : vector<16xi1>, vector<16xi32>
      %select_n3A_554 = arith.select %gt3A_550, %select_n3A_542, %select_n3A_552 : vector<16xi1>, vector<16xf32>
      %select_n3A_555 = arith.select %gt3A_550, %select_n3A_543, %select_n3A_553 : vector<16xi1>, vector<16xi32>
      %select_n3A_556 = arith.select %gt3A_550, %gather3A_547, %select_n3A_542 : vector<16xi1>, vector<16xf32>
      %select_n3A_557 = arith.select %gt3A_550, %broadcast_in_dim3A_549, %select_n3A_543 : vector<16xi1>, vector<16xi32>
      %add3A_558 = arith.constant 38 : i32
      %add3A_559 = vector.broadcast %add3A_558 : i32 to vector<16xi32>
      %add3A_560 = arith.addi %mul3A_21, %add3A_559 : vector<16xi32>
      %gather3A_561 = tpu.vector_load_idx %arg5[%add3A_560] : memref<32768xf32, #tpu.memory_space<vmem>>[vector<16xi32>], vector<16xf32>,
      %broadcast_in_dim3A_562 = arith.constant 38 : i32
      %broadcast_in_dim3A_563 = vector.broadcast %broadcast_in_dim3A_562 : i32 to vector<16xi32>
      %gt3A_564 = arith.cmpf ogt, %gather3A_561, %select_n3A_556 : vector<16xf32>
      %gt3A_565 = arith.cmpf ogt, %gather3A_561, %select_n3A_554 : vector<16xf32>
      %select_n3A_566 = arith.select %gt3A_565, %gather3A_561, %select_n3A_554 : vector<16xi1>, vector<16xf32>
      %select_n3A_567 = arith.select %gt3A_565, %broadcast_in_dim3A_563, %select_n3A_555 : vector<16xi1>, vector<16xi32>
      %select_n3A_568 = arith.select %gt3A_564, %select_n3A_556, %select_n3A_566 : vector<16xi1>, vector<16xf32>
      %select_n3A_569 = arith.select %gt3A_564, %select_n3A_557, %select_n3A_567 : vector<16xi1>, vector<16xi32>
      %select_n3A_570 = arith.select %gt3A_564, %gather3A_561, %select_n3A_556 : vector<16xi1>, vector<16xf32>
      %select_n3A_571 = arith.select %gt3A_564, %broadcast_in_dim3A_563, %select_n3A_557 : vector<16xi1>, vector<16xi32>
      %add3A_572 = arith.constant 39 : i32
      %add3A_573 = vector.broadcast %add3A_572 : i32 to vector<16xi32>
      %add3A_574 = arith.addi %mul3A_21, %add3A_573 : vector<16xi32>
      %gather3A_575 = tpu.vector_load_idx %arg5[%add3A_574] : memref<32768xf32, #tpu.memory_space<vmem>>[vector<16xi32>], vector<16xf32>,
      %broadcast_in_dim3A_576 = arith.constant 39 : i32
      %broadcast_in_dim3A_577 = vector.broadcast %broadcast_in_dim3A_576 : i32 to vector<16xi32>
      %gt3A_578 = arith.cmpf ogt, %gather3A_575, %select_n3A_570 : vector<16xf32>
      %gt3A_579 = arith.cmpf ogt, %gather3A_575, %select_n3A_568 : vector<16xf32>
      %select_n3A_580 = arith.select %gt3A_579, %gather3A_575, %select_n3A_568 : vector<16xi1>, vector<16xf32>
      %select_n3A_581 = arith.select %gt3A_579, %broadcast_in_dim3A_577, %select_n3A_569 : vector<16xi1>, vector<16xi32>
      %select_n3A_582 = arith.select %gt3A_578, %select_n3A_570, %select_n3A_580 : vector<16xi1>, vector<16xf32>
      %select_n3A_583 = arith.select %gt3A_578, %select_n3A_571, %select_n3A_581 : vector<16xi1>, vector<16xi32>
      %select_n3A_584 = arith.select %gt3A_578, %gather3A_575, %select_n3A_570 : vector<16xi1>, vector<16xf32>
      %select_n3A_585 = arith.select %gt3A_578, %broadcast_in_dim3A_577, %select_n3A_571 : vector<16xi1>, vector<16xi32>
      %add3A_586 = arith.constant 40 : i32
      %add3A_587 = vector.broadcast %add3A_586 : i32 to vector<16xi32>
      %add3A_588 = arith.addi %mul3A_21, %add3A_587 : vector<16xi32>
      %gather3A_589 = tpu.vector_load_idx %arg5[%add3A_588] : memref<32768xf32, #tpu.memory_space<vmem>>[vector<16xi32>], vector<16xf32>,
      %broadcast_in_dim3A_590 = arith.constant 40 : i32
      %broadcast_in_dim3A_591 = vector.broadcast %broadcast_in_dim3A_590 : i32 to vector<16xi32>
      %gt3A_592 = arith.cmpf ogt, %gather3A_589, %select_n3A_584 : vector<16xf32>
      %gt3A_593 = arith.cmpf ogt, %gather3A_589, %select_n3A_582 : vector<16xf32>
      %select_n3A_594 = arith.select %gt3A_593, %gather3A_589, %select_n3A_582 : vector<16xi1>, vector<16xf32>
      %select_n3A_595 = arith.select %gt3A_593, %broadcast_in_dim3A_591, %select_n3A_583 : vector<16xi1>, vector<16xi32>
      %select_n3A_596 = arith.select %gt3A_592, %select_n3A_584, %select_n3A_594 : vector<16xi1>, vector<16xf32>
      %select_n3A_597 = arith.select %gt3A_592, %select_n3A_585, %select_n3A_595 : vector<16xi1>, vector<16xi32>
      %select_n3A_598 = arith.select %gt3A_592, %gather3A_589, %select_n3A_584 : vector<16xi1>, vector<16xf32>
      %select_n3A_599 = arith.select %gt3A_592, %broadcast_in_dim3A_591, %select_n3A_585 : vector<16xi1>, vector<16xi32>
      %add3A_600 = arith.constant 41 : i32
      %add3A_601 = vector.broadcast %add3A_600 : i32 to vector<16xi32>
      %add3A_602 = arith.addi %mul3A_21, %add3A_601 : vector<16xi32>
      %gather3A_603 = tpu.vector_load_idx %arg5[%add3A_602] : memref<32768xf32, #tpu.memory_space<vmem>>[vector<16xi32>], vector<16xf32>,
      %broadcast_in_dim3A_604 = arith.constant 41 : i32
      %broadcast_in_dim3A_605 = vector.broadcast %broadcast_in_dim3A_604 : i32 to vector<16xi32>
      %gt3A_606 = arith.cmpf ogt, %gather3A_603, %select_n3A_598 : vector<16xf32>
      %gt3A_607 = arith.cmpf ogt, %gather3A_603, %select_n3A_596 : vector<16xf32>
      %select_n3A_608 = arith.select %gt3A_607, %gather3A_603, %select_n3A_596 : vector<16xi1>, vector<16xf32>
      %select_n3A_609 = arith.select %gt3A_607, %broadcast_in_dim3A_605, %select_n3A_597 : vector<16xi1>, vector<16xi32>
      %select_n3A_610 = arith.select %gt3A_606, %select_n3A_598, %select_n3A_608 : vector<16xi1>, vector<16xf32>
      %select_n3A_611 = arith.select %gt3A_606, %select_n3A_599, %select_n3A_609 : vector<16xi1>, vector<16xi32>
      %select_n3A_612 = arith.select %gt3A_606, %gather3A_603, %select_n3A_598 : vector<16xi1>, vector<16xf32>
      %select_n3A_613 = arith.select %gt3A_606, %broadcast_in_dim3A_605, %select_n3A_599 : vector<16xi1>, vector<16xi32>
      %add3A_614 = arith.constant 42 : i32
      %add3A_615 = vector.broadcast %add3A_614 : i32 to vector<16xi32>
      %add3A_616 = arith.addi %mul3A_21, %add3A_615 : vector<16xi32>
      %gather3A_617 = tpu.vector_load_idx %arg5[%add3A_616] : memref<32768xf32, #tpu.memory_space<vmem>>[vector<16xi32>], vector<16xf32>,
      %broadcast_in_dim3A_618 = arith.constant 42 : i32
      %broadcast_in_dim3A_619 = vector.broadcast %broadcast_in_dim3A_618 : i32 to vector<16xi32>
      %gt3A_620 = arith.cmpf ogt, %gather3A_617, %select_n3A_612 : vector<16xf32>
      %gt3A_621 = arith.cmpf ogt, %gather3A_617, %select_n3A_610 : vector<16xf32>
      %select_n3A_622 = arith.select %gt3A_621, %gather3A_617, %select_n3A_610 : vector<16xi1>, vector<16xf32>
      %select_n3A_623 = arith.select %gt3A_621, %broadcast_in_dim3A_619, %select_n3A_611 : vector<16xi1>, vector<16xi32>
      %select_n3A_624 = arith.select %gt3A_620, %select_n3A_612, %select_n3A_622 : vector<16xi1>, vector<16xf32>
      %select_n3A_625 = arith.select %gt3A_620, %select_n3A_613, %select_n3A_623 : vector<16xi1>, vector<16xi32>
      %select_n3A_626 = arith.select %gt3A_620, %gather3A_617, %select_n3A_612 : vector<16xi1>, vector<16xf32>
      %select_n3A_627 = arith.select %gt3A_620, %broadcast_in_dim3A_619, %select_n3A_613 : vector<16xi1>, vector<16xi32>
      %add3A_628 = arith.constant 43 : i32
      %add3A_629 = vector.broadcast %add3A_628 : i32 to vector<16xi32>
      %add3A_630 = arith.addi %mul3A_21, %add3A_629 : vector<16xi32>
      %gather3A_631 = tpu.vector_load_idx %arg5[%add3A_630] : memref<32768xf32, #tpu.memory_space<vmem>>[vector<16xi32>], vector<16xf32>,
      %broadcast_in_dim3A_632 = arith.constant 43 : i32
      %broadcast_in_dim3A_633 = vector.broadcast %broadcast_in_dim3A_632 : i32 to vector<16xi32>
      %gt3A_634 = arith.cmpf ogt, %gather3A_631, %select_n3A_626 : vector<16xf32>
      %gt3A_635 = arith.cmpf ogt, %gather3A_631, %select_n3A_624 : vector<16xf32>
      %select_n3A_636 = arith.select %gt3A_635, %gather3A_631, %select_n3A_624 : vector<16xi1>, vector<16xf32>
      %select_n3A_637 = arith.select %gt3A_635, %broadcast_in_dim3A_633, %select_n3A_625 : vector<16xi1>, vector<16xi32>
      %select_n3A_638 = arith.select %gt3A_634, %select_n3A_626, %select_n3A_636 : vector<16xi1>, vector<16xf32>
      %select_n3A_639 = arith.select %gt3A_634, %select_n3A_627, %select_n3A_637 : vector<16xi1>, vector<16xi32>
      %select_n3A_640 = arith.select %gt3A_634, %gather3A_631, %select_n3A_626 : vector<16xi1>, vector<16xf32>
      %select_n3A_641 = arith.select %gt3A_634, %broadcast_in_dim3A_633, %select_n3A_627 : vector<16xi1>, vector<16xi32>
      %add3A_642 = arith.constant 44 : i32
      %add3A_643 = vector.broadcast %add3A_642 : i32 to vector<16xi32>
      %add3A_644 = arith.addi %mul3A_21, %add3A_643 : vector<16xi32>
      %gather3A_645 = tpu.vector_load_idx %arg5[%add3A_644] : memref<32768xf32, #tpu.memory_space<vmem>>[vector<16xi32>], vector<16xf32>,
      %broadcast_in_dim3A_646 = arith.constant 44 : i32
      %broadcast_in_dim3A_647 = vector.broadcast %broadcast_in_dim3A_646 : i32 to vector<16xi32>
      %gt3A_648 = arith.cmpf ogt, %gather3A_645, %select_n3A_640 : vector<16xf32>
      %gt3A_649 = arith.cmpf ogt, %gather3A_645, %select_n3A_638 : vector<16xf32>
      %select_n3A_650 = arith.select %gt3A_649, %gather3A_645, %select_n3A_638 : vector<16xi1>, vector<16xf32>
      %select_n3A_651 = arith.select %gt3A_649, %broadcast_in_dim3A_647, %select_n3A_639 : vector<16xi1>, vector<16xi32>
      %select_n3A_652 = arith.select %gt3A_648, %select_n3A_640, %select_n3A_650 : vector<16xi1>, vector<16xf32>
      %select_n3A_653 = arith.select %gt3A_648, %select_n3A_641, %select_n3A_651 : vector<16xi1>, vector<16xi32>
      %select_n3A_654 = arith.select %gt3A_648, %gather3A_645, %select_n3A_640 : vector<16xi1>, vector<16xf32>
      %select_n3A_655 = arith.select %gt3A_648, %broadcast_in_dim3A_647, %select_n3A_641 : vector<16xi1>, vector<16xi32>
      %add3A_656 = arith.constant 45 : i32
      %add3A_657 = vector.broadcast %add3A_656 : i32 to vector<16xi32>
      %add3A_658 = arith.addi %mul3A_21, %add3A_657 : vector<16xi32>
      %gather3A_659 = tpu.vector_load_idx %arg5[%add3A_658] : memref<32768xf32, #tpu.memory_space<vmem>>[vector<16xi32>], vector<16xf32>,
      %broadcast_in_dim3A_660 = arith.constant 45 : i32
      %broadcast_in_dim3A_661 = vector.broadcast %broadcast_in_dim3A_660 : i32 to vector<16xi32>
      %gt3A_662 = arith.cmpf ogt, %gather3A_659, %select_n3A_654 : vector<16xf32>
      %gt3A_663 = arith.cmpf ogt, %gather3A_659, %select_n3A_652 : vector<16xf32>
      %select_n3A_664 = arith.select %gt3A_663, %gather3A_659, %select_n3A_652 : vector<16xi1>, vector<16xf32>
      %select_n3A_665 = arith.select %gt3A_663, %broadcast_in_dim3A_661, %select_n3A_653 : vector<16xi1>, vector<16xi32>
      %select_n3A_666 = arith.select %gt3A_662, %select_n3A_654, %select_n3A_664 : vector<16xi1>, vector<16xf32>
      %select_n3A_667 = arith.select %gt3A_662, %select_n3A_655, %select_n3A_665 : vector<16xi1>, vector<16xi32>
      %select_n3A_668 = arith.select %gt3A_662, %gather3A_659, %select_n3A_654 : vector<16xi1>, vector<16xf32>
      %select_n3A_669 = arith.select %gt3A_662, %broadcast_in_dim3A_661, %select_n3A_655 : vector<16xi1>, vector<16xi32>
      %add3A_670 = arith.constant 46 : i32
      %add3A_671 = vector.broadcast %add3A_670 : i32 to vector<16xi32>
      %add3A_672 = arith.addi %mul3A_21, %add3A_671 : vector<16xi32>
      %gather3A_673 = tpu.vector_load_idx %arg5[%add3A_672] : memref<32768xf32, #tpu.memory_space<vmem>>[vector<16xi32>], vector<16xf32>,
      %broadcast_in_dim3A_674 = arith.constant 46 : i32
      %broadcast_in_dim3A_675 = vector.broadcast %broadcast_in_dim3A_674 : i32 to vector<16xi32>
      %gt3A_676 = arith.cmpf ogt, %gather3A_673, %select_n3A_668 : vector<16xf32>
      %gt3A_677 = arith.cmpf ogt, %gather3A_673, %select_n3A_666 : vector<16xf32>
      %select_n3A_678 = arith.select %gt3A_677, %gather3A_673, %select_n3A_666 : vector<16xi1>, vector<16xf32>
      %select_n3A_679 = arith.select %gt3A_677, %broadcast_in_dim3A_675, %select_n3A_667 : vector<16xi1>, vector<16xi32>
      %select_n3A_680 = arith.select %gt3A_676, %select_n3A_668, %select_n3A_678 : vector<16xi1>, vector<16xf32>
      %select_n3A_681 = arith.select %gt3A_676, %select_n3A_669, %select_n3A_679 : vector<16xi1>, vector<16xi32>
      %select_n3A_682 = arith.select %gt3A_676, %gather3A_673, %select_n3A_668 : vector<16xi1>, vector<16xf32>
      %select_n3A_683 = arith.select %gt3A_676, %broadcast_in_dim3A_675, %select_n3A_669 : vector<16xi1>, vector<16xi32>
      %add3A_684 = arith.constant 47 : i32
      %add3A_685 = vector.broadcast %add3A_684 : i32 to vector<16xi32>
      %add3A_686 = arith.addi %mul3A_21, %add3A_685 : vector<16xi32>
      %gather3A_687 = tpu.vector_load_idx %arg5[%add3A_686] : memref<32768xf32, #tpu.memory_space<vmem>>[vector<16xi32>], vector<16xf32>,
      %broadcast_in_dim3A_688 = arith.constant 47 : i32
      %broadcast_in_dim3A_689 = vector.broadcast %broadcast_in_dim3A_688 : i32 to vector<16xi32>
      %gt3A_690 = arith.cmpf ogt, %gather3A_687, %select_n3A_682 : vector<16xf32>
      %gt3A_691 = arith.cmpf ogt, %gather3A_687, %select_n3A_680 : vector<16xf32>
      %select_n3A_692 = arith.select %gt3A_691, %gather3A_687, %select_n3A_680 : vector<16xi1>, vector<16xf32>
      %select_n3A_693 = arith.select %gt3A_691, %broadcast_in_dim3A_689, %select_n3A_681 : vector<16xi1>, vector<16xi32>
      %select_n3A_694 = arith.select %gt3A_690, %select_n3A_682, %select_n3A_692 : vector<16xi1>, vector<16xf32>
      %select_n3A_695 = arith.select %gt3A_690, %select_n3A_683, %select_n3A_693 : vector<16xi1>, vector<16xi32>
      %select_n3A_696 = arith.select %gt3A_690, %gather3A_687, %select_n3A_682 : vector<16xi1>, vector<16xf32>
      %select_n3A_697 = arith.select %gt3A_690, %broadcast_in_dim3A_689, %select_n3A_683 : vector<16xi1>, vector<16xi32>
      %add3A_698 = arith.constant 48 : i32
      %add3A_699 = vector.broadcast %add3A_698 : i32 to vector<16xi32>
      %add3A_700 = arith.addi %mul3A_21, %add3A_699 : vector<16xi32>
      %gather3A_701 = tpu.vector_load_idx %arg5[%add3A_700] : memref<32768xf32, #tpu.memory_space<vmem>>[vector<16xi32>], vector<16xf32>,
      %broadcast_in_dim3A_702 = arith.constant 48 : i32
      %broadcast_in_dim3A_703 = vector.broadcast %broadcast_in_dim3A_702 : i32 to vector<16xi32>
      %gt3A_704 = arith.cmpf ogt, %gather3A_701, %select_n3A_696 : vector<16xf32>
      %gt3A_705 = arith.cmpf ogt, %gather3A_701, %select_n3A_694 : vector<16xf32>
      %select_n3A_706 = arith.select %gt3A_705, %gather3A_701, %select_n3A_694 : vector<16xi1>, vector<16xf32>
      %select_n3A_707 = arith.select %gt3A_705, %broadcast_in_dim3A_703, %select_n3A_695 : vector<16xi1>, vector<16xi32>
      %select_n3A_708 = arith.select %gt3A_704, %select_n3A_696, %select_n3A_706 : vector<16xi1>, vector<16xf32>
      %select_n3A_709 = arith.select %gt3A_704, %select_n3A_697, %select_n3A_707 : vector<16xi1>, vector<16xi32>
      %select_n3A_710 = arith.select %gt3A_704, %gather3A_701, %select_n3A_696 : vector<16xi1>, vector<16xf32>
      %select_n3A_711 = arith.select %gt3A_704, %broadcast_in_dim3A_703, %select_n3A_697 : vector<16xi1>, vector<16xi32>
      %add3A_712 = arith.constant 49 : i32
      %add3A_713 = vector.broadcast %add3A_712 : i32 to vector<16xi32>
      %add3A_714 = arith.addi %mul3A_21, %add3A_713 : vector<16xi32>
      %gather3A_715 = tpu.vector_load_idx %arg5[%add3A_714] : memref<32768xf32, #tpu.memory_space<vmem>>[vector<16xi32>], vector<16xf32>,
      %broadcast_in_dim3A_716 = arith.constant 49 : i32
      %broadcast_in_dim3A_717 = vector.broadcast %broadcast_in_dim3A_716 : i32 to vector<16xi32>
      %gt3A_718 = arith.cmpf ogt, %gather3A_715, %select_n3A_710 : vector<16xf32>
      %gt3A_719 = arith.cmpf ogt, %gather3A_715, %select_n3A_708 : vector<16xf32>
      %select_n3A_720 = arith.select %gt3A_719, %gather3A_715, %select_n3A_708 : vector<16xi1>, vector<16xf32>
      %select_n3A_721 = arith.select %gt3A_719, %broadcast_in_dim3A_717, %select_n3A_709 : vector<16xi1>, vector<16xi32>
      %select_n3A_722 = arith.select %gt3A_718, %select_n3A_710, %select_n3A_720 : vector<16xi1>, vector<16xf32>
      %select_n3A_723 = arith.select %gt3A_718, %select_n3A_711, %select_n3A_721 : vector<16xi1>, vector<16xi32>
      %select_n3A_724 = arith.select %gt3A_718, %gather3A_715, %select_n3A_710 : vector<16xi1>, vector<16xf32>
      %select_n3A_725 = arith.select %gt3A_718, %broadcast_in_dim3A_717, %select_n3A_711 : vector<16xi1>, vector<16xi32>
      %add3A_726 = arith.constant 50 : i32
      %add3A_727 = vector.broadcast %add3A_726 : i32 to vector<16xi32>
      %add3A_728 = arith.addi %mul3A_21, %add3A_727 : vector<16xi32>
      %gather3A_729 = tpu.vector_load_idx %arg5[%add3A_728] : memref<32768xf32, #tpu.memory_space<vmem>>[vector<16xi32>], vector<16xf32>,
      %broadcast_in_dim3A_730 = arith.constant 50 : i32
      %broadcast_in_dim3A_731 = vector.broadcast %broadcast_in_dim3A_730 : i32 to vector<16xi32>
      %gt3A_732 = arith.cmpf ogt, %gather3A_729, %select_n3A_724 : vector<16xf32>
      %gt3A_733 = arith.cmpf ogt, %gather3A_729, %select_n3A_722 : vector<16xf32>
      %select_n3A_734 = arith.select %gt3A_733, %gather3A_729, %select_n3A_722 : vector<16xi1>, vector<16xf32>
      %select_n3A_735 = arith.select %gt3A_733, %broadcast_in_dim3A_731, %select_n3A_723 : vector<16xi1>, vector<16xi32>
      %select_n3A_736 = arith.select %gt3A_732, %select_n3A_724, %select_n3A_734 : vector<16xi1>, vector<16xf32>
      %select_n3A_737 = arith.select %gt3A_732, %select_n3A_725, %select_n3A_735 : vector<16xi1>, vector<16xi32>
      %select_n3A_738 = arith.select %gt3A_732, %gather3A_729, %select_n3A_724 : vector<16xi1>, vector<16xf32>
      %select_n3A_739 = arith.select %gt3A_732, %broadcast_in_dim3A_731, %select_n3A_725 : vector<16xi1>, vector<16xi32>
      %add3A_740 = arith.constant 51 : i32
      %add3A_741 = vector.broadcast %add3A_740 : i32 to vector<16xi32>
      %add3A_742 = arith.addi %mul3A_21, %add3A_741 : vector<16xi32>
      %gather3A_743 = tpu.vector_load_idx %arg5[%add3A_742] : memref<32768xf32, #tpu.memory_space<vmem>>[vector<16xi32>], vector<16xf32>,
      %broadcast_in_dim3A_744 = arith.constant 51 : i32
      %broadcast_in_dim3A_745 = vector.broadcast %broadcast_in_dim3A_744 : i32 to vector<16xi32>
      %gt3A_746 = arith.cmpf ogt, %gather3A_743, %select_n3A_738 : vector<16xf32>
      %gt3A_747 = arith.cmpf ogt, %gather3A_743, %select_n3A_736 : vector<16xf32>
      %select_n3A_748 = arith.select %gt3A_747, %gather3A_743, %select_n3A_736 : vector<16xi1>, vector<16xf32>
      %select_n3A_749 = arith.select %gt3A_747, %broadcast_in_dim3A_745, %select_n3A_737 : vector<16xi1>, vector<16xi32>
      %select_n3A_750 = arith.select %gt3A_746, %select_n3A_738, %select_n3A_748 : vector<16xi1>, vector<16xf32>
      %select_n3A_751 = arith.select %gt3A_746, %select_n3A_739, %select_n3A_749 : vector<16xi1>, vector<16xi32>
      %select_n3A_752 = arith.select %gt3A_746, %gather3A_743, %select_n3A_738 : vector<16xi1>, vector<16xf32>
      %select_n3A_753 = arith.select %gt3A_746, %broadcast_in_dim3A_745, %select_n3A_739 : vector<16xi1>, vector<16xi32>
      %add3A_754 = arith.constant 52 : i32
      %add3A_755 = vector.broadcast %add3A_754 : i32 to vector<16xi32>
      %add3A_756 = arith.addi %mul3A_21, %add3A_755 : vector<16xi32>
      %gather3A_757 = tpu.vector_load_idx %arg5[%add3A_756] : memref<32768xf32, #tpu.memory_space<vmem>>[vector<16xi32>], vector<16xf32>,
      %broadcast_in_dim3A_758 = arith.constant 52 : i32
      %broadcast_in_dim3A_759 = vector.broadcast %broadcast_in_dim3A_758 : i32 to vector<16xi32>
      %gt3A_760 = arith.cmpf ogt, %gather3A_757, %select_n3A_752 : vector<16xf32>
      %gt3A_761 = arith.cmpf ogt, %gather3A_757, %select_n3A_750 : vector<16xf32>
      %select_n3A_762 = arith.select %gt3A_761, %gather3A_757, %select_n3A_750 : vector<16xi1>, vector<16xf32>
      %select_n3A_763 = arith.select %gt3A_761, %broadcast_in_dim3A_759, %select_n3A_751 : vector<16xi1>, vector<16xi32>
      %select_n3A_764 = arith.select %gt3A_760, %select_n3A_752, %select_n3A_762 : vector<16xi1>, vector<16xf32>
      %select_n3A_765 = arith.select %gt3A_760, %select_n3A_753, %select_n3A_763 : vector<16xi1>, vector<16xi32>
      %select_n3A_766 = arith.select %gt3A_760, %gather3A_757, %select_n3A_752 : vector<16xi1>, vector<16xf32>
      %select_n3A_767 = arith.select %gt3A_760, %broadcast_in_dim3A_759, %select_n3A_753 : vector<16xi1>, vector<16xi32>
      %add3A_768 = arith.constant 53 : i32
      %add3A_769 = vector.broadcast %add3A_768 : i32 to vector<16xi32>
      %add3A_770 = arith.addi %mul3A_21, %add3A_769 : vector<16xi32>
      %gather3A_771 = tpu.vector_load_idx %arg5[%add3A_770] : memref<32768xf32, #tpu.memory_space<vmem>>[vector<16xi32>], vector<16xf32>,
      %broadcast_in_dim3A_772 = arith.constant 53 : i32
      %broadcast_in_dim3A_773 = vector.broadcast %broadcast_in_dim3A_772 : i32 to vector<16xi32>
      %gt3A_774 = arith.cmpf ogt, %gather3A_771, %select_n3A_766 : vector<16xf32>
      %gt3A_775 = arith.cmpf ogt, %gather3A_771, %select_n3A_764 : vector<16xf32>
      %select_n3A_776 = arith.select %gt3A_775, %gather3A_771, %select_n3A_764 : vector<16xi1>, vector<16xf32>
      %select_n3A_777 = arith.select %gt3A_775, %broadcast_in_dim3A_773, %select_n3A_765 : vector<16xi1>, vector<16xi32>
      %select_n3A_778 = arith.select %gt3A_774, %select_n3A_766, %select_n3A_776 : vector<16xi1>, vector<16xf32>
      %select_n3A_779 = arith.select %gt3A_774, %select_n3A_767, %select_n3A_777 : vector<16xi1>, vector<16xi32>
      %select_n3A_780 = arith.select %gt3A_774, %gather3A_771, %select_n3A_766 : vector<16xi1>, vector<16xf32>
      %select_n3A_781 = arith.select %gt3A_774, %broadcast_in_dim3A_773, %select_n3A_767 : vector<16xi1>, vector<16xi32>
      %add3A_782 = arith.constant 54 : i32
      %add3A_783 = vector.broadcast %add3A_782 : i32 to vector<16xi32>
      %add3A_784 = arith.addi %mul3A_21, %add3A_783 : vector<16xi32>
      %gather3A_785 = tpu.vector_load_idx %arg5[%add3A_784] : memref<32768xf32, #tpu.memory_space<vmem>>[vector<16xi32>], vector<16xf32>,
      %broadcast_in_dim3A_786 = arith.constant 54 : i32
      %broadcast_in_dim3A_787 = vector.broadcast %broadcast_in_dim3A_786 : i32 to vector<16xi32>
      %gt3A_788 = arith.cmpf ogt, %gather3A_785, %select_n3A_780 : vector<16xf32>
      %gt3A_789 = arith.cmpf ogt, %gather3A_785, %select_n3A_778 : vector<16xf32>
      %select_n3A_790 = arith.select %gt3A_789, %gather3A_785, %select_n3A_778 : vector<16xi1>, vector<16xf32>
      %select_n3A_791 = arith.select %gt3A_789, %broadcast_in_dim3A_787, %select_n3A_779 : vector<16xi1>, vector<16xi32>
      %select_n3A_792 = arith.select %gt3A_788, %select_n3A_780, %select_n3A_790 : vector<16xi1>, vector<16xf32>
      %select_n3A_793 = arith.select %gt3A_788, %select_n3A_781, %select_n3A_791 : vector<16xi1>, vector<16xi32>
      %select_n3A_794 = arith.select %gt3A_788, %gather3A_785, %select_n3A_780 : vector<16xi1>, vector<16xf32>
      %select_n3A_795 = arith.select %gt3A_788, %broadcast_in_dim3A_787, %select_n3A_781 : vector<16xi1>, vector<16xi32>
      %add3A_796 = arith.constant 55 : i32
      %add3A_797 = vector.broadcast %add3A_796 : i32 to vector<16xi32>
      %add3A_798 = arith.addi %mul3A_21, %add3A_797 : vector<16xi32>
      %gather3A_799 = tpu.vector_load_idx %arg5[%add3A_798] : memref<32768xf32, #tpu.memory_space<vmem>>[vector<16xi32>], vector<16xf32>,
      %broadcast_in_dim3A_800 = arith.constant 55 : i32
      %broadcast_in_dim3A_801 = vector.broadcast %broadcast_in_dim3A_800 : i32 to vector<16xi32>
      %gt3A_802 = arith.cmpf ogt, %gather3A_799, %select_n3A_794 : vector<16xf32>
      %gt3A_803 = arith.cmpf ogt, %gather3A_799, %select_n3A_792 : vector<16xf32>
      %select_n3A_804 = arith.select %gt3A_803, %gather3A_799, %select_n3A_792 : vector<16xi1>, vector<16xf32>
      %select_n3A_805 = arith.select %gt3A_803, %broadcast_in_dim3A_801, %select_n3A_793 : vector<16xi1>, vector<16xi32>
      %select_n3A_806 = arith.select %gt3A_802, %select_n3A_794, %select_n3A_804 : vector<16xi1>, vector<16xf32>
      %select_n3A_807 = arith.select %gt3A_802, %select_n3A_795, %select_n3A_805 : vector<16xi1>, vector<16xi32>
      %select_n3A_808 = arith.select %gt3A_802, %gather3A_799, %select_n3A_794 : vector<16xi1>, vector<16xf32>
      %select_n3A_809 = arith.select %gt3A_802, %broadcast_in_dim3A_801, %select_n3A_795 : vector<16xi1>, vector<16xi32>
      %add3A_810 = arith.constant 56 : i32
      %add3A_811 = vector.broadcast %add3A_810 : i32 to vector<16xi32>
      %add3A_812 = arith.addi %mul3A_21, %add3A_811 : vector<16xi32>
      %gather3A_813 = tpu.vector_load_idx %arg5[%add3A_812] : memref<32768xf32, #tpu.memory_space<vmem>>[vector<16xi32>], vector<16xf32>,
      %broadcast_in_dim3A_814 = arith.constant 56 : i32
      %broadcast_in_dim3A_815 = vector.broadcast %broadcast_in_dim3A_814 : i32 to vector<16xi32>
      %gt3A_816 = arith.cmpf ogt, %gather3A_813, %select_n3A_808 : vector<16xf32>
      %gt3A_817 = arith.cmpf ogt, %gather3A_813, %select_n3A_806 : vector<16xf32>
      %select_n3A_818 = arith.select %gt3A_817, %gather3A_813, %select_n3A_806 : vector<16xi1>, vector<16xf32>
      %select_n3A_819 = arith.select %gt3A_817, %broadcast_in_dim3A_815, %select_n3A_807 : vector<16xi1>, vector<16xi32>
      %select_n3A_820 = arith.select %gt3A_816, %select_n3A_808, %select_n3A_818 : vector<16xi1>, vector<16xf32>
      %select_n3A_821 = arith.select %gt3A_816, %select_n3A_809, %select_n3A_819 : vector<16xi1>, vector<16xi32>
      %select_n3A_822 = arith.select %gt3A_816, %gather3A_813, %select_n3A_808 : vector<16xi1>, vector<16xf32>
      %select_n3A_823 = arith.select %gt3A_816, %broadcast_in_dim3A_815, %select_n3A_809 : vector<16xi1>, vector<16xi32>
      %add3A_824 = arith.constant 57 : i32
      %add3A_825 = vector.broadcast %add3A_824 : i32 to vector<16xi32>
      %add3A_826 = arith.addi %mul3A_21, %add3A_825 : vector<16xi32>
      %gather3A_827 = tpu.vector_load_idx %arg5[%add3A_826] : memref<32768xf32, #tpu.memory_space<vmem>>[vector<16xi32>], vector<16xf32>,
      %broadcast_in_dim3A_828 = arith.constant 57 : i32
      %broadcast_in_dim3A_829 = vector.broadcast %broadcast_in_dim3A_828 : i32 to vector<16xi32>
      %gt3A_830 = arith.cmpf ogt, %gather3A_827, %select_n3A_822 : vector<16xf32>
      %gt3A_831 = arith.cmpf ogt, %gather3A_827, %select_n3A_820 : vector<16xf32>
      %select_n3A_832 = arith.select %gt3A_831, %gather3A_827, %select_n3A_820 : vector<16xi1>, vector<16xf32>
      %select_n3A_833 = arith.select %gt3A_831, %broadcast_in_dim3A_829, %select_n3A_821 : vector<16xi1>, vector<16xi32>
      %select_n3A_834 = arith.select %gt3A_830, %select_n3A_822, %select_n3A_832 : vector<16xi1>, vector<16xf32>
      %select_n3A_835 = arith.select %gt3A_830, %select_n3A_823, %select_n3A_833 : vector<16xi1>, vector<16xi32>
      %select_n3A_836 = arith.select %gt3A_830, %gather3A_827, %select_n3A_822 : vector<16xi1>, vector<16xf32>
      %select_n3A_837 = arith.select %gt3A_830, %broadcast_in_dim3A_829, %select_n3A_823 : vector<16xi1>, vector<16xi32>
      %add3A_838 = arith.constant 58 : i32
      %add3A_839 = vector.broadcast %add3A_838 : i32 to vector<16xi32>
      %add3A_840 = arith.addi %mul3A_21, %add3A_839 : vector<16xi32>
      %gather3A_841 = tpu.vector_load_idx %arg5[%add3A_840] : memref<32768xf32, #tpu.memory_space<vmem>>[vector<16xi32>], vector<16xf32>,
      %broadcast_in_dim3A_842 = arith.constant 58 : i32
      %broadcast_in_dim3A_843 = vector.broadcast %broadcast_in_dim3A_842 : i32 to vector<16xi32>
      %gt3A_844 = arith.cmpf ogt, %gather3A_841, %select_n3A_836 : vector<16xf32>
      %gt3A_845 = arith.cmpf ogt, %gather3A_841, %select_n3A_834 : vector<16xf32>
      %select_n3A_846 = arith.select %gt3A_845, %gather3A_841, %select_n3A_834 : vector<16xi1>, vector<16xf32>
      %select_n3A_847 = arith.select %gt3A_845, %broadcast_in_dim3A_843, %select_n3A_835 : vector<16xi1>, vector<16xi32>
      %select_n3A_848 = arith.select %gt3A_844, %select_n3A_836, %select_n3A_846 : vector<16xi1>, vector<16xf32>
      %select_n3A_849 = arith.select %gt3A_844, %select_n3A_837, %select_n3A_847 : vector<16xi1>, vector<16xi32>
      %select_n3A_850 = arith.select %gt3A_844, %gather3A_841, %select_n3A_836 : vector<16xi1>, vector<16xf32>
      %select_n3A_851 = arith.select %gt3A_844, %broadcast_in_dim3A_843, %select_n3A_837 : vector<16xi1>, vector<16xi32>
      %add3A_852 = arith.constant 59 : i32
      %add3A_853 = vector.broadcast %add3A_852 : i32 to vector<16xi32>
      %add3A_854 = arith.addi %mul3A_21, %add3A_853 : vector<16xi32>
      %gather3A_855 = tpu.vector_load_idx %arg5[%add3A_854] : memref<32768xf32, #tpu.memory_space<vmem>>[vector<16xi32>], vector<16xf32>,
      %broadcast_in_dim3A_856 = arith.constant 59 : i32
      %broadcast_in_dim3A_857 = vector.broadcast %broadcast_in_dim3A_856 : i32 to vector<16xi32>
      %gt3A_858 = arith.cmpf ogt, %gather3A_855, %select_n3A_850 : vector<16xf32>
      %gt3A_859 = arith.cmpf ogt, %gather3A_855, %select_n3A_848 : vector<16xf32>
      %select_n3A_860 = arith.select %gt3A_859, %gather3A_855, %select_n3A_848 : vector<16xi1>, vector<16xf32>
      %select_n3A_861 = arith.select %gt3A_859, %broadcast_in_dim3A_857, %select_n3A_849 : vector<16xi1>, vector<16xi32>
      %select_n3A_862 = arith.select %gt3A_858, %select_n3A_850, %select_n3A_860 : vector<16xi1>, vector<16xf32>
      %select_n3A_863 = arith.select %gt3A_858, %select_n3A_851, %select_n3A_861 : vector<16xi1>, vector<16xi32>
      %select_n3A_864 = arith.select %gt3A_858, %gather3A_855, %select_n3A_850 : vector<16xi1>, vector<16xf32>
      %select_n3A_865 = arith.select %gt3A_858, %broadcast_in_dim3A_857, %select_n3A_851 : vector<16xi1>, vector<16xi32>
      %add3A_866 = arith.constant 60 : i32
      %add3A_867 = vector.broadcast %add3A_866 : i32 to vector<16xi32>
      %add3A_868 = arith.addi %mul3A_21, %add3A_867 : vector<16xi32>
      %gather3A_869 = tpu.vector_load_idx %arg5[%add3A_868] : memref<32768xf32, #tpu.memory_space<vmem>>[vector<16xi32>], vector<16xf32>,
      %broadcast_in_dim3A_870 = arith.constant 60 : i32
      %broadcast_in_dim3A_871 = vector.broadcast %broadcast_in_dim3A_870 : i32 to vector<16xi32>
      %gt3A_872 = arith.cmpf ogt, %gather3A_869, %select_n3A_864 : vector<16xf32>
      %gt3A_873 = arith.cmpf ogt, %gather3A_869, %select_n3A_862 : vector<16xf32>
      %select_n3A_874 = arith.select %gt3A_873, %gather3A_869, %select_n3A_862 : vector<16xi1>, vector<16xf32>
      %select_n3A_875 = arith.select %gt3A_873, %broadcast_in_dim3A_871, %select_n3A_863 : vector<16xi1>, vector<16xi32>
      %select_n3A_876 = arith.select %gt3A_872, %select_n3A_864, %select_n3A_874 : vector<16xi1>, vector<16xf32>
      %select_n3A_877 = arith.select %gt3A_872, %select_n3A_865, %select_n3A_875 : vector<16xi1>, vector<16xi32>
      %select_n3A_878 = arith.select %gt3A_872, %gather3A_869, %select_n3A_864 : vector<16xi1>, vector<16xf32>
      %select_n3A_879 = arith.select %gt3A_872, %broadcast_in_dim3A_871, %select_n3A_865 : vector<16xi1>, vector<16xi32>
      %add3A_880 = arith.constant 61 : i32
      %add3A_881 = vector.broadcast %add3A_880 : i32 to vector<16xi32>
      %add3A_882 = arith.addi %mul3A_21, %add3A_881 : vector<16xi32>
      %gather3A_883 = tpu.vector_load_idx %arg5[%add3A_882] : memref<32768xf32, #tpu.memory_space<vmem>>[vector<16xi32>], vector<16xf32>,
      %broadcast_in_dim3A_884 = arith.constant 61 : i32
      %broadcast_in_dim3A_885 = vector.broadcast %broadcast_in_dim3A_884 : i32 to vector<16xi32>
      %gt3A_886 = arith.cmpf ogt, %gather3A_883, %select_n3A_878 : vector<16xf32>
      %gt3A_887 = arith.cmpf ogt, %gather3A_883, %select_n3A_876 : vector<16xf32>
      %select_n3A_888 = arith.select %gt3A_887, %gather3A_883, %select_n3A_876 : vector<16xi1>, vector<16xf32>
      %select_n3A_889 = arith.select %gt3A_887, %broadcast_in_dim3A_885, %select_n3A_877 : vector<16xi1>, vector<16xi32>
      %select_n3A_890 = arith.select %gt3A_886, %select_n3A_878, %select_n3A_888 : vector<16xi1>, vector<16xf32>
      %select_n3A_891 = arith.select %gt3A_886, %select_n3A_879, %select_n3A_889 : vector<16xi1>, vector<16xi32>
      %select_n3A_892 = arith.select %gt3A_886, %gather3A_883, %select_n3A_878 : vector<16xi1>, vector<16xf32>
      %select_n3A_893 = arith.select %gt3A_886, %broadcast_in_dim3A_885, %select_n3A_879 : vector<16xi1>, vector<16xi32>
      %add3A_894 = arith.constant 62 : i32
      %add3A_895 = vector.broadcast %add3A_894 : i32 to vector<16xi32>
      %add3A_896 = arith.addi %mul3A_21, %add3A_895 : vector<16xi32>
      %gather3A_897 = tpu.vector_load_idx %arg5[%add3A_896] : memref<32768xf32, #tpu.memory_space<vmem>>[vector<16xi32>], vector<16xf32>,
      %broadcast_in_dim3A_898 = arith.constant 62 : i32
      %broadcast_in_dim3A_899 = vector.broadcast %broadcast_in_dim3A_898 : i32 to vector<16xi32>
      %gt3A_900 = arith.cmpf ogt, %gather3A_897, %select_n3A_892 : vector<16xf32>
      %gt3A_901 = arith.cmpf ogt, %gather3A_897, %select_n3A_890 : vector<16xf32>
      %select_n3A_902 = arith.select %gt3A_901, %gather3A_897, %select_n3A_890 : vector<16xi1>, vector<16xf32>
      %select_n3A_903 = arith.select %gt3A_901, %broadcast_in_dim3A_899, %select_n3A_891 : vector<16xi1>, vector<16xi32>
      %select_n3A_904 = arith.select %gt3A_900, %select_n3A_892, %select_n3A_902 : vector<16xi1>, vector<16xf32>
      %select_n3A_905 = arith.select %gt3A_900, %select_n3A_893, %select_n3A_903 : vector<16xi1>, vector<16xi32>
      %select_n3A_906 = arith.select %gt3A_900, %gather3A_897, %select_n3A_892 : vector<16xi1>, vector<16xf32>
      %select_n3A_907 = arith.select %gt3A_900, %broadcast_in_dim3A_899, %select_n3A_893 : vector<16xi1>, vector<16xi32>
      %add3A_908 = arith.constant 63 : i32
      %add3A_909 = vector.broadcast %add3A_908 : i32 to vector<16xi32>
      %add3A_910 = arith.addi %mul3A_21, %add3A_909 : vector<16xi32>
      %gather3A_911 = tpu.vector_load_idx %arg5[%add3A_910] : memref<32768xf32, #tpu.memory_space<vmem>>[vector<16xi32>], vector<16xf32>,
      %broadcast_in_dim3A_912 = arith.constant 63 : i32
      %broadcast_in_dim3A_913 = vector.broadcast %broadcast_in_dim3A_912 : i32 to vector<16xi32>
      %gt3A_914 = arith.cmpf ogt, %gather3A_911, %select_n3A_906 : vector<16xf32>
      %gt3A_915 = arith.cmpf ogt, %gather3A_911, %select_n3A_904 : vector<16xf32>
      %select_n3A_916 = arith.select %gt3A_915, %gather3A_911, %select_n3A_904 : vector<16xi1>, vector<16xf32>
      %select_n3A_917 = arith.select %gt3A_915, %broadcast_in_dim3A_913, %select_n3A_905 : vector<16xi1>, vector<16xi32>
      %select_n3A_918 = arith.select %gt3A_914, %select_n3A_906, %select_n3A_916 : vector<16xi1>, vector<16xf32>
      %select_n3A_919 = arith.select %gt3A_914, %select_n3A_907, %select_n3A_917 : vector<16xi1>, vector<16xi32>
      %select_n3A_920 = arith.select %gt3A_914, %gather3A_911, %select_n3A_906 : vector<16xi1>, vector<16xf32>
      %select_n3A_921 = arith.select %gt3A_914, %broadcast_in_dim3A_913, %select_n3A_907 : vector<16xi1>, vector<16xi32>
      %sub3A = arith.subf %select_n3A_918, %select_n3A_920 : vector<16xf32>
      %exp3A = math.exp %sub3A : vector<16xf32>
      %add3A_922 = arith.constant 1.000000e+00 : f32
      %add3A_923 = vector.broadcast %add3A_922 : f32 to vector<16xf32>
      %add3A_924 = arith.addf %add3A_923, %exp3A : vector<16xf32>
      %mul3A_925 = arith.constant 2 : i32
      %mul3A_926 = vector.broadcast %mul3A_925 : i32 to vector<16xi32>
      %mul3A_927 = arith.muli %add3A_18, %mul3A_926 : vector<16xi32>
      %div3A = arith.constant 1.000000e+00 : f32
      %div3A_928 = vector.broadcast %div3A : f32 to vector<16xf32>
      %div3A_929 = arith.divf %div3A_928, %add3A_924 : vector<16xf32>
      tpu.vector_store_idx %arg6[%mul3A_927], %div3A_929 : memref<1024xf32, #tpu.memory_space<vmem>>[vector<16xi32>], vector<16xf32>,
      %add3A_930 = arith.constant 1 : i32
      %add3A_931 = vector.broadcast %add3A_930 : i32 to vector<16xi32>
      %add3A_932 = arith.addi %mul3A_927, %add3A_931 : vector<16xi32>
      %div3A_933 = arith.divf %exp3A, %add3A_924 : vector<16xf32>
      tpu.vector_store_idx %arg6[%add3A_932], %div3A_933 : memref<1024xf32, #tpu.memory_space<vmem>>[vector<16xi32>], vector<16xf32>,
      tpu.vector_store_idx %arg7[%mul3A_927], %select_n3A_921 : memref<1024xi32, #tpu.memory_space<vmem>>[vector<16xi32>], vector<16xi32>,
      %add3A_934 = arith.constant 1 : i32
      %add3A_935 = vector.broadcast %add3A_934 : i32 to vector<16xi32>
      %add3A_936 = arith.addi %mul3A_927, %add3A_935 : vector<16xi32>
      tpu.vector_store_idx %arg7[%add3A_936], %select_n3A_919 : memref<1024xi32, #tpu.memory_space<vmem>>[vector<16xi32>], vector<16xi32>,
    }
    %scan3A_9 = arith.constant 32 : i32
    %mul3A_10 = arith.constant 2 : i32
    %mul3A_11 = arith.muli %mul3A_2, %mul3A_10 : i32
    "tpu.region"() ({
      %run_scoped3A = tpu.sem_alloc : memref<!tpu.dma_semaphore, #tpu.memory_space<semaphore_mem>>
      %dma_start3A = tpu.memref_slice %arg3[%mul3A_11] : memref<32768xf32, #tpu.memory_space<hbm>> -> memref<1024xf32, #tpu.memory_space<hbm>>
      %dma_start3A_14 = tpu.memref_slice %arg3[%mul3A_11] : memref<32768xf32, #tpu.memory_space<hbm>> -> memref<1024xf32, #tpu.memory_space<hbm>>
      tpu.enqueue_dma source(%arg6 : memref<1024xf32, #tpu.memory_space<vmem>>) target(%dma_start3A_14 : memref<1024xf32, #tpu.memory_space<hbm>>) target_semaphore(%run_scoped3A : memref<!tpu.dma_semaphore, #tpu.memory_space<semaphore_mem>>)
      %dma_wait3A = tpu.memref_slice %arg3[%mul3A_11] : memref<32768xf32, #tpu.memory_space<hbm>> -> memref<1024xf32, #tpu.memory_space<hbm>>
      %dma_wait3A_15 = tpu.memref_slice %arg3[%mul3A_11] : memref<32768xf32, #tpu.memory_space<hbm>> -> memref<1024xf32, #tpu.memory_space<hbm>>
      tpu.wait_dma2 semaphore(%run_scoped3A : memref<!tpu.dma_semaphore, #tpu.memory_space<semaphore_mem>>) src(%arg6 : memref<1024xf32, #tpu.memory_space<vmem>>) dst(%dma_wait3A_15 : memref<1024xf32, #tpu.memory_space<hbm>>)
      tpu.yield
    }) : () -> ()
    %mul3A_12 = arith.constant 2 : i32
    %mul3A_13 = arith.muli %mul3A_2, %mul3A_12 : i32
    "tpu.region"() ({
      %run_scoped3A = tpu.sem_alloc : memref<!tpu.dma_semaphore, #tpu.memory_space<semaphore_mem>>
      %dma_start3A = tpu.memref_slice %arg4[%mul3A_13] : memref<32768xi32, #tpu.memory_space<hbm>> -> memref<1024xi32, #tpu.memory_space<hbm>>
      %dma_start3A_14 = tpu.memref_slice %arg4[%mul3A_13] : memref<32768xi32, #tpu.memory_space<hbm>> -> memref<1024xi32, #tpu.memory_space<hbm>>
      tpu.enqueue_dma source(%arg7 : memref<1024xi32, #tpu.memory_space<vmem>>) target(%dma_start3A_14 : memref<1024xi32, #tpu.memory_space<hbm>>) target_semaphore(%run_scoped3A : memref<!tpu.dma_semaphore, #tpu.memory_space<semaphore_mem>>)
      %dma_wait3A = tpu.memref_slice %arg4[%mul3A_13] : memref<32768xi32, #tpu.memory_space<hbm>> -> memref<1024xi32, #tpu.memory_space<hbm>>
      %dma_wait3A_15 = tpu.memref_slice %arg4[%mul3A_13] : memref<32768xi32, #tpu.memory_space<hbm>> -> memref<1024xi32, #tpu.memory_space<hbm>>
      tpu.wait_dma2 semaphore(%run_scoped3A : memref<!tpu.dma_semaphore, #tpu.memory_space<semaphore_mem>>) src(%arg7 : memref<1024xi32, #tpu.memory_space<vmem>>) dst(%dma_wait3A_15 : memref<1024xi32, #tpu.memory_space<hbm>>)
      tpu.yield
    }) : () -> ()
    return
  }
}

#map = affine_map<(d0, d1) -> (0)>
module attributes {stable_mosaic.version = 14 : i64} {
  func.func @_sc_top2_body(%arg0: i32, %arg1: i32, %arg2: memref<1048576xf32, #tpu.memory_space<hbm>>, %arg3: memref<32768xf32, #tpu.memory_space<hbm>>, %arg4: memref<32768xi32, #tpu.memory_space<hbm>>, %arg5: memref<32768xf32, #tpu.memory_space<vmem>>, %arg6: memref<1024xf32, #tpu.memory_space<vmem>>, %arg7: memref<1024xi32, #tpu.memory_space<vmem>>) attributes {dimension_semantics = [#tpu.dimension_semantics<core_parallel>, #tpu.dimension_semantics<subcore_parallel>], iteration_bounds = array<i64: 2, 16>, scalar_prefetch = 0 : i64, scratch_operands = 3 : i64, tpu.core_type = #tpu.core_type<sc_vector_subcore>, window_params = [{transform_indices = #map}, {transform_indices = #map}, {transform_indices = #map}]} {
    %mul3A = arith.constant 2 : i32
    %mul3A_0 = arith.muli %arg1, %mul3A : i32
    %add3A = arith.addi %mul3A_0, %arg0 : i32
    %mul3A_1 = arith.constant 512 : i32
    %mul3A_2 = arith.muli %add3A, %mul3A_1 : i32
    %mul3A_3 = arith.constant 64 : i32
    %mul3A_4 = arith.muli %mul3A_2, %mul3A_3 : i32
    "tpu.region"() ({
      %run_scoped3A = tpu.sem_alloc : memref<!tpu.dma_semaphore, #tpu.memory_space<semaphore_mem>>
      %dma_start3A = tpu.memref_slice %arg2[%mul3A_4] : memref<1048576xf32, #tpu.memory_space<hbm>> -> memref<32768xf32, #tpu.memory_space<hbm>>
      %dma_start3A_14 = tpu.memref_slice %arg2[%mul3A_4] : memref<1048576xf32, #tpu.memory_space<hbm>> -> memref<32768xf32, #tpu.memory_space<hbm>>
      tpu.enqueue_dma source(%dma_start3A_14 : memref<32768xf32, #tpu.memory_space<hbm>>) target(%arg5 : memref<32768xf32, #tpu.memory_space<vmem>>) target_semaphore(%run_scoped3A : memref<!tpu.dma_semaphore, #tpu.memory_space<semaphore_mem>>)
      %dma_wait3A = tpu.memref_slice %arg2[%mul3A_4] : memref<1048576xf32, #tpu.memory_space<hbm>> -> memref<32768xf32, #tpu.memory_space<hbm>>
      %dma_wait3A_15 = tpu.memref_slice %arg2[%mul3A_4] : memref<1048576xf32, #tpu.memory_space<hbm>> -> memref<32768xf32, #tpu.memory_space<hbm>>
      tpu.wait_dma2 semaphore(%run_scoped3A : memref<!tpu.dma_semaphore, #tpu.memory_space<semaphore_mem>>) src(%dma_wait3A_15 : memref<32768xf32, #tpu.memory_space<hbm>>) dst(%arg5 : memref<32768xf32, #tpu.memory_space<vmem>>)
      tpu.yield
    }) : () -> ()
    %scan3A = arith.constant 0 : i32
    %scan3A_5 = arith.constant 0 : i32
    %scan3A_6 = arith.constant 32 : i32
    %scan3A_7 = arith.addi %scan3A_5, %scan3A_6 : i32
    %scan3A_8 = arith.constant 1 : i32
    scf.for %scan3A_14 = %scan3A_5 to %scan3A_7 step %scan3A_8  : i32 {
      %iota3A = tpu.iota {dimensions = array<i32: 0>} : vector<16xi32>
      %mul3A_15 = arith.constant 16 : i32
      %mul3A_16 = arith.muli %scan3A_14, %mul3A_15 : i32
      %add3A_17 = vector.broadcast %mul3A_16 : i32 to vector<16xi32>
      %add3A_18 = arith.addi %iota3A, %add3A_17 : vector<16xi32>
      %mul3A_19 = arith.constant 64 : i32
      %mul3A_20 = vector.broadcast %mul3A_19 : i32 to vector<16xi32>
      %mul3A_21 = arith.muli %add3A_18, %mul3A_20 : vector<16xi32>
      %broadcast_in_dim3A = arith.constant 0xFF800000 : f32
      %broadcast_in_dim3A_22 = vector.broadcast %broadcast_in_dim3A : f32 to vector<16xf32>
      %broadcast_in_dim3A_23 = arith.constant 0xFF800000 : f32
      %broadcast_in_dim3A_24 = vector.broadcast %broadcast_in_dim3A_23 : f32 to vector<16xf32>
      %broadcast_in_dim3A_25 = arith.constant 0 : i32
      %broadcast_in_dim3A_26 = vector.broadcast %broadcast_in_dim3A_25 : i32 to vector<16xi32>
      %broadcast_in_dim3A_27 = arith.constant 0 : i32
      %broadcast_in_dim3A_28 = vector.broadcast %broadcast_in_dim3A_27 : i32 to vector<16xi32>
      %add3A_29 = arith.constant 0 : i32
      %add3A_30 = vector.broadcast %add3A_29 : i32 to vector<16xi32>
      %add3A_31 = arith.addi %mul3A_21, %add3A_30 : vector<16xi32>
      %gather3A = tpu.vector_load_idx %arg5[%add3A_31] : memref<32768xf32, #tpu.memory_space<vmem>>[vector<16xi32>], vector<16xf32>,
      %broadcast_in_dim3A_32 = arith.constant 0 : i32
      %broadcast_in_dim3A_33 = vector.broadcast %broadcast_in_dim3A_32 : i32 to vector<16xi32>
      %gt3A = arith.cmpf ogt, %gather3A, %broadcast_in_dim3A_22 : vector<16xf32>
      %gt3A_34 = arith.cmpf ogt, %gather3A, %broadcast_in_dim3A_24 : vector<16xf32>
      %select_n3A = arith.select %gt3A_34, %gather3A, %broadcast_in_dim3A_24 : vector<16xi1>, vector<16xf32>
      %select_n3A_35 = arith.select %gt3A_34, %broadcast_in_dim3A_33, %broadcast_in_dim3A_28 : vector<16xi1>, vector<16xi32>
      %select_n3A_36 = arith.select %gt3A, %broadcast_in_dim3A_22, %select_n3A : vector<16xi1>, vector<16xf32>
      %select_n3A_37 = arith.select %gt3A, %broadcast_in_dim3A_26, %select_n3A_35 : vector<16xi1>, vector<16xi32>
      %select_n3A_38 = arith.select %gt3A, %gather3A, %broadcast_in_dim3A_22 : vector<16xi1>, vector<16xf32>
      %select_n3A_39 = arith.select %gt3A, %broadcast_in_dim3A_33, %broadcast_in_dim3A_26 : vector<16xi1>, vector<16xi32>
      %add3A_40 = arith.constant 1 : i32
      %add3A_41 = vector.broadcast %add3A_40 : i32 to vector<16xi32>
      %add3A_42 = arith.addi %mul3A_21, %add3A_41 : vector<16xi32>
      %gather3A_43 = tpu.vector_load_idx %arg5[%add3A_42] : memref<32768xf32, #tpu.memory_space<vmem>>[vector<16xi32>], vector<16xf32>,
      %broadcast_in_dim3A_44 = arith.constant 1 : i32
      %broadcast_in_dim3A_45 = vector.broadcast %broadcast_in_dim3A_44 : i32 to vector<16xi32>
      %gt3A_46 = arith.cmpf ogt, %gather3A_43, %select_n3A_38 : vector<16xf32>
      %gt3A_47 = arith.cmpf ogt, %gather3A_43, %select_n3A_36 : vector<16xf32>
      %select_n3A_48 = arith.select %gt3A_47, %gather3A_43, %select_n3A_36 : vector<16xi1>, vector<16xf32>
      %select_n3A_49 = arith.select %gt3A_47, %broadcast_in_dim3A_45, %select_n3A_37 : vector<16xi1>, vector<16xi32>
      %select_n3A_50 = arith.select %gt3A_46, %select_n3A_38, %select_n3A_48 : vector<16xi1>, vector<16xf32>
      %select_n3A_51 = arith.select %gt3A_46, %select_n3A_39, %select_n3A_49 : vector<16xi1>, vector<16xi32>
      %select_n3A_52 = arith.select %gt3A_46, %gather3A_43, %select_n3A_38 : vector<16xi1>, vector<16xf32>
      %select_n3A_53 = arith.select %gt3A_46, %broadcast_in_dim3A_45, %select_n3A_39 : vector<16xi1>, vector<16xi32>
      %add3A_54 = arith.constant 2 : i32
      %add3A_55 = vector.broadcast %add3A_54 : i32 to vector<16xi32>
      %add3A_56 = arith.addi %mul3A_21, %add3A_55 : vector<16xi32>
      %gather3A_57 = tpu.vector_load_idx %arg5[%add3A_56] : memref<32768xf32, #tpu.memory_space<vmem>>[vector<16xi32>], vector<16xf32>,
      %broadcast_in_dim3A_58 = arith.constant 2 : i32
      %broadcast_in_dim3A_59 = vector.broadcast %broadcast_in_dim3A_58 : i32 to vector<16xi32>
      %gt3A_60 = arith.cmpf ogt, %gather3A_57, %select_n3A_52 : vector<16xf32>
      %gt3A_61 = arith.cmpf ogt, %gather3A_57, %select_n3A_50 : vector<16xf32>
      %select_n3A_62 = arith.select %gt3A_61, %gather3A_57, %select_n3A_50 : vector<16xi1>, vector<16xf32>
      %select_n3A_63 = arith.select %gt3A_61, %broadcast_in_dim3A_59, %select_n3A_51 : vector<16xi1>, vector<16xi32>
      %select_n3A_64 = arith.select %gt3A_60, %select_n3A_52, %select_n3A_62 : vector<16xi1>, vector<16xf32>
      %select_n3A_65 = arith.select %gt3A_60, %select_n3A_53, %select_n3A_63 : vector<16xi1>, vector<16xi32>
      %select_n3A_66 = arith.select %gt3A_60, %gather3A_57, %select_n3A_52 : vector<16xi1>, vector<16xf32>
      %select_n3A_67 = arith.select %gt3A_60, %broadcast_in_dim3A_59, %select_n3A_53 : vector<16xi1>, vector<16xi32>
      %add3A_68 = arith.constant 3 : i32
      %add3A_69 = vector.broadcast %add3A_68 : i32 to vector<16xi32>
      %add3A_70 = arith.addi %mul3A_21, %add3A_69 : vector<16xi32>
      %gather3A_71 = tpu.vector_load_idx %arg5[%add3A_70] : memref<32768xf32, #tpu.memory_space<vmem>>[vector<16xi32>], vector<16xf32>,
      %broadcast_in_dim3A_72 = arith.constant 3 : i32
      %broadcast_in_dim3A_73 = vector.broadcast %broadcast_in_dim3A_72 : i32 to vector<16xi32>
      %gt3A_74 = arith.cmpf ogt, %gather3A_71, %select_n3A_66 : vector<16xf32>
      %gt3A_75 = arith.cmpf ogt, %gather3A_71, %select_n3A_64 : vector<16xf32>
      %select_n3A_76 = arith.select %gt3A_75, %gather3A_71, %select_n3A_64 : vector<16xi1>, vector<16xf32>
      %select_n3A_77 = arith.select %gt3A_75, %broadcast_in_dim3A_73, %select_n3A_65 : vector<16xi1>, vector<16xi32>
      %select_n3A_78 = arith.select %gt3A_74, %select_n3A_66, %select_n3A_76 : vector<16xi1>, vector<16xf32>
      %select_n3A_79 = arith.select %gt3A_74, %select_n3A_67, %select_n3A_77 : vector<16xi1>, vector<16xi32>
      %select_n3A_80 = arith.select %gt3A_74, %gather3A_71, %select_n3A_66 : vector<16xi1>, vector<16xf32>
      %select_n3A_81 = arith.select %gt3A_74, %broadcast_in_dim3A_73, %select_n3A_67 : vector<16xi1>, vector<16xi32>
      %add3A_82 = arith.constant 4 : i32
      %add3A_83 = vector.broadcast %add3A_82 : i32 to vector<16xi32>
      %add3A_84 = arith.addi %mul3A_21, %add3A_83 : vector<16xi32>
      %gather3A_85 = tpu.vector_load_idx %arg5[%add3A_84] : memref<32768xf32, #tpu.memory_space<vmem>>[vector<16xi32>], vector<16xf32>,
      %broadcast_in_dim3A_86 = arith.constant 4 : i32
      %broadcast_in_dim3A_87 = vector.broadcast %broadcast_in_dim3A_86 : i32 to vector<16xi32>
      %gt3A_88 = arith.cmpf ogt, %gather3A_85, %select_n3A_80 : vector<16xf32>
      %gt3A_89 = arith.cmpf ogt, %gather3A_85, %select_n3A_78 : vector<16xf32>
      %select_n3A_90 = arith.select %gt3A_89, %gather3A_85, %select_n3A_78 : vector<16xi1>, vector<16xf32>
      %select_n3A_91 = arith.select %gt3A_89, %broadcast_in_dim3A_87, %select_n3A_79 : vector<16xi1>, vector<16xi32>
      %select_n3A_92 = arith.select %gt3A_88, %select_n3A_80, %select_n3A_90 : vector<16xi1>, vector<16xf32>
      %select_n3A_93 = arith.select %gt3A_88, %select_n3A_81, %select_n3A_91 : vector<16xi1>, vector<16xi32>
      %select_n3A_94 = arith.select %gt3A_88, %gather3A_85, %select_n3A_80 : vector<16xi1>, vector<16xf32>
      %select_n3A_95 = arith.select %gt3A_88, %broadcast_in_dim3A_87, %select_n3A_81 : vector<16xi1>, vector<16xi32>
      %add3A_96 = arith.constant 5 : i32
      %add3A_97 = vector.broadcast %add3A_96 : i32 to vector<16xi32>
      %add3A_98 = arith.addi %mul3A_21, %add3A_97 : vector<16xi32>
      %gather3A_99 = tpu.vector_load_idx %arg5[%add3A_98] : memref<32768xf32, #tpu.memory_space<vmem>>[vector<16xi32>], vector<16xf32>,
      %broadcast_in_dim3A_100 = arith.constant 5 : i32
      %broadcast_in_dim3A_101 = vector.broadcast %broadcast_in_dim3A_100 : i32 to vector<16xi32>
      %gt3A_102 = arith.cmpf ogt, %gather3A_99, %select_n3A_94 : vector<16xf32>
      %gt3A_103 = arith.cmpf ogt, %gather3A_99, %select_n3A_92 : vector<16xf32>
      %select_n3A_104 = arith.select %gt3A_103, %gather3A_99, %select_n3A_92 : vector<16xi1>, vector<16xf32>
      %select_n3A_105 = arith.select %gt3A_103, %broadcast_in_dim3A_101, %select_n3A_93 : vector<16xi1>, vector<16xi32>
      %select_n3A_106 = arith.select %gt3A_102, %select_n3A_94, %select_n3A_104 : vector<16xi1>, vector<16xf32>
      %select_n3A_107 = arith.select %gt3A_102, %select_n3A_95, %select_n3A_105 : vector<16xi1>, vector<16xi32>
      %select_n3A_108 = arith.select %gt3A_102, %gather3A_99, %select_n3A_94 : vector<16xi1>, vector<16xf32>
      %select_n3A_109 = arith.select %gt3A_102, %broadcast_in_dim3A_101, %select_n3A_95 : vector<16xi1>, vector<16xi32>
      %add3A_110 = arith.constant 6 : i32
      %add3A_111 = vector.broadcast %add3A_110 : i32 to vector<16xi32>
      %add3A_112 = arith.addi %mul3A_21, %add3A_111 : vector<16xi32>
      %gather3A_113 = tpu.vector_load_idx %arg5[%add3A_112] : memref<32768xf32, #tpu.memory_space<vmem>>[vector<16xi32>], vector<16xf32>,
      %broadcast_in_dim3A_114 = arith.constant 6 : i32
      %broadcast_in_dim3A_115 = vector.broadcast %broadcast_in_dim3A_114 : i32 to vector<16xi32>
      %gt3A_116 = arith.cmpf ogt, %gather3A_113, %select_n3A_108 : vector<16xf32>
      %gt3A_117 = arith.cmpf ogt, %gather3A_113, %select_n3A_106 : vector<16xf32>
      %select_n3A_118 = arith.select %gt3A_117, %gather3A_113, %select_n3A_106 : vector<16xi1>, vector<16xf32>
      %select_n3A_119 = arith.select %gt3A_117, %broadcast_in_dim3A_115, %select_n3A_107 : vector<16xi1>, vector<16xi32>
      %select_n3A_120 = arith.select %gt3A_116, %select_n3A_108, %select_n3A_118 : vector<16xi1>, vector<16xf32>
      %select_n3A_121 = arith.select %gt3A_116, %select_n3A_109, %select_n3A_119 : vector<16xi1>, vector<16xi32>
      %select_n3A_122 = arith.select %gt3A_116, %gather3A_113, %select_n3A_108 : vector<16xi1>, vector<16xf32>
      %select_n3A_123 = arith.select %gt3A_116, %broadcast_in_dim3A_115, %select_n3A_109 : vector<16xi1>, vector<16xi32>
      %add3A_124 = arith.constant 7 : i32
      %add3A_125 = vector.broadcast %add3A_124 : i32 to vector<16xi32>
      %add3A_126 = arith.addi %mul3A_21, %add3A_125 : vector<16xi32>
      %gather3A_127 = tpu.vector_load_idx %arg5[%add3A_126] : memref<32768xf32, #tpu.memory_space<vmem>>[vector<16xi32>], vector<16xf32>,
      %broadcast_in_dim3A_128 = arith.constant 7 : i32
      %broadcast_in_dim3A_129 = vector.broadcast %broadcast_in_dim3A_128 : i32 to vector<16xi32>
      %gt3A_130 = arith.cmpf ogt, %gather3A_127, %select_n3A_122 : vector<16xf32>
      %gt3A_131 = arith.cmpf ogt, %gather3A_127, %select_n3A_120 : vector<16xf32>
      %select_n3A_132 = arith.select %gt3A_131, %gather3A_127, %select_n3A_120 : vector<16xi1>, vector<16xf32>
      %select_n3A_133 = arith.select %gt3A_131, %broadcast_in_dim3A_129, %select_n3A_121 : vector<16xi1>, vector<16xi32>
      %select_n3A_134 = arith.select %gt3A_130, %select_n3A_122, %select_n3A_132 : vector<16xi1>, vector<16xf32>
      %select_n3A_135 = arith.select %gt3A_130, %select_n3A_123, %select_n3A_133 : vector<16xi1>, vector<16xi32>
      %select_n3A_136 = arith.select %gt3A_130, %gather3A_127, %select_n3A_122 : vector<16xi1>, vector<16xf32>
      %select_n3A_137 = arith.select %gt3A_130, %broadcast_in_dim3A_129, %select_n3A_123 : vector<16xi1>, vector<16xi32>
      %add3A_138 = arith.constant 8 : i32
      %add3A_139 = vector.broadcast %add3A_138 : i32 to vector<16xi32>
      %add3A_140 = arith.addi %mul3A_21, %add3A_139 : vector<16xi32>
      %gather3A_141 = tpu.vector_load_idx %arg5[%add3A_140] : memref<32768xf32, #tpu.memory_space<vmem>>[vector<16xi32>], vector<16xf32>,
      %broadcast_in_dim3A_142 = arith.constant 8 : i32
      %broadcast_in_dim3A_143 = vector.broadcast %broadcast_in_dim3A_142 : i32 to vector<16xi32>
      %gt3A_144 = arith.cmpf ogt, %gather3A_141, %select_n3A_136 : vector<16xf32>
      %gt3A_145 = arith.cmpf ogt, %gather3A_141, %select_n3A_134 : vector<16xf32>
      %select_n3A_146 = arith.select %gt3A_145, %gather3A_141, %select_n3A_134 : vector<16xi1>, vector<16xf32>
      %select_n3A_147 = arith.select %gt3A_145, %broadcast_in_dim3A_143, %select_n3A_135 : vector<16xi1>, vector<16xi32>
      %select_n3A_148 = arith.select %gt3A_144, %select_n3A_136, %select_n3A_146 : vector<16xi1>, vector<16xf32>
      %select_n3A_149 = arith.select %gt3A_144, %select_n3A_137, %select_n3A_147 : vector<16xi1>, vector<16xi32>
      %select_n3A_150 = arith.select %gt3A_144, %gather3A_141, %select_n3A_136 : vector<16xi1>, vector<16xf32>
      %select_n3A_151 = arith.select %gt3A_144, %broadcast_in_dim3A_143, %select_n3A_137 : vector<16xi1>, vector<16xi32>
      %add3A_152 = arith.constant 9 : i32
      %add3A_153 = vector.broadcast %add3A_152 : i32 to vector<16xi32>
      %add3A_154 = arith.addi %mul3A_21, %add3A_153 : vector<16xi32>
      %gather3A_155 = tpu.vector_load_idx %arg5[%add3A_154] : memref<32768xf32, #tpu.memory_space<vmem>>[vector<16xi32>], vector<16xf32>,
      %broadcast_in_dim3A_156 = arith.constant 9 : i32
      %broadcast_in_dim3A_157 = vector.broadcast %broadcast_in_dim3A_156 : i32 to vector<16xi32>
      %gt3A_158 = arith.cmpf ogt, %gather3A_155, %select_n3A_150 : vector<16xf32>
      %gt3A_159 = arith.cmpf ogt, %gather3A_155, %select_n3A_148 : vector<16xf32>
      %select_n3A_160 = arith.select %gt3A_159, %gather3A_155, %select_n3A_148 : vector<16xi1>, vector<16xf32>
      %select_n3A_161 = arith.select %gt3A_159, %broadcast_in_dim3A_157, %select_n3A_149 : vector<16xi1>, vector<16xi32>
      %select_n3A_162 = arith.select %gt3A_158, %select_n3A_150, %select_n3A_160 : vector<16xi1>, vector<16xf32>
      %select_n3A_163 = arith.select %gt3A_158, %select_n3A_151, %select_n3A_161 : vector<16xi1>, vector<16xi32>
      %select_n3A_164 = arith.select %gt3A_158, %gather3A_155, %select_n3A_150 : vector<16xi1>, vector<16xf32>
      %select_n3A_165 = arith.select %gt3A_158, %broadcast_in_dim3A_157, %select_n3A_151 : vector<16xi1>, vector<16xi32>
      %add3A_166 = arith.constant 10 : i32
      %add3A_167 = vector.broadcast %add3A_166 : i32 to vector<16xi32>
      %add3A_168 = arith.addi %mul3A_21, %add3A_167 : vector<16xi32>
      %gather3A_169 = tpu.vector_load_idx %arg5[%add3A_168] : memref<32768xf32, #tpu.memory_space<vmem>>[vector<16xi32>], vector<16xf32>,
      %broadcast_in_dim3A_170 = arith.constant 10 : i32
      %broadcast_in_dim3A_171 = vector.broadcast %broadcast_in_dim3A_170 : i32 to vector<16xi32>
      %gt3A_172 = arith.cmpf ogt, %gather3A_169, %select_n3A_164 : vector<16xf32>
      %gt3A_173 = arith.cmpf ogt, %gather3A_169, %select_n3A_162 : vector<16xf32>
      %select_n3A_174 = arith.select %gt3A_173, %gather3A_169, %select_n3A_162 : vector<16xi1>, vector<16xf32>
      %select_n3A_175 = arith.select %gt3A_173, %broadcast_in_dim3A_171, %select_n3A_163 : vector<16xi1>, vector<16xi32>
      %select_n3A_176 = arith.select %gt3A_172, %select_n3A_164, %select_n3A_174 : vector<16xi1>, vector<16xf32>
      %select_n3A_177 = arith.select %gt3A_172, %select_n3A_165, %select_n3A_175 : vector<16xi1>, vector<16xi32>
      %select_n3A_178 = arith.select %gt3A_172, %gather3A_169, %select_n3A_164 : vector<16xi1>, vector<16xf32>
      %select_n3A_179 = arith.select %gt3A_172, %broadcast_in_dim3A_171, %select_n3A_165 : vector<16xi1>, vector<16xi32>
      %add3A_180 = arith.constant 11 : i32
      %add3A_181 = vector.broadcast %add3A_180 : i32 to vector<16xi32>
      %add3A_182 = arith.addi %mul3A_21, %add3A_181 : vector<16xi32>
      %gather3A_183 = tpu.vector_load_idx %arg5[%add3A_182] : memref<32768xf32, #tpu.memory_space<vmem>>[vector<16xi32>], vector<16xf32>,
      %broadcast_in_dim3A_184 = arith.constant 11 : i32
      %broadcast_in_dim3A_185 = vector.broadcast %broadcast_in_dim3A_184 : i32 to vector<16xi32>
      %gt3A_186 = arith.cmpf ogt, %gather3A_183, %select_n3A_178 : vector<16xf32>
      %gt3A_187 = arith.cmpf ogt, %gather3A_183, %select_n3A_176 : vector<16xf32>
      %select_n3A_188 = arith.select %gt3A_187, %gather3A_183, %select_n3A_176 : vector<16xi1>, vector<16xf32>
      %select_n3A_189 = arith.select %gt3A_187, %broadcast_in_dim3A_185, %select_n3A_177 : vector<16xi1>, vector<16xi32>
      %select_n3A_190 = arith.select %gt3A_186, %select_n3A_178, %select_n3A_188 : vector<16xi1>, vector<16xf32>
      %select_n3A_191 = arith.select %gt3A_186, %select_n3A_179, %select_n3A_189 : vector<16xi1>, vector<16xi32>
      %select_n3A_192 = arith.select %gt3A_186, %gather3A_183, %select_n3A_178 : vector<16xi1>, vector<16xf32>
      %select_n3A_193 = arith.select %gt3A_186, %broadcast_in_dim3A_185, %select_n3A_179 : vector<16xi1>, vector<16xi32>
      %add3A_194 = arith.constant 12 : i32
      %add3A_195 = vector.broadcast %add3A_194 : i32 to vector<16xi32>
      %add3A_196 = arith.addi %mul3A_21, %add3A_195 : vector<16xi32>
      %gather3A_197 = tpu.vector_load_idx %arg5[%add3A_196] : memref<32768xf32, #tpu.memory_space<vmem>>[vector<16xi32>], vector<16xf32>,
      %broadcast_in_dim3A_198 = arith.constant 12 : i32
      %broadcast_in_dim3A_199 = vector.broadcast %broadcast_in_dim3A_198 : i32 to vector<16xi32>
      %gt3A_200 = arith.cmpf ogt, %gather3A_197, %select_n3A_192 : vector<16xf32>
      %gt3A_201 = arith.cmpf ogt, %gather3A_197, %select_n3A_190 : vector<16xf32>
      %select_n3A_202 = arith.select %gt3A_201, %gather3A_197, %select_n3A_190 : vector<16xi1>, vector<16xf32>
      %select_n3A_203 = arith.select %gt3A_201, %broadcast_in_dim3A_199, %select_n3A_191 : vector<16xi1>, vector<16xi32>
      %select_n3A_204 = arith.select %gt3A_200, %select_n3A_192, %select_n3A_202 : vector<16xi1>, vector<16xf32>
      %select_n3A_205 = arith.select %gt3A_200, %select_n3A_193, %select_n3A_203 : vector<16xi1>, vector<16xi32>
      %select_n3A_206 = arith.select %gt3A_200, %gather3A_197, %select_n3A_192 : vector<16xi1>, vector<16xf32>
      %select_n3A_207 = arith.select %gt3A_200, %broadcast_in_dim3A_199, %select_n3A_193 : vector<16xi1>, vector<16xi32>
      %add3A_208 = arith.constant 13 : i32
      %add3A_209 = vector.broadcast %add3A_208 : i32 to vector<16xi32>
      %add3A_210 = arith.addi %mul3A_21, %add3A_209 : vector<16xi32>
      %gather3A_211 = tpu.vector_load_idx %arg5[%add3A_210] : memref<32768xf32, #tpu.memory_space<vmem>>[vector<16xi32>], vector<16xf32>,
      %broadcast_in_dim3A_212 = arith.constant 13 : i32
      %broadcast_in_dim3A_213 = vector.broadcast %broadcast_in_dim3A_212 : i32 to vector<16xi32>
      %gt3A_214 = arith.cmpf ogt, %gather3A_211, %select_n3A_206 : vector<16xf32>
      %gt3A_215 = arith.cmpf ogt, %gather3A_211, %select_n3A_204 : vector<16xf32>
      %select_n3A_216 = arith.select %gt3A_215, %gather3A_211, %select_n3A_204 : vector<16xi1>, vector<16xf32>
      %select_n3A_217 = arith.select %gt3A_215, %broadcast_in_dim3A_213, %select_n3A_205 : vector<16xi1>, vector<16xi32>
      %select_n3A_218 = arith.select %gt3A_214, %select_n3A_206, %select_n3A_216 : vector<16xi1>, vector<16xf32>
      %select_n3A_219 = arith.select %gt3A_214, %select_n3A_207, %select_n3A_217 : vector<16xi1>, vector<16xi32>
      %select_n3A_220 = arith.select %gt3A_214, %gather3A_211, %select_n3A_206 : vector<16xi1>, vector<16xf32>
      %select_n3A_221 = arith.select %gt3A_214, %broadcast_in_dim3A_213, %select_n3A_207 : vector<16xi1>, vector<16xi32>
      %add3A_222 = arith.constant 14 : i32
      %add3A_223 = vector.broadcast %add3A_222 : i32 to vector<16xi32>
      %add3A_224 = arith.addi %mul3A_21, %add3A_223 : vector<16xi32>
      %gather3A_225 = tpu.vector_load_idx %arg5[%add3A_224] : memref<32768xf32, #tpu.memory_space<vmem>>[vector<16xi32>], vector<16xf32>,
      %broadcast_in_dim3A_226 = arith.constant 14 : i32
      %broadcast_in_dim3A_227 = vector.broadcast %broadcast_in_dim3A_226 : i32 to vector<16xi32>
      %gt3A_228 = arith.cmpf ogt, %gather3A_225, %select_n3A_220 : vector<16xf32>
      %gt3A_229 = arith.cmpf ogt, %gather3A_225, %select_n3A_218 : vector<16xf32>
      %select_n3A_230 = arith.select %gt3A_229, %gather3A_225, %select_n3A_218 : vector<16xi1>, vector<16xf32>
      %select_n3A_231 = arith.select %gt3A_229, %broadcast_in_dim3A_227, %select_n3A_219 : vector<16xi1>, vector<16xi32>
      %select_n3A_232 = arith.select %gt3A_228, %select_n3A_220, %select_n3A_230 : vector<16xi1>, vector<16xf32>
      %select_n3A_233 = arith.select %gt3A_228, %select_n3A_221, %select_n3A_231 : vector<16xi1>, vector<16xi32>
      %select_n3A_234 = arith.select %gt3A_228, %gather3A_225, %select_n3A_220 : vector<16xi1>, vector<16xf32>
      %select_n3A_235 = arith.select %gt3A_228, %broadcast_in_dim3A_227, %select_n3A_221 : vector<16xi1>, vector<16xi32>
      %add3A_236 = arith.constant 15 : i32
      %add3A_237 = vector.broadcast %add3A_236 : i32 to vector<16xi32>
      %add3A_238 = arith.addi %mul3A_21, %add3A_237 : vector<16xi32>
      %gather3A_239 = tpu.vector_load_idx %arg5[%add3A_238] : memref<32768xf32, #tpu.memory_space<vmem>>[vector<16xi32>], vector<16xf32>,
      %broadcast_in_dim3A_240 = arith.constant 15 : i32
      %broadcast_in_dim3A_241 = vector.broadcast %broadcast_in_dim3A_240 : i32 to vector<16xi32>
      %gt3A_242 = arith.cmpf ogt, %gather3A_239, %select_n3A_234 : vector<16xf32>
      %gt3A_243 = arith.cmpf ogt, %gather3A_239, %select_n3A_232 : vector<16xf32>
      %select_n3A_244 = arith.select %gt3A_243, %gather3A_239, %select_n3A_232 : vector<16xi1>, vector<16xf32>
      %select_n3A_245 = arith.select %gt3A_243, %broadcast_in_dim3A_241, %select_n3A_233 : vector<16xi1>, vector<16xi32>
      %select_n3A_246 = arith.select %gt3A_242, %select_n3A_234, %select_n3A_244 : vector<16xi1>, vector<16xf32>
      %select_n3A_247 = arith.select %gt3A_242, %select_n3A_235, %select_n3A_245 : vector<16xi1>, vector<16xi32>
      %select_n3A_248 = arith.select %gt3A_242, %gather3A_239, %select_n3A_234 : vector<16xi1>, vector<16xf32>
      %select_n3A_249 = arith.select %gt3A_242, %broadcast_in_dim3A_241, %select_n3A_235 : vector<16xi1>, vector<16xi32>
      %add3A_250 = arith.constant 16 : i32
      %add3A_251 = vector.broadcast %add3A_250 : i32 to vector<16xi32>
      %add3A_252 = arith.addi %mul3A_21, %add3A_251 : vector<16xi32>
      %gather3A_253 = tpu.vector_load_idx %arg5[%add3A_252] : memref<32768xf32, #tpu.memory_space<vmem>>[vector<16xi32>], vector<16xf32>,
      %broadcast_in_dim3A_254 = arith.constant 16 : i32
      %broadcast_in_dim3A_255 = vector.broadcast %broadcast_in_dim3A_254 : i32 to vector<16xi32>
      %gt3A_256 = arith.cmpf ogt, %gather3A_253, %select_n3A_248 : vector<16xf32>
      %gt3A_257 = arith.cmpf ogt, %gather3A_253, %select_n3A_246 : vector<16xf32>
      %select_n3A_258 = arith.select %gt3A_257, %gather3A_253, %select_n3A_246 : vector<16xi1>, vector<16xf32>
      %select_n3A_259 = arith.select %gt3A_257, %broadcast_in_dim3A_255, %select_n3A_247 : vector<16xi1>, vector<16xi32>
      %select_n3A_260 = arith.select %gt3A_256, %select_n3A_248, %select_n3A_258 : vector<16xi1>, vector<16xf32>
      %select_n3A_261 = arith.select %gt3A_256, %select_n3A_249, %select_n3A_259 : vector<16xi1>, vector<16xi32>
      %select_n3A_262 = arith.select %gt3A_256, %gather3A_253, %select_n3A_248 : vector<16xi1>, vector<16xf32>
      %select_n3A_263 = arith.select %gt3A_256, %broadcast_in_dim3A_255, %select_n3A_249 : vector<16xi1>, vector<16xi32>
      %add3A_264 = arith.constant 17 : i32
      %add3A_265 = vector.broadcast %add3A_264 : i32 to vector<16xi32>
      %add3A_266 = arith.addi %mul3A_21, %add3A_265 : vector<16xi32>
      %gather3A_267 = tpu.vector_load_idx %arg5[%add3A_266] : memref<32768xf32, #tpu.memory_space<vmem>>[vector<16xi32>], vector<16xf32>,
      %broadcast_in_dim3A_268 = arith.constant 17 : i32
      %broadcast_in_dim3A_269 = vector.broadcast %broadcast_in_dim3A_268 : i32 to vector<16xi32>
      %gt3A_270 = arith.cmpf ogt, %gather3A_267, %select_n3A_262 : vector<16xf32>
      %gt3A_271 = arith.cmpf ogt, %gather3A_267, %select_n3A_260 : vector<16xf32>
      %select_n3A_272 = arith.select %gt3A_271, %gather3A_267, %select_n3A_260 : vector<16xi1>, vector<16xf32>
      %select_n3A_273 = arith.select %gt3A_271, %broadcast_in_dim3A_269, %select_n3A_261 : vector<16xi1>, vector<16xi32>
      %select_n3A_274 = arith.select %gt3A_270, %select_n3A_262, %select_n3A_272 : vector<16xi1>, vector<16xf32>
      %select_n3A_275 = arith.select %gt3A_270, %select_n3A_263, %select_n3A_273 : vector<16xi1>, vector<16xi32>
      %select_n3A_276 = arith.select %gt3A_270, %gather3A_267, %select_n3A_262 : vector<16xi1>, vector<16xf32>
      %select_n3A_277 = arith.select %gt3A_270, %broadcast_in_dim3A_269, %select_n3A_263 : vector<16xi1>, vector<16xi32>
      %add3A_278 = arith.constant 18 : i32
      %add3A_279 = vector.broadcast %add3A_278 : i32 to vector<16xi32>
      %add3A_280 = arith.addi %mul3A_21, %add3A_279 : vector<16xi32>
      %gather3A_281 = tpu.vector_load_idx %arg5[%add3A_280] : memref<32768xf32, #tpu.memory_space<vmem>>[vector<16xi32>], vector<16xf32>,
      %broadcast_in_dim3A_282 = arith.constant 18 : i32
      %broadcast_in_dim3A_283 = vector.broadcast %broadcast_in_dim3A_282 : i32 to vector<16xi32>
      %gt3A_284 = arith.cmpf ogt, %gather3A_281, %select_n3A_276 : vector<16xf32>
      %gt3A_285 = arith.cmpf ogt, %gather3A_281, %select_n3A_274 : vector<16xf32>
      %select_n3A_286 = arith.select %gt3A_285, %gather3A_281, %select_n3A_274 : vector<16xi1>, vector<16xf32>
      %select_n3A_287 = arith.select %gt3A_285, %broadcast_in_dim3A_283, %select_n3A_275 : vector<16xi1>, vector<16xi32>
      %select_n3A_288 = arith.select %gt3A_284, %select_n3A_276, %select_n3A_286 : vector<16xi1>, vector<16xf32>
      %select_n3A_289 = arith.select %gt3A_284, %select_n3A_277, %select_n3A_287 : vector<16xi1>, vector<16xi32>
      %select_n3A_290 = arith.select %gt3A_284, %gather3A_281, %select_n3A_276 : vector<16xi1>, vector<16xf32>
      %select_n3A_291 = arith.select %gt3A_284, %broadcast_in_dim3A_283, %select_n3A_277 : vector<16xi1>, vector<16xi32>
      %add3A_292 = arith.constant 19 : i32
      %add3A_293 = vector.broadcast %add3A_292 : i32 to vector<16xi32>
      %add3A_294 = arith.addi %mul3A_21, %add3A_293 : vector<16xi32>
      %gather3A_295 = tpu.vector_load_idx %arg5[%add3A_294] : memref<32768xf32, #tpu.memory_space<vmem>>[vector<16xi32>], vector<16xf32>,
      %broadcast_in_dim3A_296 = arith.constant 19 : i32
      %broadcast_in_dim3A_297 = vector.broadcast %broadcast_in_dim3A_296 : i32 to vector<16xi32>
      %gt3A_298 = arith.cmpf ogt, %gather3A_295, %select_n3A_290 : vector<16xf32>
      %gt3A_299 = arith.cmpf ogt, %gather3A_295, %select_n3A_288 : vector<16xf32>
      %select_n3A_300 = arith.select %gt3A_299, %gather3A_295, %select_n3A_288 : vector<16xi1>, vector<16xf32>
      %select_n3A_301 = arith.select %gt3A_299, %broadcast_in_dim3A_297, %select_n3A_289 : vector<16xi1>, vector<16xi32>
      %select_n3A_302 = arith.select %gt3A_298, %select_n3A_290, %select_n3A_300 : vector<16xi1>, vector<16xf32>
      %select_n3A_303 = arith.select %gt3A_298, %select_n3A_291, %select_n3A_301 : vector<16xi1>, vector<16xi32>
      %select_n3A_304 = arith.select %gt3A_298, %gather3A_295, %select_n3A_290 : vector<16xi1>, vector<16xf32>
      %select_n3A_305 = arith.select %gt3A_298, %broadcast_in_dim3A_297, %select_n3A_291 : vector<16xi1>, vector<16xi32>
      %add3A_306 = arith.constant 20 : i32
      %add3A_307 = vector.broadcast %add3A_306 : i32 to vector<16xi32>
      %add3A_308 = arith.addi %mul3A_21, %add3A_307 : vector<16xi32>
      %gather3A_309 = tpu.vector_load_idx %arg5[%add3A_308] : memref<32768xf32, #tpu.memory_space<vmem>>[vector<16xi32>], vector<16xf32>,
      %broadcast_in_dim3A_310 = arith.constant 20 : i32
      %broadcast_in_dim3A_311 = vector.broadcast %broadcast_in_dim3A_310 : i32 to vector<16xi32>
      %gt3A_312 = arith.cmpf ogt, %gather3A_309, %select_n3A_304 : vector<16xf32>
      %gt3A_313 = arith.cmpf ogt, %gather3A_309, %select_n3A_302 : vector<16xf32>
      %select_n3A_314 = arith.select %gt3A_313, %gather3A_309, %select_n3A_302 : vector<16xi1>, vector<16xf32>
      %select_n3A_315 = arith.select %gt3A_313, %broadcast_in_dim3A_311, %select_n3A_303 : vector<16xi1>, vector<16xi32>
      %select_n3A_316 = arith.select %gt3A_312, %select_n3A_304, %select_n3A_314 : vector<16xi1>, vector<16xf32>
      %select_n3A_317 = arith.select %gt3A_312, %select_n3A_305, %select_n3A_315 : vector<16xi1>, vector<16xi32>
      %select_n3A_318 = arith.select %gt3A_312, %gather3A_309, %select_n3A_304 : vector<16xi1>, vector<16xf32>
      %select_n3A_319 = arith.select %gt3A_312, %broadcast_in_dim3A_311, %select_n3A_305 : vector<16xi1>, vector<16xi32>
      %add3A_320 = arith.constant 21 : i32
      %add3A_321 = vector.broadcast %add3A_320 : i32 to vector<16xi32>
      %add3A_322 = arith.addi %mul3A_21, %add3A_321 : vector<16xi32>
      %gather3A_323 = tpu.vector_load_idx %arg5[%add3A_322] : memref<32768xf32, #tpu.memory_space<vmem>>[vector<16xi32>], vector<16xf32>,
      %broadcast_in_dim3A_324 = arith.constant 21 : i32
      %broadcast_in_dim3A_325 = vector.broadcast %broadcast_in_dim3A_324 : i32 to vector<16xi32>
      %gt3A_326 = arith.cmpf ogt, %gather3A_323, %select_n3A_318 : vector<16xf32>
      %gt3A_327 = arith.cmpf ogt, %gather3A_323, %select_n3A_316 : vector<16xf32>
      %select_n3A_328 = arith.select %gt3A_327, %gather3A_323, %select_n3A_316 : vector<16xi1>, vector<16xf32>
      %select_n3A_329 = arith.select %gt3A_327, %broadcast_in_dim3A_325, %select_n3A_317 : vector<16xi1>, vector<16xi32>
      %select_n3A_330 = arith.select %gt3A_326, %select_n3A_318, %select_n3A_328 : vector<16xi1>, vector<16xf32>
      %select_n3A_331 = arith.select %gt3A_326, %select_n3A_319, %select_n3A_329 : vector<16xi1>, vector<16xi32>
      %select_n3A_332 = arith.select %gt3A_326, %gather3A_323, %select_n3A_318 : vector<16xi1>, vector<16xf32>
      %select_n3A_333 = arith.select %gt3A_326, %broadcast_in_dim3A_325, %select_n3A_319 : vector<16xi1>, vector<16xi32>
      %add3A_334 = arith.constant 22 : i32
      %add3A_335 = vector.broadcast %add3A_334 : i32 to vector<16xi32>
      %add3A_336 = arith.addi %mul3A_21, %add3A_335 : vector<16xi32>
      %gather3A_337 = tpu.vector_load_idx %arg5[%add3A_336] : memref<32768xf32, #tpu.memory_space<vmem>>[vector<16xi32>], vector<16xf32>,
      %broadcast_in_dim3A_338 = arith.constant 22 : i32
      %broadcast_in_dim3A_339 = vector.broadcast %broadcast_in_dim3A_338 : i32 to vector<16xi32>
      %gt3A_340 = arith.cmpf ogt, %gather3A_337, %select_n3A_332 : vector<16xf32>
      %gt3A_341 = arith.cmpf ogt, %gather3A_337, %select_n3A_330 : vector<16xf32>
      %select_n3A_342 = arith.select %gt3A_341, %gather3A_337, %select_n3A_330 : vector<16xi1>, vector<16xf32>
      %select_n3A_343 = arith.select %gt3A_341, %broadcast_in_dim3A_339, %select_n3A_331 : vector<16xi1>, vector<16xi32>
      %select_n3A_344 = arith.select %gt3A_340, %select_n3A_332, %select_n3A_342 : vector<16xi1>, vector<16xf32>
      %select_n3A_345 = arith.select %gt3A_340, %select_n3A_333, %select_n3A_343 : vector<16xi1>, vector<16xi32>
      %select_n3A_346 = arith.select %gt3A_340, %gather3A_337, %select_n3A_332 : vector<16xi1>, vector<16xf32>
      %select_n3A_347 = arith.select %gt3A_340, %broadcast_in_dim3A_339, %select_n3A_333 : vector<16xi1>, vector<16xi32>
      %add3A_348 = arith.constant 23 : i32
      %add3A_349 = vector.broadcast %add3A_348 : i32 to vector<16xi32>
      %add3A_350 = arith.addi %mul3A_21, %add3A_349 : vector<16xi32>
      %gather3A_351 = tpu.vector_load_idx %arg5[%add3A_350] : memref<32768xf32, #tpu.memory_space<vmem>>[vector<16xi32>], vector<16xf32>,
      %broadcast_in_dim3A_352 = arith.constant 23 : i32
      %broadcast_in_dim3A_353 = vector.broadcast %broadcast_in_dim3A_352 : i32 to vector<16xi32>
      %gt3A_354 = arith.cmpf ogt, %gather3A_351, %select_n3A_346 : vector<16xf32>
      %gt3A_355 = arith.cmpf ogt, %gather3A_351, %select_n3A_344 : vector<16xf32>
      %select_n3A_356 = arith.select %gt3A_355, %gather3A_351, %select_n3A_344 : vector<16xi1>, vector<16xf32>
      %select_n3A_357 = arith.select %gt3A_355, %broadcast_in_dim3A_353, %select_n3A_345 : vector<16xi1>, vector<16xi32>
      %select_n3A_358 = arith.select %gt3A_354, %select_n3A_346, %select_n3A_356 : vector<16xi1>, vector<16xf32>
      %select_n3A_359 = arith.select %gt3A_354, %select_n3A_347, %select_n3A_357 : vector<16xi1>, vector<16xi32>
      %select_n3A_360 = arith.select %gt3A_354, %gather3A_351, %select_n3A_346 : vector<16xi1>, vector<16xf32>
      %select_n3A_361 = arith.select %gt3A_354, %broadcast_in_dim3A_353, %select_n3A_347 : vector<16xi1>, vector<16xi32>
      %add3A_362 = arith.constant 24 : i32
      %add3A_363 = vector.broadcast %add3A_362 : i32 to vector<16xi32>
      %add3A_364 = arith.addi %mul3A_21, %add3A_363 : vector<16xi32>
      %gather3A_365 = tpu.vector_load_idx %arg5[%add3A_364] : memref<32768xf32, #tpu.memory_space<vmem>>[vector<16xi32>], vector<16xf32>,
      %broadcast_in_dim3A_366 = arith.constant 24 : i32
      %broadcast_in_dim3A_367 = vector.broadcast %broadcast_in_dim3A_366 : i32 to vector<16xi32>
      %gt3A_368 = arith.cmpf ogt, %gather3A_365, %select_n3A_360 : vector<16xf32>
      %gt3A_369 = arith.cmpf ogt, %gather3A_365, %select_n3A_358 : vector<16xf32>
      %select_n3A_370 = arith.select %gt3A_369, %gather3A_365, %select_n3A_358 : vector<16xi1>, vector<16xf32>
      %select_n3A_371 = arith.select %gt3A_369, %broadcast_in_dim3A_367, %select_n3A_359 : vector<16xi1>, vector<16xi32>
      %select_n3A_372 = arith.select %gt3A_368, %select_n3A_360, %select_n3A_370 : vector<16xi1>, vector<16xf32>
      %select_n3A_373 = arith.select %gt3A_368, %select_n3A_361, %select_n3A_371 : vector<16xi1>, vector<16xi32>
      %select_n3A_374 = arith.select %gt3A_368, %gather3A_365, %select_n3A_360 : vector<16xi1>, vector<16xf32>
      %select_n3A_375 = arith.select %gt3A_368, %broadcast_in_dim3A_367, %select_n3A_361 : vector<16xi1>, vector<16xi32>
      %add3A_376 = arith.constant 25 : i32
      %add3A_377 = vector.broadcast %add3A_376 : i32 to vector<16xi32>
      %add3A_378 = arith.addi %mul3A_21, %add3A_377 : vector<16xi32>
      %gather3A_379 = tpu.vector_load_idx %arg5[%add3A_378] : memref<32768xf32, #tpu.memory_space<vmem>>[vector<16xi32>], vector<16xf32>,
      %broadcast_in_dim3A_380 = arith.constant 25 : i32
      %broadcast_in_dim3A_381 = vector.broadcast %broadcast_in_dim3A_380 : i32 to vector<16xi32>
      %gt3A_382 = arith.cmpf ogt, %gather3A_379, %select_n3A_374 : vector<16xf32>
      %gt3A_383 = arith.cmpf ogt, %gather3A_379, %select_n3A_372 : vector<16xf32>
      %select_n3A_384 = arith.select %gt3A_383, %gather3A_379, %select_n3A_372 : vector<16xi1>, vector<16xf32>
      %select_n3A_385 = arith.select %gt3A_383, %broadcast_in_dim3A_381, %select_n3A_373 : vector<16xi1>, vector<16xi32>
      %select_n3A_386 = arith.select %gt3A_382, %select_n3A_374, %select_n3A_384 : vector<16xi1>, vector<16xf32>
      %select_n3A_387 = arith.select %gt3A_382, %select_n3A_375, %select_n3A_385 : vector<16xi1>, vector<16xi32>
      %select_n3A_388 = arith.select %gt3A_382, %gather3A_379, %select_n3A_374 : vector<16xi1>, vector<16xf32>
      %select_n3A_389 = arith.select %gt3A_382, %broadcast_in_dim3A_381, %select_n3A_375 : vector<16xi1>, vector<16xi32>
      %add3A_390 = arith.constant 26 : i32
      %add3A_391 = vector.broadcast %add3A_390 : i32 to vector<16xi32>
      %add3A_392 = arith.addi %mul3A_21, %add3A_391 : vector<16xi32>
      %gather3A_393 = tpu.vector_load_idx %arg5[%add3A_392] : memref<32768xf32, #tpu.memory_space<vmem>>[vector<16xi32>], vector<16xf32>,
      %broadcast_in_dim3A_394 = arith.constant 26 : i32
      %broadcast_in_dim3A_395 = vector.broadcast %broadcast_in_dim3A_394 : i32 to vector<16xi32>
      %gt3A_396 = arith.cmpf ogt, %gather3A_393, %select_n3A_388 : vector<16xf32>
      %gt3A_397 = arith.cmpf ogt, %gather3A_393, %select_n3A_386 : vector<16xf32>
      %select_n3A_398 = arith.select %gt3A_397, %gather3A_393, %select_n3A_386 : vector<16xi1>, vector<16xf32>
      %select_n3A_399 = arith.select %gt3A_397, %broadcast_in_dim3A_395, %select_n3A_387 : vector<16xi1>, vector<16xi32>
      %select_n3A_400 = arith.select %gt3A_396, %select_n3A_388, %select_n3A_398 : vector<16xi1>, vector<16xf32>
      %select_n3A_401 = arith.select %gt3A_396, %select_n3A_389, %select_n3A_399 : vector<16xi1>, vector<16xi32>
      %select_n3A_402 = arith.select %gt3A_396, %gather3A_393, %select_n3A_388 : vector<16xi1>, vector<16xf32>
      %select_n3A_403 = arith.select %gt3A_396, %broadcast_in_dim3A_395, %select_n3A_389 : vector<16xi1>, vector<16xi32>
      %add3A_404 = arith.constant 27 : i32
      %add3A_405 = vector.broadcast %add3A_404 : i32 to vector<16xi32>
      %add3A_406 = arith.addi %mul3A_21, %add3A_405 : vector<16xi32>
      %gather3A_407 = tpu.vector_load_idx %arg5[%add3A_406] : memref<32768xf32, #tpu.memory_space<vmem>>[vector<16xi32>], vector<16xf32>,
      %broadcast_in_dim3A_408 = arith.constant 27 : i32
      %broadcast_in_dim3A_409 = vector.broadcast %broadcast_in_dim3A_408 : i32 to vector<16xi32>
      %gt3A_410 = arith.cmpf ogt, %gather3A_407, %select_n3A_402 : vector<16xf32>
      %gt3A_411 = arith.cmpf ogt, %gather3A_407, %select_n3A_400 : vector<16xf32>
      %select_n3A_412 = arith.select %gt3A_411, %gather3A_407, %select_n3A_400 : vector<16xi1>, vector<16xf32>
      %select_n3A_413 = arith.select %gt3A_411, %broadcast_in_dim3A_409, %select_n3A_401 : vector<16xi1>, vector<16xi32>
      %select_n3A_414 = arith.select %gt3A_410, %select_n3A_402, %select_n3A_412 : vector<16xi1>, vector<16xf32>
      %select_n3A_415 = arith.select %gt3A_410, %select_n3A_403, %select_n3A_413 : vector<16xi1>, vector<16xi32>
      %select_n3A_416 = arith.select %gt3A_410, %gather3A_407, %select_n3A_402 : vector<16xi1>, vector<16xf32>
      %select_n3A_417 = arith.select %gt3A_410, %broadcast_in_dim3A_409, %select_n3A_403 : vector<16xi1>, vector<16xi32>
      %add3A_418 = arith.constant 28 : i32
      %add3A_419 = vector.broadcast %add3A_418 : i32 to vector<16xi32>
      %add3A_420 = arith.addi %mul3A_21, %add3A_419 : vector<16xi32>
      %gather3A_421 = tpu.vector_load_idx %arg5[%add3A_420] : memref<32768xf32, #tpu.memory_space<vmem>>[vector<16xi32>], vector<16xf32>,
      %broadcast_in_dim3A_422 = arith.constant 28 : i32
      %broadcast_in_dim3A_423 = vector.broadcast %broadcast_in_dim3A_422 : i32 to vector<16xi32>
      %gt3A_424 = arith.cmpf ogt, %gather3A_421, %select_n3A_416 : vector<16xf32>
      %gt3A_425 = arith.cmpf ogt, %gather3A_421, %select_n3A_414 : vector<16xf32>
      %select_n3A_426 = arith.select %gt3A_425, %gather3A_421, %select_n3A_414 : vector<16xi1>, vector<16xf32>
      %select_n3A_427 = arith.select %gt3A_425, %broadcast_in_dim3A_423, %select_n3A_415 : vector<16xi1>, vector<16xi32>
      %select_n3A_428 = arith.select %gt3A_424, %select_n3A_416, %select_n3A_426 : vector<16xi1>, vector<16xf32>
      %select_n3A_429 = arith.select %gt3A_424, %select_n3A_417, %select_n3A_427 : vector<16xi1>, vector<16xi32>
      %select_n3A_430 = arith.select %gt3A_424, %gather3A_421, %select_n3A_416 : vector<16xi1>, vector<16xf32>
      %select_n3A_431 = arith.select %gt3A_424, %broadcast_in_dim3A_423, %select_n3A_417 : vector<16xi1>, vector<16xi32>
      %add3A_432 = arith.constant 29 : i32
      %add3A_433 = vector.broadcast %add3A_432 : i32 to vector<16xi32>
      %add3A_434 = arith.addi %mul3A_21, %add3A_433 : vector<16xi32>
      %gather3A_435 = tpu.vector_load_idx %arg5[%add3A_434] : memref<32768xf32, #tpu.memory_space<vmem>>[vector<16xi32>], vector<16xf32>,
      %broadcast_in_dim3A_436 = arith.constant 29 : i32
      %broadcast_in_dim3A_437 = vector.broadcast %broadcast_in_dim3A_436 : i32 to vector<16xi32>
      %gt3A_438 = arith.cmpf ogt, %gather3A_435, %select_n3A_430 : vector<16xf32>
      %gt3A_439 = arith.cmpf ogt, %gather3A_435, %select_n3A_428 : vector<16xf32>
      %select_n3A_440 = arith.select %gt3A_439, %gather3A_435, %select_n3A_428 : vector<16xi1>, vector<16xf32>
      %select_n3A_441 = arith.select %gt3A_439, %broadcast_in_dim3A_437, %select_n3A_429 : vector<16xi1>, vector<16xi32>
      %select_n3A_442 = arith.select %gt3A_438, %select_n3A_430, %select_n3A_440 : vector<16xi1>, vector<16xf32>
      %select_n3A_443 = arith.select %gt3A_438, %select_n3A_431, %select_n3A_441 : vector<16xi1>, vector<16xi32>
      %select_n3A_444 = arith.select %gt3A_438, %gather3A_435, %select_n3A_430 : vector<16xi1>, vector<16xf32>
      %select_n3A_445 = arith.select %gt3A_438, %broadcast_in_dim3A_437, %select_n3A_431 : vector<16xi1>, vector<16xi32>
      %add3A_446 = arith.constant 30 : i32
      %add3A_447 = vector.broadcast %add3A_446 : i32 to vector<16xi32>
      %add3A_448 = arith.addi %mul3A_21, %add3A_447 : vector<16xi32>
      %gather3A_449 = tpu.vector_load_idx %arg5[%add3A_448] : memref<32768xf32, #tpu.memory_space<vmem>>[vector<16xi32>], vector<16xf32>,
      %broadcast_in_dim3A_450 = arith.constant 30 : i32
      %broadcast_in_dim3A_451 = vector.broadcast %broadcast_in_dim3A_450 : i32 to vector<16xi32>
      %gt3A_452 = arith.cmpf ogt, %gather3A_449, %select_n3A_444 : vector<16xf32>
      %gt3A_453 = arith.cmpf ogt, %gather3A_449, %select_n3A_442 : vector<16xf32>
      %select_n3A_454 = arith.select %gt3A_453, %gather3A_449, %select_n3A_442 : vector<16xi1>, vector<16xf32>
      %select_n3A_455 = arith.select %gt3A_453, %broadcast_in_dim3A_451, %select_n3A_443 : vector<16xi1>, vector<16xi32>
      %select_n3A_456 = arith.select %gt3A_452, %select_n3A_444, %select_n3A_454 : vector<16xi1>, vector<16xf32>
      %select_n3A_457 = arith.select %gt3A_452, %select_n3A_445, %select_n3A_455 : vector<16xi1>, vector<16xi32>
      %select_n3A_458 = arith.select %gt3A_452, %gather3A_449, %select_n3A_444 : vector<16xi1>, vector<16xf32>
      %select_n3A_459 = arith.select %gt3A_452, %broadcast_in_dim3A_451, %select_n3A_445 : vector<16xi1>, vector<16xi32>
      %add3A_460 = arith.constant 31 : i32
      %add3A_461 = vector.broadcast %add3A_460 : i32 to vector<16xi32>
      %add3A_462 = arith.addi %mul3A_21, %add3A_461 : vector<16xi32>
      %gather3A_463 = tpu.vector_load_idx %arg5[%add3A_462] : memref<32768xf32, #tpu.memory_space<vmem>>[vector<16xi32>], vector<16xf32>,
      %broadcast_in_dim3A_464 = arith.constant 31 : i32
      %broadcast_in_dim3A_465 = vector.broadcast %broadcast_in_dim3A_464 : i32 to vector<16xi32>
      %gt3A_466 = arith.cmpf ogt, %gather3A_463, %select_n3A_458 : vector<16xf32>
      %gt3A_467 = arith.cmpf ogt, %gather3A_463, %select_n3A_456 : vector<16xf32>
      %select_n3A_468 = arith.select %gt3A_467, %gather3A_463, %select_n3A_456 : vector<16xi1>, vector<16xf32>
      %select_n3A_469 = arith.select %gt3A_467, %broadcast_in_dim3A_465, %select_n3A_457 : vector<16xi1>, vector<16xi32>
      %select_n3A_470 = arith.select %gt3A_466, %select_n3A_458, %select_n3A_468 : vector<16xi1>, vector<16xf32>
      %select_n3A_471 = arith.select %gt3A_466, %select_n3A_459, %select_n3A_469 : vector<16xi1>, vector<16xi32>
      %select_n3A_472 = arith.select %gt3A_466, %gather3A_463, %select_n3A_458 : vector<16xi1>, vector<16xf32>
      %select_n3A_473 = arith.select %gt3A_466, %broadcast_in_dim3A_465, %select_n3A_459 : vector<16xi1>, vector<16xi32>
      %add3A_474 = arith.constant 32 : i32
      %add3A_475 = vector.broadcast %add3A_474 : i32 to vector<16xi32>
      %add3A_476 = arith.addi %mul3A_21, %add3A_475 : vector<16xi32>
      %gather3A_477 = tpu.vector_load_idx %arg5[%add3A_476] : memref<32768xf32, #tpu.memory_space<vmem>>[vector<16xi32>], vector<16xf32>,
      %broadcast_in_dim3A_478 = arith.constant 32 : i32
      %broadcast_in_dim3A_479 = vector.broadcast %broadcast_in_dim3A_478 : i32 to vector<16xi32>
      %gt3A_480 = arith.cmpf ogt, %gather3A_477, %select_n3A_472 : vector<16xf32>
      %gt3A_481 = arith.cmpf ogt, %gather3A_477, %select_n3A_470 : vector<16xf32>
      %select_n3A_482 = arith.select %gt3A_481, %gather3A_477, %select_n3A_470 : vector<16xi1>, vector<16xf32>
      %select_n3A_483 = arith.select %gt3A_481, %broadcast_in_dim3A_479, %select_n3A_471 : vector<16xi1>, vector<16xi32>
      %select_n3A_484 = arith.select %gt3A_480, %select_n3A_472, %select_n3A_482 : vector<16xi1>, vector<16xf32>
      %select_n3A_485 = arith.select %gt3A_480, %select_n3A_473, %select_n3A_483 : vector<16xi1>, vector<16xi32>
      %select_n3A_486 = arith.select %gt3A_480, %gather3A_477, %select_n3A_472 : vector<16xi1>, vector<16xf32>
      %select_n3A_487 = arith.select %gt3A_480, %broadcast_in_dim3A_479, %select_n3A_473 : vector<16xi1>, vector<16xi32>
      %add3A_488 = arith.constant 33 : i32
      %add3A_489 = vector.broadcast %add3A_488 : i32 to vector<16xi32>
      %add3A_490 = arith.addi %mul3A_21, %add3A_489 : vector<16xi32>
      %gather3A_491 = tpu.vector_load_idx %arg5[%add3A_490] : memref<32768xf32, #tpu.memory_space<vmem>>[vector<16xi32>], vector<16xf32>,
      %broadcast_in_dim3A_492 = arith.constant 33 : i32
      %broadcast_in_dim3A_493 = vector.broadcast %broadcast_in_dim3A_492 : i32 to vector<16xi32>
      %gt3A_494 = arith.cmpf ogt, %gather3A_491, %select_n3A_486 : vector<16xf32>
      %gt3A_495 = arith.cmpf ogt, %gather3A_491, %select_n3A_484 : vector<16xf32>
      %select_n3A_496 = arith.select %gt3A_495, %gather3A_491, %select_n3A_484 : vector<16xi1>, vector<16xf32>
      %select_n3A_497 = arith.select %gt3A_495, %broadcast_in_dim3A_493, %select_n3A_485 : vector<16xi1>, vector<16xi32>
      %select_n3A_498 = arith.select %gt3A_494, %select_n3A_486, %select_n3A_496 : vector<16xi1>, vector<16xf32>
      %select_n3A_499 = arith.select %gt3A_494, %select_n3A_487, %select_n3A_497 : vector<16xi1>, vector<16xi32>
      %select_n3A_500 = arith.select %gt3A_494, %gather3A_491, %select_n3A_486 : vector<16xi1>, vector<16xf32>
      %select_n3A_501 = arith.select %gt3A_494, %broadcast_in_dim3A_493, %select_n3A_487 : vector<16xi1>, vector<16xi32>
      %add3A_502 = arith.constant 34 : i32
      %add3A_503 = vector.broadcast %add3A_502 : i32 to vector<16xi32>
      %add3A_504 = arith.addi %mul3A_21, %add3A_503 : vector<16xi32>
      %gather3A_505 = tpu.vector_load_idx %arg5[%add3A_504] : memref<32768xf32, #tpu.memory_space<vmem>>[vector<16xi32>], vector<16xf32>,
      %broadcast_in_dim3A_506 = arith.constant 34 : i32
      %broadcast_in_dim3A_507 = vector.broadcast %broadcast_in_dim3A_506 : i32 to vector<16xi32>
      %gt3A_508 = arith.cmpf ogt, %gather3A_505, %select_n3A_500 : vector<16xf32>
      %gt3A_509 = arith.cmpf ogt, %gather3A_505, %select_n3A_498 : vector<16xf32>
      %select_n3A_510 = arith.select %gt3A_509, %gather3A_505, %select_n3A_498 : vector<16xi1>, vector<16xf32>
      %select_n3A_511 = arith.select %gt3A_509, %broadcast_in_dim3A_507, %select_n3A_499 : vector<16xi1>, vector<16xi32>
      %select_n3A_512 = arith.select %gt3A_508, %select_n3A_500, %select_n3A_510 : vector<16xi1>, vector<16xf32>
      %select_n3A_513 = arith.select %gt3A_508, %select_n3A_501, %select_n3A_511 : vector<16xi1>, vector<16xi32>
      %select_n3A_514 = arith.select %gt3A_508, %gather3A_505, %select_n3A_500 : vector<16xi1>, vector<16xf32>
      %select_n3A_515 = arith.select %gt3A_508, %broadcast_in_dim3A_507, %select_n3A_501 : vector<16xi1>, vector<16xi32>
      %add3A_516 = arith.constant 35 : i32
      %add3A_517 = vector.broadcast %add3A_516 : i32 to vector<16xi32>
      %add3A_518 = arith.addi %mul3A_21, %add3A_517 : vector<16xi32>
      %gather3A_519 = tpu.vector_load_idx %arg5[%add3A_518] : memref<32768xf32, #tpu.memory_space<vmem>>[vector<16xi32>], vector<16xf32>,
      %broadcast_in_dim3A_520 = arith.constant 35 : i32
      %broadcast_in_dim3A_521 = vector.broadcast %broadcast_in_dim3A_520 : i32 to vector<16xi32>
      %gt3A_522 = arith.cmpf ogt, %gather3A_519, %select_n3A_514 : vector<16xf32>
      %gt3A_523 = arith.cmpf ogt, %gather3A_519, %select_n3A_512 : vector<16xf32>
      %select_n3A_524 = arith.select %gt3A_523, %gather3A_519, %select_n3A_512 : vector<16xi1>, vector<16xf32>
      %select_n3A_525 = arith.select %gt3A_523, %broadcast_in_dim3A_521, %select_n3A_513 : vector<16xi1>, vector<16xi32>
      %select_n3A_526 = arith.select %gt3A_522, %select_n3A_514, %select_n3A_524 : vector<16xi1>, vector<16xf32>
      %select_n3A_527 = arith.select %gt3A_522, %select_n3A_515, %select_n3A_525 : vector<16xi1>, vector<16xi32>
      %select_n3A_528 = arith.select %gt3A_522, %gather3A_519, %select_n3A_514 : vector<16xi1>, vector<16xf32>
      %select_n3A_529 = arith.select %gt3A_522, %broadcast_in_dim3A_521, %select_n3A_515 : vector<16xi1>, vector<16xi32>
      %add3A_530 = arith.constant 36 : i32
      %add3A_531 = vector.broadcast %add3A_530 : i32 to vector<16xi32>
      %add3A_532 = arith.addi %mul3A_21, %add3A_531 : vector<16xi32>
      %gather3A_533 = tpu.vector_load_idx %arg5[%add3A_532] : memref<32768xf32, #tpu.memory_space<vmem>>[vector<16xi32>], vector<16xf32>,
      %broadcast_in_dim3A_534 = arith.constant 36 : i32
      %broadcast_in_dim3A_535 = vector.broadcast %broadcast_in_dim3A_534 : i32 to vector<16xi32>
      %gt3A_536 = arith.cmpf ogt, %gather3A_533, %select_n3A_528 : vector<16xf32>
      %gt3A_537 = arith.cmpf ogt, %gather3A_533, %select_n3A_526 : vector<16xf32>
      %select_n3A_538 = arith.select %gt3A_537, %gather3A_533, %select_n3A_526 : vector<16xi1>, vector<16xf32>
      %select_n3A_539 = arith.select %gt3A_537, %broadcast_in_dim3A_535, %select_n3A_527 : vector<16xi1>, vector<16xi32>
      %select_n3A_540 = arith.select %gt3A_536, %select_n3A_528, %select_n3A_538 : vector<16xi1>, vector<16xf32>
      %select_n3A_541 = arith.select %gt3A_536, %select_n3A_529, %select_n3A_539 : vector<16xi1>, vector<16xi32>
      %select_n3A_542 = arith.select %gt3A_536, %gather3A_533, %select_n3A_528 : vector<16xi1>, vector<16xf32>
      %select_n3A_543 = arith.select %gt3A_536, %broadcast_in_dim3A_535, %select_n3A_529 : vector<16xi1>, vector<16xi32>
      %add3A_544 = arith.constant 37 : i32
      %add3A_545 = vector.broadcast %add3A_544 : i32 to vector<16xi32>
      %add3A_546 = arith.addi %mul3A_21, %add3A_545 : vector<16xi32>
      %gather3A_547 = tpu.vector_load_idx %arg5[%add3A_546] : memref<32768xf32, #tpu.memory_space<vmem>>[vector<16xi32>], vector<16xf32>,
      %broadcast_in_dim3A_548 = arith.constant 37 : i32
      %broadcast_in_dim3A_549 = vector.broadcast %broadcast_in_dim3A_548 : i32 to vector<16xi32>
      %gt3A_550 = arith.cmpf ogt, %gather3A_547, %select_n3A_542 : vector<16xf32>
      %gt3A_551 = arith.cmpf ogt, %gather3A_547, %select_n3A_540 : vector<16xf32>
      %select_n3A_552 = arith.select %gt3A_551, %gather3A_547, %select_n3A_540 : vector<16xi1>, vector<16xf32>
      %select_n3A_553 = arith.select %gt3A_551, %broadcast_in_dim3A_549, %select_n3A_541 : vector<16xi1>, vector<16xi32>
      %select_n3A_554 = arith.select %gt3A_550, %select_n3A_542, %select_n3A_552 : vector<16xi1>, vector<16xf32>
      %select_n3A_555 = arith.select %gt3A_550, %select_n3A_543, %select_n3A_553 : vector<16xi1>, vector<16xi32>
      %select_n3A_556 = arith.select %gt3A_550, %gather3A_547, %select_n3A_542 : vector<16xi1>, vector<16xf32>
      %select_n3A_557 = arith.select %gt3A_550, %broadcast_in_dim3A_549, %select_n3A_543 : vector<16xi1>, vector<16xi32>
      %add3A_558 = arith.constant 38 : i32
      %add3A_559 = vector.broadcast %add3A_558 : i32 to vector<16xi32>
      %add3A_560 = arith.addi %mul3A_21, %add3A_559 : vector<16xi32>
      %gather3A_561 = tpu.vector_load_idx %arg5[%add3A_560] : memref<32768xf32, #tpu.memory_space<vmem>>[vector<16xi32>], vector<16xf32>,
      %broadcast_in_dim3A_562 = arith.constant 38 : i32
      %broadcast_in_dim3A_563 = vector.broadcast %broadcast_in_dim3A_562 : i32 to vector<16xi32>
      %gt3A_564 = arith.cmpf ogt, %gather3A_561, %select_n3A_556 : vector<16xf32>
      %gt3A_565 = arith.cmpf ogt, %gather3A_561, %select_n3A_554 : vector<16xf32>
      %select_n3A_566 = arith.select %gt3A_565, %gather3A_561, %select_n3A_554 : vector<16xi1>, vector<16xf32>
      %select_n3A_567 = arith.select %gt3A_565, %broadcast_in_dim3A_563, %select_n3A_555 : vector<16xi1>, vector<16xi32>
      %select_n3A_568 = arith.select %gt3A_564, %select_n3A_556, %select_n3A_566 : vector<16xi1>, vector<16xf32>
      %select_n3A_569 = arith.select %gt3A_564, %select_n3A_557, %select_n3A_567 : vector<16xi1>, vector<16xi32>
      %select_n3A_570 = arith.select %gt3A_564, %gather3A_561, %select_n3A_556 : vector<16xi1>, vector<16xf32>
      %select_n3A_571 = arith.select %gt3A_564, %broadcast_in_dim3A_563, %select_n3A_557 : vector<16xi1>, vector<16xi32>
      %add3A_572 = arith.constant 39 : i32
      %add3A_573 = vector.broadcast %add3A_572 : i32 to vector<16xi32>
      %add3A_574 = arith.addi %mul3A_21, %add3A_573 : vector<16xi32>
      %gather3A_575 = tpu.vector_load_idx %arg5[%add3A_574] : memref<32768xf32, #tpu.memory_space<vmem>>[vector<16xi32>], vector<16xf32>,
      %broadcast_in_dim3A_576 = arith.constant 39 : i32
      %broadcast_in_dim3A_577 = vector.broadcast %broadcast_in_dim3A_576 : i32 to vector<16xi32>
      %gt3A_578 = arith.cmpf ogt, %gather3A_575, %select_n3A_570 : vector<16xf32>
      %gt3A_579 = arith.cmpf ogt, %gather3A_575, %select_n3A_568 : vector<16xf32>
      %select_n3A_580 = arith.select %gt3A_579, %gather3A_575, %select_n3A_568 : vector<16xi1>, vector<16xf32>
      %select_n3A_581 = arith.select %gt3A_579, %broadcast_in_dim3A_577, %select_n3A_569 : vector<16xi1>, vector<16xi32>
      %select_n3A_582 = arith.select %gt3A_578, %select_n3A_570, %select_n3A_580 : vector<16xi1>, vector<16xf32>
      %select_n3A_583 = arith.select %gt3A_578, %select_n3A_571, %select_n3A_581 : vector<16xi1>, vector<16xi32>
      %select_n3A_584 = arith.select %gt3A_578, %gather3A_575, %select_n3A_570 : vector<16xi1>, vector<16xf32>
      %select_n3A_585 = arith.select %gt3A_578, %broadcast_in_dim3A_577, %select_n3A_571 : vector<16xi1>, vector<16xi32>
      %add3A_586 = arith.constant 40 : i32
      %add3A_587 = vector.broadcast %add3A_586 : i32 to vector<16xi32>
      %add3A_588 = arith.addi %mul3A_21, %add3A_587 : vector<16xi32>
      %gather3A_589 = tpu.vector_load_idx %arg5[%add3A_588] : memref<32768xf32, #tpu.memory_space<vmem>>[vector<16xi32>], vector<16xf32>,
      %broadcast_in_dim3A_590 = arith.constant 40 : i32
      %broadcast_in_dim3A_591 = vector.broadcast %broadcast_in_dim3A_590 : i32 to vector<16xi32>
      %gt3A_592 = arith.cmpf ogt, %gather3A_589, %select_n3A_584 : vector<16xf32>
      %gt3A_593 = arith.cmpf ogt, %gather3A_589, %select_n3A_582 : vector<16xf32>
      %select_n3A_594 = arith.select %gt3A_593, %gather3A_589, %select_n3A_582 : vector<16xi1>, vector<16xf32>
      %select_n3A_595 = arith.select %gt3A_593, %broadcast_in_dim3A_591, %select_n3A_583 : vector<16xi1>, vector<16xi32>
      %select_n3A_596 = arith.select %gt3A_592, %select_n3A_584, %select_n3A_594 : vector<16xi1>, vector<16xf32>
      %select_n3A_597 = arith.select %gt3A_592, %select_n3A_585, %select_n3A_595 : vector<16xi1>, vector<16xi32>
      %select_n3A_598 = arith.select %gt3A_592, %gather3A_589, %select_n3A_584 : vector<16xi1>, vector<16xf32>
      %select_n3A_599 = arith.select %gt3A_592, %broadcast_in_dim3A_591, %select_n3A_585 : vector<16xi1>, vector<16xi32>
      %add3A_600 = arith.constant 41 : i32
      %add3A_601 = vector.broadcast %add3A_600 : i32 to vector<16xi32>
      %add3A_602 = arith.addi %mul3A_21, %add3A_601 : vector<16xi32>
      %gather3A_603 = tpu.vector_load_idx %arg5[%add3A_602] : memref<32768xf32, #tpu.memory_space<vmem>>[vector<16xi32>], vector<16xf32>,
      %broadcast_in_dim3A_604 = arith.constant 41 : i32
      %broadcast_in_dim3A_605 = vector.broadcast %broadcast_in_dim3A_604 : i32 to vector<16xi32>
      %gt3A_606 = arith.cmpf ogt, %gather3A_603, %select_n3A_598 : vector<16xf32>
      %gt3A_607 = arith.cmpf ogt, %gather3A_603, %select_n3A_596 : vector<16xf32>
      %select_n3A_608 = arith.select %gt3A_607, %gather3A_603, %select_n3A_596 : vector<16xi1>, vector<16xf32>
      %select_n3A_609 = arith.select %gt3A_607, %broadcast_in_dim3A_605, %select_n3A_597 : vector<16xi1>, vector<16xi32>
      %select_n3A_610 = arith.select %gt3A_606, %select_n3A_598, %select_n3A_608 : vector<16xi1>, vector<16xf32>
      %select_n3A_611 = arith.select %gt3A_606, %select_n3A_599, %select_n3A_609 : vector<16xi1>, vector<16xi32>
      %select_n3A_612 = arith.select %gt3A_606, %gather3A_603, %select_n3A_598 : vector<16xi1>, vector<16xf32>
      %select_n3A_613 = arith.select %gt3A_606, %broadcast_in_dim3A_605, %select_n3A_599 : vector<16xi1>, vector<16xi32>
      %add3A_614 = arith.constant 42 : i32
      %add3A_615 = vector.broadcast %add3A_614 : i32 to vector<16xi32>
      %add3A_616 = arith.addi %mul3A_21, %add3A_615 : vector<16xi32>
      %gather3A_617 = tpu.vector_load_idx %arg5[%add3A_616] : memref<32768xf32, #tpu.memory_space<vmem>>[vector<16xi32>], vector<16xf32>,
      %broadcast_in_dim3A_618 = arith.constant 42 : i32
      %broadcast_in_dim3A_619 = vector.broadcast %broadcast_in_dim3A_618 : i32 to vector<16xi32>
      %gt3A_620 = arith.cmpf ogt, %gather3A_617, %select_n3A_612 : vector<16xf32>
      %gt3A_621 = arith.cmpf ogt, %gather3A_617, %select_n3A_610 : vector<16xf32>
      %select_n3A_622 = arith.select %gt3A_621, %gather3A_617, %select_n3A_610 : vector<16xi1>, vector<16xf32>
      %select_n3A_623 = arith.select %gt3A_621, %broadcast_in_dim3A_619, %select_n3A_611 : vector<16xi1>, vector<16xi32>
      %select_n3A_624 = arith.select %gt3A_620, %select_n3A_612, %select_n3A_622 : vector<16xi1>, vector<16xf32>
      %select_n3A_625 = arith.select %gt3A_620, %select_n3A_613, %select_n3A_623 : vector<16xi1>, vector<16xi32>
      %select_n3A_626 = arith.select %gt3A_620, %gather3A_617, %select_n3A_612 : vector<16xi1>, vector<16xf32>
      %select_n3A_627 = arith.select %gt3A_620, %broadcast_in_dim3A_619, %select_n3A_613 : vector<16xi1>, vector<16xi32>
      %add3A_628 = arith.constant 43 : i32
      %add3A_629 = vector.broadcast %add3A_628 : i32 to vector<16xi32>
      %add3A_630 = arith.addi %mul3A_21, %add3A_629 : vector<16xi32>
      %gather3A_631 = tpu.vector_load_idx %arg5[%add3A_630] : memref<32768xf32, #tpu.memory_space<vmem>>[vector<16xi32>], vector<16xf32>,
      %broadcast_in_dim3A_632 = arith.constant 43 : i32
      %broadcast_in_dim3A_633 = vector.broadcast %broadcast_in_dim3A_632 : i32 to vector<16xi32>
      %gt3A_634 = arith.cmpf ogt, %gather3A_631, %select_n3A_626 : vector<16xf32>
      %gt3A_635 = arith.cmpf ogt, %gather3A_631, %select_n3A_624 : vector<16xf32>
      %select_n3A_636 = arith.select %gt3A_635, %gather3A_631, %select_n3A_624 : vector<16xi1>, vector<16xf32>
      %select_n3A_637 = arith.select %gt3A_635, %broadcast_in_dim3A_633, %select_n3A_625 : vector<16xi1>, vector<16xi32>
      %select_n3A_638 = arith.select %gt3A_634, %select_n3A_626, %select_n3A_636 : vector<16xi1>, vector<16xf32>
      %select_n3A_639 = arith.select %gt3A_634, %select_n3A_627, %select_n3A_637 : vector<16xi1>, vector<16xi32>
      %select_n3A_640 = arith.select %gt3A_634, %gather3A_631, %select_n3A_626 : vector<16xi1>, vector<16xf32>
      %select_n3A_641 = arith.select %gt3A_634, %broadcast_in_dim3A_633, %select_n3A_627 : vector<16xi1>, vector<16xi32>
      %add3A_642 = arith.constant 44 : i32
      %add3A_643 = vector.broadcast %add3A_642 : i32 to vector<16xi32>
      %add3A_644 = arith.addi %mul3A_21, %add3A_643 : vector<16xi32>
      %gather3A_645 = tpu.vector_load_idx %arg5[%add3A_644] : memref<32768xf32, #tpu.memory_space<vmem>>[vector<16xi32>], vector<16xf32>,
      %broadcast_in_dim3A_646 = arith.constant 44 : i32
      %broadcast_in_dim3A_647 = vector.broadcast %broadcast_in_dim3A_646 : i32 to vector<16xi32>
      %gt3A_648 = arith.cmpf ogt, %gather3A_645, %select_n3A_640 : vector<16xf32>
      %gt3A_649 = arith.cmpf ogt, %gather3A_645, %select_n3A_638 : vector<16xf32>
      %select_n3A_650 = arith.select %gt3A_649, %gather3A_645, %select_n3A_638 : vector<16xi1>, vector<16xf32>
      %select_n3A_651 = arith.select %gt3A_649, %broadcast_in_dim3A_647, %select_n3A_639 : vector<16xi1>, vector<16xi32>
      %select_n3A_652 = arith.select %gt3A_648, %select_n3A_640, %select_n3A_650 : vector<16xi1>, vector<16xf32>
      %select_n3A_653 = arith.select %gt3A_648, %select_n3A_641, %select_n3A_651 : vector<16xi1>, vector<16xi32>
      %select_n3A_654 = arith.select %gt3A_648, %gather3A_645, %select_n3A_640 : vector<16xi1>, vector<16xf32>
      %select_n3A_655 = arith.select %gt3A_648, %broadcast_in_dim3A_647, %select_n3A_641 : vector<16xi1>, vector<16xi32>
      %add3A_656 = arith.constant 45 : i32
      %add3A_657 = vector.broadcast %add3A_656 : i32 to vector<16xi32>
      %add3A_658 = arith.addi %mul3A_21, %add3A_657 : vector<16xi32>
      %gather3A_659 = tpu.vector_load_idx %arg5[%add3A_658] : memref<32768xf32, #tpu.memory_space<vmem>>[vector<16xi32>], vector<16xf32>,
      %broadcast_in_dim3A_660 = arith.constant 45 : i32
      %broadcast_in_dim3A_661 = vector.broadcast %broadcast_in_dim3A_660 : i32 to vector<16xi32>
      %gt3A_662 = arith.cmpf ogt, %gather3A_659, %select_n3A_654 : vector<16xf32>
      %gt3A_663 = arith.cmpf ogt, %gather3A_659, %select_n3A_652 : vector<16xf32>
      %select_n3A_664 = arith.select %gt3A_663, %gather3A_659, %select_n3A_652 : vector<16xi1>, vector<16xf32>
      %select_n3A_665 = arith.select %gt3A_663, %broadcast_in_dim3A_661, %select_n3A_653 : vector<16xi1>, vector<16xi32>
      %select_n3A_666 = arith.select %gt3A_662, %select_n3A_654, %select_n3A_664 : vector<16xi1>, vector<16xf32>
      %select_n3A_667 = arith.select %gt3A_662, %select_n3A_655, %select_n3A_665 : vector<16xi1>, vector<16xi32>
      %select_n3A_668 = arith.select %gt3A_662, %gather3A_659, %select_n3A_654 : vector<16xi1>, vector<16xf32>
      %select_n3A_669 = arith.select %gt3A_662, %broadcast_in_dim3A_661, %select_n3A_655 : vector<16xi1>, vector<16xi32>
      %add3A_670 = arith.constant 46 : i32
      %add3A_671 = vector.broadcast %add3A_670 : i32 to vector<16xi32>
      %add3A_672 = arith.addi %mul3A_21, %add3A_671 : vector<16xi32>
      %gather3A_673 = tpu.vector_load_idx %arg5[%add3A_672] : memref<32768xf32, #tpu.memory_space<vmem>>[vector<16xi32>], vector<16xf32>,
      %broadcast_in_dim3A_674 = arith.constant 46 : i32
      %broadcast_in_dim3A_675 = vector.broadcast %broadcast_in_dim3A_674 : i32 to vector<16xi32>
      %gt3A_676 = arith.cmpf ogt, %gather3A_673, %select_n3A_668 : vector<16xf32>
      %gt3A_677 = arith.cmpf ogt, %gather3A_673, %select_n3A_666 : vector<16xf32>
      %select_n3A_678 = arith.select %gt3A_677, %gather3A_673, %select_n3A_666 : vector<16xi1>, vector<16xf32>
      %select_n3A_679 = arith.select %gt3A_677, %broadcast_in_dim3A_675, %select_n3A_667 : vector<16xi1>, vector<16xi32>
      %select_n3A_680 = arith.select %gt3A_676, %select_n3A_668, %select_n3A_678 : vector<16xi1>, vector<16xf32>
      %select_n3A_681 = arith.select %gt3A_676, %select_n3A_669, %select_n3A_679 : vector<16xi1>, vector<16xi32>
      %select_n3A_682 = arith.select %gt3A_676, %gather3A_673, %select_n3A_668 : vector<16xi1>, vector<16xf32>
      %select_n3A_683 = arith.select %gt3A_676, %broadcast_in_dim3A_675, %select_n3A_669 : vector<16xi1>, vector<16xi32>
      %add3A_684 = arith.constant 47 : i32
      %add3A_685 = vector.broadcast %add3A_684 : i32 to vector<16xi32>
      %add3A_686 = arith.addi %mul3A_21, %add3A_685 : vector<16xi32>
      %gather3A_687 = tpu.vector_load_idx %arg5[%add3A_686] : memref<32768xf32, #tpu.memory_space<vmem>>[vector<16xi32>], vector<16xf32>,
      %broadcast_in_dim3A_688 = arith.constant 47 : i32
      %broadcast_in_dim3A_689 = vector.broadcast %broadcast_in_dim3A_688 : i32 to vector<16xi32>
      %gt3A_690 = arith.cmpf ogt, %gather3A_687, %select_n3A_682 : vector<16xf32>
      %gt3A_691 = arith.cmpf ogt, %gather3A_687, %select_n3A_680 : vector<16xf32>
      %select_n3A_692 = arith.select %gt3A_691, %gather3A_687, %select_n3A_680 : vector<16xi1>, vector<16xf32>
      %select_n3A_693 = arith.select %gt3A_691, %broadcast_in_dim3A_689, %select_n3A_681 : vector<16xi1>, vector<16xi32>
      %select_n3A_694 = arith.select %gt3A_690, %select_n3A_682, %select_n3A_692 : vector<16xi1>, vector<16xf32>
      %select_n3A_695 = arith.select %gt3A_690, %select_n3A_683, %select_n3A_693 : vector<16xi1>, vector<16xi32>
      %select_n3A_696 = arith.select %gt3A_690, %gather3A_687, %select_n3A_682 : vector<16xi1>, vector<16xf32>
      %select_n3A_697 = arith.select %gt3A_690, %broadcast_in_dim3A_689, %select_n3A_683 : vector<16xi1>, vector<16xi32>
      %add3A_698 = arith.constant 48 : i32
      %add3A_699 = vector.broadcast %add3A_698 : i32 to vector<16xi32>
      %add3A_700 = arith.addi %mul3A_21, %add3A_699 : vector<16xi32>
      %gather3A_701 = tpu.vector_load_idx %arg5[%add3A_700] : memref<32768xf32, #tpu.memory_space<vmem>>[vector<16xi32>], vector<16xf32>,
      %broadcast_in_dim3A_702 = arith.constant 48 : i32
      %broadcast_in_dim3A_703 = vector.broadcast %broadcast_in_dim3A_702 : i32 to vector<16xi32>
      %gt3A_704 = arith.cmpf ogt, %gather3A_701, %select_n3A_696 : vector<16xf32>
      %gt3A_705 = arith.cmpf ogt, %gather3A_701, %select_n3A_694 : vector<16xf32>
      %select_n3A_706 = arith.select %gt3A_705, %gather3A_701, %select_n3A_694 : vector<16xi1>, vector<16xf32>
      %select_n3A_707 = arith.select %gt3A_705, %broadcast_in_dim3A_703, %select_n3A_695 : vector<16xi1>, vector<16xi32>
      %select_n3A_708 = arith.select %gt3A_704, %select_n3A_696, %select_n3A_706 : vector<16xi1>, vector<16xf32>
      %select_n3A_709 = arith.select %gt3A_704, %select_n3A_697, %select_n3A_707 : vector<16xi1>, vector<16xi32>
      %select_n3A_710 = arith.select %gt3A_704, %gather3A_701, %select_n3A_696 : vector<16xi1>, vector<16xf32>
      %select_n3A_711 = arith.select %gt3A_704, %broadcast_in_dim3A_703, %select_n3A_697 : vector<16xi1>, vector<16xi32>
      %add3A_712 = arith.constant 49 : i32
      %add3A_713 = vector.broadcast %add3A_712 : i32 to vector<16xi32>
      %add3A_714 = arith.addi %mul3A_21, %add3A_713 : vector<16xi32>
      %gather3A_715 = tpu.vector_load_idx %arg5[%add3A_714] : memref<32768xf32, #tpu.memory_space<vmem>>[vector<16xi32>], vector<16xf32>,
      %broadcast_in_dim3A_716 = arith.constant 49 : i32
      %broadcast_in_dim3A_717 = vector.broadcast %broadcast_in_dim3A_716 : i32 to vector<16xi32>
      %gt3A_718 = arith.cmpf ogt, %gather3A_715, %select_n3A_710 : vector<16xf32>
      %gt3A_719 = arith.cmpf ogt, %gather3A_715, %select_n3A_708 : vector<16xf32>
      %select_n3A_720 = arith.select %gt3A_719, %gather3A_715, %select_n3A_708 : vector<16xi1>, vector<16xf32>
      %select_n3A_721 = arith.select %gt3A_719, %broadcast_in_dim3A_717, %select_n3A_709 : vector<16xi1>, vector<16xi32>
      %select_n3A_722 = arith.select %gt3A_718, %select_n3A_710, %select_n3A_720 : vector<16xi1>, vector<16xf32>
      %select_n3A_723 = arith.select %gt3A_718, %select_n3A_711, %select_n3A_721 : vector<16xi1>, vector<16xi32>
      %select_n3A_724 = arith.select %gt3A_718, %gather3A_715, %select_n3A_710 : vector<16xi1>, vector<16xf32>
      %select_n3A_725 = arith.select %gt3A_718, %broadcast_in_dim3A_717, %select_n3A_711 : vector<16xi1>, vector<16xi32>
      %add3A_726 = arith.constant 50 : i32
      %add3A_727 = vector.broadcast %add3A_726 : i32 to vector<16xi32>
      %add3A_728 = arith.addi %mul3A_21, %add3A_727 : vector<16xi32>
      %gather3A_729 = tpu.vector_load_idx %arg5[%add3A_728] : memref<32768xf32, #tpu.memory_space<vmem>>[vector<16xi32>], vector<16xf32>,
      %broadcast_in_dim3A_730 = arith.constant 50 : i32
      %broadcast_in_dim3A_731 = vector.broadcast %broadcast_in_dim3A_730 : i32 to vector<16xi32>
      %gt3A_732 = arith.cmpf ogt, %gather3A_729, %select_n3A_724 : vector<16xf32>
      %gt3A_733 = arith.cmpf ogt, %gather3A_729, %select_n3A_722 : vector<16xf32>
      %select_n3A_734 = arith.select %gt3A_733, %gather3A_729, %select_n3A_722 : vector<16xi1>, vector<16xf32>
      %select_n3A_735 = arith.select %gt3A_733, %broadcast_in_dim3A_731, %select_n3A_723 : vector<16xi1>, vector<16xi32>
      %select_n3A_736 = arith.select %gt3A_732, %select_n3A_724, %select_n3A_734 : vector<16xi1>, vector<16xf32>
      %select_n3A_737 = arith.select %gt3A_732, %select_n3A_725, %select_n3A_735 : vector<16xi1>, vector<16xi32>
      %select_n3A_738 = arith.select %gt3A_732, %gather3A_729, %select_n3A_724 : vector<16xi1>, vector<16xf32>
      %select_n3A_739 = arith.select %gt3A_732, %broadcast_in_dim3A_731, %select_n3A_725 : vector<16xi1>, vector<16xi32>
      %add3A_740 = arith.constant 51 : i32
      %add3A_741 = vector.broadcast %add3A_740 : i32 to vector<16xi32>
      %add3A_742 = arith.addi %mul3A_21, %add3A_741 : vector<16xi32>
      %gather3A_743 = tpu.vector_load_idx %arg5[%add3A_742] : memref<32768xf32, #tpu.memory_space<vmem>>[vector<16xi32>], vector<16xf32>,
      %broadcast_in_dim3A_744 = arith.constant 51 : i32
      %broadcast_in_dim3A_745 = vector.broadcast %broadcast_in_dim3A_744 : i32 to vector<16xi32>
      %gt3A_746 = arith.cmpf ogt, %gather3A_743, %select_n3A_738 : vector<16xf32>
      %gt3A_747 = arith.cmpf ogt, %gather3A_743, %select_n3A_736 : vector<16xf32>
      %select_n3A_748 = arith.select %gt3A_747, %gather3A_743, %select_n3A_736 : vector<16xi1>, vector<16xf32>
      %select_n3A_749 = arith.select %gt3A_747, %broadcast_in_dim3A_745, %select_n3A_737 : vector<16xi1>, vector<16xi32>
      %select_n3A_750 = arith.select %gt3A_746, %select_n3A_738, %select_n3A_748 : vector<16xi1>, vector<16xf32>
      %select_n3A_751 = arith.select %gt3A_746, %select_n3A_739, %select_n3A_749 : vector<16xi1>, vector<16xi32>
      %select_n3A_752 = arith.select %gt3A_746, %gather3A_743, %select_n3A_738 : vector<16xi1>, vector<16xf32>
      %select_n3A_753 = arith.select %gt3A_746, %broadcast_in_dim3A_745, %select_n3A_739 : vector<16xi1>, vector<16xi32>
      %add3A_754 = arith.constant 52 : i32
      %add3A_755 = vector.broadcast %add3A_754 : i32 to vector<16xi32>
      %add3A_756 = arith.addi %mul3A_21, %add3A_755 : vector<16xi32>
      %gather3A_757 = tpu.vector_load_idx %arg5[%add3A_756] : memref<32768xf32, #tpu.memory_space<vmem>>[vector<16xi32>], vector<16xf32>,
      %broadcast_in_dim3A_758 = arith.constant 52 : i32
      %broadcast_in_dim3A_759 = vector.broadcast %broadcast_in_dim3A_758 : i32 to vector<16xi32>
      %gt3A_760 = arith.cmpf ogt, %gather3A_757, %select_n3A_752 : vector<16xf32>
      %gt3A_761 = arith.cmpf ogt, %gather3A_757, %select_n3A_750 : vector<16xf32>
      %select_n3A_762 = arith.select %gt3A_761, %gather3A_757, %select_n3A_750 : vector<16xi1>, vector<16xf32>
      %select_n3A_763 = arith.select %gt3A_761, %broadcast_in_dim3A_759, %select_n3A_751 : vector<16xi1>, vector<16xi32>
      %select_n3A_764 = arith.select %gt3A_760, %select_n3A_752, %select_n3A_762 : vector<16xi1>, vector<16xf32>
      %select_n3A_765 = arith.select %gt3A_760, %select_n3A_753, %select_n3A_763 : vector<16xi1>, vector<16xi32>
      %select_n3A_766 = arith.select %gt3A_760, %gather3A_757, %select_n3A_752 : vector<16xi1>, vector<16xf32>
      %select_n3A_767 = arith.select %gt3A_760, %broadcast_in_dim3A_759, %select_n3A_753 : vector<16xi1>, vector<16xi32>
      %add3A_768 = arith.constant 53 : i32
      %add3A_769 = vector.broadcast %add3A_768 : i32 to vector<16xi32>
      %add3A_770 = arith.addi %mul3A_21, %add3A_769 : vector<16xi32>
      %gather3A_771 = tpu.vector_load_idx %arg5[%add3A_770] : memref<32768xf32, #tpu.memory_space<vmem>>[vector<16xi32>], vector<16xf32>,
      %broadcast_in_dim3A_772 = arith.constant 53 : i32
      %broadcast_in_dim3A_773 = vector.broadcast %broadcast_in_dim3A_772 : i32 to vector<16xi32>
      %gt3A_774 = arith.cmpf ogt, %gather3A_771, %select_n3A_766 : vector<16xf32>
      %gt3A_775 = arith.cmpf ogt, %gather3A_771, %select_n3A_764 : vector<16xf32>
      %select_n3A_776 = arith.select %gt3A_775, %gather3A_771, %select_n3A_764 : vector<16xi1>, vector<16xf32>
      %select_n3A_777 = arith.select %gt3A_775, %broadcast_in_dim3A_773, %select_n3A_765 : vector<16xi1>, vector<16xi32>
      %select_n3A_778 = arith.select %gt3A_774, %select_n3A_766, %select_n3A_776 : vector<16xi1>, vector<16xf32>
      %select_n3A_779 = arith.select %gt3A_774, %select_n3A_767, %select_n3A_777 : vector<16xi1>, vector<16xi32>
      %select_n3A_780 = arith.select %gt3A_774, %gather3A_771, %select_n3A_766 : vector<16xi1>, vector<16xf32>
      %select_n3A_781 = arith.select %gt3A_774, %broadcast_in_dim3A_773, %select_n3A_767 : vector<16xi1>, vector<16xi32>
      %add3A_782 = arith.constant 54 : i32
      %add3A_783 = vector.broadcast %add3A_782 : i32 to vector<16xi32>
      %add3A_784 = arith.addi %mul3A_21, %add3A_783 : vector<16xi32>
      %gather3A_785 = tpu.vector_load_idx %arg5[%add3A_784] : memref<32768xf32, #tpu.memory_space<vmem>>[vector<16xi32>], vector<16xf32>,
      %broadcast_in_dim3A_786 = arith.constant 54 : i32
      %broadcast_in_dim3A_787 = vector.broadcast %broadcast_in_dim3A_786 : i32 to vector<16xi32>
      %gt3A_788 = arith.cmpf ogt, %gather3A_785, %select_n3A_780 : vector<16xf32>
      %gt3A_789 = arith.cmpf ogt, %gather3A_785, %select_n3A_778 : vector<16xf32>
      %select_n3A_790 = arith.select %gt3A_789, %gather3A_785, %select_n3A_778 : vector<16xi1>, vector<16xf32>
      %select_n3A_791 = arith.select %gt3A_789, %broadcast_in_dim3A_787, %select_n3A_779 : vector<16xi1>, vector<16xi32>
      %select_n3A_792 = arith.select %gt3A_788, %select_n3A_780, %select_n3A_790 : vector<16xi1>, vector<16xf32>
      %select_n3A_793 = arith.select %gt3A_788, %select_n3A_781, %select_n3A_791 : vector<16xi1>, vector<16xi32>
      %select_n3A_794 = arith.select %gt3A_788, %gather3A_785, %select_n3A_780 : vector<16xi1>, vector<16xf32>
      %select_n3A_795 = arith.select %gt3A_788, %broadcast_in_dim3A_787, %select_n3A_781 : vector<16xi1>, vector<16xi32>
      %add3A_796 = arith.constant 55 : i32
      %add3A_797 = vector.broadcast %add3A_796 : i32 to vector<16xi32>
      %add3A_798 = arith.addi %mul3A_21, %add3A_797 : vector<16xi32>
      %gather3A_799 = tpu.vector_load_idx %arg5[%add3A_798] : memref<32768xf32, #tpu.memory_space<vmem>>[vector<16xi32>], vector<16xf32>,
      %broadcast_in_dim3A_800 = arith.constant 55 : i32
      %broadcast_in_dim3A_801 = vector.broadcast %broadcast_in_dim3A_800 : i32 to vector<16xi32>
      %gt3A_802 = arith.cmpf ogt, %gather3A_799, %select_n3A_794 : vector<16xf32>
      %gt3A_803 = arith.cmpf ogt, %gather3A_799, %select_n3A_792 : vector<16xf32>
      %select_n3A_804 = arith.select %gt3A_803, %gather3A_799, %select_n3A_792 : vector<16xi1>, vector<16xf32>
      %select_n3A_805 = arith.select %gt3A_803, %broadcast_in_dim3A_801, %select_n3A_793 : vector<16xi1>, vector<16xi32>
      %select_n3A_806 = arith.select %gt3A_802, %select_n3A_794, %select_n3A_804 : vector<16xi1>, vector<16xf32>
      %select_n3A_807 = arith.select %gt3A_802, %select_n3A_795, %select_n3A_805 : vector<16xi1>, vector<16xi32>
      %select_n3A_808 = arith.select %gt3A_802, %gather3A_799, %select_n3A_794 : vector<16xi1>, vector<16xf32>
      %select_n3A_809 = arith.select %gt3A_802, %broadcast_in_dim3A_801, %select_n3A_795 : vector<16xi1>, vector<16xi32>
      %add3A_810 = arith.constant 56 : i32
      %add3A_811 = vector.broadcast %add3A_810 : i32 to vector<16xi32>
      %add3A_812 = arith.addi %mul3A_21, %add3A_811 : vector<16xi32>
      %gather3A_813 = tpu.vector_load_idx %arg5[%add3A_812] : memref<32768xf32, #tpu.memory_space<vmem>>[vector<16xi32>], vector<16xf32>,
      %broadcast_in_dim3A_814 = arith.constant 56 : i32
      %broadcast_in_dim3A_815 = vector.broadcast %broadcast_in_dim3A_814 : i32 to vector<16xi32>
      %gt3A_816 = arith.cmpf ogt, %gather3A_813, %select_n3A_808 : vector<16xf32>
      %gt3A_817 = arith.cmpf ogt, %gather3A_813, %select_n3A_806 : vector<16xf32>
      %select_n3A_818 = arith.select %gt3A_817, %gather3A_813, %select_n3A_806 : vector<16xi1>, vector<16xf32>
      %select_n3A_819 = arith.select %gt3A_817, %broadcast_in_dim3A_815, %select_n3A_807 : vector<16xi1>, vector<16xi32>
      %select_n3A_820 = arith.select %gt3A_816, %select_n3A_808, %select_n3A_818 : vector<16xi1>, vector<16xf32>
      %select_n3A_821 = arith.select %gt3A_816, %select_n3A_809, %select_n3A_819 : vector<16xi1>, vector<16xi32>
      %select_n3A_822 = arith.select %gt3A_816, %gather3A_813, %select_n3A_808 : vector<16xi1>, vector<16xf32>
      %select_n3A_823 = arith.select %gt3A_816, %broadcast_in_dim3A_815, %select_n3A_809 : vector<16xi1>, vector<16xi32>
      %add3A_824 = arith.constant 57 : i32
      %add3A_825 = vector.broadcast %add3A_824 : i32 to vector<16xi32>
      %add3A_826 = arith.addi %mul3A_21, %add3A_825 : vector<16xi32>
      %gather3A_827 = tpu.vector_load_idx %arg5[%add3A_826] : memref<32768xf32, #tpu.memory_space<vmem>>[vector<16xi32>], vector<16xf32>,
      %broadcast_in_dim3A_828 = arith.constant 57 : i32
      %broadcast_in_dim3A_829 = vector.broadcast %broadcast_in_dim3A_828 : i32 to vector<16xi32>
      %gt3A_830 = arith.cmpf ogt, %gather3A_827, %select_n3A_822 : vector<16xf32>
      %gt3A_831 = arith.cmpf ogt, %gather3A_827, %select_n3A_820 : vector<16xf32>
      %select_n3A_832 = arith.select %gt3A_831, %gather3A_827, %select_n3A_820 : vector<16xi1>, vector<16xf32>
      %select_n3A_833 = arith.select %gt3A_831, %broadcast_in_dim3A_829, %select_n3A_821 : vector<16xi1>, vector<16xi32>
      %select_n3A_834 = arith.select %gt3A_830, %select_n3A_822, %select_n3A_832 : vector<16xi1>, vector<16xf32>
      %select_n3A_835 = arith.select %gt3A_830, %select_n3A_823, %select_n3A_833 : vector<16xi1>, vector<16xi32>
      %select_n3A_836 = arith.select %gt3A_830, %gather3A_827, %select_n3A_822 : vector<16xi1>, vector<16xf32>
      %select_n3A_837 = arith.select %gt3A_830, %broadcast_in_dim3A_829, %select_n3A_823 : vector<16xi1>, vector<16xi32>
      %add3A_838 = arith.constant 58 : i32
      %add3A_839 = vector.broadcast %add3A_838 : i32 to vector<16xi32>
      %add3A_840 = arith.addi %mul3A_21, %add3A_839 : vector<16xi32>
      %gather3A_841 = tpu.vector_load_idx %arg5[%add3A_840] : memref<32768xf32, #tpu.memory_space<vmem>>[vector<16xi32>], vector<16xf32>,
      %broadcast_in_dim3A_842 = arith.constant 58 : i32
      %broadcast_in_dim3A_843 = vector.broadcast %broadcast_in_dim3A_842 : i32 to vector<16xi32>
      %gt3A_844 = arith.cmpf ogt, %gather3A_841, %select_n3A_836 : vector<16xf32>
      %gt3A_845 = arith.cmpf ogt, %gather3A_841, %select_n3A_834 : vector<16xf32>
      %select_n3A_846 = arith.select %gt3A_845, %gather3A_841, %select_n3A_834 : vector<16xi1>, vector<16xf32>
      %select_n3A_847 = arith.select %gt3A_845, %broadcast_in_dim3A_843, %select_n3A_835 : vector<16xi1>, vector<16xi32>
      %select_n3A_848 = arith.select %gt3A_844, %select_n3A_836, %select_n3A_846 : vector<16xi1>, vector<16xf32>
      %select_n3A_849 = arith.select %gt3A_844, %select_n3A_837, %select_n3A_847 : vector<16xi1>, vector<16xi32>
      %select_n3A_850 = arith.select %gt3A_844, %gather3A_841, %select_n3A_836 : vector<16xi1>, vector<16xf32>
      %select_n3A_851 = arith.select %gt3A_844, %broadcast_in_dim3A_843, %select_n3A_837 : vector<16xi1>, vector<16xi32>
      %add3A_852 = arith.constant 59 : i32
      %add3A_853 = vector.broadcast %add3A_852 : i32 to vector<16xi32>
      %add3A_854 = arith.addi %mul3A_21, %add3A_853 : vector<16xi32>
      %gather3A_855 = tpu.vector_load_idx %arg5[%add3A_854] : memref<32768xf32, #tpu.memory_space<vmem>>[vector<16xi32>], vector<16xf32>,
      %broadcast_in_dim3A_856 = arith.constant 59 : i32
      %broadcast_in_dim3A_857 = vector.broadcast %broadcast_in_dim3A_856 : i32 to vector<16xi32>
      %gt3A_858 = arith.cmpf ogt, %gather3A_855, %select_n3A_850 : vector<16xf32>
      %gt3A_859 = arith.cmpf ogt, %gather3A_855, %select_n3A_848 : vector<16xf32>
      %select_n3A_860 = arith.select %gt3A_859, %gather3A_855, %select_n3A_848 : vector<16xi1>, vector<16xf32>
      %select_n3A_861 = arith.select %gt3A_859, %broadcast_in_dim3A_857, %select_n3A_849 : vector<16xi1>, vector<16xi32>
      %select_n3A_862 = arith.select %gt3A_858, %select_n3A_850, %select_n3A_860 : vector<16xi1>, vector<16xf32>
      %select_n3A_863 = arith.select %gt3A_858, %select_n3A_851, %select_n3A_861 : vector<16xi1>, vector<16xi32>
      %select_n3A_864 = arith.select %gt3A_858, %gather3A_855, %select_n3A_850 : vector<16xi1>, vector<16xf32>
      %select_n3A_865 = arith.select %gt3A_858, %broadcast_in_dim3A_857, %select_n3A_851 : vector<16xi1>, vector<16xi32>
      %add3A_866 = arith.constant 60 : i32
      %add3A_867 = vector.broadcast %add3A_866 : i32 to vector<16xi32>
      %add3A_868 = arith.addi %mul3A_21, %add3A_867 : vector<16xi32>
      %gather3A_869 = tpu.vector_load_idx %arg5[%add3A_868] : memref<32768xf32, #tpu.memory_space<vmem>>[vector<16xi32>], vector<16xf32>,
      %broadcast_in_dim3A_870 = arith.constant 60 : i32
      %broadcast_in_dim3A_871 = vector.broadcast %broadcast_in_dim3A_870 : i32 to vector<16xi32>
      %gt3A_872 = arith.cmpf ogt, %gather3A_869, %select_n3A_864 : vector<16xf32>
      %gt3A_873 = arith.cmpf ogt, %gather3A_869, %select_n3A_862 : vector<16xf32>
      %select_n3A_874 = arith.select %gt3A_873, %gather3A_869, %select_n3A_862 : vector<16xi1>, vector<16xf32>
      %select_n3A_875 = arith.select %gt3A_873, %broadcast_in_dim3A_871, %select_n3A_863 : vector<16xi1>, vector<16xi32>
      %select_n3A_876 = arith.select %gt3A_872, %select_n3A_864, %select_n3A_874 : vector<16xi1>, vector<16xf32>
      %select_n3A_877 = arith.select %gt3A_872, %select_n3A_865, %select_n3A_875 : vector<16xi1>, vector<16xi32>
      %select_n3A_878 = arith.select %gt3A_872, %gather3A_869, %select_n3A_864 : vector<16xi1>, vector<16xf32>
      %select_n3A_879 = arith.select %gt3A_872, %broadcast_in_dim3A_871, %select_n3A_865 : vector<16xi1>, vector<16xi32>
      %add3A_880 = arith.constant 61 : i32
      %add3A_881 = vector.broadcast %add3A_880 : i32 to vector<16xi32>
      %add3A_882 = arith.addi %mul3A_21, %add3A_881 : vector<16xi32>
      %gather3A_883 = tpu.vector_load_idx %arg5[%add3A_882] : memref<32768xf32, #tpu.memory_space<vmem>>[vector<16xi32>], vector<16xf32>,
      %broadcast_in_dim3A_884 = arith.constant 61 : i32
      %broadcast_in_dim3A_885 = vector.broadcast %broadcast_in_dim3A_884 : i32 to vector<16xi32>
      %gt3A_886 = arith.cmpf ogt, %gather3A_883, %select_n3A_878 : vector<16xf32>
      %gt3A_887 = arith.cmpf ogt, %gather3A_883, %select_n3A_876 : vector<16xf32>
      %select_n3A_888 = arith.select %gt3A_887, %gather3A_883, %select_n3A_876 : vector<16xi1>, vector<16xf32>
      %select_n3A_889 = arith.select %gt3A_887, %broadcast_in_dim3A_885, %select_n3A_877 : vector<16xi1>, vector<16xi32>
      %select_n3A_890 = arith.select %gt3A_886, %select_n3A_878, %select_n3A_888 : vector<16xi1>, vector<16xf32>
      %select_n3A_891 = arith.select %gt3A_886, %select_n3A_879, %select_n3A_889 : vector<16xi1>, vector<16xi32>
      %select_n3A_892 = arith.select %gt3A_886, %gather3A_883, %select_n3A_878 : vector<16xi1>, vector<16xf32>
      %select_n3A_893 = arith.select %gt3A_886, %broadcast_in_dim3A_885, %select_n3A_879 : vector<16xi1>, vector<16xi32>
      %add3A_894 = arith.constant 62 : i32
      %add3A_895 = vector.broadcast %add3A_894 : i32 to vector<16xi32>
      %add3A_896 = arith.addi %mul3A_21, %add3A_895 : vector<16xi32>
      %gather3A_897 = tpu.vector_load_idx %arg5[%add3A_896] : memref<32768xf32, #tpu.memory_space<vmem>>[vector<16xi32>], vector<16xf32>,
      %broadcast_in_dim3A_898 = arith.constant 62 : i32
      %broadcast_in_dim3A_899 = vector.broadcast %broadcast_in_dim3A_898 : i32 to vector<16xi32>
      %gt3A_900 = arith.cmpf ogt, %gather3A_897, %select_n3A_892 : vector<16xf32>
      %gt3A_901 = arith.cmpf ogt, %gather3A_897, %select_n3A_890 : vector<16xf32>
      %select_n3A_902 = arith.select %gt3A_901, %gather3A_897, %select_n3A_890 : vector<16xi1>, vector<16xf32>
      %select_n3A_903 = arith.select %gt3A_901, %broadcast_in_dim3A_899, %select_n3A_891 : vector<16xi1>, vector<16xi32>
      %select_n3A_904 = arith.select %gt3A_900, %select_n3A_892, %select_n3A_902 : vector<16xi1>, vector<16xf32>
      %select_n3A_905 = arith.select %gt3A_900, %select_n3A_893, %select_n3A_903 : vector<16xi1>, vector<16xi32>
      %select_n3A_906 = arith.select %gt3A_900, %gather3A_897, %select_n3A_892 : vector<16xi1>, vector<16xf32>
      %select_n3A_907 = arith.select %gt3A_900, %broadcast_in_dim3A_899, %select_n3A_893 : vector<16xi1>, vector<16xi32>
      %add3A_908 = arith.constant 63 : i32
      %add3A_909 = vector.broadcast %add3A_908 : i32 to vector<16xi32>
      %add3A_910 = arith.addi %mul3A_21, %add3A_909 : vector<16xi32>
      %gather3A_911 = tpu.vector_load_idx %arg5[%add3A_910] : memref<32768xf32, #tpu.memory_space<vmem>>[vector<16xi32>], vector<16xf32>,
      %broadcast_in_dim3A_912 = arith.constant 63 : i32
      %broadcast_in_dim3A_913 = vector.broadcast %broadcast_in_dim3A_912 : i32 to vector<16xi32>
      %gt3A_914 = arith.cmpf ogt, %gather3A_911, %select_n3A_906 : vector<16xf32>
      %gt3A_915 = arith.cmpf ogt, %gather3A_911, %select_n3A_904 : vector<16xf32>
      %select_n3A_916 = arith.select %gt3A_915, %gather3A_911, %select_n3A_904 : vector<16xi1>, vector<16xf32>
      %select_n3A_917 = arith.select %gt3A_915, %broadcast_in_dim3A_913, %select_n3A_905 : vector<16xi1>, vector<16xi32>
      %select_n3A_918 = arith.select %gt3A_914, %select_n3A_906, %select_n3A_916 : vector<16xi1>, vector<16xf32>
      %select_n3A_919 = arith.select %gt3A_914, %select_n3A_907, %select_n3A_917 : vector<16xi1>, vector<16xi32>
      %select_n3A_920 = arith.select %gt3A_914, %gather3A_911, %select_n3A_906 : vector<16xi1>, vector<16xf32>
      %select_n3A_921 = arith.select %gt3A_914, %broadcast_in_dim3A_913, %select_n3A_907 : vector<16xi1>, vector<16xi32>
      %sub3A = arith.subf %select_n3A_918, %select_n3A_920 : vector<16xf32>
      %exp3A = math.exp %sub3A : vector<16xf32>
      %add3A_922 = arith.constant 1.000000e+00 : f32
      %add3A_923 = vector.broadcast %add3A_922 : f32 to vector<16xf32>
      %add3A_924 = arith.addf %add3A_923, %exp3A : vector<16xf32>
      %mul3A_925 = arith.constant 2 : i32
      %mul3A_926 = vector.broadcast %mul3A_925 : i32 to vector<16xi32>
      %mul3A_927 = arith.muli %add3A_18, %mul3A_926 : vector<16xi32>
      %div3A = arith.constant 1.000000e+00 : f32
      %div3A_928 = vector.broadcast %div3A : f32 to vector<16xf32>
      %div3A_929 = arith.divf %div3A_928, %add3A_924 : vector<16xf32>
      tpu.vector_store_idx %arg6[%mul3A_927], %div3A_929 : memref<1024xf32, #tpu.memory_space<vmem>>[vector<16xi32>], vector<16xf32>,
      %add3A_930 = arith.constant 1 : i32
      %add3A_931 = vector.broadcast %add3A_930 : i32 to vector<16xi32>
      %add3A_932 = arith.addi %mul3A_927, %add3A_931 : vector<16xi32>
      %div3A_933 = arith.divf %exp3A, %add3A_924 : vector<16xf32>
      tpu.vector_store_idx %arg6[%add3A_932], %div3A_933 : memref<1024xf32, #tpu.memory_space<vmem>>[vector<16xi32>], vector<16xf32>,
      tpu.vector_store_idx %arg7[%mul3A_927], %select_n3A_921 : memref<1024xi32, #tpu.memory_space<vmem>>[vector<16xi32>], vector<16xi32>,
      %add3A_934 = arith.constant 1 : i32
      %add3A_935 = vector.broadcast %add3A_934 : i32 to vector<16xi32>
      %add3A_936 = arith.addi %mul3A_927, %add3A_935 : vector<16xi32>
      tpu.vector_store_idx %arg7[%add3A_936], %select_n3A_919 : memref<1024xi32, #tpu.memory_space<vmem>>[vector<16xi32>], vector<16xi32>,
    }
    %scan3A_9 = arith.constant 32 : i32
    %mul3A_10 = arith.constant 2 : i32
    %mul3A_11 = arith.muli %mul3A_2, %mul3A_10 : i32
    "tpu.region"() ({
      %run_scoped3A = tpu.sem_alloc : memref<!tpu.dma_semaphore, #tpu.memory_space<semaphore_mem>>
      %dma_start3A = tpu.memref_slice %arg3[%mul3A_11] : memref<32768xf32, #tpu.memory_space<hbm>> -> memref<1024xf32, #tpu.memory_space<hbm>>
      %dma_start3A_14 = tpu.memref_slice %arg3[%mul3A_11] : memref<32768xf32, #tpu.memory_space<hbm>> -> memref<1024xf32, #tpu.memory_space<hbm>>
      tpu.enqueue_dma source(%arg6 : memref<1024xf32, #tpu.memory_space<vmem>>) target(%dma_start3A_14 : memref<1024xf32, #tpu.memory_space<hbm>>) target_semaphore(%run_scoped3A : memref<!tpu.dma_semaphore, #tpu.memory_space<semaphore_mem>>)
      %dma_wait3A = tpu.memref_slice %arg3[%mul3A_11] : memref<32768xf32, #tpu.memory_space<hbm>> -> memref<1024xf32, #tpu.memory_space<hbm>>
      %dma_wait3A_15 = tpu.memref_slice %arg3[%mul3A_11] : memref<32768xf32, #tpu.memory_space<hbm>> -> memref<1024xf32, #tpu.memory_space<hbm>>
      tpu.wait_dma2 semaphore(%run_scoped3A : memref<!tpu.dma_semaphore, #tpu.memory_space<semaphore_mem>>) src(%arg6 : memref<1024xf32, #tpu.memory_space<vmem>>) dst(%dma_wait3A_15 : memref<1024xf32, #tpu.memory_space<hbm>>)
      tpu.yield
    }) : () -> ()
    %mul3A_12 = arith.constant 2 : i32
    %mul3A_13 = arith.muli %mul3A_2, %mul3A_12 : i32
    "tpu.region"() ({
      %run_scoped3A = tpu.sem_alloc : memref<!tpu.dma_semaphore, #tpu.memory_space<semaphore_mem>>
      %dma_start3A = tpu.memref_slice %arg4[%mul3A_13] : memref<32768xi32, #tpu.memory_space<hbm>> -> memref<1024xi32, #tpu.memory_space<hbm>>
      %dma_start3A_14 = tpu.memref_slice %arg4[%mul3A_13] : memref<32768xi32, #tpu.memory_space<hbm>> -> memref<1024xi32, #tpu.memory_space<hbm>>
      tpu.enqueue_dma source(%arg7 : memref<1024xi32, #tpu.memory_space<vmem>>) target(%dma_start3A_14 : memref<1024xi32, #tpu.memory_space<hbm>>) target_semaphore(%run_scoped3A : memref<!tpu.dma_semaphore, #tpu.memory_space<semaphore_mem>>)
      %dma_wait3A = tpu.memref_slice %arg4[%mul3A_13] : memref<32768xi32, #tpu.memory_space<hbm>> -> memref<1024xi32, #tpu.memory_space<hbm>>
      %dma_wait3A_15 = tpu.memref_slice %arg4[%mul3A_13] : memref<32768xi32, #tpu.memory_space<hbm>> -> memref<1024xi32, #tpu.memory_space<hbm>>
      tpu.wait_dma2 semaphore(%run_scoped3A : memref<!tpu.dma_semaphore, #tpu.memory_space<semaphore_mem>>) src(%arg7 : memref<1024xi32, #tpu.memory_space<vmem>>) dst(%dma_wait3A_15 : memref<1024xi32, #tpu.memory_space<hbm>>)
      tpu.yield
    }) : () -> ()
    return
  }
}

module attributes {stable_mosaic.version = 14 : i64} {
  func.func @_matmul_kernel(%arg0: i32, %arg1: memref<1024x4096xf32, #tpu.memory_space<vmem>>, %arg2: memref<64x4096xf32, #tpu.memory_space<vmem>>, %arg3: memref<1x64xf32, #tpu.memory_space<vmem>>, %arg4: memref<1024x64xf32, #tpu.memory_space<vmem>>) attributes {dimension_semantics = [#tpu.dimension_semantics<arbitrary>], iteration_bounds = array<i64: 16>, scalar_prefetch = 0 : i64, scratch_operands = 0 : i64, tpu.core_type = #tpu.core_type<tc>, window_params = [{transform_indices = @transform_0, window_bounds = array<i64: 1024, 4096>}, {pipeline_mode = #tpu.pipeline_mode<synchronous>, transform_indices = @transform_1, window_bounds = array<i64: 64, 4096>}, {pipeline_mode = #tpu.pipeline_mode<synchronous>, transform_indices = @transform_2, window_bounds = array<i64: 1, 64>}, {transform_indices = @transform_3, window_bounds = array<i64: 1024, 64>}]} {
    %get3A = arith.constant 0 : index
    %get3A_0 = arith.constant 0 : index
    %get3A_1 = vector.load %arg1[%get3A, %get3A_0] : memref<1024x4096xf32, #tpu.memory_space<vmem>>, vector<1024x4096xf32>
    %get3A_2 = arith.constant 0 : index
    %get3A_3 = arith.constant 0 : index
    %get3A_4 = vector.load %arg2[%get3A_2, %get3A_3] : memref<64x4096xf32, #tpu.memory_space<vmem>>, vector<64x4096xf32>
    %dot_general3A = arith.constant dense<0.000000e+00> : vector<1024x64xf32>
    %dot_general3A_5 = tpu.matmul %get3A_1, %get3A_4, %dot_general3A {dimension_numbers = #tpu.dot_dimension_numbers<[1], [1], [0], [0], [0, 0, 1, 0], [], []>, transpose_lhs_hint = false} : vector<1024x4096xf32>, vector<64x4096xf32>, vector<1024x64xf32> -> vector<1024x64xf32>
    %get3A_6 = arith.constant 0 : index
    %get3A_7 = arith.constant 0 : index
    %get3A_8 = vector.load %arg3[%get3A_6, %get3A_7] : memref<1x64xf32, #tpu.memory_space<vmem>>, vector<1x64xf32>
    %add3A = vector.broadcast %get3A_8 : vector<1x64xf32> to vector<1024x64xf32>
    %add3A_9 = arith.addf %dot_general3A_5, %add3A : vector<1024x64xf32>
    %swap3A = arith.constant 0 : index
    %swap3A_10 = arith.constant 0 : index
    %swap3A_11 = vector.load %arg4[%swap3A, %swap3A_10] : memref<1024x64xf32, #tpu.memory_space<vmem>>, vector<1024x64xf32>
    tpu.vector_store %arg4[%swap3A, %swap3A_10], %add3A_9 {strides = array<i32>} : memref<1024x64xf32, #tpu.memory_space<vmem>>, vector<1024x64xf32>,
    return
  }
  func.func @transform_0(%arg0: i32) -> (i32, i32) {
    %add3A = arith.constant 0 : i32
    %add3A_0 = arith.addi %arg0, %add3A : i32
    %c0_i32 = arith.constant 0 : i32
    %c0_i32_1 = arith.constant 0 : i32
    return %add3A_0, %c0_i32 : i32, i32
  }
  func.func @transform_1(%arg0: i32) -> (i32, i32) {
    %c0_i32 = arith.constant 0 : i32
    %c0_i32_0 = arith.constant 0 : i32
    %c0_i32_1 = arith.constant 0 : i32
    return %c0_i32, %c0_i32_0 : i32, i32
  }
  func.func @transform_2(%arg0: i32) -> (i32, i32) {
    %c0_i32 = arith.constant 0 : i32
    %c0_i32_0 = arith.constant 0 : i32
    %c0_i32_1 = arith.constant 0 : i32
    return %c0_i32, %c0_i32_0 : i32, i32
  }
  func.func @transform_3(%arg0: i32) -> (i32, i32) {
    %c0_i32 = arith.constant 0 : i32
    %c0_i32_0 = arith.constant 0 : i32
    return %arg0, %c0_i32 : i32, i32
  }
}

module attributes {stable_mosaic.version = 14 : i64} {
  func.func @_matmul_kernel(%arg0: i32, %arg1: memref<1024x4096xf32, #tpu.memory_space<vmem>>, %arg2: memref<64x4096xf32, #tpu.memory_space<vmem>>, %arg3: memref<1x64xf32, #tpu.memory_space<vmem>>, %arg4: memref<1024x64xf32, #tpu.memory_space<vmem>>) attributes {dimension_semantics = [#tpu.dimension_semantics<arbitrary>], iteration_bounds = array<i64: 16>, scalar_prefetch = 0 : i64, scratch_operands = 0 : i64, tpu.core_type = #tpu.core_type<tc>, window_params = [{transform_indices = @transform_0, window_bounds = array<i64: 1024, 4096>}, {pipeline_mode = #tpu.pipeline_mode<synchronous>, transform_indices = @transform_1, window_bounds = array<i64: 64, 4096>}, {pipeline_mode = #tpu.pipeline_mode<synchronous>, transform_indices = @transform_2, window_bounds = array<i64: 1, 64>}, {transform_indices = @transform_3, window_bounds = array<i64: 1024, 64>}]} {
    %get3A = arith.constant 0 : index
    %get3A_0 = arith.constant 0 : index
    %get3A_1 = vector.load %arg1[%get3A, %get3A_0] : memref<1024x4096xf32, #tpu.memory_space<vmem>>, vector<1024x4096xf32>
    %get3A_2 = arith.constant 0 : index
    %get3A_3 = arith.constant 0 : index
    %get3A_4 = vector.load %arg2[%get3A_2, %get3A_3] : memref<64x4096xf32, #tpu.memory_space<vmem>>, vector<64x4096xf32>
    %dot_general3A = arith.constant dense<0.000000e+00> : vector<1024x64xf32>
    %dot_general3A_5 = tpu.matmul %get3A_1, %get3A_4, %dot_general3A {dimension_numbers = #tpu.dot_dimension_numbers<[1], [1], [0], [0], [0, 0, 1, 0], [], []>, transpose_lhs_hint = false} : vector<1024x4096xf32>, vector<64x4096xf32>, vector<1024x64xf32> -> vector<1024x64xf32>
    %get3A_6 = arith.constant 0 : index
    %get3A_7 = arith.constant 0 : index
    %get3A_8 = vector.load %arg3[%get3A_6, %get3A_7] : memref<1x64xf32, #tpu.memory_space<vmem>>, vector<1x64xf32>
    %add3A = vector.broadcast %get3A_8 : vector<1x64xf32> to vector<1024x64xf32>
    %add3A_9 = arith.addf %dot_general3A_5, %add3A : vector<1024x64xf32>
    %swap3A = arith.constant 0 : index
    %swap3A_10 = arith.constant 0 : index
    %swap3A_11 = vector.load %arg4[%swap3A, %swap3A_10] : memref<1024x64xf32, #tpu.memory_space<vmem>>, vector<1024x64xf32>
    tpu.vector_store %arg4[%swap3A, %swap3A_10], %add3A_9 {strides = array<i32>} : memref<1024x64xf32, #tpu.memory_space<vmem>>, vector<1024x64xf32>,
    return
  }
  func.func @transform_0(%arg0: i32) -> (i32, i32) {
    %add3A = arith.constant 16 : i32
    %add3A_0 = arith.addi %arg0, %add3A : i32
    %c0_i32 = arith.constant 0 : i32
    %c0_i32_1 = arith.constant 0 : i32
    return %add3A_0, %c0_i32 : i32, i32
  }
  func.func @transform_1(%arg0: i32) -> (i32, i32) {
    %c0_i32 = arith.constant 0 : i32
    %c0_i32_0 = arith.constant 0 : i32
    %c0_i32_1 = arith.constant 0 : i32
    return %c0_i32, %c0_i32_0 : i32, i32
  }
  func.func @transform_2(%arg0: i32) -> (i32, i32) {
    %c0_i32 = arith.constant 0 : i32
    %c0_i32_0 = arith.constant 0 : i32
    %c0_i32_1 = arith.constant 0 : i32
    return %c0_i32, %c0_i32_0 : i32, i32
  }
  func.func @transform_3(%arg0: i32) -> (i32, i32) {
    %c0_i32 = arith.constant 0 : i32
    %c0_i32_0 = arith.constant 0 : i32
    return %arg0, %c0_i32 : i32, i32
  }
}

</mosaic_0001>

<sc_bundles>
// kernel: kernel.6.cloned.1.call-start
scs
__scs_entry_jumppad:
0x0: {  	(pc) =	sbr.rel $0x88, $3  }
0x1: {  	(tag) =	ssettag $0x0;
	lr =	simm.s32 $0x1  }
0x2: {  	[smem:$0x3F9E] =	sst lr;
	_ =	strace $0xD0000000  }
0x3: {  	_ = 	snop  }
0x4: {  	_ = 	snop  }
0x5: {  	_ = 	snop  }
0x6: {  	_ = 	snop  }
0x7: {  	_ = 	snop  }
__scs_overlays_trampoline_lowered:
0x8: {  	[smem:$0x3FAD] =	sst s0  }
0x9: {  	[smem:$0x3FAE] =	sst s1  }
0xa: {  	[smem:$0x3FAF] =	sst s2  }
0xb: {  	[smem:$0x3FB0] =	sst s3  }
0xc: {  	[smem:$0x3FB1] =	sst s4  }
0xd: {  	[smem:$0x3FB2] =	sst s5  }
0xe: {  	[smem:$0x3FB3] =	sst s6  }
0xf: {  	[smem:$0x3FB4] =	sst s7  }
0x10: {  	[smem:$0x3FB5] =	sst s8  }
0x11: {  	[smem:$0x3FB6] =	sst s9;
	s0 =	simm.s32 @!p0 $0x0  }
0x12: {  	s1 =	sld [smem:$0x3F9C];
	s0 =	simm.s32 @p0 $0x1  }
0x13: {  	[smem:$0x3FB7] =	sst s0;
	s0 =	simm.s32 @!p1 $0x0  }
0x14: {  	s2 =	sld [smem:$0x3F9B];
	s0 =	simm.s32 @p1 $0x1  }
0x15: {  	[smem:$0x3FB8] =	sst s0;
	s0 =	simm.s32 @!p2 $0x0  }
0x16: {  	s3 =	sld [smem:$0x3FDB];
	s0 =	simm.s32 @p2 $0x1  }
0x17: {  	s4 =	simm.s32 $0x1BF5;
	[smem:$0x3FBA] =	sst s0  }
0x18: {  	s0 =	sld [smem:$0x3F9D];
	_ =	swait.ge [sflag:s4], $0x0  }
0x19: {  	s7 =	sld [smem:$0x3F9E]  }
0x1a: {  	s8 =	sadd.s32 $0xFFFFE003, lr  }
0x1b: {  	s9 =	sadd.s32 $0xFFFFFEF7, lr;
	s5 =	simm.s32 $0xFFFFFFFF;
	p2 =	slt.u32 s8, $0xFFFFF086  }
0x1c: {  	p1 =	slt.u32 s9, $0xF7A;
	s5 =	simm.s32 @!p2 $0x0  }
0x1d: {  	s5 =	simm.s32 @p1 $0x1;
	p0 =	seq.s32 s7, s2  }
0x1e: {  	s7 =	smul.u32 @!p0 $0xF7A, s2;
	p2 =	seq.s32 @!p0 s5, $0x0  }
0x1f: {  	s9 =	smul.u32 $0xF7A, s1;
	s8 =	simm.s32 @!p0 $0x1BF5;
	p2 =	por !p2, p0  }
0x20: {  	[sflag:s8] =	ssyncset.s32 @!p0 $0xFFFFF086;
	s6 =	sadd.s32 @!p0 s3, s7;
	s7 =	simm.s32 @!p0 $0x108  }
0x21: {  	s3 =	sadd.s32 s3, s9;
	s6 =	sadd.s32 @!p0 $0x88, s6;
	s7 =	simm.s32 @p2 $0x1082  }
0x22: {  	[simem:s7], [sflag:s8] =	dma.local @!p0 [hbm:s6], $0xF7A  }
0x23: {  	s9 =	sor.u32 $0xD0000000, s2;
	s6 =	simm.s32 $0x108;
	_ =	swait.ge @!p0 [sflag:s8], $0x0  }
0x24: {  	s3 =	sadd.s32 $0x88, s3;
	s6 =	simm.s32 @!p1 $0x1082;
	[sflag:s4] =	ssyncset.s32 $0xFFFFF086  }
0x25: {  	[simem:s6], [sflag:s4] =	dma.local [hbm:s3], $0xF7A  }
0x26: {  	[smem:$0x3F9E] =	sst s1;
	(tag) =	ssettag s2;
	_ =	strace s9  }
0x27: {  	s1 =	sld [smem:$0x3FAE]  }
0x28: {  	s2 =	sld [smem:$0x3FAF]  }
0x29: {  	s4 =	sld [smem:$0x3FB1]  }
0x2a: {  	p0 =	seq.s32 s5, $0x0;
	s5 =	sld [smem:$0x3FB2]  }
0x2b: {  	s6 =	sld [smem:$0x3FB3]  }
0x2c: {  	s7 =	sld [smem:$0x3FB4]  }
0x2d: {  	s3 =	simm.s32 $0x108;
	s8 =	sld [smem:$0x3FB5]  }
0x2e: {  	s3 =	simm.s32 @!p0 $0x1082;
	s9 =	sld [smem:$0x3FB6]  }
0x2f: {  	lr =	sadd.s32 s0, s3;
	s0 =	sld [smem:$0x3FAD]  }
0x30: {  	s3 =	sld [smem:$0x3FB0]  }
0x31: {  	[smem:$0x3FB9] =	sst s10  }
0x32: {  	s10 =	sld [smem:$0x3FB7];
	_ =	sdelay $0x3  }
0x33: {  	p0 =	seq.s32 s10, $0x1;
	s10 =	sld [smem:$0x3FB9];
	_ =	sdelay $0x3  }
0x34: {  	[smem:$0x3FB9] =	sst s10  }
0x35: {  	s10 =	sld [smem:$0x3FB8];
	_ =	sdelay $0x3  }
0x36: {  	p1 =	seq.s32 s10, $0x1;
	s10 =	sld [smem:$0x3FB9];
	_ =	sdelay $0x3  }
0x37: {  	[smem:$0x3FB9] =	sst s10  }
0x38: {  	s10 =	sld [smem:$0x3FBA]  }
0x39: {  	_ = 	snop;
	(pc) =	sbr.ind lr, $3  }
0x3a: {  	_ = 	snop  }
0x3b: {  	_ = 	snop  }
0x3c: {  	p2 =	seq.s32 s10, $0x1;
	s10 =	sld [smem:$0x3FB9]  }
0x3d: {  	_ =	shalt  }
0x3e: {  	_ =	shalt  }
0x3f: {  	_ =	shalt  }
0x40: {  	_ =	shalt  }
0x41: {  	_ =	shalt  }
0x42: {  	_ =	shalt  }
0x43: {  	_ =	shalt  }
0x44: {  	_ =	shalt  }
0x45: {  	_ =	shalt  }
0x46: {  	_ =	shalt  }
0x47: {  	_ =	shalt  }
0x48: {  	_ =	shalt  }
0x49: {  	_ =	shalt  }
0x4a: {  	_ =	shalt  }
0x4b: {  	_ =	shalt  }
0x4c: {  	_ =	shalt  }
0x4d: {  	_ =	shalt  }
0x4e: {  	_ =	shalt  }
0x4f: {  	_ =	shalt  }
0x50: {  	_ =	shalt  }
0x51: {  	_ =	shalt  }
0x52: {  	_ =	shalt  }
0x53: {  	_ =	shalt  }
0x54: {  	_ =	shalt  }
0x55: {  	_ =	shalt  }
0x56: {  	_ =	shalt  }
0x57: {  	_ =	shalt  }
0x58: {  	_ =	shalt  }
0x59: {  	_ =	shalt  }
0x5a: {  	_ =	shalt  }
0x5b: {  	_ =	shalt  }
0x5c: {  	_ =	shalt  }
0x5d: {  	_ =	shalt  }
0x5e: {  	_ =	shalt  }
0x5f: {  	_ =	shalt  }
0x60: {  	_ =	shalt  }
0x61: {  	_ =	shalt  }
0x62: {  	_ =	shalt  }
0x63: {  	_ =	shalt  }
0x64: {  	_ =	shalt  }
0x65: {  	_ =	shalt  }
0x66: {  	_ =	shalt  }
0x67: {  	_ =	shalt  }
0x68: {  	_ =	shalt  }
0x69: {  	_ =	shalt  }
0x6a: {  	_ =	shalt  }
0x6b: {  	_ =	shalt  }
0x6c: {  	_ =	shalt  }
0x6d: {  	_ =	shalt  }
0x6e: {  	_ =	shalt  }
0x6f: {  	_ =	shalt  }
0x70: {  	_ =	shalt  }
0x71: {  	_ =	shalt  }
0x72: {  	_ =	shalt  }
0x73: {  	_ =	shalt  }
0x74: {  	_ =	shalt  }
0x75: {  	_ =	shalt  }
0x76: {  	_ =	shalt  }
0x77: {  	_ =	shalt  }
0x78: {  	_ =	shalt  }
0x79: {  	_ =	shalt  }
0x7a: {  	_ =	shalt  }
0x7b: {  	_ =	shalt  }
0x7c: {  	_ =	shalt  }
0x7d: {  	_ =	shalt  }
0x7e: {  	_ =	shalt  }
0x7f: {  	_ =	shalt  }
0x80: {  	_ =	shalt  }
0x81: {  	_ =	shalt  }
0x82: {  	_ =	shalt  }
0x83: {  	_ =	shalt  }
0x84: {  	_ =	shalt  }
0x85: {  	_ =	shalt  }
0x86: {  	_ =	shalt  }
0x87: {  	_ =	shalt  }
.Lfunc_end0:
.L_simem_size_0:
called_computation_lowered:
.L_overlay_start_0:
0x88: {  	s2 =	sld [smem:$0x3FD9]  }
0x89: {  	s3 =	sld [smem:$0x3FFE];
	_ =	sdelay $0x1  }
0x8a: {  	s1 =	srdreg.scid  }
0x8b: {  	s0 =	sand.u32 $0x1, s1  }
0x8c: {  	s16 =	sshll.u32 s0, $0xA;
	s2 =	sadd.s32 s3, s2  }
0x8d: {  	s2 =	sadd.s32 s2, s16  }
0x8e: {  	[smem:$0x3FC5] =	sst s2  }
0x8f: {  	_ = 	snop  }
0x90: {  	(tm) =	ssettm $0x1  }
0x91: {  	s17 =	sld [smem:$0x3FFB];
	_ =	sdelay $0x3  }
0x92: {  	_ =	strace s17  }
0x93: {  	s2 =	sld [smem:$0x3FFC];
	_ =	sdelay $0x3  }
0x94: {  	_ =	strace s2  }
0x95: {  	s2 =	sld [smem:$0x3FFD];
	_ =	sdelay $0x3  }
0x96: {  	_ =	strace s2  }
0x97: {  	_ =	strace $0x8FFFFFFF  }
0x98: {  	s18 =	sld [smem:$0x3FDB];
	_ =	sdelay $0x1  }
0x99: {  	s19 =	simm.s32 $_scs_section_size  }
0x9a: {  	s4 =	simm.s32 $_size__tile_overlayer_lowered;
	s5 =	simm.s32 $_tile_overlayer_lowered  }
0x9b: {  	s22 =	simm.s32 $0x1BFF;
	s21 =	sshll.u32 s5, $0x1;
	s2 =	sadd.s32 s19, s18  }
0x9c: {  	s6 =	simm.s32 $0x0;
	s20 =	sshll.u32 s4, $0x1;
	s4 =	sadd.s32 s21, s2  }
0x9d: {  	[timem:s6], [sflag:s22] =	dma.local [hbm:s4], s20  }
0x9e: {  	_ =	swait.ge [sflag:s22], s20  }
0x9f: {  	s3 =	ssub.s32 $0x0, s20;
	[sflag:s22] =	ssyncset.done $0x0  }
0xa0: {  	[sflag:s22] =	ssyncadd.s32 s3;
	_ =	sdelay $0x1  }
0xa1: {  	s23 =	simm.s32 $0x1B8B  }
0xa2: {  	_ =	swait.ge [sflag:s23], $0x1  }
0xa3: {  	[sflag:s23] =	ssyncset.done $0x0  }
0xa4: {  	s25 =	simm.s32 $0x1B8E;
	s24 =	sld [smem:$0x3FFE];
	[sflag:s23] =	ssyncadd.s32 $0xFFFFFFFF  }
0xa5: {  	s26 =	simm.s32 $execute0_lowered;
	[smem:$0x3FD2] =	sst s25  }
0xa6: {  	s4 =	sshll.u32 s26, $0x1;
	_ =	strace $0x80000046;
	[dreg:$0x1] =	wrdreg $0xFFFFFFFF  }
0xa7: {  	s28 =	simm.s32 $_size_execute0_lowered;
	s2 =	sadd.s32 s2, s4;
	[dreg:$0x0] =	wrdreg $0x0  }
0xa8: {  	s4 =	sshll.u32 s28, $0x1;
	[dreg:$0x2] =	wrdreg s2  }
0xa9: {  	[dreg:$0x3] =	wrdreg s4  }
0xaa: {  	[dreg:$0x4] =	wrdreg $0xC0  }
0xab: {  	_ =	task [dreg:s6], $0x5FFFF  }
0xac: {  	[dreg:$0x1] =	wrdreg $0xFFFFFFFF  }
0xad: {  	[dreg:$0x0] =	wrdreg $0x60  }
0xae: {  	[dreg:$0x2] =	wrdreg s24  }
0xaf: {  	[dreg:$0x3] =	wrdreg $0x9  }
0xb0: {  	_ =	task.clear_ibuf [dreg:s6], $0x4FFFF;
	_ =	strace $0x90000046  }
0xb1: {  	s29 =	simm.s32 $0x9;
	_ =	strace $0x80000048  }
0xb2: {  	_ =	swait.ge [sflag:s29], $0x1  }
0xb3: {  	[sflag:s29] =	ssyncadd.s32 $0xFFFFFFFF  }
0xb4: {  	_ =	strace $0x90000048  }
0xb5: {  	_ =	sfence  }
0xb6: {  	s30 =	sld [smem:$0x0];
	_ =	sdelay $0x2  }
0xb7: {  	s31 =	sshll.u32 s1, $0xD;
	s1 =	sshrl.u32 s1, $0x2  }
0xb8: {  	s3 =	sand.u32 $0x4000, s31;
	s1 =	sadd.s32 s1, s30  }
0xb9: {  	s0 =	sor.u32 s3, s0;
	s1 =	sshll.u32 s1, $0x11  }
0xba: {  	s0 =	sor.u32 s1, s0  }
0xbb: {  	s0 =	sadd.s32 $0x8F2B, s0  }
0xbc: {  	[sflag:s0] =	ssyncadd.remote.s32 $0x1  }
0xbd: {  	_ =	sfence.sel $0xFFFF  }
0xbe: {  	[dreg:$0x0] =	wrdreg $0xFFFFFFFF;
	(pc) =	sbr.abs _section_cstart, $3  }
0xbf: {  	[dreg:$0x1] =	wrdreg $0xFFFFFFFF  }
0xc0: {  	_ =	task.clear_ibuf [dreg:s6], $0x2FFFF;
	_ =	strace $0x9FFFFFFF  }
0xc1: {  	(tm) =	ssettm $0x7FFFFFFF  }
tec
execute0_lowered:
.L_overlay_start_1:
0x0: {  	(tag) =	ssettag $0x1  }
0x1: {  	s3 =	rddreg [dreg:$0x0]  }
0x2: {  	s0 =	rddreg [dreg:$0x1];
	s2 =	simm.s32 $0x0;
	s4 =	srdreg.scid  }
0x3: {  	s1 =	stileid.u32;
	s8 =	simm.s32 $0x8000;
	s9 =	simm.s32 $0x8400  }
0x4: {  	[smem:$0x7FF] =	sst s2;
	s4 =	sand.u32 $0x1, s4;
	s5 =	sshll.u32 s1, $0x1  }
0x5: {  	s10 =	simm.s32 $0x0;
	_ =	strace $0x80000047;
	s5 =	sor.u32 s4, s5  }
0x6: {  	s4 =	ssub.s32 $0x2, s4;
	s6 =	sshll.u32 s5, $0xC;
	s5 =	sshll.u32 s5, $0x7  }
0x7: {  	s31 =	sshrl.u32 s4, $0x1;
	s6 =	sadd.s32 s6, s3;
	s5 =	sadd.s32 s5, s3  }
0x8: {  	s7 =	ssub.s32 s4, s31;
	s3 =	sadd.s32 $0x2200, s6;
	s4 =	sadd.s32 $0x23200, s5  }
0x9: {  	v0 =	vlaneseq.u32;
	v1 =	vimm.s32 $0x0;
	s5 =	sadd.s32 $0x22200, s5;
	s6 =	smax.u32 s7, $0x1;
	s7 =	simm.s32 $0x1  }
.LBB2_1:
0xa: {  	v2 =	vor.u32 s2, v0  }
0xb: {  	v3 =	vshll.u32 v2, $0x6  }
0xc: {  	[tilespmem:s2], [sflag:$0x1] =	stream.linear.gather [hbm4b:s3+s2], $0x8000, $0x38;
	v4 =	vor.u32 $0x1, v3;
	[tilespmem:$0x8800] =	vst v63  }
0xd: {  	_ =	swait.ge [sflag:s7], $0x8000  }
0xe: {  	[sflag:s7] =	ssyncset.done $0x0  }
0xf: {  	[sflag:s7] =	ssyncadd.s32 $0xFFFF8000  }
0x10: {  	v6 =	vld.idx.msk [tilespmem:v3+s2+$0x0], $0xffff  }
0x11: {  	v5 =	vor.u32 $0x2, v3;
	v4 =	vld.idx.msk [tilespmem:v4+s2+$0x0], $0xffff;
	_ =	sdelay $0x2  }
0x12: {  	v7 =	vor.u32 $0x3, v3  }
0x13: {  	v9 =	vimm.s32 $0x0  }
0x14: {  	v5 =	vld.idx.msk [tilespmem:v5+s2+$0x0], $0xffff;
	vm0 =	vgt.f32 v6, $-Inf;
	vm8 =	vlt.f32 v4, $-Inf;
	vm1 =	vgt.f32 v4, $-Inf  }
0x15: {  	v8 =	vor.u32 $0x4, v3;
	v6 =	vnsel vm0, $0xFF800000, v6;
	vm0 =	vmor vm1, vm8  }
0x16: {  	vm14 =	vgt.f32 v4, v6;
	v9 =	vsel vm0, $0xFFFFFFFF, v9  }
0x17: {  	v7 =	vld.idx.msk [tilespmem:v7+s2+$0x0], $0xffff;
	vm1 =	vmneg vm14;
	[tilespmem:$0x1FBF0] =	vst v9;
	v9 =	vnsel vm0, $0xFF800000, v4  }
0x18: {  	v9 =	vsel vm1, v9, v6  }
0x19: {  	v10 =	vor.u32 $0x5, v3;
	v4 =	vsel vm1, v6, v4;
	vm15 =	vgt.f32 v5, v9  }
0x1a: {  	v6 =	vld.idx.msk [tilespmem:v8+s2+$0x0], $0xffff;
	vm2 =	vgt.f32 v5, v4;
	v8 =	vsel vm15, v5, v9  }
0x1b: {  	v9 =	vor.u32 $0x6, v3;
	v8 =	vsel vm2, v4, v8  }
0x1c: {  	v4 =	vsel vm2, v5, v4;
	v5 =	vimm.s32 $0x0;
	vm9 =	vgt.f32 v7, v8  }
0x1d: {  	vm3 =	vgt.f32 v7, v4;
	v5 =	vsel vm9, $0xFFFFFFFF, v5;
	v8 =	vsel vm9, v7, v8  }
0x1e: {  	[tilespmem:$0x1FC00] =	vst v5;
	v5 =	vld.idx.msk [tilespmem:v10+s2+$0x0], $0xffff;
	v8 =	vsel vm3, v4, v8  }
0x1f: {  	v4 =	vsel vm3, v7, v4;
	v7 =	vimm.s32 $0x0;
	vm10 =	vgt.f32 v6, v8  }
0x20: {  	v10 =	vor.u32 $0x7, v3;
	v7 =	vsel vm10, $0xFFFFFFFF, v7  }
0x21: {  	vm4 =	vgt.f32 v6, v4;
	v8 =	vsel vm10, v6, v8;
	[tilespmem:$0x1FC10] =	vst v7;
	v7 =	vld.idx.msk [tilespmem:v9+s2+$0x0], $0xffff  }
0x22: {  	v9 =	vor.u32 $0x8, v3;
	v8 =	vsel vm4, v4, v8  }
0x23: {  	v4 =	vsel vm4, v6, v4;
	v6 =	vimm.s32 $0x0;
	vm11 =	vgt.f32 v5, v8  }
0x24: {  	vm5 =	vgt.f32 v5, v4;
	v6 =	vsel vm11, $0xFFFFFFFF, v6;
	v8 =	vsel vm11, v5, v8  }
0x25: {  	[tilespmem:$0x1FC20] =	vst v6;
	v6 =	vld.idx.msk [tilespmem:v10+s2+$0x0], $0xffff;
	v8 =	vsel vm5, v4, v8  }
0x26: {  	v4 =	vsel vm5, v5, v4;
	v5 =	vimm.s32 $0x0;
	vm12 =	vgt.f32 v7, v8  }
0x27: {  	v10 =	vor.u32 $0x9, v3;
	v5 =	vsel vm12, $0xFFFFFFFF, v5  }
0x28: {  	vm6 =	vgt.f32 v7, v4;
	v8 =	vsel vm12, v7, v8;
	[tilespmem:$0x1FC30] =	vst v5;
	v5 =	vld.idx.msk [tilespmem:v9+s2+$0x0], $0xffff  }
0x29: {  	v9 =	vor.u32 $0xA, v3;
	v8 =	vsel vm6, v4, v8  }
0x2a: {  	v4 =	vsel vm6, v7, v4;
	v7 =	vimm.s32 $0x0;
	vm13 =	vgt.f32 v6, v8  }
0x2b: {  	vm7 =	vgt.f32 v6, v4;
	v7 =	vsel vm13, $0xFFFFFFFF, v7;
	v8 =	vsel vm13, v6, v8  }
0x2c: {  	[tilespmem:$0x1FC40] =	vst v7;
	v7 =	vld.idx.msk [tilespmem:v10+s2+$0x0], $0xffff;
	v8 =	vsel vm7, v4, v8  }
0x2d: {  	v4 =	vsel vm7, v6, v4;
	v6 =	vimm.s32 $0x0;
	vm8 =	vgt.f32 v5, v8  }
0x2e: {  	v10 =	vor.u32 $0xB, v3;
	v6 =	vsel vm8, $0xFFFFFFFF, v6  }
0x2f: {  	v8 =	vsel vm8, v5, v8;
	vm8 =	vgt.f32 v5, v4;
	[tilespmem:$0x1FC50] =	vst v6;
	v6 =	vld.idx.msk [tilespmem:v9+s2+$0x0], $0xffff  }
0x30: {  	v9 =	vor.u32 $0xC, v3;
	v8 =	vsel vm8, v4, v8  }
0x31: {  	v4 =	vsel vm8, v5, v4;
	v5 =	vimm.s32 $0x0;
	vm9 =	vgt.f32 v7, v8  }
0x32: {  	v5 =	vsel vm9, $0xFFFFFFFF, v5;
	v8 =	vsel vm9, v7, v8;
	vm9 =	vgt.f32 v7, v4  }
0x33: {  	[tilespmem:$0x1FC60] =	vst v5;
	v5 =	vld.idx.msk [tilespmem:v10+s2+$0x0], $0xffff;
	v8 =	vsel vm9, v4, v8  }
0x34: {  	v4 =	vsel vm9, v7, v4;
	v7 =	vimm.s32 $0x0;
	vm10 =	vgt.f32 v6, v8  }
0x35: {  	v10 =	vor.u32 $0xD, v3;
	v7 =	vsel vm10, $0xFFFFFFFF, v7  }
0x36: {  	v8 =	vsel vm10, v6, v8;
	vm10 =	vgt.f32 v6, v4;
	[tilespmem:$0x1FC70] =	vst v7;
	v7 =	vld.idx.msk [tilespmem:v9+s2+$0x0], $0xffff  }
0x37: {  	v9 =	vor.u32 $0xE, v3;
	v8 =	vsel vm10, v4, v8  }
0x38: {  	v4 =	vsel vm10, v6, v4;
	v6 =	vimm.s32 $0x0;
	vm11 =	vgt.f32 v5, v8  }
0x39: {  	v6 =	vsel vm11, $0xFFFFFFFF, v6;
	v8 =	vsel vm11, v5, v8;
	vm11 =	vgt.f32 v5, v4  }
0x3a: {  	[tilespmem:$0x1FC80] =	vst v6;
	v6 =	vld.idx.msk [tilespmem:v10+s2+$0x0], $0xffff;
	v8 =	vsel vm11, v4, v8  }
0x3b: {  	v4 =	vsel vm11, v5, v4;
	v5 =	vimm.s32 $0x0;
	vm12 =	vgt.f32 v7, v8  }
0x3c: {  	v10 =	vor.u32 $0xF, v3;
	v5 =	vsel vm12, $0xFFFFFFFF, v5  }
0x3d: {  	v8 =	vsel vm12, v7, v8;
	vm12 =	vgt.f32 v7, v4;
	[tilespmem:$0x1FC90] =	vst v5;
	v5 =	vld.idx.msk [tilespmem:v9+s2+$0x0], $0xffff  }
0x3e: {  	v8 =	vsel vm12, v4, v8  }
0x3f: {  	v11 =	vld [tilespmem:$0x1FBF0];
	v4 =	vsel vm12, v7, v4;
	v7 =	vimm.s32 $0x0;
	vm13 =	vgt.f32 v6, v8  }
0x40: {  	v7 =	vsel vm13, $0xFFFFFFFF, v7;
	v8 =	vsel vm13, v6, v8;
	vm13 =	vgt.f32 v6, v4  }
0x41: {  	v9 =	vor.u32 $0x10, v3;
	[tilespmem:$0x1FCA0] =	vst v7;
	v7 =	vld.idx.msk [tilespmem:v10+s2+$0x0], $0xffff;
	v8 =	vsel vm13, v4, v8  }
0x42: {  	v4 =	vsel vm13, v6, v4;
	v6 =	vimm.s32 $0x0;
	vm0 =	vgt.f32 v5, v8  }
0x43: {  	v10 =	vor.u32 $0x11, v3;
	v6 =	vsel vm0, $0xFFFFFFFF, v6;
	v8 =	vsel vm0, v5, v8  }
0x44: {  	vm0 =	vnez.u8 v11;
	[tilespmem:$0x1FCB0] =	vst v6;
	v6 =	vsel vm14, $0x1, v1;
	vm14 =	vgt.f32 v5, v4  }
0x45: {  	vm0 =	vmand vm0, vm1;
	v8 =	vsel vm14, v4, v8  }
0x46: {  	v9 =	vld.idx.msk [tilespmem:v9+s2+$0x0], $0xffff;
	v12 =	vsel vm0, $0x1, v1;
	v4 =	vsel vm14, v5, v4;
	vm0 =	vgt.f32 v7, v8  }
0x47: {  	vm1 =	vgt.f32 v7, v4;
	v8 =	vsel vm0, v7, v8  }
0x48: {  	v5 =	vimm.s32 $0x0;
	v8 =	vsel vm1, v4, v8;
	v4 =	vsel vm1, v7, v4;
	v7 =	vld [tilespmem:$0x1FC00]  }
0x49: {  	v10 =	vld.idx.msk [tilespmem:v10+s2+$0x0], $0xffff;
	v5 =	vsel vm0, $0xFFFFFFFF, v5  }
0x4a: {  	[tilespmem:$0x1FCC0] =	vst v5;
	v5 =	vsel vm15, $0x2, v12  }
0x4b: {  	v11 =	vor.u32 $0x12, v3;
	v5 =	vsel vm2, v6, v5;
	vm15 =	vgt.f32 v9, v8  }
0x4c: {  	v6 =	vsel vm2, $0x2, v6;
	vm2 =	vgt.f32 v9, v4;
	v8 =	vsel vm15, v9, v8  }
0x4d: {  	v8 =	vsel vm2, v4, v8;
	v4 =	vsel vm2, v9, v4;
	vm0 =	vnez.u8 v7  }
0x4e: {  	v9 =	vimm.s32 $0x0;
	v5 =	vsel vm0, $0x3, v5;
	vm0 =	vgt.f32 v10, v8  }
0x4f: {  	v9 =	vsel vm0, $0xFFFFFFFF, v9  }
0x50: {  	[tilespmem:$0x1FCD0] =	vst v9;
	v9 =	vld [tilespmem:$0x1FC10];
	_ =	sdelay $0x2  }
0x51: {  	v7 =	vld.idx.msk [tilespmem:v11+s2+$0x0], $0xffff;
	_ =	sdelay $0x1  }
0x52: {  	v5 =	vsel vm3, v6, v5;
	v6 =	vsel vm3, $0x3, v6;
	vm3 =	vnez.u8 v9  }
0x53: {  	v8 =	vsel vm0, v10, v8;
	v5 =	vsel vm3, $0x4, v5;
	vm3 =	vgt.f32 v10, v4  }
0x54: {  	v12 =	vor.u32 $0x13, v3;
	v8 =	vsel vm3, v4, v8  }
0x55: {  	v4 =	vsel vm3, v10, v4;
	v10 =	vimm.s32 $0x0;
	vm0 =	vgt.f32 v7, v8  }
0x56: {  	v10 =	vsel vm0, $0xFFFFFFFF, v10  }
0x57: {  	[tilespmem:$0x1FCE0] =	vst v10;
	v10 =	vld [tilespmem:$0x1FC20];
	_ =	sdelay $0x2  }
0x58: {  	v9 =	vld.idx.msk [tilespmem:v12+s2+$0x0], $0xffff;
	_ =	sdelay $0x1  }
0x59: {  	v5 =	vsel vm4, v6, v5;
	v6 =	vsel vm4, $0x4, v6;
	vm4 =	vnez.u8 v10  }
0x5a: {  	v8 =	vsel vm0, v7, v8;
	v5 =	vsel vm4, $0x5, v5;
	vm4 =	vgt.f32 v7, v4  }
0x5b: {  	v11 =	vor.u32 $0x14, v3;
	v13 =	vsel vm5, $0x5, v6;
	v8 =	vsel vm4, v4, v8  }
0x5c: {  	v5 =	vsel vm5, v6, v5;
	v6 =	vimm.s32 $0x0;
	vm0 =	vgt.f32 v9, v8  }
0x5d: {  	v6 =	vsel vm0, $0xFFFFFFFF, v6  }
0x5e: {  	[tilespmem:$0x1FCF0] =	vst v6;
	v6 =	vld [tilespmem:$0x1FC30];
	_ =	sdelay $0x2  }
0x5f: {  	v10 =	vld.idx.msk [tilespmem:v11+s2+$0x0], $0xffff;
	_ =	sdelay $0x1  }
0x60: {  	v4 =	vsel vm4, v7, v4;
	vm5 =	vnez.u8 v6  }
0x61: {  	v7 =	vsel vm0, v9, v8;
	v5 =	vsel vm5, $0x6, v5;
	vm5 =	vgt.f32 v9, v4  }
0x62: {  	v12 =	vor.u32 $0x15, v3;
	v7 =	vsel vm5, v4, v7  }
0x63: {  	v4 =	vsel vm5, v9, v4;
	v9 =	vimm.s32 $0x0;
	vm0 =	vgt.f32 v10, v7  }
0x64: {  	v9 =	vsel vm0, $0xFFFFFFFF, v9  }
0x65: {  	[tilespmem:$0x1FD00] =	vst v9;
	v9 =	vld [tilespmem:$0x1FC40];
	_ =	sdelay $0x2  }
0x66: {  	v6 =	vld.idx.msk [tilespmem:v12+s2+$0x0], $0xffff;
	_ =	sdelay $0x1  }
0x67: {  	v12 =	vsel vm6, $0x6, v13;
	v5 =	vsel vm6, v13, v5;
	vm6 =	vnez.u8 v9  }
0x68: {  	v7 =	vsel vm0, v10, v7;
	v5 =	vsel vm6, $0x7, v5;
	vm6 =	vgt.f32 v10, v4  }
0x69: {  	v11 =	vor.u32 $0x16, v3;
	v7 =	vsel vm6, v4, v7  }
0x6a: {  	v4 =	vsel vm6, v10, v4;
	v10 =	vimm.s32 $0x0;
	vm0 =	vgt.f32 v6, v7  }
0x6b: {  	v10 =	vsel vm0, $0xFFFFFFFF, v10  }
0x6c: {  	[tilespmem:$0x1FD10] =	vst v10;
	v10 =	vld [tilespmem:$0x1FC50];
	_ =	sdelay $0x2  }
0x6d: {  	v9 =	vld.idx.msk [tilespmem:v11+s2+$0x0], $0xffff;
	_ =	sdelay $0x1  }
0x6e: {  	v5 =	vsel vm7, v12, v5;
	v12 =	vsel vm7, $0x7, v12;
	vm7 =	vnez.u8 v10  }
0x6f: {  	v7 =	vsel vm0, v6, v7;
	v5 =	vsel vm7, $0x8, v5;
	vm7 =	vgt.f32 v6, v4  }
0x70: {  	v8 =	vor.u32 $0x17, v3;
	v7 =	vsel vm7, v4, v7  }
0x71: {  	v4 =	vsel vm7, v6, v4;
	v6 =	vimm.s32 $0x0;
	vm0 =	vgt.f32 v9, v7  }
0x72: {  	v6 =	vsel vm0, $0xFFFFFFFF, v6  }
0x73: {  	[tilespmem:$0x1FD20] =	vst v6;
	v6 =	vld [tilespmem:$0x1FC60];
	_ =	sdelay $0x2  }
0x74: {  	v8 =	vld.idx.msk [tilespmem:v8+s2+$0x0], $0xffff;
	_ =	sdelay $0x1  }
0x75: {  	v5 =	vsel vm8, v12, v5;
	v12 =	vsel vm8, $0x8, v12;
	vm8 =	vnez.u8 v6  }
0x76: {  	v7 =	vsel vm0, v9, v7;
	v5 =	vsel vm8, $0x9, v5;
	vm8 =	vgt.f32 v9, v4  }
0x77: {  	v11 =	vor.u32 $0x18, v3;
	v7 =	vsel vm8, v4, v7  }
0x78: {  	v4 =	vsel vm8, v9, v4;
	v9 =	vimm.s32 $0x0;
	vm0 =	vgt.f32 v8, v7  }
0x79: {  	v9 =	vsel vm0, $0xFFFFFFFF, v9  }
0x7a: {  	[tilespmem:$0x1FD30] =	vst v9;
	v9 =	vld [tilespmem:$0x1FC70];
	_ =	sdelay $0x2  }
0x7b: {  	v6 =	vld.idx.msk [tilespmem:v11+s2+$0x0], $0xffff;
	_ =	sdelay $0x1  }
0x7c: {  	v5 =	vsel vm9, v12, v5;
	v12 =	vsel vm9, $0x9, v12;
	vm9 =	vnez.u8 v9  }
0x7d: {  	v7 =	vsel vm0, v8, v7;
	v5 =	vsel vm9, $0xA, v5;
	vm9 =	vgt.f32 v8, v4  }
0x7e: {  	v10 =	vor.u32 $0x19, v3;
	v7 =	vsel vm9, v4, v7  }
0x7f: {  	v4 =	vsel vm9, v8, v4;
	v8 =	vimm.s32 $0x0;
	vm0 =	vgt.f32 v6, v7  }
0x80: {  	v8 =	vsel vm0, $0xFFFFFFFF, v8  }
0x81: {  	[tilespmem:$0x1FD40] =	vst v8;
	v8 =	vld [tilespmem:$0x1FC80];
	_ =	sdelay $0x2  }
0x82: {  	v9 =	vld.idx.msk [tilespmem:v10+s2+$0x0], $0xffff;
	_ =	sdelay $0x1  }
0x83: {  	v5 =	vsel vm10, v12, v5;
	v12 =	vsel vm10, $0xA, v12;
	vm10 =	vnez.u8 v8  }
0x84: {  	v7 =	vsel vm0, v6, v7;
	v5 =	vsel vm10, $0xB, v5;
	vm10 =	vgt.f32 v6, v4  }
0x85: {  	v11 =	vor.u32 $0x1A, v3;
	v7 =	vsel vm10, v4, v7  }
0x86: {  	v4 =	vsel vm10, v6, v4;
	v6 =	vimm.s32 $0x0;
	vm0 =	vgt.f32 v9, v7  }
0x87: {  	v6 =	vsel vm0, $0xFFFFFFFF, v6  }
0x88: {  	[tilespmem:$0x1FD50] =	vst v6;
	v6 =	vld [tilespmem:$0x1FC90];
	_ =	sdelay $0x2  }
0x89: {  	v8 =	vld.idx.msk [tilespmem:v11+s2+$0x0], $0xffff;
	_ =	sdelay $0x1  }
0x8a: {  	v5 =	vsel vm11, v12, v5;
	v12 =	vsel vm11, $0xB, v12;
	vm11 =	vnez.u8 v6  }
0x8b: {  	v7 =	vsel vm0, v9, v7;
	v5 =	vsel vm11, $0xC, v5;
	vm11 =	vgt.f32 v9, v4  }
0x8c: {  	v10 =	vor.u32 $0x1B, v3;
	v7 =	vsel vm11, v4, v7  }
0x8d: {  	v4 =	vsel vm11, v9, v4;
	v9 =	vimm.s32 $0x0;
	vm0 =	vgt.f32 v8, v7  }
0x8e: {  	v9 =	vsel vm0, $0xFFFFFFFF, v9  }
0x8f: {  	[tilespmem:$0x1FD60] =	vst v9;
	v9 =	vld [tilespmem:$0x1FCA0];
	_ =	sdelay $0x2  }
0x90: {  	v6 =	vld.idx.msk [tilespmem:v10+s2+$0x0], $0xffff  }
0x91: {  	v11 =	vor.u32 $0x1C, v3  }
0x92: {  	v5 =	vsel vm12, v12, v5;
	v12 =	vsel vm12, $0xC, v12;
	vm12 =	vnez.u8 v9  }
0x93: {  	v7 =	vsel vm0, v8, v7;
	v5 =	vsel vm12, $0xD, v5;
	vm12 =	vgt.f32 v8, v4  }
0x94: {  	v5 =	vsel vm13, v12, v5;
	v7 =	vsel vm12, v4, v7;
	v12 =	vsel vm13, $0xD, v12  }
0x95: {  	v4 =	vsel vm12, v8, v4;
	v8 =	vimm.s32 $0x0;
	vm13 =	vgt.f32 v6, v7  }
0x96: {  	v8 =	vsel vm13, $0xFFFFFFFF, v8  }
0x97: {  	[tilespmem:$0x1FD70] =	vst v8;
	v8 =	vld [tilespmem:$0x1FCB0]  }
0x98: {  	v9 =	vld.idx.msk [tilespmem:v11+s2+$0x0], $0xffff;
	_ =	sdelay $0x2  }
0x99: {  	v10 =	vor.u32 $0x1D, v3;
	v7 =	vsel vm13, v6, v7;
	vm13 =	vgt.f32 v6, v4  }
0x9a: {  	v7 =	vsel vm13, v4, v7;
	v4 =	vsel vm13, v6, v4;
	vm0 =	vnez.u8 v8  }
0x9b: {  	v6 =	vimm.s32 $0x0;
	v5 =	vsel vm0, $0xE, v5;
	vm0 =	vgt.f32 v9, v7  }
0x9c: {  	v6 =	vsel vm0, $0xFFFFFFFF, v6  }
0x9d: {  	[tilespmem:$0x1FD80] =	vst v6;
	v6 =	vld [tilespmem:$0x1FCC0]  }
0x9e: {  	v11 =	vor.u32 $0x1E, v3;
	_ =	sdelay $0x1  }
0x9f: {  	v8 =	vld.idx.msk [tilespmem:v10+s2+$0x0], $0xffff;
	_ =	sdelay $0x1  }
0xa0: {  	v5 =	vsel vm14, v12, v5;
	v12 =	vsel vm14, $0xE, v12;
	vm14 =	vnez.u8 v6  }
0xa1: {  	v7 =	vsel vm0, v9, v7;
	v6 =	vld.idx.msk [tilespmem:v11+s2+$0x0], $0xffff;
	v5 =	vsel vm14, $0xF, v5;
	vm14 =	vgt.f32 v9, v4  }
0xa2: {  	v10 =	vor.u32 $0x1F, v3;
	v5 =	vsel vm1, v12, v5;
	v7 =	vsel vm14, v4, v7  }
0xa3: {  	v4 =	vsel vm14, v9, v4;
	v9 =	vimm.s32 $0x0;
	vm0 =	vgt.f32 v8, v7  }
0xa4: {  	v5 =	vsel vm15, $0x10, v5;
	vm15 =	vgt.f32 v8, v4;
	v7 =	vsel vm0, v8, v7  }
0xa5: {  	v9 =	vsel vm0, $0xFFFFFFFF, v9;
	v7 =	vsel vm15, v4, v7  }
0xa6: {  	v4 =	vsel vm15, v8, v4;
	v8 =	vimm.s32 $0x0;
	vm0 =	vgt.f32 v6, v7  }
0xa7: {  	v8 =	vsel vm0, $0xFFFFFFFF, v8  }
0xa8: {  	[tilespmem:$0x1FDA0] =	vst v8;
	v8 =	vld [tilespmem:$0x1FCD0]  }
0xa9: {  	[tilespmem:$0x1FD90] =	vst v9;
	v9 =	vld.idx.msk [tilespmem:v10+s2+$0x0], $0xffff;
	_ =	sdelay $0x1  }
0xaa: {  	v11 =	vor.u32 $0x20, v3;
	v12 =	vsel vm1, $0xF, v12  }
0xab: {  	v5 =	vsel vm2, v12, v5;
	v7 =	vsel vm0, v6, v7;
	vm0 =	vgt.f32 v6, v4  }
0xac: {  	v7 =	vsel vm0, v4, v7;
	v4 =	vsel vm0, v6, v4;
	vm1 =	vnez.u8 v8  }
0xad: {  	v6 =	vimm.s32 $0x0;
	v5 =	vsel vm1, $0x11, v5;
	vm1 =	vgt.f32 v9, v7  }
0xae: {  	v6 =	vsel vm1, $0xFFFFFFFF, v6  }
0xaf: {  	v10 =	vor.u32 $0x21, v3;
	[tilespmem:$0x1FDB0] =	vst v6;
	v6 =	vld [tilespmem:$0x1FCE0]  }
0xb0: {  	v8 =	vld.idx.msk [tilespmem:v11+s2+$0x0], $0xffff  }
0xb1: {  	v12 =	vsel vm2, $0x10, v12  }
0xb2: {  	v5 =	vsel vm3, v12, v5  }
0xb3: {  	v12 =	vsel vm3, $0x11, v12;
	v7 =	vsel vm1, v9, v7;
	vm3 =	vgt.f32 v9, v4  }
0xb4: {  	v7 =	vsel vm3, v4, v7;
	vm2 =	vnez.u8 v6;
	v6 =	vld.idx.msk [tilespmem:v10+s2+$0x0], $0xffff  }
0xb5: {  	v4 =	vsel vm3, v9, v4;
	v9 =	vimm.s32 $0x0;
	vm1 =	vgt.f32 v8, v7  }
0xb6: {  	v9 =	vsel vm1, $0xFFFFFFFF, v9  }
0xb7: {  	v11 =	vor.u32 $0x22, v3;
	v7 =	vsel vm1, v8, v7;
	vm1 =	vgt.f32 v8, v4;
	[tilespmem:$0x1FDC0] =	vst v9;
	v9 =	vld [tilespmem:$0x1FCF0]  }
0xb8: {  	v7 =	vsel vm1, v4, v7;
	v4 =	vsel vm1, v8, v4  }
0xb9: {  	v8 =	vimm.s32 $0x0;
	v5 =	vsel vm2, $0x12, v5;
	vm2 =	vgt.f32 v6, v7  }
0xba: {  	v8 =	vsel vm2, $0xFFFFFFFF, v8  }
0xbb: {  	[tilespmem:$0x1FDD0] =	vst v8;
	v8 =	vld [tilespmem:$0x1FD00]  }
0xbc: {  	v5 =	vsel vm4, v12, v5;
	v12 =	vsel vm4, $0x12, v12;
	vm4 =	vnez.u8 v9;
	v9 =	vld.idx.msk [tilespmem:v11+s2+$0x0], $0xffff;
	_ =	sdelay $0x1  }
0xbd: {  	v10 =	vor.u32 $0x23, v3;
	v5 =	vsel vm4, $0x13, v5  }
0xbe: {  	v5 =	vsel vm5, v12, v5;
	v7 =	vsel vm2, v6, v7;
	vm2 =	vgt.f32 v6, v4  }
0xbf: {  	v7 =	vsel vm2, v4, v7;
	v4 =	vsel vm2, v6, v4;
	vm4 =	vnez.u8 v8  }
0xc0: {  	v6 =	vimm.s32 $0x0;
	v5 =	vsel vm4, $0x14, v5;
	vm4 =	vgt.f32 v9, v7  }
0xc1: {  	v6 =	vsel vm4, $0xFFFFFFFF, v6  }
0xc2: {  	v11 =	vor.u32 $0x24, v3;
	[tilespmem:$0x1FDE0] =	vst v6;
	v6 =	vld [tilespmem:$0x1FD10]  }
0xc3: {  	v8 =	vld.idx.msk [tilespmem:v10+s2+$0x0], $0xffff;
	_ =	sdelay $0x1  }
0xc4: {  	v7 =	vsel vm4, v9, v7;
	vm4 =	vgt.f32 v9, v4  }
0xc5: {  	v13 =	vsel vm5, $0x13, v12;
	v7 =	vsel vm4, v4, v7  }
0xc6: {  	v4 =	vsel vm4, v9, v4;
	vm5 =	vnez.u8 v6;
	v6 =	vld.idx.msk [tilespmem:v11+s2+$0x0], $0xffff;
	v11 =	vimm.s32 $0x0  }
0xc7: {  	v9 =	vimm.s32 $0x0;
	v11 =	vsel vm4, $0xFFFFFFFF, v11;
	vm4 =	vgt.f32 v8, v7  }
0xc8: {  	v9 =	vsel vm4, $0xFFFFFFFF, v9  }
0xc9: {  	[tilespmem:$0x1FE00] =	vst v9;
	v9 =	vld [tilespmem:$0x1FD20];
	_ =	sdelay $0x2  }
0xca: {  	v5 =	vsel vm6, v13, v5  }
0xcb: {  	v12 =	vsel vm6, $0x14, v13;
	v5 =	vsel vm5, $0x15, v5  }
0xcc: {  	v5 =	vsel vm7, v12, v5;
	vm5 =	vnez.u8 v9  }
0xcd: {  	v7 =	vsel vm4, v8, v7;
	v5 =	vsel vm5, $0x16, v5;
	vm5 =	vgt.f32 v8, v4  }
0xce: {  	v10 =	vor.u32 $0x25, v3;
	v7 =	vsel vm5, v4, v7  }
0xcf: {  	v4 =	vsel vm5, v8, v4;
	v8 =	vimm.s32 $0x0;
	vm4 =	vgt.f32 v6, v7  }
0xd0: {  	v8 =	vsel vm4, $0xFFFFFFFF, v8  }
0xd1: {  	[tilespmem:$0x1FE10] =	vst v8;
	v8 =	vld [tilespmem:$0x1FD30]  }
0xd2: {  	[tilespmem:$0x1FDF0] =	vst v11;
	v11 =	vor.u32 $0x26, v3;
	_ =	sdelay $0x1  }
0xd3: {  	v9 =	vld.idx.msk [tilespmem:v10+s2+$0x0], $0xffff  }
0xd4: {  	v12 =	vsel vm7, $0x15, v12  }
0xd5: {  	v5 =	vsel vm8, v12, v5;
	vm6 =	vnez.u8 v8  }
0xd6: {  	v7 =	vsel vm4, v6, v7;
	v8 =	vld.idx.msk [tilespmem:v11+s2+$0x0], $0xffff;
	v5 =	vsel vm6, $0x17, v5;
	vm6 =	vgt.f32 v6, v4  }
0xd7: {  	v7 =	vsel vm6, v4, v7  }
0xd8: {  	v4 =	vsel vm6, v6, v4;
	v6 =	vimm.s32 $0x0;
	vm4 =	vgt.f32 v9, v7  }
0xd9: {  	v6 =	vsel vm4, $0xFFFFFFFF, v6;
	v7 =	vsel vm4, v9, v7;
	vm4 =	vgt.f32 v9, v4  }
0xda: {  	v10 =	vor.u32 $0x27, v3;
	[tilespmem:$0x1FE20] =	vst v6;
	v6 =	vld [tilespmem:$0x1FD40];
	v7 =	vsel vm4, v4, v7  }
0xdb: {  	v4 =	vsel vm4, v9, v4;
	v9 =	vimm.s32 $0x0;
	vm7 =	vgt.f32 v8, v7  }
0xdc: {  	v9 =	vsel vm7, $0xFFFFFFFF, v9  }
0xdd: {  	v11 =	vor.u32 $0x28, v3;
	[tilespmem:$0x1FE30] =	vst v9;
	v9 =	vld [tilespmem:$0x1FD50]  }
0xde: {  	v13 =	vsel vm8, $0x16, v12  }
0xdf: {  	v12 =	vsel vm9, $0x17, v13;
	v5 =	vsel vm9, v13, v5;
	vm9 =	vnez.u8 v6;
	v6 =	vld.idx.msk [tilespmem:v10+s2+$0x0], $0xffff;
	_ =	sdelay $0x1  }
0xe0: {  	v7 =	vsel vm7, v8, v7;
	v5 =	vsel vm9, $0x18, v5;
	vm9 =	vgt.f32 v8, v4  }
0xe1: {  	v5 =	vsel vm10, v12, v5;
	v12 =	vsel vm10, $0x18, v12;
	vm8 =	vnez.u8 v9;
	v9 =	vld.idx.msk [tilespmem:v11+s2+$0x0], $0xffff  }
0xe2: {  	v7 =	vsel vm9, v4, v7;
	v4 =	vsel vm9, v8, v4;
	v5 =	vsel vm8, $0x19, v5  }
0xe3: {  	v5 =	vsel vm11, v12, v5;
	v12 =	vsel vm11, $0x19, v12;
	vm11 =	vgt.f32 v6, v7  }
0xe4: {  	vm7 =	vgt.f32 v6, v4;
	v7 =	vsel vm11, v6, v7  }
0xe5: {  	v10 =	vor.u32 $0x29, v3;
	v7 =	vsel vm7, v4, v7  }
0xe6: {  	v8 =	vld [tilespmem:$0x1FD60];
	v4 =	vsel vm7, v6, v4;
	v6 =	vimm.s32 $0x0;
	vm8 =	vgt.f32 v9, v7  }
0xe7: {  	v6 =	vsel vm8, $0xFFFFFFFF, v6  }
0xe8: {  	[tilespmem:$0x1FE50] =	vst v6;
	v6 =	vld [tilespmem:$0x1FD70];
	_ =	sdelay $0x1  }
0xe9: {  	v11 =	vimm.s32 $0x0  }
0xea: {  	v11 =	vsel vm9, $0xFFFFFFFF, v11;
	vm10 =	vnez.u8 v8;
	v8 =	vld.idx.msk [tilespmem:v10+s2+$0x0], $0xffff  }
0xeb: {  	[tilespmem:$0x1FE40] =	vst v11;
	v11 =	vor.u32 $0x2A, v3;
	v5 =	vsel vm10, $0x1A, v5  }
0xec: {  	v5 =	vsel vm12, v12, v5;
	v12 =	vsel vm12, $0x1A, v12;
	vm12 =	vnez.u8 v6  }
0xed: {  	v7 =	vsel vm8, v9, v7;
	v5 =	vsel vm12, $0x1B, v5;
	vm12 =	vgt.f32 v9, v4  }
0xee: {  	v5 =	vsel vm13, v12, v5;
	v7 =	vsel vm12, v4, v7;
	v12 =	vsel vm13, $0x1B, v12  }
0xef: {  	v4 =	vsel vm12, v9, v4;
	v9 =	vimm.s32 $0x0;
	vm13 =	vgt.f32 v8, v7  }
0xf0: {  	v9 =	vsel vm13, $0xFFFFFFFF, v9  }
0xf1: {  	[tilespmem:$0x1FE70] =	vst v9;
	v9 =	vld [tilespmem:$0x1FD80]  }
0xf2: {  	v6 =	vld.idx.msk [tilespmem:v11+s2+$0x0], $0xffff;
	_ =	sdelay $0x1  }
0xf3: {  	v10 =	vor.u32 $0x2B, v3;
	v11 =	vimm.s32 $0x0  }
0xf4: {  	v11 =	vsel vm12, $0xFFFFFFFF, v11;
	v7 =	vsel vm13, v8, v7;
	vm13 =	vgt.f32 v8, v4  }
0xf5: {  	v7 =	vsel vm13, v4, v7;
	v4 =	vsel vm13, v8, v4;
	vm12 =	vnez.u8 v9  }
0xf6: {  	v8 =	vimm.s32 $0x0;
	v5 =	vsel vm12, $0x1C, v5;
	vm12 =	vgt.f32 v6, v7  }
0xf7: {  	[tilespmem:$0x1FE60] =	vst v11;
	v8 =	vsel vm12, $0xFFFFFFFF, v8  }
0xf8: {  	v11 =	vor.u32 $0x2C, v3;
	[tilespmem:$0x1FE90] =	vst v8;
	v8 =	vld [tilespmem:$0x1FD90];
	_ =	sdelay $0x1  }
0xf9: {  	v9 =	vld.idx.msk [tilespmem:v10+s2+$0x0], $0xffff;
	v10 =	vimm.s32 $0x0  }
0xfa: {  	v10 =	vsel vm13, $0xFFFFFFFF, v10;
	v5 =	vsel vm14, v12, v5  }
0xfb: {  	v12 =	vsel vm14, $0x1C, v12;
	v7 =	vsel vm12, v6, v7;
	vm14 =	vgt.f32 v6, v4  }
0xfc: {  	v7 =	vsel vm14, v4, v7;
	v4 =	vsel vm14, v6, v4;
	vm13 =	vnez.u8 v8;
	v8 =	vld.idx.msk [tilespmem:v11+s2+$0x0], $0xffff  }
0xfd: {  	v6 =	vimm.s32 $0x0;
	v11 =	vimm.s32 $0x0;
	v5 =	vsel vm13, $0x1D, v5  }
0xfe: {  	v5 =	vsel vm15, v12, v5;
	v12 =	vsel vm15, $0x1D, v12;
	vm15 =	vgt.f32 v9, v7  }
0xff: {  	[tilespmem:$0x1FE80] =	vst v10;
	vm13 =	vgt.f32 v9, v4;
	v6 =	vsel vm15, $0xFFFFFFFF, v6;
	v7 =	vsel vm15, v9, v7  }
0x100: {  	v10 =	vor.u32 $0x2D, v3;
	v11 =	vsel vm14, $0xFFFFFFFF, v11;
	[tilespmem:$0x1FEB0] =	vst v6;
	v6 =	vld [tilespmem:$0x1FDA0];
	v7 =	vsel vm13, v4, v7  }
0x101: {  	v4 =	vsel vm13, v9, v4;
	v9 =	vimm.s32 $0x0;
	vm14 =	vgt.f32 v8, v7  }
0x102: {  	[tilespmem:$0x1FEA0] =	vst v11;
	v9 =	vsel vm14, $0xFFFFFFFF, v9  }
0x103: {  	v11 =	vor.u32 $0x2E, v3;
	[tilespmem:$0x1FED0] =	vst v9;
	v9 =	vld [tilespmem:$0x1FDB0];
	_ =	sdelay $0x1  }
0x104: {  	vm12 =	vnez.u8 v6;
	v6 =	vld.idx.msk [tilespmem:v10+s2+$0x0], $0xffff  }
0x105: {  	vm10 =	vgt.f32 v8, v4;
	v7 =	vsel vm14, v8, v7  }
0x106: {  	v7 =	vsel vm10, v4, v7;
	v5 =	vsel vm12, $0x1E, v5  }
0x107: {  	v4 =	vsel vm10, v8, v4;
	v5 =	vsel vm0, v12, v5;
	vm15 =	vnez.u8 v9;
	v9 =	vld.idx.msk [tilespmem:v11+s2+$0x0], $0xffff  }
0x108: {  	v10 =	vimm.s32 $0x0;
	v12 =	vsel vm0, $0x1E, v12;
	v5 =	vsel vm15, $0x1F, v5  }
0x109: {  	v13 =	vsel vm3, $0x1F, v12;
	v5 =	vsel vm3, v12, v5;
	vm3 =	vgt.f32 v6, v7  }
0x10a: {  	v10 =	vsel vm13, $0xFFFFFFFF, v10;
	vm0 =	vgt.f32 v6, v4;
	v7 =	vsel vm3, v6, v7  }
0x10b: {  	v8 =	vld [tilespmem:$0x1FDC0];
	[tilespmem:$0x1FEC0] =	vst v10;
	v10 =	vor.u32 $0x2F, v3;
	v7 =	vsel vm0, v4, v7  }
0x10c: {  	v4 =	vsel vm0, v6, v4;
	v6 =	vimm.s32 $0x0;
	vm12 =	vgt.f32 v9, v7  }
0x10d: {  	v6 =	vsel vm12, $0xFFFFFFFF, v6  }
0x10e: {  	v11 =	vor.u32 $0x30, v3;
	[tilespmem:$0x1FEE0] =	vst v6;
	v6 =	vld [tilespmem:$0x1FDD0];
	_ =	sdelay $0x1  }
0x10f: {  	vm9 =	vnez.u8 v8;
	v8 =	vld.idx.msk [tilespmem:v10+s2+$0x0], $0xffff  }
0x110: {  	v5 =	vsel vm9, $0x20, v5  }
0x111: {  	v12 =	vsel vm1, $0x20, v13;
	v5 =	vsel vm1, v13, v5  }
0x112: {  	vm1 =	vgt.f32 v9, v4;
	v7 =	vsel vm12, v9, v7;
	vm13 =	vnez.u8 v6;
	v6 =	vld.idx.msk [tilespmem:v11+s2+$0x0], $0xffff  }
0x113: {  	v7 =	vsel vm1, v4, v7  }
0x114: {  	v4 =	vsel vm1, v9, v4;
	v9 =	vimm.s32 $0x0;
	vm14 =	vgt.f32 v8, v7  }
0x115: {  	v9 =	vsel vm14, $0xFFFFFFFF, v9;
	v7 =	vsel vm14, v8, v7;
	vm14 =	vgt.f32 v8, v4  }
0x116: {  	v10 =	vor.u32 $0x31, v3;
	v7 =	vsel vm14, v4, v7;
	v4 =	vsel vm14, v8, v4  }
0x117: {  	[tilespmem:$0x1FEF0] =	vst v9;
	v9 =	vld [tilespmem:$0x1FDE0];
	v8 =	vimm.s32 $0x0;
	v5 =	vsel vm13, $0x21, v5;
	vm13 =	vgt.f32 v6, v7  }
0x118: {  	v13 =	vld [tilespmem:$0x1FDF0];
	v8 =	vsel vm13, $0xFFFFFFFF, v8  }
0x119: {  	[tilespmem:$0x1FF00] =	vst v8;
	v8 =	vld [tilespmem:$0x1FE00];
	_ =	sdelay $0x1  }
0x11a: {  	v11 =	vor.u32 $0x32, v3  }
0x11b: {  	v5 =	vsel vm2, v12, v5;
	vm15 =	vnez.u8 v9;
	v9 =	vld.idx.msk [tilespmem:v10+s2+$0x0], $0xffff  }
0x11c: {  	vm12 =	vnez.u8 v13;
	v12 =	vsel vm2, $0x21, v12;
	v5 =	vsel vm15, $0x22, v5  }
0x11d: {  	v5 =	vsel vm12, v12, v5;
	vm15 =	vnez.u8 v8  }
0x11e: {  	v7 =	vsel vm13, v6, v7;
	v5 =	vsel vm15, $0x23, v5;
	vm15 =	vgt.f32 v6, v4  }
0x11f: {  	v12 =	vsel vm12, $0x22, v12;
	v8 =	vld.idx.msk [tilespmem:v11+s2+$0x0], $0xffff;
	v7 =	vsel vm15, v4, v7  }
0x120: {  	v4 =	vsel vm15, v6, v4;
	v6 =	vimm.s32 $0x0;
	vm12 =	vgt.f32 v9, v7  }
0x121: {  	v10 =	vor.u32 $0x33, v3;
	v5 =	vsel vm5, v12, v5;
	v6 =	vsel vm12, $0xFFFFFFFF, v6  }
0x122: {  	v12 =	vsel vm5, $0x23, v12;
	vm5 =	vgt.f32 v9, v4;
	v7 =	vsel vm12, v9, v7;
	[tilespmem:$0x1FF10] =	vst v6;
	v6 =	vld [tilespmem:$0x1FE10]  }
0x123: {  	v7 =	vsel vm5, v4, v7  }
0x124: {  	v4 =	vsel vm5, v9, v4;
	v9 =	vimm.s32 $0x0;
	vm8 =	vgt.f32 v8, v7  }
0x125: {  	v9 =	vsel vm8, $0xFFFFFFFF, v9  }
0x126: {  	[tilespmem:$0x1FF30] =	vst v9;
	v9 =	vld [tilespmem:$0x1FE20]  }
0x127: {  	v11 =	vor.u32 $0x34, v3;
	vm13 =	vnez.u8 v6;
	v6 =	vld.idx.msk [tilespmem:v10+s2+$0x0], $0xffff  }
0x128: {  	v13 =	vld [tilespmem:$0x1FE40]  }
0x129: {  	vm12 =	vgt.f32 v8, v4;
	v7 =	vsel vm8, v8, v7  }
0x12a: {  	v7 =	vsel vm12, v4, v7;
	v4 =	vsel vm12, v8, v4;
	v10 =	vimm.s32 $0x0  }
0x12b: {  	v8 =	vimm.s32 $0x0;
	v5 =	vsel vm13, $0x24, v5;
	v10 =	vsel vm5, $0xFFFFFFFF, v10  }
0x12c: {  	vm9 =	vnez.u8 v9;
	v9 =	vld.idx.msk [tilespmem:v11+s2+$0x0], $0xffff;
	v11 =	vimm.s32 $0x0;
	vm13 =	vgt.f32 v6, v7  }
0x12d: {  	[tilespmem:$0x1FF20] =	vst v10;
	v11 =	vsel vm12, $0xFFFFFFFF, v11;
	vm12 =	vnez.u8 v13;
	v13 =	vld [tilespmem:$0x1FE50];
	v8 =	vsel vm13, $0xFFFFFFFF, v8  }
0x12e: {  	v10 =	vor.u32 $0x35, v3;
	[tilespmem:$0x1FF50] =	vst v8;
	v8 =	vld [tilespmem:$0x1FE30]  }
0x12f: {  	v5 =	vsel vm6, v12, v5  }
0x130: {  	v12 =	vsel vm6, $0x24, v12;
	v5 =	vsel vm9, $0x25, v5;
	[tilespmem:$0x1FF40] =	vst v11;
	v11 =	vor.u32 $0x36, v3  }
0x131: {  	v5 =	vsel vm4, v12, v5;
	vm9 =	vgt.f32 v6, v4;
	v7 =	vsel vm13, v6, v7  }
0x132: {  	v7 =	vsel vm9, v4, v7;
	v4 =	vsel vm9, v6, v4;
	vm6 =	vnez.u8 v13;
	v13 =	vld [tilespmem:$0x1FE60]  }
0x133: {  	v6 =	vimm.s32 $0x0;
	vm13 =	vgt.f32 v9, v7;
	vm8 =	vnez.u8 v8;
	v8 =	vld.idx.msk [tilespmem:v10+s2+$0x0], $0xffff  }
0x134: {  	v12 =	vsel vm4, $0x25, v12;
	v6 =	vsel vm13, $0xFFFFFFFF, v6;
	v7 =	vsel vm13, v9, v7  }
0x135: {  	vm13 =	vgt.f32 v9, v4;
	[tilespmem:$0x1FF70] =	vst v6;
	v6 =	vsel vm12, $0x26, v12;
	v5 =	vsel vm8, $0x26, v5  }
0x136: {  	v11 =	vld.idx.msk [tilespmem:v11+s2+$0x0], $0xffff;
	v7 =	vsel vm13, v4, v7;
	v10 =	vimm.s32 $0x0;
	v5 =	vsel vm12, v12, v5  }
0x137: {  	v4 =	vsel vm13, v9, v4;
	v10 =	vsel vm9, $0xFFFFFFFF, v10;
	v5 =	vsel vm11, $0x27, v5  }
0x138: {  	vm9 =	vnez.u8 v13;
	v5 =	vsel vm7, v6, v5;
	vm8 =	vgt.f32 v8, v7  }
0x139: {  	v6 =	vsel vm7, $0x27, v6;
	vm12 =	vgt.f32 v8, v4;
	v7 =	vsel vm8, v8, v7  }
0x13a: {  	v5 =	vsel vm6, $0x28, v5;
	v13 =	vsel vm9, $0x28, v6;
	v7 =	vsel vm12, v4, v7  }
0x13b: {  	v5 =	vsel vm9, v6, v5;
	v6 =	vimm.s32 $0x0;
	vm11 =	vgt.f32 v11, v7  }
0x13c: {  	v6 =	vsel vm11, $0xFFFFFFFF, v6  }
0x13d: {  	v12 =	vor.u32 $0x38, v3;
	[tilespmem:$0x1FF90] =	vst v6;
	v6 =	vld [tilespmem:$0x1FE70];
	_ =	sdelay $0x2  }
0x13e: {  	[tilespmem:$0x1FF60] =	vst v10;
	v10 =	vor.u32 $0x37, v3;
	_ =	sdelay $0x1  }
0x13f: {  	vm7 =	vnez.u8 v6;
	v6 =	vld.idx.msk [tilespmem:v12+s2+$0x0], $0xffff  }
0x140: {  	v9 =	vimm.s32 $0x0;
	v12 =	vld [tilespmem:$0x1FE80]  }
0x141: {  	v9 =	vsel vm8, $0xFFFFFFFF, v9  }
0x142: {  	[tilespmem:$0x1FF80] =	vst v9;
	v9 =	vld.idx.msk [tilespmem:v10+s2+$0x0], $0xffff  }
0x143: {  	v4 =	vsel vm12, v8, v4  }
0x144: {  	vm9 =	vgt.f32 v11, v4  }
0x145: {  	v7 =	vsel vm11, v11, v7;
	v5 =	vsel vm7, $0x29, v5;
	vm8 =	vnez.u8 v12  }
0x146: {  	v7 =	vsel vm9, v4, v7;
	v12 =	vsel vm8, $0x29, v13;
	v5 =	vsel vm8, v13, v5;
	v13 =	vld [tilespmem:$0x1FEA0]  }
0x147: {  	v4 =	vsel vm9, v11, v4;
	v11 =	vimm.s32 $0x0;
	vm11 =	vgt.f32 v9, v7  }
0x148: {  	v11 =	vsel vm11, $0xFFFFFFFF, v11  }
0x149: {  	[tilespmem:$0x1FFA0] =	vst v11;
	v11 =	vld [tilespmem:$0x1FE90]  }
0x14a: {  	v10 =	vor.u32 $0x39, v3  }
0x14b: {  	vm2 =	vnez.u8 v13;
	v13 =	vld [tilespmem:$0x1FEB0];
	_ =	sdelay $0x2  }
0x14c: {  	vm8 =	vnez.u8 v11  }
0x14d: {  	v10 =	vld.idx.msk [tilespmem:v10+s2+$0x0], $0xffff;
	v7 =	vsel vm11, v9, v7;
	v5 =	vsel vm8, $0x2A, v5;
	vm8 =	vgt.f32 v9, v4  }
0x14e: {  	v7 =	vsel vm8, v4, v7;
	v5 =	vsel vm2, v12, v5;
	vm11 =	vnez.u8 v13  }
0x14f: {  	v4 =	vsel vm8, v9, v4;
	v5 =	vsel vm11, $0x2B, v5;
	vm11 =	vgt.f32 v6, v7  }
0x150: {  	v9 =	vimm.s32 $0x0;
	vm7 =	vgt.f32 v6, v4;
	v7 =	vsel vm11, v6, v7  }
0x151: {  	v8 =	vor.u32 $0x3A, v3;
	v9 =	vsel vm11, $0xFFFFFFFF, v9;
	v7 =	vsel vm7, v4, v7  }
0x152: {  	v4 =	vsel vm7, v6, v4;
	v6 =	vimm.s32 $0x0;
	vm11 =	vgt.f32 v10, v7  }
0x153: {  	v13 =	vld [tilespmem:$0x1FEC0];
	v6 =	vsel vm11, $0xFFFFFFFF, v6  }
0x154: {  	[tilespmem:$0x1FFC0] =	vst v6;
	v6 =	vld [tilespmem:$0x1FED0]  }
0x155: {  	v11 =	vor.u32 $0x3B, v3;
	_ =	sdelay $0x1  }
0x156: {  	v8 =	vld.idx.msk [tilespmem:v8+s2+$0x0], $0xffff  }
0x157: {  	[tilespmem:$0x1FFB0] =	vst v9;
	v9 =	vsel vm2, $0x2A, v12;
	vm6 =	vnez.u8 v13  }
0x158: {  	v5 =	vsel vm6, v9, v5;
	v9 =	vsel vm6, $0x2B, v9;
	vm6 =	vnez.u8 v6  }
0x159: {  	v7 =	vsel vm11, v10, v7;
	v6 =	vld.idx.msk [tilespmem:v11+s2+$0x0], $0xffff;
	v5 =	vsel vm6, $0x2C, v5;
	vm6 =	vgt.f32 v10, v4  }
0x15a: {  	v7 =	vsel vm6, v4, v7  }
0x15b: {  	v4 =	vsel vm6, v10, v4;
	vm11 =	vgt.f32 v8, v7  }
0x15c: {  	vm5 =	vgt.f32 v8, v4;
	v7 =	vsel vm11, v8, v7  }
0x15d: {  	v12 =	vor.u32 $0x3C, v3;
	v7 =	vsel vm5, v4, v7  }
0x15e: {  	v4 =	vsel vm5, v8, v4;
	v8 =	vimm.s32 $0x0;
	vm4 =	vgt.f32 v6, v7  }
0x15f: {  	v11 =	vor.u32 $0x3D, v3;
	v5 =	vsel vm10, v9, v5;
	v8 =	vsel vm4, $0xFFFFFFFF, v8  }
0x160: {  	v9 =	vsel vm10, $0x2C, v9;
	v10 =	vimm.s32 $0x0;
	v5 =	vsel vm3, $0x2D, v5;
	[tilespmem:$0x1FFE0] =	vst v8;
	v8 =	vld [tilespmem:$0x1FEE0]  }
0x161: {  	v13 =	vsel vm0, $0x2D, v9;
	v10 =	vsel vm11, $0xFFFFFFFF, v10;
	v5 =	vsel vm0, v9, v5;
	v9 =	vld [tilespmem:$0x1FEF0]  }
0x162: {  	[tilespmem:$0x1FFD0] =	vst v10;
	v10 =	vld.idx.msk [tilespmem:v12+s2+$0x0], $0xffff;
	_ =	sdelay $0x1  }
0x163: {  	v7 =	vsel vm4, v6, v7;
	vm4 =	vgt.f32 v6, v4  }
0x164: {  	v7 =	vsel vm4, v4, v7;
	v4 =	vsel vm4, v6, v4;
	vm10 =	vnez.u8 v8;
	v8 =	vld.idx.msk [tilespmem:v11+s2+$0x0], $0xffff  }
0x165: {  	v6 =	vimm.s32 $0x0;
	vm11 =	vnez.u8 v9;
	v5 =	vsel vm10, $0x2E, v5  }
0x166: {  	vm3 =	vgt.f32 v10, v4;
	vm10 =	vgt.f32 v10, v7;
	v5 =	vsel vm1, v13, v5  }
0x167: {  	v6 =	vsel vm10, $0xFFFFFFFF, v6;
	v7 =	vsel vm10, v10, v7;
	v5 =	vsel vm11, $0x2F, v5  }
0x168: {  	[tilespmem:$0x1FFF0] =	vst v6;
	v6 =	vsel vm1, $0x2E, v13;
	v7 =	vsel vm3, v4, v7;
	v4 =	vsel vm3, v10, v4  }
0x169: {  	v10 =	vld [tilespmem:$0x1FF00];
	v5 =	vsel vm14, v6, v5;
	v6 =	vsel vm14, $0x2F, v6;
	vm14 =	vgt.f32 v8, v7  }
0x16a: {  	vm2 =	vgt.f32 v8, v4;
	v7 =	vsel vm14, v8, v7  }
0x16b: {  	v7 =	vsel vm2, v4, v7;
	v4 =	vsel vm2, v8, v4;
	v8 =	vld [tilespmem:$0x1FF10];
	_ =	sdelay $0x2  }
0x16c: {  	vm11 =	vnez.u8 v10  }
0x16d: {  	v12 =	vor.u32 $0x3E, v3;
	v5 =	vsel vm11, $0x30, v5  }
0x16e: {  	v5 =	vsel vm15, v6, v5;
	v6 =	vsel vm15, $0x30, v6;
	vm15 =	vnez.u8 v8;
	v8 =	vld [tilespmem:$0x1FF20];
	_ =	sdelay $0x2  }
0x16f: {  	v3 =	vor.u32 $0x3F, v3  }
0x170: {  	v9 =	vld.idx.msk [tilespmem:v12+s2+$0x0], $0xffff  }
0x171: {  	vm10 =	vnez.u8 v8;
	v8 =	vld [tilespmem:$0x1FF30];
	_ =	sdelay $0x2  }
0x172: {  	v3 =	vld.idx.msk [tilespmem:v3+s2+$0x0], $0xffff;
	_ =	sdelay $0x1  }
0x173: {  	vm11 =	vgt.f32 v9, v7;
	vm0 =	vnez.u8 v8;
	v8 =	vld [tilespmem:$0x1FF40]  }
0x174: {  	v7 =	vsel vm11, v9, v7;
	v5 =	vsel vm15, $0x31, v5;
	vm15 =	vgt.f32 v9, v4  }
0x175: {  	v7 =	vsel vm15, v4, v7;
	v4 =	vsel vm15, v9, v4  }
0x176: {  	v5 =	vsel vm10, v6, v5;
	v6 =	vsel vm10, $0x31, v6;
	vm10 =	vgt.f32 v3, v7  }
0x177: {  	vm1 =	vgt.f32 v3, v4;
	v7 =	vsel vm10, v3, v7  }
0x178: {  	v3 =	vsel vm1, v3, v4;
	v5 =	vsel vm0, $0x32, v5;
	vm0 =	vnez.u8 v8  }
0x179: {  	v7 =	vsel vm1, v4, v7;
	v5 =	vsel vm0, v6, v5;
	v4 =	vsel vm0, $0x32, v6;
	v6 =	vld [tilespmem:$0x1FF50];
	_ =	sdelay $0x4  }
0x17a: {  	vm0 =	vnez.u8 v6;
	v6 =	vld [tilespmem:$0x1FF60];
	_ =	sdelay $0x4  }
0x17b: {  	v5 =	vsel vm0, $0x33, v5;
	vm0 =	vnez.u8 v6;
	v6 =	vld [tilespmem:$0x1FF70];
	_ =	sdelay $0x4  }
0x17c: {  	v5 =	vsel vm0, v4, v5;
	v4 =	vsel vm0, $0x33, v4;
	vm0 =	vnez.u8 v6;
	v6 =	vld [tilespmem:$0x1FF80];
	_ =	sdelay $0x1  }
0x17d: {  	v3 =	vsub.f32 v7, v3;
	_ =	sdelay $0x1  }
0x17e: {  	v3 =	vmul.f32 $1.442695020e+00, v3;
	v5 =	vsel vm0, $0x34, v5  }
0x17f: {  	v5 =	vsel vm13, v4, v5;
	v4 =	vsel vm13, $0x34, v4;
	vm13 =	vnez.u8 v6  }
0x180: {  	v5 =	vsel vm13, $0x35, v5  }
0x181: {  	(erf) = vpow2.f32 v3;
	v3 =	vsel vm12, v4, v5;
	v5 =	vld [tilespmem:$0x1FF90];
	_ =	sdelay $0x4  }
0x182: {  	vm13 =	vnez.u8 v5;
	v5 =	vld [tilespmem:$0x1FFA0];
	_ =	sdelay $0x4  }
0x183: {  	v4 =	vsel vm12, $0x35, v4;
	vm12 =	vnez.u8 v5;
	v5 =	vld [tilespmem:$0x1FFB0];
	_ =	sdelay $0x4  }
0x184: {  	v3 =	vsel vm13, $0x36, v3;
	vm13 =	vnez.u8 v5;
	v5 =	vld [tilespmem:$0x1FFC0]  }
0x185: {  	v6 =	vld [tilespmem:$0x1FFD0];
	_ =	sdelay $0x1  }
0x186: {  	v3 =	vsel vm9, v4, v3  }
0x187: {  	v4 =	vsel vm9, $0x36, v4;
	v3 =	vsel vm12, $0x37, v3  }
0x188: {  	v3 =	vsel vm8, v4, v3;
	v4 =	vsel vm8, $0x37, v4;
	vm8 =	vnez.u8 v5;
	v5 =	vpop (erf)  }
0x189: {  	v7 =	vld [tilespmem:$0x1FFE0];
	vm9 =	vnez.u8 v6;
	v3 =	vsel vm13, $0x38, v3;
	v6 =	vadd.f32 $1.000000000e+00, v5  }
0x18a: {  	v3 =	vsel vm7, v4, v3  }
0x18b: {  	v4 =	vsel vm7, $0x38, v4;
	v3 =	vsel vm8, $0x39, v3;
	(erf) = vrcp.f32 v6;
	v6 =	vld [tilespmem:$0x1FFF0]  }
0x18c: {  	v3 =	vsel vm6, v4, v3  }
0x18d: {  	v4 =	vsel vm6, $0x39, v4;
	v3 =	vsel vm9, $0x3A, v3  }
0x18e: {  	vm12 =	vnez.u8 v7;
	v3 =	vsel vm5, v4, v3  }
0x18f: {  	v4 =	vsel vm5, $0x3A, v4;
	v3 =	vsel vm12, $0x3B, v3  }
0x190: {  	v3 =	vsel vm4, v4, v3;
	vm13 =	vnez.u8 v6  }
0x191: {  	v4 =	vsel vm4, $0x3B, v4;
	v3 =	vsel vm13, $0x3C, v3  }
0x192: {  	v3 =	vsel vm3, v4, v3  }
0x193: {  	v4 =	vsel vm3, $0x3C, v4;
	v3 =	vsel vm14, $0x3D, v3  }
0x194: {  	v3 =	vsel vm2, v4, v3  }
0x195: {  	v12 =	vshll.u32 v2, $0x1;
	v4 =	vsel vm2, $0x3D, v4;
	v3 =	vsel vm11, $0x3E, v3  }
0x196: {  	v15 =	vor.u32 $0x1, v12;
	v2 =	vsel vm15, v4, v3  }
0x197: {  	s11 =	simm.s32 $0x10;
	v6 =	vsel vm15, $0x3E, v4;
	v2 =	vsel vm10, $0x3F, v2  }
0x198: {  	v7 =	vpop (erf);
	v4 =	vsel vm1, v6, v2;
	v2 =	vor.u32 s11, v0  }
0x199: {  	v8 =	vmul.f32 v7, v5;
	v13 =	vsel vm1, $0x3F, v6;
	v3 =	vshll.u32 v2, $0x6  }
0x19a: {  	[tilespmem:v12+s8+$0x0] =	vst.idx.msk $0xffff, v7;
	v19 =	vor.u32 $0x1, v3;
	v9 =	vor.u32 $0x2, v3;
	v20 =	vor.u32 $0x3, v3  }
0x19b: {  	[tilespmem:v15+s8+$0x0] =	vst.idx.msk $0xffff, v8;
	v5 =	vor.u32 $0x4, v3;
	v6 =	vor.u32 $0x5, v3;
	v7 =	vor.u32 $0x6, v3  }
0x19c: {  	s11 =	simm.s32 $0x20;
	[tilespmem:v12+s9+$0x0] =	vst.idx.msk $0xffff, v13;
	v8 =	vor.u32 $0x7, v3;
	v10 =	vor.u32 $0x8, v3;
	v11 =	vor.u32 $0x9, v3  }
.LBB2_2:
0x19d: {  	p0 =	sne.s32 s11, $0x1F0;
	v12 =	vor.u32 $0xA, v3;
	v13 =	vor.u32 $0xB, v3;
	v14 =	vor.u32 $0xC, v3;
	[tilespmem:v15+s9+$0x0] =	vst.idx.msk $0xffff, v4;
	s12 =	smov.u32 s11;
	s11 =	sadd.s32 $0x10, s11  }
0x19e: {  	v16 =	vor.u32 $0xD, v3;
	v17 =	vor.u32 $0xE, v3;
	v18 =	vor.u32 $0xF, v3;
	v4 =	vld.idx.msk [tilespmem:v3+s2+$0x0], $0xffff  }
0x19f: {  	v15 =	vor.u32 $0x11, v3;
	v27 =	vor.u32 $0x12, v3;
	v35 =	vld.idx.msk [tilespmem:v19+s2+$0x0], $0xffff;
	v19 =	vor.u32 $0x10, v3  }
0x1a0: {  	v24 =	vor.u32 $0x13, v3;
	v25 =	vor.u32 $0x14, v3;
	v26 =	vor.u32 $0x15, v3  }
0x1a1: {  	v21 =	vor.u32 $0x16, v3;
	v22 =	vor.u32 $0x17, v3;
	v30 =	vor.u32 $0x18, v3  }
0x1a2: {  	v29 =	vor.u32 $0x19, v3;
	v28 =	vor.u32 $0x1A, v3;
	v34 =	vor.u32 $0x1B, v3  }
0x1a3: {  	v31 =	vor.u32 $0x1C, v3;
	v33 =	vor.u32 $0x1D, v3;
	v32 =	vor.u32 $0x1E, v3;
	v36 =	vld.idx.msk [tilespmem:v9+s2+$0x0], $0xffff  }
0x1a4: {  	v23 =	vor.u32 $0x1F, v3;
	vm0 =	vgt.f32 v4, $-Inf;
	v9 =	vor.u32 $0x20, v3  }
0x1a5: {  	v37 =	vnsel vm0, $0xFF800000, v4;
	vm0 =	vlt.f32 v35, $-Inf;
	vm1 =	vgt.f32 v35, $-Inf  }
0x1a6: {  	v4 =	vor.u32 $0x21, v3;
	vm2 =	vgt.f32 v35, v37;
	vm0 =	vmor vm1, vm0;
	v20 =	vld.idx.msk [tilespmem:v20+s2+$0x0], $0xffff  }
0x1a7: {  	vm1 =	vmneg vm2;
	v38 =	vnsel vm0, $0xFF800000, v35;
	v39 =	vsel vm2, $0x1, v1  }
0x1a8: {  	v38 =	vsel vm1, v38, v37;
	vm0 =	vmand vm0, vm1;
	v35 =	vsel vm1, v37, v35  }
0x1a9: {  	v37 =	vsel vm0, $0x1, v1;
	vm0 =	vgt.f32 v36, v38;
	v40 =	vld.idx.msk [tilespmem:v5+s2+$0x0], $0xffff;
	v5 =	vor.u32 $0x22, v3  }
0x1aa: {  	vm1 =	vgt.f32 v36, v35;
	v38 =	vsel vm0, v36, v38;
	v37 =	vsel vm0, $0x2, v37  }
0x1ab: {  	v38 =	vsel vm1, v35, v38;
	v37 =	vsel vm1, v39, v37;
	v35 =	vsel vm1, v36, v35  }
0x1ac: {  	v36 =	vsel vm1, $0x2, v39;
	vm0 =	vgt.f32 v20, v38;
	v39 =	vld.idx.msk [tilespmem:v6+s2+$0x0], $0xffff;
	v6 =	vor.u32 $0x23, v3  }
0x1ad: {  	vm1 =	vgt.f32 v20, v35;
	v38 =	vsel vm0, v20, v38;
	v37 =	vsel vm0, $0x3, v37  }
0x1ae: {  	v20 =	vsel vm1, v20, v35;
	v38 =	vsel vm1, v35, v38;
	v37 =	vsel vm1, v36, v37  }
0x1af: {  	v35 =	vsel vm1, $0x3, v36;
	vm0 =	vgt.f32 v40, v38;
	v36 =	vld.idx.msk [tilespmem:v7+s2+$0x0], $0xffff;
	v7 =	vor.u32 $0x24, v3  }
0x1b0: {  	vm1 =	vgt.f32 v40, v20;
	v38 =	vsel vm0, v40, v38;
	v37 =	vsel vm0, $0x4, v37  }
0x1b1: {  	v38 =	vsel vm1, v20, v38;
	v37 =	vsel vm1, v35, v37;
	v20 =	vsel vm1, v40, v20  }
0x1b2: {  	v35 =	vsel vm1, $0x4, v35;
	vm0 =	vgt.f32 v39, v38;
	v40 =	vld.idx.msk [tilespmem:v8+s2+$0x0], $0xffff;
	v8 =	vor.u32 $0x25, v3  }
0x1b3: {  	vm1 =	vgt.f32 v39, v20;
	v38 =	vsel vm0, v39, v38;
	v37 =	vsel vm0, $0x5, v37  }
0x1b4: {  	v38 =	vsel vm1, v20, v38;
	v20 =	vsel vm1, v39, v20;
	v39 =	vsel vm1, $0x5, v35  }
0x1b5: {  	v35 =	vsel vm1, v35, v37;
	vm0 =	vgt.f32 v36, v38;
	v37 =	vld.idx.msk [tilespmem:v10+s2+$0x0], $0xffff;
	v10 =	vor.u32 $0x26, v3  }
0x1b6: {  	vm1 =	vgt.f32 v36, v20;
	v38 =	vsel vm0, v36, v38;
	v35 =	vsel vm0, $0x6, v35  }
0x1b7: {  	v38 =	vsel vm1, v20, v38;
	v35 =	vsel vm1, v39, v35;
	v39 =	vsel vm1, $0x6, v39  }
0x1b8: {  	v20 =	vsel vm1, v36, v20;
	vm0 =	vgt.f32 v40, v38;
	v36 =	vld.idx.msk [tilespmem:v11+s2+$0x0], $0xffff;
	v11 =	vor.u32 $0x27, v3  }
0x1b9: {  	vm1 =	vgt.f32 v40, v20;
	v38 =	vsel vm0, v40, v38;
	v35 =	vsel vm0, $0x7, v35  }
0x1ba: {  	v38 =	vsel vm1, v20, v38;
	v35 =	vsel vm1, v39, v35;
	v39 =	vsel vm1, $0x7, v39  }
0x1bb: {  	v20 =	vsel vm1, v40, v20;
	vm0 =	vgt.f32 v37, v38;
	v40 =	vld.idx.msk [tilespmem:v12+s2+$0x0], $0xffff;
	v12 =	vor.u32 $0x28, v3  }
0x1bc: {  	vm1 =	vgt.f32 v37, v20;
	v38 =	vsel vm0, v37, v38;
	v35 =	vsel vm0, $0x8, v35  }
0x1bd: {  	v38 =	vsel vm1, v20, v38;
	v35 =	vsel vm1, v39, v35;
	v39 =	vsel vm1, $0x8, v39  }
0x1be: {  	v20 =	vsel vm1, v37, v20;
	vm0 =	vgt.f32 v36, v38;
	v37 =	vld.idx.msk [tilespmem:v13+s2+$0x0], $0xffff;
	v13 =	vor.u32 $0x29, v3  }
0x1bf: {  	vm1 =	vgt.f32 v36, v20;
	v38 =	vsel vm0, v36, v38;
	v35 =	vsel vm0, $0x9, v35  }
0x1c0: {  	v38 =	vsel vm1, v20, v38;
	v35 =	vsel vm1, v39, v35;
	v39 =	vsel vm1, $0x9, v39  }
0x1c1: {  	v20 =	vsel vm1, v36, v20;
	vm0 =	vgt.f32 v40, v38;
	v36 =	vld.idx.msk [tilespmem:v14+s2+$0x0], $0xffff;
	v14 =	vor.u32 $0x2A, v3  }
0x1c2: {  	vm1 =	vgt.f32 v40, v20;
	v38 =	vsel vm0, v40, v38;
	v35 =	vsel vm0, $0xA, v35  }
0x1c3: {  	v38 =	vsel vm1, v20, v38;
	v35 =	vsel vm1, v39, v35;
	v20 =	vsel vm1, v40, v20  }
0x1c4: {  	v39 =	vsel vm1, $0xA, v39;
	vm0 =	vgt.f32 v37, v38;
	v40 =	vld.idx.msk [tilespmem:v16+s2+$0x0], $0xffff;
	v16 =	vor.u32 $0x2B, v3  }
0x1c5: {  	vm1 =	vgt.f32 v37, v20;
	v38 =	vsel vm0, v37, v38;
	v35 =	vsel vm0, $0xB, v35  }
0x1c6: {  	v38 =	vsel vm1, v20, v38;
	v35 =	vsel vm1, v39, v35;
	v20 =	vsel vm1, v37, v20  }
0x1c7: {  	v37 =	vsel vm1, $0xB, v39;
	vm0 =	vgt.f32 v36, v38;
	v39 =	vld.idx.msk [tilespmem:v17+s2+$0x0], $0xffff;
	v17 =	vor.u32 $0x2C, v3  }
0x1c8: {  	vm1 =	vgt.f32 v36, v20;
	v38 =	vsel vm0, v36, v38;
	v35 =	vsel vm0, $0xC, v35  }
0x1c9: {  	v38 =	vsel vm1, v20, v38;
	v35 =	vsel vm1, v37, v35;
	v37 =	vsel vm1, $0xC, v37  }
0x1ca: {  	v20 =	vsel vm1, v36, v20;
	vm0 =	vgt.f32 v40, v38;
	v36 =	vld.idx.msk [tilespmem:v18+s2+$0x0], $0xffff;
	v18 =	vor.u32 $0x2D, v3  }
0x1cb: {  	vm1 =	vgt.f32 v40, v20;
	v38 =	vsel vm0, v40, v38;
	v35 =	vsel vm0, $0xD, v35  }
0x1cc: {  	v38 =	vsel vm1, v20, v38;
	v35 =	vsel vm1, v37, v35;
	v37 =	vsel vm1, $0xD, v37  }
0x1cd: {  	v20 =	vsel vm1, v40, v20;
	vm0 =	vgt.f32 v39, v38;
	v40 =	vld.idx.msk [tilespmem:v19+s2+$0x0], $0xffff;
	v19 =	vor.u32 $0x2E, v3  }
0x1ce: {  	vm1 =	vgt.f32 v39, v20;
	v38 =	vsel vm0, v39, v38;
	v35 =	vsel vm0, $0xE, v35  }
0x1cf: {  	v39 =	vsel vm1, v39, v20;
	v38 =	vsel vm1, v20, v38;
	v35 =	vsel vm1, v37, v35  }
0x1d0: {  	v37 =	vsel vm1, $0xE, v37;
	v20 =	vor.u32 $0x2F, v3;
	vm0 =	vgt.f32 v36, v38;
	v41 =	vld.idx.msk [tilespmem:v15+s2+$0x0], $0xffff  }
0x1d1: {  	vm1 =	vgt.f32 v36, v39;
	v15 =	vsel vm0, v36, v38;
	v35 =	vsel vm0, $0xF, v35  }
0x1d2: {  	v38 =	vsel vm1, v39, v15;
	v35 =	vsel vm1, v37, v35;
	v15 =	vor.u32 $0x30, v3  }
0x1d3: {  	v36 =	vsel vm1, v36, v39;
	v37 =	vsel vm1, $0xF, v37;
	vm0 =	vgt.f32 v40, v38;
	v27 =	vld.idx.msk [tilespmem:v27+s2+$0x0], $0xffff  }
0x1d4: {  	vm1 =	vgt.f32 v40, v36;
	v38 =	vsel vm0, v40, v38;
	v35 =	vsel vm0, $0x10, v35  }
0x1d5: {  	v38 =	vsel vm1, v36, v38;
	v35 =	vsel vm1, v37, v35;
	v37 =	vsel vm1, $0x10, v37  }
0x1d6: {  	v36 =	vsel vm1, v40, v36;
	vm0 =	vgt.f32 v41, v38;
	v39 =	vld.idx.msk [tilespmem:v24+s2+$0x0], $0xffff;
	v24 =	vor.u32 $0x31, v3  }
0x1d7: {  	vm1 =	vgt.f32 v41, v36;
	v38 =	vsel vm0, v41, v38;
	v35 =	vsel vm0, $0x11, v35  }
0x1d8: {  	v38 =	vsel vm1, v36, v38;
	v35 =	vsel vm1, v37, v35;
	v36 =	vsel vm1, v41, v36  }
0x1d9: {  	v37 =	vsel vm1, $0x11, v37;
	vm0 =	vgt.f32 v27, v38;
	v40 =	vld.idx.msk [tilespmem:v25+s2+$0x0], $0xffff;
	v25 =	vor.u32 $0x32, v3  }
0x1da: {  	vm1 =	vgt.f32 v27, v36;
	v38 =	vsel vm0, v27, v38;
	v35 =	vsel vm0, $0x12, v35  }
0x1db: {  	v27 =	vsel vm1, v27, v36;
	v38 =	vsel vm1, v36, v38;
	v35 =	vsel vm1, v37, v35  }
0x1dc: {  	v36 =	vsel vm1, $0x12, v37;
	vm0 =	vgt.f32 v39, v38;
	v37 =	vld.idx.msk [tilespmem:v26+s2+$0x0], $0xffff;
	v26 =	vor.u32 $0x33, v3  }
0x1dd: {  	vm1 =	vgt.f32 v39, v27;
	v38 =	vsel vm0, v39, v38;
	v35 =	vsel vm0, $0x13, v35  }
0x1de: {  	v39 =	vsel vm1, v39, v27;
	v41 =	vsel vm1, $0x13, v36;
	v38 =	vsel vm1, v27, v38  }
0x1df: {  	v35 =	vsel vm1, v36, v35;
	v27 =	vor.u32 $0x34, v3;
	vm0 =	vgt.f32 v40, v38;
	v36 =	vld.idx.msk [tilespmem:v21+s2+$0x0], $0xffff  }
0x1e0: {  	vm1 =	vgt.f32 v40, v39;
	v21 =	vsel vm0, v40, v38;
	v35 =	vsel vm0, $0x14, v35  }
0x1e1: {  	v38 =	vsel vm1, v39, v21;
	v35 =	vsel vm1, v41, v35;
	v21 =	vor.u32 $0x35, v3  }
0x1e2: {  	v39 =	vsel vm1, v40, v39;
	v40 =	vsel vm1, $0x14, v41;
	vm0 =	vgt.f32 v37, v38;
	v41 =	vld.idx.msk [tilespmem:v22+s2+$0x0], $0xffff  }
0x1e3: {  	vm1 =	vgt.f32 v37, v39;
	v22 =	vsel vm0, v37, v38;
	v35 =	vsel vm0, $0x15, v35  }
0x1e4: {  	v38 =	vsel vm1, v39, v22;
	v35 =	vsel vm1, v40, v35;
	v22 =	vor.u32 $0x36, v3  }
0x1e5: {  	v37 =	vsel vm1, v37, v39;
	v39 =	vsel vm1, $0x15, v40;
	vm0 =	vgt.f32 v36, v38;
	v40 =	vld.idx.msk [tilespmem:v30+s2+$0x0], $0xffff  }
0x1e6: {  	vm1 =	vgt.f32 v36, v37;
	v30 =	vsel vm0, v36, v38;
	v35 =	vsel vm0, $0x16, v35  }
0x1e7: {  	v36 =	vsel vm1, v36, v37;
	v30 =	vsel vm1, v37, v30;
	v37 =	vsel vm1, $0x16, v39  }
0x1e8: {  	v35 =	vsel vm1, v39, v35;
	vm0 =	vgt.f32 v41, v30;
	v38 =	vld.idx.msk [tilespmem:v29+s2+$0x0], $0xffff;
	v29 =	vor.u32 $0x37, v3  }
0x1e9: {  	vm1 =	vgt.f32 v41, v36;
	v30 =	vsel vm0, v41, v30;
	v35 =	vsel vm0, $0x17, v35  }
0x1ea: {  	v39 =	vsel vm1, v36, v30;
	v35 =	vsel vm1, v37, v35;
	v37 =	vsel vm1, $0x17, v37  }
0x1eb: {  	v36 =	vsel vm1, v41, v36;
	v30 =	vor.u32 $0x38, v3;
	vm0 =	vgt.f32 v40, v39;
	v41 =	vld.idx.msk [tilespmem:v28+s2+$0x0], $0xffff  }
0x1ec: {  	vm1 =	vgt.f32 v40, v36;
	v28 =	vsel vm0, v40, v39;
	v35 =	vsel vm0, $0x18, v35  }
0x1ed: {  	v39 =	vsel vm1, v36, v28;
	v35 =	vsel vm1, v37, v35;
	v28 =	vor.u32 $0x39, v3  }
0x1ee: {  	v36 =	vsel vm1, v40, v36;
	v37 =	vsel vm1, $0x18, v37;
	vm0 =	vgt.f32 v38, v39;
	v34 =	vld.idx.msk [tilespmem:v34+s2+$0x0], $0xffff  }
0x1ef: {  	vm1 =	vgt.f32 v38, v36;
	v39 =	vsel vm0, v38, v39;
	v35 =	vsel vm0, $0x19, v35  }
0x1f0: {  	v39 =	vsel vm1, v36, v39;
	v35 =	vsel vm1, v37, v35;
	v37 =	vsel vm1, $0x19, v37  }
0x1f1: {  	v36 =	vsel vm1, v38, v36;
	vm0 =	vgt.f32 v41, v39;
	v38 =	vld.idx.msk [tilespmem:v31+s2+$0x0], $0xffff;
	v31 =	vor.u32 $0x3A, v3  }
0x1f2: {  	vm1 =	vgt.f32 v41, v36;
	v39 =	vsel vm0, v41, v39;
	v35 =	vsel vm0, $0x1A, v35  }
0x1f3: {  	v39 =	vsel vm1, v36, v39;
	v35 =	vsel vm1, v37, v35;
	v37 =	vsel vm1, $0x1A, v37  }
0x1f4: {  	v36 =	vsel vm1, v41, v36;
	vm0 =	vgt.f32 v34, v39;
	v40 =	vld.idx.msk [tilespmem:v33+s2+$0x0], $0xffff;
	v33 =	vor.u32 $0x3B, v3  }
0x1f5: {  	vm1 =	vgt.f32 v34, v36;
	v39 =	vsel vm0, v34, v39;
	v35 =	vsel vm0, $0x1B, v35  }
0x1f6: {  	v39 =	vsel vm1, v36, v39;
	v35 =	vsel vm1, v37, v35;
	v37 =	vsel vm1, $0x1B, v37  }
0x1f7: {  	v34 =	vsel vm1, v34, v36;
	vm0 =	vgt.f32 v38, v39;
	v36 =	vld.idx.msk [tilespmem:v32+s2+$0x0], $0xffff;
	v32 =	vor.u32 $0x3C, v3  }
0x1f8: {  	vm1 =	vgt.f32 v38, v34;
	v39 =	vsel vm0, v38, v39;
	v35 =	vsel vm0, $0x1C, v35  }
0x1f9: {  	v39 =	vsel vm1, v34, v39;
	v35 =	vsel vm1, v37, v35;
	v37 =	vsel vm1, $0x1C, v37  }
0x1fa: {  	v34 =	vsel vm1, v38, v34;
	vm0 =	vgt.f32 v40, v39;
	v38 =	vld.idx.msk [tilespmem:v23+s2+$0x0], $0xffff;
	v23 =	vor.u32 $0x3D, v3  }
0x1fb: {  	vm1 =	vgt.f32 v40, v34;
	v39 =	vsel vm0, v40, v39;
	v35 =	vsel vm0, $0x1D, v35  }
0x1fc: {  	v39 =	vsel vm1, v34, v39;
	v35 =	vsel vm1, v37, v35;
	v37 =	vsel vm1, $0x1D, v37  }
0x1fd: {  	v34 =	vsel vm1, v40, v34;
	vm0 =	vgt.f32 v36, v39;
	v40 =	vld.idx.msk [tilespmem:v9+s2+$0x0], $0xffff;
	v9 =	vor.u32 $0x3E, v3  }
0x1fe: {  	vm1 =	vgt.f32 v36, v34;
	v39 =	vsel vm0, v36, v39;
	v35 =	vsel vm0, $0x1E, v35  }
0x1ff: {  	v3 =	vor.u32 $0x3F, v3;
	v39 =	vsel vm1, v34, v39;
	v35 =	vsel vm1, v37, v35  }
0x200: {  	v34 =	vsel vm1, v36, v34;
	vm0 =	vgt.f32 v38, v39;
	v4 =	vld.idx.msk [tilespmem:v4+s2+$0x0], $0xffff  }
0x201: {  	v36 =	vsel vm1, $0x1E, v37;
	vm1 =	vgt.f32 v38, v34;
	v37 =	vsel vm0, v38, v39  }
0x202: {  	v35 =	vsel vm0, $0x1F, v35;
	v39 =	vsel vm1, $0x1F, v36;
	v37 =	vsel vm1, v34, v37  }
0x203: {  	v35 =	vsel vm1, v36, v35;
	v34 =	vsel vm1, v38, v34;
	vm0 =	vgt.f32 v40, v37;
	v5 =	vld.idx.msk [tilespmem:v5+s2+$0x0], $0xffff  }
0x204: {  	vm1 =	vgt.f32 v40, v34;
	v36 =	vsel vm0, v40, v37;
	v35 =	vsel vm0, $0x20, v35  }
0x205: {  	v37 =	vsel vm1, $0x20, v39;
	v36 =	vsel vm1, v34, v36;
	v35 =	vsel vm1, v39, v35  }
0x206: {  	v34 =	vsel vm1, v40, v34;
	vm0 =	vgt.f32 v4, v36;
	v6 =	vld.idx.msk [tilespmem:v6+s2+$0x0], $0xffff  }
0x207: {  	vm1 =	vgt.f32 v4, v34;
	v36 =	vsel vm0, v4, v36;
	v35 =	vsel vm0, $0x21, v35  }
0x208: {  	v36 =	vsel vm1, v34, v36;
	v35 =	vsel vm1, v37, v35;
	v37 =	vsel vm1, $0x21, v37  }
0x209: {  	v4 =	vsel vm1, v4, v34;
	vm0 =	vgt.f32 v5, v36;
	v7 =	vld.idx.msk [tilespmem:v7+s2+$0x0], $0xffff  }
0x20a: {  	vm1 =	vgt.f32 v5, v4;
	v34 =	vsel vm0, v5, v36;
	v35 =	vsel vm0, $0x22, v35  }
0x20b: {  	v34 =	vsel vm1, v4, v34;
	v35 =	vsel vm1, v37, v35;
	v4 =	vsel vm1, v5, v4  }
0x20c: {  	v5 =	vsel vm1, $0x22, v37;
	vm0 =	vgt.f32 v6, v34;
	v8 =	vld.idx.msk [tilespmem:v8+s2+$0x0], $0xffff  }
0x20d: {  	vm1 =	vgt.f32 v6, v4;
	v34 =	vsel vm0, v6, v34;
	v35 =	vsel vm0, $0x23, v35  }
0x20e: {  	v34 =	vsel vm1, v4, v34;
	v35 =	vsel vm1, v5, v35  }
0x20f: {  	v4 =	vsel vm1, v6, v4;
	v5 =	vsel vm1, $0x23, v5;
	vm0 =	vgt.f32 v7, v34;
	v6 =	vld.idx.msk [tilespmem:v10+s2+$0x0], $0xffff  }
0x210: {  	vm1 =	vgt.f32 v7, v4;
	v10 =	vsel vm0, v7, v34;
	v34 =	vsel vm0, $0x24, v35  }
0x211: {  	v10 =	vsel vm1, v4, v10;
	v34 =	vsel vm1, v5, v34  }
0x212: {  	v4 =	vsel vm1, v7, v4;
	v5 =	vsel vm1, $0x24, v5;
	vm0 =	vgt.f32 v8, v10;
	v7 =	vld.idx.msk [tilespmem:v11+s2+$0x0], $0xffff  }
0x213: {  	vm1 =	vgt.f32 v8, v4;
	v10 =	vsel vm0, v8, v10;
	v11 =	vsel vm0, $0x25, v34  }
0x214: {  	v10 =	vsel vm1, v4, v10;
	v11 =	vsel vm1, v5, v11;
	v4 =	vsel vm1, v8, v4  }
0x215: {  	vm0 =	vgt.f32 v6, v10;
	v8 =	vld.idx.msk [tilespmem:v12+s2+$0x0], $0xffff  }
0x216: {  	vm2 =	vgt.f32 v6, v4;
	v10 =	vsel vm0, v6, v10  }
0x217: {  	v5 =	vsel vm1, $0x25, v5;
	v11 =	vsel vm0, $0x26, v11;
	v10 =	vsel vm2, v4, v10  }
0x218: {  	v11 =	vsel vm2, v5, v11;
	v4 =	vsel vm2, v6, v4;
	vm0 =	vgt.f32 v7, v10;
	v6 =	vld.idx.msk [tilespmem:v13+s2+$0x0], $0xffff  }
0x219: {  	vm1 =	vgt.f32 v7, v4;
	v10 =	vsel vm0, v7, v10;
	v11 =	vsel vm0, $0x27, v11  }
0x21a: {  	v5 =	vsel vm2, $0x26, v5;
	v10 =	vsel vm1, v4, v10  }
0x21b: {  	v11 =	vsel vm1, v5, v11;
	v4 =	vsel vm1, v7, v4;
	vm0 =	vgt.f32 v8, v10;
	v7 =	vld.idx.msk [tilespmem:v14+s2+$0x0], $0xffff  }
0x21c: {  	vm2 =	vgt.f32 v8, v4;
	v10 =	vsel vm0, v8, v10;
	v11 =	vsel vm0, $0x28, v11  }
0x21d: {  	v5 =	vsel vm1, $0x27, v5;
	v10 =	vsel vm2, v4, v10  }
0x21e: {  	v4 =	vsel vm2, v8, v4;
	v8 =	vsel vm2, $0x28, v5;
	vm0 =	vgt.f32 v6, v10;
	v12 =	vld.idx.msk [tilespmem:v16+s2+$0x0], $0xffff  }
0x21f: {  	v5 =	vsel vm2, v5, v11;
	vm1 =	vgt.f32 v6, v4;
	v10 =	vsel vm0, v6, v10  }
0x220: {  	v5 =	vsel vm0, $0x29, v5;
	v11 =	vsel vm1, $0x29, v8;
	v10 =	vsel vm1, v4, v10  }
0x221: {  	v5 =	vsel vm1, v8, v5;
	v4 =	vsel vm1, v6, v4;
	vm0 =	vgt.f32 v7, v10;
	v6 =	vld.idx.msk [tilespmem:v17+s2+$0x0], $0xffff  }
0x222: {  	vm1 =	vgt.f32 v7, v4;
	v8 =	vsel vm0, v7, v10;
	v5 =	vsel vm0, $0x2A, v5  }
0x223: {  	v8 =	vsel vm1, v4, v8;
	v5 =	vsel vm1, v11, v5;
	v4 =	vsel vm1, v7, v4  }
0x224: {  	vm0 =	vgt.f32 v12, v8;
	v7 =	vld.idx.msk [tilespmem:v18+s2+$0x0], $0xffff  }
0x225: {  	vm2 =	vgt.f32 v12, v4;
	v8 =	vsel vm0, v12, v8;
	v5 =	vsel vm0, $0x2B, v5  }
0x226: {  	v10 =	vsel vm1, $0x2A, v11;
	v8 =	vsel vm2, v4, v8;
	v4 =	vsel vm2, v12, v4  }
0x227: {  	v5 =	vsel vm2, v10, v5;
	v10 =	vsel vm2, $0x2B, v10;
	vm0 =	vgt.f32 v6, v8;
	v11 =	vld.idx.msk [tilespmem:v19+s2+$0x0], $0xffff  }
0x228: {  	vm1 =	vgt.f32 v6, v4;
	v8 =	vsel vm0, v6, v8;
	v5 =	vsel vm0, $0x2C, v5  }
0x229: {  	v8 =	vsel vm1, v4, v8;
	v5 =	vsel vm1, v10, v5  }
0x22a: {  	v4 =	vsel vm1, v6, v4;
	v6 =	vsel vm1, $0x2C, v10;
	vm0 =	vgt.f32 v7, v8;
	v10 =	vld.idx.msk [tilespmem:v20+s2+$0x0], $0xffff  }
0x22b: {  	vm1 =	vgt.f32 v7, v4;
	v8 =	vsel vm0, v7, v8;
	v5 =	vsel vm0, $0x2D, v5  }
0x22c: {  	v12 =	vsel vm1, $0x2D, v6;
	v8 =	vsel vm1, v4, v8  }
0x22d: {  	v5 =	vsel vm1, v6, v5;
	v4 =	vsel vm1, v7, v4;
	vm0 =	vgt.f32 v11, v8;
	v6 =	vld.idx.msk [tilespmem:v15+s2+$0x0], $0xffff  }
0x22e: {  	vm1 =	vgt.f32 v11, v4;
	v7 =	vsel vm0, v11, v8;
	v5 =	vsel vm0, $0x2E, v5  }
0x22f: {  	v7 =	vsel vm1, v4, v7;
	v5 =	vsel vm1, v12, v5;
	v4 =	vsel vm1, v11, v4  }
0x230: {  	vm0 =	vgt.f32 v10, v7;
	v8 =	vld.idx.msk [tilespmem:v24+s2+$0x0], $0xffff  }
0x231: {  	vm2 =	vgt.f32 v10, v4;
	v7 =	vsel vm0, v10, v7;
	v5 =	vsel vm0, $0x2F, v5  }
0x232: {  	v11 =	vsel vm1, $0x2E, v12;
	v7 =	vsel vm2, v4, v7;
	v4 =	vsel vm2, v10, v4  }
0x233: {  	v5 =	vsel vm2, v11, v5;
	v10 =	vsel vm2, $0x2F, v11;
	vm0 =	vgt.f32 v6, v7;
	v11 =	vld.idx.msk [tilespmem:v25+s2+$0x0], $0xffff  }
0x234: {  	vm1 =	vgt.f32 v6, v4;
	v7 =	vsel vm0, v6, v7;
	v5 =	vsel vm0, $0x30, v5  }
0x235: {  	v7 =	vsel vm1, v4, v7;
	v5 =	vsel vm1, v10, v5  }
0x236: {  	v4 =	vsel vm1, v6, v4;
	v6 =	vsel vm1, $0x30, v10;
	vm0 =	vgt.f32 v8, v7;
	v10 =	vld.idx.msk [tilespmem:v26+s2+$0x0], $0xffff  }
0x237: {  	vm1 =	vgt.f32 v8, v4;
	v7 =	vsel vm0, v8, v7;
	v5 =	vsel vm0, $0x31, v5  }
0x238: {  	v7 =	vsel vm1, v4, v7;
	v5 =	vsel vm1, v6, v5;
	v6 =	vsel vm1, $0x31, v6  }
0x239: {  	v4 =	vsel vm1, v8, v4;
	vm0 =	vgt.f32 v11, v7;
	v8 =	vld.idx.msk [tilespmem:v27+s2+$0x0], $0xffff  }
0x23a: {  	vm1 =	vgt.f32 v11, v4;
	v7 =	vsel vm0, v11, v7;
	v5 =	vsel vm0, $0x32, v5  }
0x23b: {  	v7 =	vsel vm1, v4, v7;
	v5 =	vsel vm1, v6, v5;
	v6 =	vsel vm1, $0x32, v6  }
0x23c: {  	v4 =	vsel vm1, v11, v4;
	vm0 =	vgt.f32 v10, v7;
	v11 =	vld.idx.msk [tilespmem:v21+s2+$0x0], $0xffff  }
0x23d: {  	vm1 =	vgt.f32 v10, v4;
	v7 =	vsel vm0, v10, v7;
	v5 =	vsel vm0, $0x33, v5  }
0x23e: {  	v7 =	vsel vm1, v4, v7;
	v5 =	vsel vm1, v6, v5  }
0x23f: {  	v4 =	vsel vm1, v10, v4;
	v6 =	vsel vm1, $0x33, v6;
	vm0 =	vgt.f32 v8, v7;
	v10 =	vld.idx.msk [tilespmem:v22+s2+$0x0], $0xffff  }
0x240: {  	vm1 =	vgt.f32 v8, v4;
	v7 =	vsel vm0, v8, v7;
	v5 =	vsel vm0, $0x34, v5  }
0x241: {  	v7 =	vsel vm1, v4, v7;
	v5 =	vsel vm1, v6, v5;
	v6 =	vsel vm1, $0x34, v6  }
0x242: {  	v4 =	vsel vm1, v8, v4;
	vm0 =	vgt.f32 v11, v7;
	v8 =	vld.idx.msk [tilespmem:v29+s2+$0x0], $0xffff  }
0x243: {  	vm1 =	vgt.f32 v11, v4;
	v7 =	vsel vm0, v11, v7;
	v5 =	vsel vm0, $0x35, v5  }
0x244: {  	v7 =	vsel vm1, v4, v7;
	v5 =	vsel vm1, v6, v5;
	v6 =	vsel vm1, $0x35, v6  }
0x245: {  	v4 =	vsel vm1, v11, v4;
	vm0 =	vgt.f32 v10, v7;
	v11 =	vld.idx.msk [tilespmem:v30+s2+$0x0], $0xffff  }
0x246: {  	vm1 =	vgt.f32 v10, v4;
	v7 =	vsel vm0, v10, v7;
	v5 =	vsel vm0, $0x36, v5  }
0x247: {  	v7 =	vsel vm1, v4, v7;
	v5 =	vsel vm1, v6, v5  }
0x248: {  	v4 =	vsel vm1, v10, v4;
	v6 =	vsel vm1, $0x36, v6;
	vm0 =	vgt.f32 v8, v7;
	v10 =	vld.idx.msk [tilespmem:v28+s2+$0x0], $0xffff  }
0x249: {  	vm1 =	vgt.f32 v8, v4;
	v7 =	vsel vm0, v8, v7;
	v5 =	vsel vm0, $0x37, v5  }
0x24a: {  	v7 =	vsel vm1, v4, v7;
	v5 =	vsel vm1, v6, v5  }
0x24b: {  	v4 =	vsel vm1, v8, v4;
	v6 =	vsel vm1, $0x37, v6;
	vm0 =	vgt.f32 v11, v7;
	v8 =	vld.idx.msk [tilespmem:v31+s2+$0x0], $0xffff  }
0x24c: {  	vm1 =	vgt.f32 v11, v4;
	v7 =	vsel vm0, v11, v7;
	v5 =	vsel vm0, $0x38, v5  }
0x24d: {  	v7 =	vsel vm1, v4, v7;
	v5 =	vsel vm1, v6, v5;
	v12 =	vld.idx.msk [tilespmem:v33+s2+$0x0], $0xffff  }
0x24e: {  	v4 =	vsel vm1, v11, v4;
	v6 =	vsel vm1, $0x38, v6;
	vm0 =	vgt.f32 v10, v7  }
0x24f: {  	vm1 =	vgt.f32 v10, v4;
	v7 =	vsel vm0, v10, v7;
	v5 =	vsel vm0, $0x39, v5  }
0x250: {  	v7 =	vsel vm1, v4, v7;
	v5 =	vsel vm1, v6, v5;
	v4 =	vsel vm1, v10, v4  }
0x251: {  	v6 =	vsel vm1, $0x39, v6;
	vm0 =	vgt.f32 v8, v4;
	vm1 =	vgt.f32 v8, v7;
	v10 =	vld.idx.msk [tilespmem:v32+s2+$0x0], $0xffff  }
0x252: {  	v7 =	vsel vm1, v8, v7;
	v5 =	vsel vm1, $0x3A, v5;
	v8 =	vsel vm0, v8, v4  }
0x253: {  	v4 =	vsel vm0, v4, v7;
	v5 =	vsel vm0, v6, v5;
	vm1 =	vgt.f32 v12, v8  }
0x254: {  	v6 =	vsel vm0, $0x3A, v6;
	vm0 =	vgt.f32 v12, v4;
	v7 =	vld.idx.msk [tilespmem:v23+s2+$0x0], $0xffff  }
0x255: {  	v11 =	vsel vm1, v12, v8;
	v4 =	vsel vm0, v12, v4;
	v5 =	vsel vm0, $0x3B, v5  }
0x256: {  	v4 =	vsel vm1, v8, v4;
	v5 =	vsel vm1, v6, v5  }
0x257: {  	v6 =	vsel vm1, $0x3B, v6;
	vm0 =	vgt.f32 v10, v4;
	v8 =	vld.idx.msk [tilespmem:v9+s2+$0x0], $0xffff  }
0x258: {  	vm1 =	vgt.f32 v10, v11;
	v4 =	vsel vm0, v10, v4;
	v5 =	vsel vm0, $0x3C, v5  }
0x259: {  	v9 =	vsel vm1, v10, v11;
	v4 =	vsel vm1, v11, v4;
	v5 =	vsel vm1, v6, v5  }
0x25a: {  	v6 =	vsel vm1, $0x3C, v6;
	vm0 =	vgt.f32 v7, v4;
	v3 =	vld.idx.msk [tilespmem:v3+s2+$0x0], $0xffff  }
0x25b: {  	vm1 =	vgt.f32 v7, v9;
	v4 =	vsel vm0, v7, v4;
	v5 =	vsel vm0, $0x3D, v5  }
0x25c: {  	v4 =	vsel vm1, v9, v4;
	v5 =	vsel vm1, v6, v5;
	v6 =	vsel vm1, $0x3D, v6  }
0x25d: {  	v7 =	vsel vm1, v7, v9;
	vm0 =	vgt.f32 v8, v4  }
0x25e: {  	vm1 =	vgt.f32 v8, v7;
	v4 =	vsel vm0, v8, v4;
	v5 =	vsel vm0, $0x3E, v5  }
0x25f: {  	v4 =	vsel vm1, v7, v4;
	v5 =	vsel vm1, v6, v5  }
0x260: {  	v7 =	vsel vm1, v8, v7;
	v6 =	vsel vm1, $0x3E, v6;
	vm1 =	vgt.f32 v3, v4  }
0x261: {  	vm0 =	vgt.f32 v3, v7;
	v4 =	vsel vm1, v3, v4;
	v5 =	vsel vm1, $0x3F, v5  }
0x262: {  	v3 =	vsel vm0, v3, v7;
	v8 =	vsel vm0, v7, v4;
	v4 =	vsel vm0, v6, v5  }
0x263: {  	v3 =	vsub.f32 v8, v3;
	_ =	sdelay $0x1  }
0x264: {  	v3 =	vmul.f32 $1.442695020e+00, v3;
	_ =	sdelay $0x1  }
0x265: {  	(erf) = vpow2.f32 v3;
	_ =	sdelay $0x8  }
0x266: {  	v5 =	vpop (erf)  }
0x267: {  	v3 =	vadd.f32 $1.000000000e+00, v5;
	_ =	sdelay $0x1  }
0x268: {  	(erf) = vrcp.f32 v3;
	_ =	sdelay $0x4  }
0x269: {  	v12 =	vshll.u32 v2, $0x1;
	_ =	sdelay $0x1  }
0x26a: {  	v15 =	vor.u32 $0x1, v12;
	_ =	sdelay $0x1  }
.Ltmp0:
0x26b: {  	v2 =	vor.u32 s12, v0;
	v7 =	vpop (erf);
	(pc) =	sbr.rel @p0 .LBB2_2-.Ltmp0, $4  }
0x26c: {  	v13 =	vsel vm0, $0x3F, v6;
	v3 =	vshll.u32 v2, $0x6;
	[tilespmem:v12+s8+$0x0] =	vst.idx.msk $0xffff, v7;
	v8 =	vmul.f32 v7, v5  }
0x26d: {  	v19 =	vor.u32 $0x1, v3;
	v9 =	vor.u32 $0x2, v3;
	v20 =	vor.u32 $0x3, v3  }
0x26e: {  	v6 =	vor.u32 $0x5, v3;
	v5 =	vor.u32 $0x4, v3;
	v7 =	vor.u32 $0x6, v3;
	[tilespmem:v15+s8+$0x0] =	vst.idx.msk $0xffff, v8  }
0x26f: {  	v10 =	vor.u32 $0x8, v3;
	v11 =	vor.u32 $0x9, v3;
	v8 =	vor.u32 $0x7, v3;
	[tilespmem:v12+s9+$0x0] =	vst.idx.msk $0xffff, v13  }
0x270: {  	_ =	sdelay $0x3  }
0x271: {  	[tilespmem:v15+s9+$0x0] =	vst.idx.msk $0xffff, v4  }
0x272: {  	v4 =	vld.idx.msk [tilespmem:v3+s2+$0x0], $0xffff  }
0x273: {  	v13 =	vimm.s32 $0x0;
	v12 =	vld.idx.msk [tilespmem:v19+s2+$0x0], $0xffff  }
0x274: {  	v44 =	vimm.s32 $0x0;
	v46 =	vimm.s32 $0x0;
	v48 =	vimm.s32 $0x0  }
0x275: {  	v49 =	vimm.s32 $0x0;
	v52 =	vimm.s32 $0x0;
	v54 =	vor.u32 $0xA, v3  }
0x276: {  	v55 =	vimm.s32 $0x0;
	v57 =	vor.u32 $0xB, v3;
	v58 =	vimm.s32 $0x0  }
0x277: {  	v60 =	vor.u32 $0xC, v3;
	v61 =	vimm.s32 $0x0;
	v9 =	vld.idx.msk [tilespmem:v9+s2+$0x0], $0xffff;
	vm0 =	vgt.f32 v4, $-Inf  }
0x278: {  	vm8 =	vlt.f32 v12, $-Inf;
	vm2 =	vgt.f32 v12, $-Inf;
	v4 =	vnsel vm0, $0xFF800000, v4  }
0x279: {  	v63 =	vor.u32 $0xD, v3;
	vm0 =	vmor vm2, vm8;
	vm15 =	vgt.f32 v12, v4  }
0x27a: {  	v16 =	vor.u32 $0xF, v3;
	v43 =	vld.idx.msk [tilespmem:v20+s2+$0x0], $0xffff;
	v14 =	vnsel vm0, $0xFF800000, v12;
	vm1 =	vmneg vm15  }
0x27b: {  	v17 =	vimm.s32 $0x0;
	v22 =	vor.u32 $0x11, v3;
	v14 =	vsel vm1, v14, v4  }
0x27c: {  	v23 =	vimm.s32 $0x0;
	v4 =	vsel vm1, v4, v12;
	vm9 =	vgt.f32 v9, v14  }
0x27d: {  	v5 =	vld.idx.msk [tilespmem:v5+s2+$0x0], $0xffff;
	vm2 =	vgt.f32 v9, v4;
	v12 =	vsel vm9, $0xFFFFFFFF, v44;
	v45 =	vsel vm9, v9, v14  }
0x27e: {  	v25 =	vor.u32 $0x12, v3;
	v26 =	vimm.s32 $0x0;
	[tilespmem:$0x1F770] =	vst v12;
	v12 =	vsel vm2, v4, v45  }
0x27f: {  	v28 =	vimm.s32 $0x0;
	v4 =	vsel vm2, v9, v4;
	vm10 =	vgt.f32 v43, v12  }
0x280: {  	v6 =	vld.idx.msk [tilespmem:v6+s2+$0x0], $0xffff;
	vm3 =	vgt.f32 v43, v4;
	v9 =	vsel vm10, $0xFFFFFFFF, v46;
	v47 =	vsel vm10, v43, v12  }
0x281: {  	v29 =	vor.u32 $0x13, v3;
	v30 =	vimm.s32 $0x0;
	[tilespmem:$0x1F780] =	vst v9;
	v9 =	vsel vm3, v4, v47  }
0x282: {  	v32 =	vimm.s32 $0x0;
	v4 =	vsel vm3, v43, v4;
	vm11 =	vgt.f32 v5, v9  }
0x283: {  	v34 =	vor.u32 $0x14, v3;
	v7 =	vld.idx.msk [tilespmem:v7+s2+$0x0], $0xffff;
	vm4 =	vgt.f32 v5, v4;
	v9 =	vsel vm11, v5, v9  }
0x284: {  	v36 =	vimm.s32 $0x0;
	v38 =	vimm.s32 $0x0;
	v9 =	vsel vm4, v4, v9  }
0x285: {  	v40 =	vor.u32 $0x15, v3;
	v50 =	vld.idx.msk [tilespmem:v8+s2+$0x0], $0xffff;
	v4 =	vsel vm4, v5, v4;
	vm12 =	vgt.f32 v6, v9  }
0x286: {  	v41 =	vimm.s32 $0x0;
	v53 =	vld.idx.msk [tilespmem:v10+s2+$0x0], $0xffff;
	vm5 =	vgt.f32 v6, v4;
	v51 =	vsel vm12, v6, v9  }
0x287: {  	v56 =	vld.idx.msk [tilespmem:v11+s2+$0x0], $0xffff;
	v11 =	vimm.s32 $0x0;
	v19 =	vor.u32 $0x10, v3;
	v8 =	vsel vm5, v4, v51  }
0x288: {  	v20 =	vimm.s32 $0x0;
	v59 =	vld.idx.msk [tilespmem:v54+s2+$0x0], $0xffff;
	v4 =	vsel vm5, v6, v4;
	vm13 =	vgt.f32 v7, v8  }
0x289: {  	v62 =	vld.idx.msk [tilespmem:v57+s2+$0x0], $0xffff;
	v54 =	vimm.s32 $0x0;
	vm6 =	vgt.f32 v7, v4;
	v8 =	vsel vm13, v7, v8  }
0x28a: {  	v27 =	vld.idx.msk [tilespmem:v22+s2+$0x0], $0xffff;
	v57 =	vor.u32 $0x19, v3;
	v22 =	vimm.s32 $0x0;
	v8 =	vsel vm6, v4, v8  }
0x28b: {  	v31 =	vld.idx.msk [tilespmem:v25+s2+$0x0], $0xffff;
	v25 =	vor.u32 $0x1D, v3;
	v4 =	vsel vm6, v7, v4;
	vm14 =	vgt.f32 v50, v8  }
0x28c: {  	v13 =	vsel vm0, $0xFFFFFFFF, v13;
	vm7 =	vgt.f32 v50, v4;
	v8 =	vsel vm14, v50, v8  }
0x28d: {  	[tilespmem:$0x1F760] =	vst v13;
	v13 =	vor.u32 $0xE, v3;
	v33 =	vsel vm15, $0x1, v1;
	v8 =	vsel vm7, v4, v8  }
0x28e: {  	v5 =	vsel vm12, $0xFFFFFFFF, v49;
	v4 =	vsel vm7, v50, v4;
	vm8 =	vgt.f32 v53, v8  }
0x28f: {  	[tilespmem:$0x1F7A0] =	vst v5;
	v5 =	vsel vm8, $0xFFFFFFFF, v58;
	v8 =	vsel vm8, v53, v8;
	vm8 =	vgt.f32 v53, v4  }
0x290: {  	v14 =	vimm.s32 $0x0;
	v42 =	vsel vm2, $0x2, v33;
	v8 =	vsel vm8, v4, v8  }
0x291: {  	v35 =	vld [tilespmem:$0x1F760];
	v6 =	vsel vm13, $0xFFFFFFFF, v52;
	v4 =	vsel vm8, v53, v4;
	vm9 =	vgt.f32 v56, v8  }
0x292: {  	[tilespmem:$0x1F7B0] =	vst v6;
	v6 =	vsel vm9, $0xFFFFFFFF, v61;
	v8 =	vsel vm9, v56, v8;
	vm9 =	vgt.f32 v56, v4  }
0x293: {  	v45 =	vor.u32 $0x16, v3;
	v12 =	vsel vm11, $0xFFFFFFFF, v48;
	v8 =	vsel vm9, v4, v8  }
0x294: {  	[tilespmem:$0x1F790] =	vst v12;
	v7 =	vsel vm14, $0xFFFFFFFF, v55;
	v4 =	vsel vm9, v56, v4;
	vm10 =	vgt.f32 v59, v8  }
0x295: {  	v12 =	vld.idx.msk [tilespmem:v60+s2+$0x0], $0xffff;
	[tilespmem:$0x1F7C0] =	vst v7;
	v7 =	vsel vm10, $0xFFFFFFFF, v11;
	v8 =	vsel vm10, v59, v8;
	vm10 =	vgt.f32 v59, v4  }
0x296: {  	vm15 =	vnez.u8 v35;
	v46 =	vimm.s32 $0x0;
	v8 =	vsel vm10, v4, v8  }
0x297: {  	vm1 =	vmand vm15, vm1;
	v4 =	vsel vm10, v59, v4;
	vm11 =	vgt.f32 v62, v8  }
0x298: {  	v15 =	vld.idx.msk [tilespmem:v63+s2+$0x0], $0xffff;
	[tilespmem:$0x1F7D0] =	vst v5;
	v5 =	vsel vm11, $0xFFFFFFFF, v14;
	v8 =	vsel vm11, v62, v8;
	vm11 =	vgt.f32 v62, v4  }
0x299: {  	v43 =	vld.idx.msk [tilespmem:v34+s2+$0x0], $0xffff;
	v34 =	vimm.s32 $0x0;
	v37 =	vsel vm1, $0x1, v1;
	v8 =	vsel vm11, v4, v8  }
0x29a: {  	v49 =	vor.u32 $0x17, v3;
	v4 =	vsel vm11, v62, v4;
	vm12 =	vgt.f32 v12, v8  }
0x29b: {  	v18 =	vld.idx.msk [tilespmem:v13+s2+$0x0], $0xffff;
	[tilespmem:$0x1F7E0] =	vst v6;
	v6 =	vsel vm12, $0xFFFFFFFF, v17;
	v8 =	vsel vm12, v12, v8;
	vm12 =	vgt.f32 v12, v4  }
0x29c: {  	v51 =	vld.idx.msk [tilespmem:v45+s2+$0x0], $0xffff;
	v45 =	vor.u32 $0x22, v3;
	v61 =	vor.u32 $0x1A, v3;
	v8 =	vsel vm12, v4, v8  }
0x29d: {  	v17 =	vor.u32 $0x1B, v3;
	v4 =	vsel vm12, v12, v4;
	vm13 =	vgt.f32 v15, v8  }
0x29e: {  	v21 =	vld.idx.msk [tilespmem:v16+s2+$0x0], $0xffff;
	[tilespmem:$0x1F7F0] =	vst v7;
	v7 =	vsel vm13, $0xFFFFFFFF, v20;
	v8 =	vsel vm13, v15, v8;
	vm13 =	vgt.f32 v15, v4  }
0x29f: {  	v50 =	vimm.s32 $0x0;
	v58 =	vimm.s32 $0x0;
	v8 =	vsel vm13, v4, v8  }
0x2a0: {  	v53 =	vor.u32 $0x18, v3;
	v4 =	vsel vm13, v15, v4;
	vm14 =	vgt.f32 v18, v8  }
0x2a1: {  	v24 =	vld.idx.msk [tilespmem:v19+s2+$0x0], $0xffff;
	[tilespmem:$0x1F800] =	vst v5;
	v5 =	vsel vm14, $0xFFFFFFFF, v23;
	v8 =	vsel vm14, v18, v8;
	vm14 =	vgt.f32 v18, v4  }
0x2a2: {  	v19 =	vld.idx.msk [tilespmem:v61+s2+$0x0], $0xffff;
	v61 =	vor.u32 $0x25, v3;
	v62 =	vimm.s32 $0x0;
	v8 =	vsel vm14, v4, v8  }
0x2a3: {  	v23 =	vld.idx.msk [tilespmem:v17+s2+$0x0], $0xffff;
	v17 =	vor.u32 $0x26, v3;
	v4 =	vsel vm14, v18, v4;
	vm0 =	vgt.f32 v21, v8  }
0x2a4: {  	[tilespmem:$0x1F810] =	vst v6;
	v6 =	vsel vm0, $0xFFFFFFFF, v26;
	v8 =	vsel vm0, v21, v8;
	vm0 =	vgt.f32 v21, v4  }
0x2a5: {  	v18 =	vimm.s32 $0x0;
	v26 =	vimm.s32 $0x0;
	v8 =	vsel vm0, v4, v8  }
0x2a6: {  	v39 =	vld [tilespmem:$0x1F770];
	v10 =	vsel vm0, $0xFFFFFFFF, v28;
	v4 =	vsel vm0, v21, v4;
	vm0 =	vgt.f32 v24, v8  }
0x2a7: {  	[tilespmem:$0x1F820] =	vst v7;
	v7 =	vsel vm0, $0xFFFFFFFF, v30;
	v8 =	vsel vm0, v24, v8;
	vm0 =	vgt.f32 v24, v4  }
0x2a8: {  	v21 =	vor.u32 $0x1C, v3;
	[tilespmem:$0x1F850] =	vst v10;
	v10 =	vld.idx.msk [tilespmem:v29+s2+$0x0], $0xffff;
	v29 =	vor.u32 $0x1E, v3;
	v8 =	vsel vm0, v4, v8  }
0x2a9: {  	v30 =	vimm.s32 $0x0;
	v4 =	vsel vm0, v24, v4;
	vm15 =	vgt.f32 v27, v8  }
0x2aa: {  	v44 =	vld [tilespmem:$0x1F780];
	[tilespmem:$0x1F830] =	vst v5;
	v9 =	vsel vm0, $0xFFFFFFFF, v32;
	vm0 =	vgt.f32 v27, v4;
	v5 =	vsel vm15, $0xFFFFFFFF, v36  }
0x2ab: {  	v55 =	vld.idx.msk [tilespmem:v49+s2+$0x0], $0xffff;
	[tilespmem:$0x1F860] =	vst v7;
	v8 =	vsel vm15, v27, v8;
	v12 =	vsel vm0, $0xFFFFFFFF, v38;
	vm15 =	vnez.u8 v39  }
0x2ac: {  	v49 =	vld [tilespmem:$0x1F860];
	v38 =	vimm.s32 $0x0;
	[tilespmem:$0x1F880] =	vst v5;
	v5 =	vsel vm15, $0x2, v37;
	v8 =	vsel vm0, v4, v8  }
0x2ad: {  	v4 =	vsel vm0, v27, v4;
	v27 =	vld.idx.msk [tilespmem:v21+s2+$0x0], $0xffff;
	v37 =	vor.u32 $0x20, v3;
	v21 =	vor.u32 $0x27, v3  }
0x2ae: {  	v35 =	vld.idx.msk [tilespmem:v29+s2+$0x0], $0xffff;
	v29 =	vor.u32 $0x29, v3;
	v5 =	vsel vm2, v33, v5;
	vm15 =	vgt.f32 v31, v8  }
0x2af: {  	v48 =	vld [tilespmem:$0x1F790];
	[tilespmem:$0x1F840] =	vst v6;
	vm2 =	vgt.f32 v31, v4;
	v33 =	vor.u32 $0x1F, v3;
	v6 =	vsel vm15, $0xFFFFFFFF, v41  }
0x2b0: {  	v8 =	vsel vm15, v31, v8;
	vm15 =	vnez.u8 v44;
	v41 =	vor.u32 $0x21, v3  }
0x2b1: {  	v5 =	vsel vm15, $0x3, v5;
	v8 =	vsel vm2, v4, v8;
	v4 =	vsel vm2, v31, v4  }
0x2b2: {  	[tilespmem:$0x1F8A0] =	vst v6;
	v6 =	vsel vm3, $0x3, v42;
	v31 =	vld.idx.msk [tilespmem:v25+s2+$0x0], $0xffff;
	vm0 =	vnez.u8 v49;
	v25 =	vor.u32 $0x28, v3  }
0x2b3: {  	v49 =	vimm.s32 $0x0;
	v5 =	vsel vm3, v42, v5;
	vm15 =	vgt.f32 v10, v8  }
0x2b4: {  	v52 =	vld [tilespmem:$0x1F7A0];
	v7 =	vsel vm15, $0xFFFFFFFF, v46;
	v8 =	vsel vm15, v10, v8;
	vm15 =	vnez.u8 v48  }
0x2b5: {  	v47 =	vld.idx.msk [tilespmem:v40+s2+$0x0], $0xffff;
	vm3 =	vgt.f32 v10, v4;
	v42 =	vimm.s32 $0x0;
	v5 =	vsel vm15, $0x4, v5  }
0x2b6: {  	v8 =	vsel vm3, v4, v8;
	v4 =	vsel vm3, v10, v4;
	v39 =	vld.idx.msk [tilespmem:v33+s2+$0x0], $0xffff;
	v33 =	vor.u32 $0x2A, v3  }
0x2b7: {  	v46 =	vld [tilespmem:$0x1F850];
	v5 =	vsel vm4, v6, v5;
	vm15 =	vgt.f32 v43, v8;
	v6 =	vsel vm4, $0x4, v6  }
0x2b8: {  	v56 =	vld [tilespmem:$0x1F7B0];
	vm4 =	vgt.f32 v43, v4;
	v10 =	vsel vm15, $0xFFFFFFFF, v50;
	v8 =	vsel vm15, v43, v8  }
0x2b9: {  	vm15 =	vnez.u8 v52;
	v50 =	vor.u32 $0x23, v3;
	v52 =	vimm.s32 $0x0  }
0x2ba: {  	v5 =	vsel vm15, $0x5, v5;
	v8 =	vsel vm4, v4, v8;
	v4 =	vsel vm4, v43, v4  }
0x2bb: {  	v5 =	vsel vm5, v6, v5;
	vm15 =	vgt.f32 v47, v8;
	v6 =	vsel vm5, $0x5, v6  }
0x2bc: {  	v60 =	vld [tilespmem:$0x1F7C0];
	vm5 =	vgt.f32 v47, v4;
	vm1 =	vnez.u8 v46;
	v46 =	vor.u32 $0x2D, v3  }
0x2bd: {  	[tilespmem:$0x1F870] =	vst v9;
	v9 =	vsel vm15, $0xFFFFFFFF, v54;
	v8 =	vsel vm15, v47, v8;
	vm15 =	vnez.u8 v56  }
0x2be: {  	v54 =	vimm.s32 $0x0;
	v56 =	vor.u32 $0x24, v3;
	v5 =	vsel vm15, $0x6, v5  }
0x2bf: {  	v8 =	vsel vm5, v4, v8;
	v4 =	vsel vm5, v47, v4;
	v47 =	vimm.s32 $0x0  }
0x2c0: {  	v16 =	vld [tilespmem:$0x1F7D0];
	v5 =	vsel vm6, v6, v5;
	vm15 =	vgt.f32 v51, v8;
	v6 =	vsel vm6, $0x6, v6  }
0x2c1: {  	[tilespmem:$0x1F8B0] =	vst v7;
	v7 =	vsel vm15, $0xFFFFFFFF, v58;
	v8 =	vsel vm15, v51, v8;
	vm15 =	vnez.u8 v60  }
0x2c2: {  	v59 =	vld.idx.msk [tilespmem:v53+s2+$0x0], $0xffff;
	vm6 =	vgt.f32 v51, v4;
	v58 =	vimm.s32 $0x0;
	v5 =	vsel vm15, $0x7, v5  }
0x2c3: {  	v8 =	vsel vm6, v4, v8;
	v4 =	vsel vm6, v51, v4;
	v5 =	vsel vm7, v6, v5  }
0x2c4: {  	v20 =	vld [tilespmem:$0x1F7E0];
	vm15 =	vgt.f32 v55, v8;
	v6 =	vsel vm7, $0x7, v6;
	vm7 =	vgt.f32 v55, v4  }
0x2c5: {  	[tilespmem:$0x1F8C0] =	vst v10;
	v10 =	vsel vm15, $0xFFFFFFFF, v62;
	v8 =	vsel vm15, v55, v8;
	vm15 =	vnez.u8 v16  }
0x2c6: {  	v63 =	vld.idx.msk [tilespmem:v57+s2+$0x0], $0xffff;
	v62 =	vimm.s32 $0x0;
	v5 =	vsel vm15, $0x8, v5;
	v8 =	vsel vm7, v4, v8  }
0x2c7: {  	v24 =	vld [tilespmem:$0x1F7F0];
	v4 =	vsel vm7, v55, v4;
	v5 =	vsel vm8, v6, v5;
	vm15 =	vgt.f32 v59, v8  }
0x2c8: {  	[tilespmem:$0x1F8D0] =	vst v9;
	v6 =	vsel vm8, $0x8, v6;
	vm8 =	vgt.f32 v59, v4;
	v9 =	vsel vm15, $0xFFFFFFFF, v18  }
0x2c9: {  	v8 =	vsel vm15, v59, v8;
	vm15 =	vnez.u8 v20;
	v18 =	vimm.s32 $0x0  }
0x2ca: {  	v5 =	vsel vm15, $0x9, v5;
	v8 =	vsel vm8, v4, v8;
	v4 =	vsel vm8, v59, v4  }
0x2cb: {  	v28 =	vld [tilespmem:$0x1F800];
	v5 =	vsel vm9, v6, v5;
	vm15 =	vgt.f32 v63, v8;
	v6 =	vsel vm9, $0x9, v6  }
0x2cc: {  	[tilespmem:$0x1F8E0] =	vst v7;
	v7 =	vsel vm15, $0xFFFFFFFF, v22;
	v8 =	vsel vm15, v63, v8;
	vm15 =	vnez.u8 v24  }
0x2cd: {  	vm9 =	vgt.f32 v63, v4;
	v22 =	vimm.s32 $0x0;
	v5 =	vsel vm15, $0xA, v5  }
0x2ce: {  	v8 =	vsel vm9, v4, v8;
	v4 =	vsel vm9, v63, v4;
	v63 =	vld.idx.msk [tilespmem:v56+s2+$0x0], $0xffff;
	v56 =	vimm.s32 $0x0  }
0x2cf: {  	v32 =	vld [tilespmem:$0x1F810];
	v5 =	vsel vm10, v6, v5;
	vm15 =	vgt.f32 v19, v8;
	v6 =	vsel vm10, $0xA, v6  }
0x2d0: {  	[tilespmem:$0x1F8F0] =	vst v10;
	v10 =	vsel vm15, $0xFFFFFFFF, v26;
	v8 =	vsel vm15, v19, v8;
	vm15 =	vnez.u8 v28  }
0x2d1: {  	vm10 =	vgt.f32 v19, v4;
	v26 =	vimm.s32 $0x0;
	v5 =	vsel vm15, $0xB, v5  }
0x2d2: {  	v8 =	vsel vm10, v4, v8;
	v4 =	vsel vm10, v19, v4;
	v19 =	vld.idx.msk [tilespmem:v61+s2+$0x0], $0xffff;
	v61 =	vimm.s32 $0x0  }
0x2d3: {  	v5 =	vsel vm11, v6, v5;
	vm15 =	vgt.f32 v23, v8;
	v6 =	vsel vm11, $0xB, v6  }
0x2d4: {  	v36 =	vld [tilespmem:$0x1F820];
	[tilespmem:$0x1F900] =	vst v9;
	v9 =	vsel vm15, $0xFFFFFFFF, v30;
	v8 =	vsel vm15, v23, v8;
	vm15 =	vnez.u8 v32  }
0x2d5: {  	vm11 =	vgt.f32 v23, v4;
	v30 =	vimm.s32 $0x0;
	v5 =	vsel vm15, $0xC, v5  }
0x2d6: {  	v8 =	vsel vm11, v4, v8;
	v4 =	vsel vm11, v23, v4;
	v23 =	vld.idx.msk [tilespmem:v17+s2+$0x0], $0xffff;
	v17 =	vor.u32 $0x31, v3  }
0x2d7: {  	v5 =	vsel vm12, v6, v5;
	vm15 =	vgt.f32 v27, v8;
	v6 =	vsel vm12, $0xC, v6  }
0x2d8: {  	v40 =	vld [tilespmem:$0x1F830];
	[tilespmem:$0x1F910] =	vst v7;
	vm12 =	vgt.f32 v27, v4;
	v7 =	vsel vm15, $0xFFFFFFFF, v34;
	v8 =	vsel vm15, v27, v8  }
0x2d9: {  	vm15 =	vnez.u8 v36;
	v34 =	vimm.s32 $0x0;
	v36 =	vimm.s32 $0x0  }
0x2da: {  	v5 =	vsel vm15, $0xD, v5;
	v8 =	vsel vm12, v4, v8;
	v4 =	vsel vm12, v27, v4  }
0x2db: {  	v44 =	vld [tilespmem:$0x1F840];
	v5 =	vsel vm13, v6, v5;
	vm15 =	vgt.f32 v31, v8;
	v6 =	vsel vm13, $0xD, v6  }
0x2dc: {  	[tilespmem:$0x1F920] =	vst v10;
	vm13 =	vgt.f32 v31, v4;
	v10 =	vsel vm15, $0xFFFFFFFF, v38;
	v8 =	vsel vm15, v31, v8  }
0x2dd: {  	vm15 =	vnez.u8 v40;
	v38 =	vor.u32 $0x2B, v3;
	v40 =	vld.idx.msk [tilespmem:v33+s2+$0x0], $0xffff;
	v33 =	vimm.s32 $0x0  }
0x2de: {  	v51 =	vld [tilespmem:$0x1F870];
	v5 =	vsel vm15, $0xE, v5;
	v8 =	vsel vm13, v4, v8;
	v4 =	vsel vm13, v31, v4  }
0x2df: {  	[tilespmem:$0x1F890] =	vst v12;
	v5 =	vsel vm14, v6, v5;
	vm15 =	vgt.f32 v35, v8;
	v6 =	vsel vm14, $0xE, v6  }
0x2e0: {  	[tilespmem:$0x1F930] =	vst v9;
	v9 =	vsel vm15, $0xFFFFFFFF, v42;
	v8 =	vsel vm15, v35, v8;
	vm15 =	vnez.u8 v44  }
0x2e1: {  	v57 =	vld [tilespmem:$0x1F890];
	vm14 =	vgt.f32 v35, v4;
	v42 =	vor.u32 $0x2C, v3;
	v5 =	vsel vm15, $0xF, v5  }
0x2e2: {  	v55 =	vld [tilespmem:$0x1F880];
	v8 =	vsel vm14, v4, v8;
	v4 =	vsel vm14, v35, v4;
	v5 =	vsel vm1, v6, v5  }
0x2e3: {  	v43 =	vld.idx.msk [tilespmem:v37+s2+$0x0], $0xffff;
	vm15 =	vgt.f32 v39, v8;
	v6 =	vsel vm1, $0xF, v6;
	vm1 =	vnez.u8 v51  }
0x2e4: {  	[tilespmem:$0x1F940] =	vst v7;
	v44 =	vld.idx.msk [tilespmem:v38+s2+$0x0], $0xffff;
	v51 =	vor.u32 $0x2E, v3;
	v38 =	vimm.s32 $0x0;
	v7 =	vsel vm15, $0xFFFFFFFF, v47  }
0x2e5: {  	v8 =	vsel vm15, v39, v8;
	vm15 =	vgt.f32 v39, v4;
	v5 =	vsel vm0, $0x10, v5  }
0x2e6: {  	v47 =	vimm.s32 $0x0;
	v8 =	vsel vm15, v4, v8;
	v5 =	vsel vm1, v6, v5  }
0x2e7: {  	v4 =	vsel vm15, v39, v4;
	v6 =	vsel vm1, $0x10, v6;
	vm1 =	vnez.u8 v55  }
0x2e8: {  	v48 =	vld.idx.msk [tilespmem:v41+s2+$0x0], $0xffff;
	v39 =	vimm.s32 $0x0;
	v55 =	vor.u32 $0x2F, v3;
	vm0 =	vgt.f32 v43, v8  }
0x2e9: {  	v60 =	vld [tilespmem:$0x1F8A0];
	v5 =	vsel vm1, $0x11, v5;
	vm1 =	vnez.u8 v57;
	v57 =	vimm.s32 $0x0  }
0x2ea: {  	[tilespmem:$0x1F950] =	vst v10;
	v10 =	vsel vm0, $0xFFFFFFFF, v52;
	v8 =	vsel vm0, v43, v8;
	vm0 =	vgt.f32 v43, v4  }
0x2eb: {  	v5 =	vsel vm1, v6, v5;
	v6 =	vsel vm1, $0x11, v6;
	v52 =	vimm.s32 $0x0  }
0x2ec: {  	v53 =	vld.idx.msk [tilespmem:v45+s2+$0x0], $0xffff;
	v11 =	vsel vm0, $0xFFFFFFFF, v54;
	v8 =	vsel vm0, v4, v8;
	v4 =	vsel vm0, v43, v4  }
0x2ed: {  	v16 =	vld [tilespmem:$0x1F8B0];
	v43 =	vimm.s32 $0x0;
	vm0 =	vgt.f32 v48, v8;
	vm1 =	vgt.f32 v48, v4  }
0x2ee: {  	v59 =	vld.idx.msk [tilespmem:v50+s2+$0x0], $0xffff;
	[tilespmem:$0x1F960] =	vst v9;
	v9 =	vsel vm0, $0xFFFFFFFF, v58;
	v8 =	vsel vm0, v48, v8;
	vm0 =	vnez.u8 v60  }
0x2ef: {  	v58 =	vld.idx.msk [tilespmem:v51+s2+$0x0], $0xffff;
	v60 =	vor.u32 $0x30, v3;
	v51 =	vor.u32 $0x38, v3;
	v5 =	vsel vm0, $0x12, v5  }
0x2f0: {  	v8 =	vsel vm1, v4, v8;
	v4 =	vsel vm1, v48, v4;
	v48 =	vld.idx.msk [tilespmem:v42+s2+$0x0], $0xffff;
	v42 =	vimm.s32 $0x0  }
0x2f1: {  	v5 =	vsel vm2, v6, v5;
	vm0 =	vgt.f32 v53, v8;
	v6 =	vsel vm2, $0x12, v6  }
0x2f2: {  	v20 =	vld [tilespmem:$0x1F8C0];
	[tilespmem:$0x1F970] =	vst v7;
	v7 =	vsel vm0, $0xFFFFFFFF, v62;
	v8 =	vsel vm0, v53, v8;
	vm0 =	vnez.u8 v16  }
0x2f3: {  	vm2 =	vgt.f32 v53, v4;
	v62 =	vld.idx.msk [tilespmem:v55+s2+$0x0], $0xffff;
	v55 =	vor.u32 $0x39, v3;
	v5 =	vsel vm0, $0x13, v5  }
0x2f4: {  	v8 =	vsel vm2, v4, v8;
	v4 =	vsel vm2, v53, v4;
	v53 =	vld.idx.msk [tilespmem:v46+s2+$0x0], $0xffff;
	v46 =	vor.u32 $0x37, v3  }
0x2f5: {  	v5 =	vsel vm3, v6, v5;
	vm0 =	vgt.f32 v59, v8;
	v6 =	vsel vm3, $0x13, v6  }
0x2f6: {  	v24 =	vld [tilespmem:$0x1F8D0];
	[tilespmem:$0x1F980] =	vst v10;
	vm3 =	vgt.f32 v59, v4;
	v10 =	vsel vm0, $0xFFFFFFFF, v18;
	v8 =	vsel vm0, v59, v8  }
0x2f7: {  	vm0 =	vnez.u8 v20;
	v18 =	vimm.s32 $0x0;
	v20 =	vimm.s32 $0x0  }
0x2f8: {  	v5 =	vsel vm0, $0x14, v5;
	v8 =	vsel vm3, v4, v8;
	v4 =	vsel vm3, v59, v4  }
0x2f9: {  	v5 =	vsel vm4, v6, v5;
	vm0 =	vgt.f32 v63, v8;
	v6 =	vsel vm4, $0x14, v6  }
0x2fa: {  	v28 =	vld [tilespmem:$0x1F8E0];
	[tilespmem:$0x1F9A0] =	vst v9;
	vm4 =	vgt.f32 v63, v4;
	v9 =	vsel vm0, $0xFFFFFFFF, v22;
	v8 =	vsel vm0, v63, v8  }
0x2fb: {  	vm0 =	vnez.u8 v24;
	v22 =	vor.u32 $0x32, v3;
	v24 =	vimm.s32 $0x0  }
0x2fc: {  	v5 =	vsel vm0, $0x15, v5;
	v8 =	vsel vm4, v4, v8;
	v4 =	vsel vm4, v63, v4  }
0x2fd: {  	v63 =	vimm.s32 $0x0;
	v5 =	vsel vm5, v6, v5;
	vm0 =	vgt.f32 v19, v8  }
0x2fe: {  	v32 =	vld [tilespmem:$0x1F8F0];
	[tilespmem:$0x1F9B0] =	vst v7;
	v6 =	vsel vm5, $0x15, v6;
	vm5 =	vgt.f32 v19, v4;
	v7 =	vsel vm0, $0xFFFFFFFF, v26  }
0x2ff: {  	v8 =	vsel vm0, v19, v8;
	vm0 =	vnez.u8 v28;
	v26 =	vor.u32 $0x33, v3  }
0x300: {  	v27 =	vld.idx.msk [tilespmem:v21+s2+$0x0], $0xffff;
	v28 =	vimm.s32 $0x0;
	v5 =	vsel vm0, $0x16, v5;
	v8 =	vsel vm5, v4, v8  }
0x301: {  	v4 =	vsel vm5, v19, v4;
	v5 =	vsel vm6, v6, v5;
	vm0 =	vgt.f32 v23, v8  }
0x302: {  	v37 =	vld [tilespmem:$0x1F900];
	[tilespmem:$0x1F9C0] =	vst v10;
	v6 =	vsel vm6, $0x16, v6;
	vm6 =	vgt.f32 v23, v4;
	v10 =	vsel vm0, $0xFFFFFFFF, v30  }
0x303: {  	v8 =	vsel vm0, v23, v8;
	vm0 =	vnez.u8 v32;
	v32 =	vimm.s32 $0x0  }
0x304: {  	v31 =	vld.idx.msk [tilespmem:v25+s2+$0x0], $0xffff;
	v5 =	vsel vm0, $0x17, v5;
	v8 =	vsel vm6, v4, v8;
	v4 =	vsel vm6, v23, v4  }
0x305: {  	v23 =	vld.idx.msk [tilespmem:v17+s2+$0x0], $0xffff;
	v17 =	vimm.s32 $0x0;
	v5 =	vsel vm7, v6, v5;
	vm0 =	vgt.f32 v27, v8  }
0x306: {  	v41 =	vld [tilespmem:$0x1F910];
	[tilespmem:$0x1F9D0] =	vst v9;
	v6 =	vsel vm7, $0x17, v6;
	vm7 =	vgt.f32 v27, v4;
	v9 =	vsel vm0, $0xFFFFFFFF, v34  }
0x307: {  	v8 =	vsel vm0, v27, v8;
	v12 =	vsel vm7, $0xFFFFFFFF, v36;
	vm0 =	vnez.u8 v37  }
0x308: {  	v34 =	vld.idx.msk [tilespmem:v26+s2+$0x0], $0xffff;
	v36 =	vor.u32 $0x35, v3;
	v37 =	vimm.s32 $0x0;
	v26 =	vimm.s32 $0x0  }
0x309: {  	v35 =	vld.idx.msk [tilespmem:v29+s2+$0x0], $0xffff;
	v5 =	vsel vm0, $0x18, v5;
	v8 =	vsel vm7, v4, v8;
	v4 =	vsel vm7, v27, v4  }
0x30a: {  	v45 =	vld [tilespmem:$0x1F920];
	v5 =	vsel vm8, v6, v5;
	vm7 =	vgt.f32 v31, v8;
	v6 =	vsel vm8, $0x18, v6  }
0x30b: {  	[tilespmem:$0x1F9E0] =	vst v7;
	v7 =	vsel vm7, $0xFFFFFFFF, v39;
	v8 =	vsel vm7, v31, v8;
	vm7 =	vnez.u8 v41  }
0x30c: {  	vm8 =	vgt.f32 v31, v4;
	v41 =	vor.u32 $0x36, v3;
	v5 =	vsel vm7, $0x19, v5  }
0x30d: {  	v50 =	vld [tilespmem:$0x1F930];
	v8 =	vsel vm8, v4, v8;
	v4 =	vsel vm8, v31, v4;
	v31 =	vor.u32 $0x34, v3  }
0x30e: {  	v5 =	vsel vm9, v6, v5;
	vm7 =	vgt.f32 v35, v8;
	v6 =	vsel vm9, $0x19, v6  }
0x30f: {  	[tilespmem:$0x1F9F0] =	vst v10;
	v10 =	vsel vm7, $0xFFFFFFFF, v43;
	v8 =	vsel vm7, v35, v8;
	vm7 =	vnez.u8 v45  }
0x310: {  	vm9 =	vgt.f32 v35, v4;
	v43 =	vimm.s32 $0x0;
	v5 =	vsel vm7, $0x1A, v5  }
0x311: {  	v54 =	vld [tilespmem:$0x1F940];
	v8 =	vsel vm9, v4, v8;
	v4 =	vsel vm9, v35, v4;
	v5 =	vsel vm10, v6, v5  }
0x312: {  	v59 =	vld [tilespmem:$0x1F950];
	vm7 =	vgt.f32 v40, v8;
	v6 =	vsel vm10, $0x1A, v6;
	vm10 =	vnez.u8 v50  }
0x313: {  	[tilespmem:$0x1FA00] =	vst v9;
	v9 =	vsel vm7, $0xFFFFFFFF, v47;
	v8 =	vsel vm7, v40, v8;
	vm7 =	vgt.f32 v40, v4  }
0x314: {  	[tilespmem:$0x1F990] =	vst v11;
	v5 =	vsel vm10, $0x1B, v5;
	v39 =	vld.idx.msk [tilespmem:v31+s2+$0x0], $0xffff;
	v31 =	vimm.s32 $0x0;
	v11 =	vsel vm7, $0xFFFFFFFF, v49  }
0x315: {  	v8 =	vsel vm7, v4, v8;
	v5 =	vsel vm11, v6, v5;
	v4 =	vsel vm7, v40, v4  }
0x316: {  	v16 =	vld [tilespmem:$0x1F960];
	v6 =	vsel vm11, $0x1B, v6;
	vm11 =	vnez.u8 v54;
	vm10 =	vgt.f32 v44, v8  }
0x317: {  	vm7 =	vgt.f32 v44, v4;
	v5 =	vsel vm11, $0x1C, v5;
	vm11 =	vnez.u8 v59  }
0x318: {  	[tilespmem:$0x1FA20] =	vst v7;
	v59 =	vor.u32 $0x3A, v3;
	v7 =	vsel vm10, $0xFFFFFFFF, v52;
	v8 =	vsel vm10, v44, v8  }
0x319: {  	v13 =	vsel vm7, $0xFFFFFFFF, v56;
	v5 =	vsel vm12, v6, v5;
	v6 =	vsel vm12, $0x1C, v6  }
0x31a: {  	v52 =	vimm.s32 $0x0;
	v56 =	vimm.s32 $0x0;
	v8 =	vsel vm7, v4, v8  }
0x31b: {  	v21 =	vld [tilespmem:$0x1F970];
	v4 =	vsel vm7, v44, v4;
	v5 =	vsel vm11, $0x1D, v5;
	vm11 =	vnez.u8 v16  }
0x31c: {  	v16 =	vor.u32 $0x3B, v3;
	vm10 =	vgt.f32 v48, v8;
	vm12 =	vgt.f32 v48, v4  }
0x31d: {  	v5 =	vsel vm13, v6, v5;
	v6 =	vsel vm13, $0x1D, v6;
	v8 =	vsel vm10, v48, v8  }
0x31e: {  	v25 =	vld [tilespmem:$0x1F980];
	[tilespmem:$0x1FA30] =	vst v10;
	v10 =	vsel vm10, $0xFFFFFFFF, v57;
	v5 =	vsel vm11, $0x1E, v5;
	v8 =	vsel vm12, v4, v8  }
0x31f: {  	v30 =	vld [tilespmem:$0x1F9A0];
	v4 =	vsel vm12, v48, v4;
	v5 =	vsel vm14, v6, v5;
	v6 =	vsel vm14, $0x1E, v6  }
0x320: {  	v27 =	vld [tilespmem:$0x1F990];
	vm14 =	vnez.u8 v21;
	v48 =	vimm.s32 $0x0;
	v21 =	vimm.s32 $0x0  }
0x321: {  	[tilespmem:$0x1FA10] =	vst v12;
	vm7 =	vgt.f32 v53, v8;
	vm10 =	vgt.f32 v53, v4;
	v5 =	vsel vm14, $0x1F, v5  }
0x322: {  	[tilespmem:$0x1FA40] =	vst v9;
	v9 =	vsel vm7, $0xFFFFFFFF, v61;
	v8 =	vsel vm7, v53, v8;
	v12 =	vsel vm10, $0xFFFFFFFF, v63  }
0x323: {  	v5 =	vsel vm15, v6, v5;
	v6 =	vsel vm15, $0x1F, v6;
	vm15 =	vnez.u8 v25  }
0x324: {  	v61 =	vimm.s32 $0x0;
	v8 =	vsel vm10, v4, v8;
	v4 =	vsel vm10, v53, v4  }
0x325: {  	[tilespmem:$0x1FA50] =	vst v11;
	v5 =	vsel vm15, $0x20, v5;
	vm10 =	vnez.u8 v27;
	vm15 =	vnez.u8 v30  }
0x326: {  	v25 =	vld [tilespmem:$0x1FA50];
	vm13 =	vgt.f32 v58, v8;
	vm7 =	vgt.f32 v58, v4;
	v5 =	vsel vm10, v6, v5  }
0x327: {  	v19 =	vld.idx.msk [tilespmem:v60+s2+$0x0], $0xffff;
	[tilespmem:$0x1FA60] =	vst v7;
	v6 =	vsel vm10, $0x20, v6;
	v7 =	vsel vm13, $0xFFFFFFFF, v18;
	v8 =	vsel vm13, v58, v8  }
0x328: {  	v40 =	vld [tilespmem:$0x1F9C0];
	v11 =	vsel vm7, $0xFFFFFFFF, v20;
	v5 =	vsel vm15, $0x21, v5;
	v20 =	vor.u32 $0x3C, v3  }
0x329: {  	v8 =	vsel vm7, v4, v8;
	v4 =	vsel vm7, v58, v4;
	v5 =	vsel vm1, v6, v5  }
0x32a: {  	v35 =	vld [tilespmem:$0x1F9B0];
	v6 =	vsel vm1, $0x21, v6;
	vm13 =	vgt.f32 v62, v8;
	vm7 =	vgt.f32 v62, v4  }
0x32b: {  	[tilespmem:$0x1FAA0] =	vst v12;
	vm0 =	vnez.u8 v25;
	v8 =	vsel vm13, v62, v8;
	v12 =	vsel vm7, $0xFFFFFFFF, v24  }
0x32c: {  	v24 =	vor.u32 $0x3D, v3;
	v8 =	vsel vm7, v4, v8;
	v4 =	vsel vm7, v62, v4  }
0x32d: {  	[tilespmem:$0x1FA70] =	vst v13;
	vm7 =	vnez.u8 v40;
	vm11 =	vgt.f32 v19, v8;
	vm14 =	vgt.f32 v19, v4  }
0x32e: {  	v45 =	vld [tilespmem:$0x1F9D0];
	[tilespmem:$0x1FA90] =	vst v9;
	v9 =	vsel vm11, $0xFFFFFFFF, v28;
	v8 =	vsel vm11, v19, v8;
	v13 =	vsel vm14, $0xFFFFFFFF, v32  }
0x32f: {  	v29 =	vld.idx.msk [tilespmem:v22+s2+$0x0], $0xffff;
	v8 =	vsel vm14, v4, v8;
	v4 =	vsel vm14, v19, v4;
	vm14 =	vnez.u8 v35  }
0x330: {  	[tilespmem:$0x1FAB0] =	vst v7;
	vm10 =	vgt.f32 v23, v8;
	vm11 =	vgt.f32 v23, v4;
	v5 =	vsel vm14, $0x22, v5  }
0x331: {  	v50 =	vld [tilespmem:$0x1F9E0];
	[tilespmem:$0x1FAF0] =	vst v13;
	v7 =	vsel vm10, $0xFFFFFFFF, v33;
	v8 =	vsel vm10, v23, v8;
	v13 =	vsel vm11, $0xFFFFFFFF, v37  }
0x332: {  	v5 =	vsel vm2, v6, v5;
	v6 =	vsel vm2, $0x22, v6;
	v8 =	vsel vm11, v4, v8  }
0x333: {  	v4 =	vsel vm11, v23, v4;
	v5 =	vsel vm7, $0x23, v5;
	vm11 =	vnez.u8 v45  }
0x334: {  	vm15 =	vgt.f32 v29, v8;
	vm1 =	vgt.f32 v29, v4;
	v5 =	vsel vm3, v6, v5  }
0x335: {  	v60 =	vld [tilespmem:$0x1FA10];
	[tilespmem:$0x1FA80] =	vst v10;
	v6 =	vsel vm3, $0x23, v6;
	v10 =	vsel vm15, $0xFFFFFFFF, v38;
	v8 =	vsel vm15, v29, v8  }
0x336: {  	v54 =	vld [tilespmem:$0x1F9F0];
	[tilespmem:$0x1FB10] =	vst v13;
	v13 =	vsel vm1, $0xFFFFFFFF, v42;
	v5 =	vsel vm11, $0x24, v5;
	vm15 =	vnez.u8 v50  }
0x337: {  	v57 =	vld [tilespmem:$0x1FA00];
	v8 =	vsel vm1, v4, v8;
	v4 =	vsel vm1, v29, v4;
	v5 =	vsel vm4, v6, v5  }
0x338: {  	v62 =	vld [tilespmem:$0x1FA20];
	v6 =	vsel vm4, $0x24, v6;
	v29 =	vor.u32 $0x3E, v3;
	v3 =	vor.u32 $0x3F, v3  }
0x339: {  	vm10 =	vgt.f32 v34, v8;
	vm1 =	vgt.f32 v34, v4;
	v5 =	vsel vm15, $0x25, v5  }
0x33a: {  	[tilespmem:$0x1FAE0] =	vst v9;
	vm15 =	vnez.u8 v60;
	v9 =	vsel vm10, $0xFFFFFFFF, v43;
	v8 =	vsel vm10, v34, v8  }
0x33b: {  	v5 =	vsel vm5, v6, v5;
	v6 =	vsel vm5, $0x25, v6;
	vm5 =	vnez.u8 v54  }
0x33c: {  	v19 =	vld [tilespmem:$0x1FA30];
	vm10 =	vnez.u8 v57;
	v8 =	vsel vm1, v4, v8;
	v4 =	vsel vm1, v34, v4  }
0x33d: {  	v44 =	vld.idx.msk [tilespmem:v36+s2+$0x0], $0xffff;
	v5 =	vsel vm5, $0x26, v5;
	vm5 =	vnez.u8 v62;
	v34 =	vimm.s32 $0x0  }
0x33e: {  	v23 =	vld [tilespmem:$0x1FA40];
	vm14 =	vgt.f32 v39, v8;
	v5 =	vsel vm6, v6, v5;
	v6 =	vsel vm6, $0x26, v6  }
0x33f: {  	[tilespmem:$0x1FB00] =	vst v7;
	v7 =	vsel vm14, $0xFFFFFFFF, v48;
	v8 =	vsel vm14, v39, v8;
	vm14 =	vgt.f32 v39, v4  }
0x340: {  	v49 =	vld.idx.msk [tilespmem:v41+s2+$0x0], $0xffff;
	v5 =	vsel vm10, $0x27, v5;
	v8 =	vsel vm14, v4, v8;
	v4 =	vsel vm14, v39, v4  }
0x341: {  	v27 =	vld [tilespmem:$0x1FA60];
	v5 =	vsel vm15, v6, v5;
	v6 =	vsel vm15, $0x27, v6;
	vm15 =	vnez.u8 v19  }
0x342: {  	vm4 =	vgt.f32 v44, v8;
	vm11 =	vgt.f32 v44, v4;
	v5 =	vsel vm5, $0x28, v5  }
0x343: {  	v53 =	vld.idx.msk [tilespmem:v46+s2+$0x0], $0xffff;
	[tilespmem:$0x1FB20] =	vst v10;
	vm5 =	vnez.u8 v23;
	v10 =	vsel vm4, $0xFFFFFFFF, v52;
	v8 =	vsel vm4, v44, v8  }
0x344: {  	v5 =	vsel vm8, v6, v5;
	v6 =	vsel vm8, $0x28, v6;
	v8 =	vsel vm11, v4, v8  }
0x345: {  	[tilespmem:$0x1FAC0] =	vst v11;
	v58 =	vld.idx.msk [tilespmem:v51+s2+$0x0], $0xffff;
	v4 =	vsel vm11, v44, v4;
	v5 =	vsel vm15, $0x29, v5;
	vm7 =	vgt.f32 v49, v8  }
0x346: {  	v40 =	vld [tilespmem:$0x1FAC0];
	vm15 =	vnez.u8 v27;
	vm10 =	vgt.f32 v49, v4;
	v8 =	vsel vm7, v49, v8  }
0x347: {  	v5 =	vsel vm9, v6, v5;
	v6 =	vsel vm9, $0x29, v6;
	v8 =	vsel vm10, v4, v8  }
0x348: {  	v33 =	vld [tilespmem:$0x1FA80];
	[tilespmem:$0x1FB40] =	vst v9;
	v9 =	vsel vm7, $0xFFFFFFFF, v56;
	v4 =	vsel vm10, v49, v4;
	vm4 =	vgt.f32 v53, v8  }
0x349: {  	v63 =	vld.idx.msk [tilespmem:v55+s2+$0x0], $0xffff;
	v5 =	vsel vm5, $0x2A, v5;
	vm7 =	vgt.f32 v53, v4;
	v8 =	vsel vm4, v53, v8  }
0x34a: {  	v5 =	vsel vm0, v6, v5;
	v6 =	vsel vm0, $0x2A, v6;
	v8 =	vsel vm7, v4, v8  }
0x34b: {  	v30 =	vld [tilespmem:$0x1FA70];
	vm0 =	vnez.u8 v40;
	v4 =	vsel vm7, v53, v4;
	vm6 =	vgt.f32 v58, v8  }
0x34c: {  	v18 =	vld.idx.msk [tilespmem:v59+s2+$0x0], $0xffff;
	v5 =	vsel vm15, $0x2B, v5;
	vm8 =	vgt.f32 v58, v4;
	v8 =	vsel vm6, v58, v8  }
0x34d: {  	[tilespmem:$0x1FB60] =	vst v7;
	vm15 =	vnez.u8 v33;
	v7 =	vsel vm4, $0xFFFFFFFF, v61;
	v8 =	vsel vm8, v4, v8  }
0x34e: {  	v37 =	vld [tilespmem:$0x1FAA0];
	[tilespmem:$0x1FB70] =	vst v10;
	v10 =	vsel vm6, $0xFFFFFFFF, v17;
	v4 =	vsel vm8, v58, v4;
	vm4 =	vgt.f32 v63, v8  }
0x34f: {  	v22 =	vld.idx.msk [tilespmem:v16+s2+$0x0], $0xffff;
	[tilespmem:$0x1FB80] =	vst v9;
	vm9 =	vgt.f32 v63, v4;
	v9 =	vsel vm4, $0xFFFFFFFF, v21;
	v8 =	vsel vm4, v63, v8  }
0x350: {  	vm4 =	vnez.u8 v30;
	v8 =	vsel vm9, v4, v8;
	v4 =	vsel vm9, v63, v4  }
0x351: {  	v36 =	vld [tilespmem:$0x1FA90];
	v5 =	vsel vm4, v6, v5;
	v6 =	vsel vm4, $0x2B, v6;
	vm6 =	vgt.f32 v18, v8  }
0x352: {  	v28 =	vld.idx.msk [tilespmem:v20+s2+$0x0], $0xffff;
	[tilespmem:$0x1FB90] =	vst v7;
	v7 =	vsel vm6, $0xFFFFFFFF, v26;
	v8 =	vsel vm6, v18, v8;
	vm6 =	vgt.f32 v18, v4  }
0x353: {  	v5 =	vsel vm15, $0x2C, v5;
	vm15 =	vnez.u8 v37;
	v8 =	vsel vm6, v4, v8  }
0x354: {  	v38 =	vld [tilespmem:$0x1FAB0];
	v5 =	vsel vm12, v6, v5;
	v4 =	vsel vm6, v18, v4;
	vm5 =	vgt.f32 v22, v8  }
0x355: {  	v32 =	vld.idx.msk [tilespmem:v24+s2+$0x0], $0xffff;
	[tilespmem:$0x1FBA0] =	vst v10;
	v10 =	vsel vm5, $0xFFFFFFFF, v31;
	v8 =	vsel vm5, v22, v8;
	vm5 =	vgt.f32 v22, v4  }
0x356: {  	v6 =	vsel vm12, $0x2C, v6;
	vm12 =	vnez.u8 v36;
	v8 =	vsel vm5, v4, v8  }
0x357: {  	[tilespmem:$0x1FAD0] =	vst v12;
	v5 =	vsel vm12, $0x2D, v5;
	v4 =	vsel vm5, v22, v4;
	vm4 =	vgt.f32 v28, v8  }
0x358: {  	v35 =	vld.idx.msk [tilespmem:v29+s2+$0x0], $0xffff;
	[tilespmem:$0x1FBB0] =	vst v9;
	v9 =	vsel vm4, $0xFFFFFFFF, v34;
	v8 =	vsel vm4, v28, v8;
	vm4 =	vgt.f32 v28, v4  }
0x359: {  	v41 =	vld [tilespmem:$0x1FAD0];
	v11 =	vsel vm15, $0x2D, v6;
	vm12 =	vnez.u8 v38;
	v8 =	vsel vm4, v4, v8  }
0x35a: {  	v5 =	vsel vm15, v6, v5;
	v4 =	vsel vm4, v28, v4;
	vm15 =	vgt.f32 v32, v8  }
0x35b: {  	v3 =	vld.idx.msk [tilespmem:v3+s2+$0x0], $0xffff;
	v5 =	vsel vm12, $0x2E, v5;
	vm3 =	vgt.f32 v32, v4;
	v39 =	vsel vm15, v32, v8  }
0x35c: {  	[tilespmem:$0x1FBC0] =	vst v7;
	v7 =	vsel vm0, $0x2E, v11;
	v5 =	vsel vm0, v11, v5;
	v6 =	vsel vm3, v4, v39  }
0x35d: {  	v5 =	vsel vm13, $0x2F, v5;
	v4 =	vsel vm3, v32, v4;
	vm13 =	vgt.f32 v35, v6  }
0x35e: {  	vm12 =	vnez.u8 v41;
	vm2 =	vgt.f32 v35, v4;
	v6 =	vsel vm13, v35, v6  }
0x35f: {  	v47 =	vimm.s32 $0x0;
	v42 =	vld [tilespmem:$0x1FAE0];
	v5 =	vsel vm12, v7, v5;
	v6 =	vsel vm2, v4, v6  }
0x360: {  	v43 =	vld [tilespmem:$0x1FAF0];
	v7 =	vsel vm12, $0x2F, v7;
	v4 =	vsel vm2, v35, v4;
	vm12 =	vgt.f32 v3, v6  }
0x361: {  	[tilespmem:$0x1FB30] =	vst v13;
	v13 =	vsel vm1, $0xFFFFFFFF, v47;
	vm1 =	vgt.f32 v3, v4;
	v6 =	vsel vm12, v3, v6  }
0x362: {  	v45 =	vld [tilespmem:$0x1FB00];
	v3 =	vsel vm1, v3, v4;
	v6 =	vsel vm1, v4, v6  }
0x363: {  	v46 =	vld [tilespmem:$0x1FB10];
	v3 =	vsub.f32 v6, v3  }
0x364: {  	v47 =	vld [tilespmem:$0x1FB20];
	vm0 =	vnez.u8 v42  }
0x365: {  	v48 =	vld [tilespmem:$0x1FB30];
	v5 =	vsel vm0, $0x30, v5;
	vm0 =	vnez.u8 v43;
	v3 =	vmul.f32 $1.442695020e+00, v3  }
0x366: {  	[tilespmem:$0x1FB50] =	vst v13;
	v49 =	vld [tilespmem:$0x1FB40];
	v5 =	vsel vm0, v7, v5  }
0x367: {  	v44 =	vsel vm0, $0x30, v7;
	vm0 =	vnez.u8 v45;
	(erf) = vpow2.f32 v3;
	v3 =	vld [tilespmem:$0x1FB50]  }
0x368: {  	v50 =	vld [tilespmem:$0x1FB60];
	v5 =	vsel vm0, $0x31, v5;
	vm0 =	vnez.u8 v46  }
0x369: {  	v5 =	vsel vm0, v44, v5;
	v4 =	vsel vm0, $0x31, v44;
	vm0 =	vnez.u8 v47  }
0x36a: {  	v51 =	vld [tilespmem:$0x1FB70];
	v5 =	vsel vm0, $0x32, v5;
	vm0 =	vnez.u8 v48  }
0x36b: {  	v5 =	vsel vm0, v4, v5;
	v4 =	vsel vm0, $0x32, v4;
	vm0 =	vnez.u8 v49  }
0x36c: {  	v52 =	vld [tilespmem:$0x1FB80];
	v5 =	vsel vm0, $0x33, v5;
	vm0 =	vnez.u8 v3  }
0x36d: {  	v3 =	vsel vm0, v4, v5;
	v4 =	vsel vm0, $0x33, v4;
	vm0 =	vnez.u8 v50  }
0x36e: {  	v53 =	vld [tilespmem:$0x1FB90];
	v3 =	vsel vm0, $0x34, v3  }
0x36f: {  	v3 =	vsel vm14, v4, v3;
	v4 =	vsel vm14, $0x34, v4;
	vm14 =	vnez.u8 v51  }
0x370: {  	v55 =	vld [tilespmem:$0x1FBA0];
	v3 =	vsel vm14, $0x35, v3  }
0x371: {  	v3 =	vsel vm11, v4, v3;
	v4 =	vsel vm11, $0x35, v4;
	vm11 =	vnez.u8 v52  }
0x372: {  	v57 =	vld [tilespmem:$0x1FBB0];
	v3 =	vsel vm11, $0x36, v3  }
0x373: {  	vm14 =	vnez.u8 v53;
	v3 =	vsel vm10, v4, v3  }
0x374: {  	v58 =	vld [tilespmem:$0x1FBC0];
	v4 =	vsel vm10, $0x36, v4;
	v3 =	vsel vm14, $0x37, v3  }
0x375: {  	[tilespmem:$0x1FBD0] =	vst v10;
	v54 =	vpop (erf);
	v3 =	vsel vm7, v4, v3;
	v4 =	vsel vm7, $0x37, v4;
	vm7 =	vnez.u8 v55  }
0x376: {  	v59 =	vld [tilespmem:$0x1FBD0];
	v56 =	vadd.f32 $1.000000000e+00, v54;
	v3 =	vsel vm7, $0x38, v3  }
0x377: {  	[tilespmem:$0x1FBE0] =	vst v9;
	v3 =	vsel vm8, v4, v3;
	v4 =	vsel vm8, $0x38, v4;
	vm8 =	vnez.u8 v57  }
0x378: {  	v60 =	vld [tilespmem:$0x1FBE0];
	(erf) = vrcp.f32 v56;
	v3 =	vsel vm8, $0x39, v3  }
0x379: {  	vm10 =	vnez.u8 v58;
	v3 =	vsel vm9, v4, v3  }
0x37a: {  	v4 =	vsel vm9, $0x39, v4;
	v3 =	vsel vm10, $0x3A, v3  }
0x37b: {  	vm11 =	vnez.u8 v59;
	v3 =	vsel vm6, v4, v3  }
0x37c: {  	v4 =	vsel vm6, $0x3A, v4;
	v3 =	vsel vm11, $0x3B, v3  }
0x37d: {  	vm14 =	vnez.u8 v60;
	v3 =	vsel vm5, v4, v3  }
0x37e: {  	v2 =	vshll.u32 v2, $0x1;
	v4 =	vsel vm5, $0x3B, v4;
	v3 =	vsel vm14, $0x3C, v3  }
0x37f: {  	v61 =	vor.u32 $0x1, v2;
	v3 =	vsel vm4, v4, v3  }
0x380: {  	v4 =	vsel vm4, $0x3C, v4;
	v3 =	vsel vm15, $0x3D, v3  }
0x381: {  	v62 =	vpop (erf);
	v3 =	vsel vm3, v4, v3  }
0x382: {  	v5 =	vmul.f32 v62, v54;
	v4 =	vsel vm3, $0x3D, v4;
	v3 =	vsel vm13, $0x3E, v3  }
0x383: {  	[tilespmem:v2+s8+$0x0] =	vst.idx.msk $0xffff, v62;
	v3 =	vsel vm2, v4, v3;
	v4 =	vsel vm2, $0x3E, v4  }
0x384: {  	[tilespmem:v61+s8+$0x0] =	vst.idx.msk $0xffff, v5;
	v3 =	vsel vm12, $0x3F, v3;
	v63 =	vsel vm1, $0x3F, v4  }
0x385: {  	v3 =	vsel vm1, v4, v3;
	[tilespmem:v2+s9+$0x0] =	vst.idx.msk $0xffff, v63  }
0x386: {  	[tilespmem:v61+s9+$0x0] =	vst.idx.msk $0xffff, v3  }
0x387: {  	[hbm4b:s4+s2] =	stream.linear.scatter [tilespmem:s8], [sflag:$0x1], $0x400, $0x38;
	[tilespmem:$0x8800] =	vst v63  }
0x388: {  	s10 =	sadd.s32 $0x1, s10;
	_ =	swait.ge [sflag:s7], $0x400  }
0x389: {  	p0 =	sne.s32 s10, s6;
	[sflag:s7] =	ssyncset.done $0x0  }
.Ltmp1:
0x38a: {  	[sflag:s7] =	ssyncadd.s32 $0xFFFFFC00;
	(pc) =	sbr.rel @p0 .LBB2_1-.Ltmp1, $4  }
0x38b: {  	[hbm4b:s5+s2] =	stream.linear.scatter [tilespmem:s9], [sflag:$0x1], $0x400, $0x38;
	[tilespmem:$0x8800] =	vst v63  }
0x38c: {  	_ =	swait.ge [sflag:s7], $0x400  }
0x38d: {  	[sflag:s7] =	ssyncset.done $0x0  }
0x38e: {  	[sflag:s7] =	ssyncadd.s32 $0xFFFFFC00  }
0x38f: {  	_ =	sfence.sel $0x180000  }
0x390: {  	[bflag:$0x0] =	sbarrier.arrive $0xFFFF  }
0x391: {  	p0 =	sne.s32 s1, $0x0;
	_ =	strace $0x90000047  }
0x392: {  	s0 =	sadd.s32 @!p0 $0x100000, s0;
	[bflag:$0x2] =	sbarrier.arrive $0xFFFF  }
0x393: {  	[sflag:s0] =	ssyncadd.tile.s32 @!p0 $0x1;
	_ =	shalt  }
.Lfunc_end2:
_tile_overlayer_lowered:
.L_overlay_start_2:
0x394: {  	(tag) =	ssettag $0x2  }
0x395: {  	s0 =	rddreg [dreg:$0x0];
	s2 =	stileid.u32  }
0x396: {  	s1 =	rddreg [dreg:$0x1];
	p0 =	sne.s32 s2, $0x0  }
0x397: {  	s3 =	rddreg [dreg:$0x2];
	[bflag:$0x3] =	sbarrier.arrive $0xFFFF;
	s2 =	simm.s32 @!p0 $0x1C01  }
0x398: {  	[timem:s3], [sflag:s2] =	dma.local @!p0 [hbm:s0], s1  }
0x399: {  	s0 =	simm.s32 @!p0 $0x1  }
0x39a: {  	_ =	swait.ge @!p0 [sflag:s0], s1  }
0x39b: {  	s1 =	ssub.s32 @!p0 $0x0, s1;
	[sflag:s0] =	ssyncset.done @!p0 $0x0  }
0x39c: {  	[sflag:s0] =	ssyncadd.s32 @!p0 s1  }
0x39d: {  	[bflag:$0x3] =	sbarrier.arrive $0xFFFF  }
0x39e: {  	_ =	shalt  }

// kernel: kernel.9.cloned.1.call-start
scs
__scs_entry_jumppad:
0x0: {  	(pc) =	sbr.rel $0x88, $3  }
0x1: {  	(tag) =	ssettag $0x0;
	lr =	simm.s32 $0x1  }
0x2: {  	[smem:$0x3F9E] =	sst lr;
	_ =	strace $0xD0000000  }
0x3: {  	_ = 	snop  }
0x4: {  	_ = 	snop  }
0x5: {  	_ = 	snop  }
0x6: {  	_ = 	snop  }
0x7: {  	_ = 	snop  }
__scs_overlays_trampoline_lowered:
0x8: {  	[smem:$0x3FAD] =	sst s0  }
0x9: {  	[smem:$0x3FAE] =	sst s1  }
0xa: {  	[smem:$0x3FAF] =	sst s2  }
0xb: {  	[smem:$0x3FB0] =	sst s3  }
0xc: {  	[smem:$0x3FB1] =	sst s4  }
0xd: {  	[smem:$0x3FB2] =	sst s5  }
0xe: {  	[smem:$0x3FB3] =	sst s6  }
0xf: {  	[smem:$0x3FB4] =	sst s7  }
0x10: {  	[smem:$0x3FB5] =	sst s8  }
0x11: {  	[smem:$0x3FB6] =	sst s9;
	s0 =	simm.s32 @!p0 $0x0  }
0x12: {  	s1 =	sld [smem:$0x3F9C];
	s0 =	simm.s32 @p0 $0x1  }
0x13: {  	[smem:$0x3FB7] =	sst s0;
	s0 =	simm.s32 @!p1 $0x0  }
0x14: {  	s2 =	sld [smem:$0x3F9B];
	s0 =	simm.s32 @p1 $0x1  }
0x15: {  	[smem:$0x3FB8] =	sst s0;
	s0 =	simm.s32 @!p2 $0x0  }
0x16: {  	s3 =	sld [smem:$0x3FDB];
	s0 =	simm.s32 @p2 $0x1  }
0x17: {  	s4 =	simm.s32 $0x1BF5;
	[smem:$0x3FBA] =	sst s0  }
0x18: {  	s0 =	sld [smem:$0x3F9D];
	_ =	swait.ge [sflag:s4], $0x0  }
0x19: {  	s7 =	sld [smem:$0x3F9E]  }
0x1a: {  	s8 =	sadd.s32 $0xFFFFE003, lr  }
0x1b: {  	s9 =	sadd.s32 $0xFFFFFEF7, lr;
	s5 =	simm.s32 $0xFFFFFFFF;
	p2 =	slt.u32 s8, $0xFFFFF086  }
0x1c: {  	p1 =	slt.u32 s9, $0xF7A;
	s5 =	simm.s32 @!p2 $0x0  }
0x1d: {  	s5 =	simm.s32 @p1 $0x1;
	p0 =	seq.s32 s7, s2  }
0x1e: {  	s7 =	smul.u32 @!p0 $0xF7A, s2;
	p2 =	seq.s32 @!p0 s5, $0x0  }
0x1f: {  	s9 =	smul.u32 $0xF7A, s1;
	s8 =	simm.s32 @!p0 $0x1BF5;
	p2 =	por !p2, p0  }
0x20: {  	[sflag:s8] =	ssyncset.s32 @!p0 $0xFFFFF086;
	s6 =	sadd.s32 @!p0 s3, s7;
	s7 =	simm.s32 @!p0 $0x108  }
0x21: {  	s3 =	sadd.s32 s3, s9;
	s6 =	sadd.s32 @!p0 $0x88, s6;
	s7 =	simm.s32 @p2 $0x1082  }
0x22: {  	[simem:s7], [sflag:s8] =	dma.local @!p0 [hbm:s6], $0xF7A  }
0x23: {  	s9 =	sor.u32 $0xD0000000, s2;
	s6 =	simm.s32 $0x108;
	_ =	swait.ge @!p0 [sflag:s8], $0x0  }
0x24: {  	s3 =	sadd.s32 $0x88, s3;
	s6 =	simm.s32 @!p1 $0x1082;
	[sflag:s4] =	ssyncset.s32 $0xFFFFF086  }
0x25: {  	[simem:s6], [sflag:s4] =	dma.local [hbm:s3], $0xF7A  }
0x26: {  	[smem:$0x3F9E] =	sst s1;
	(tag) =	ssettag s2;
	_ =	strace s9  }
0x27: {  	s1 =	sld [smem:$0x3FAE]  }
0x28: {  	s2 =	sld [smem:$0x3FAF]  }
0x29: {  	s4 =	sld [smem:$0x3FB1]  }
0x2a: {  	p0 =	seq.s32 s5, $0x0;
	s5 =	sld [smem:$0x3FB2]  }
0x2b: {  	s6 =	sld [smem:$0x3FB3]  }
0x2c: {  	s7 =	sld [smem:$0x3FB4]  }
0x2d: {  	s3 =	simm.s32 $0x108;
	s8 =	sld [smem:$0x3FB5]  }
0x2e: {  	s3 =	simm.s32 @!p0 $0x1082;
	s9 =	sld [smem:$0x3FB6]  }
0x2f: {  	lr =	sadd.s32 s0, s3;
	s0 =	sld [smem:$0x3FAD]  }
0x30: {  	s3 =	sld [smem:$0x3FB0]  }
0x31: {  	[smem:$0x3FB9] =	sst s10  }
0x32: {  	s10 =	sld [smem:$0x3FB7];
	_ =	sdelay $0x3  }
0x33: {  	p0 =	seq.s32 s10, $0x1;
	s10 =	sld [smem:$0x3FB9];
	_ =	sdelay $0x3  }
0x34: {  	[smem:$0x3FB9] =	sst s10  }
0x35: {  	s10 =	sld [smem:$0x3FB8];
	_ =	sdelay $0x3  }
0x36: {  	p1 =	seq.s32 s10, $0x1;
	s10 =	sld [smem:$0x3FB9];
	_ =	sdelay $0x3  }
0x37: {  	[smem:$0x3FB9] =	sst s10  }
0x38: {  	s10 =	sld [smem:$0x3FBA]  }
0x39: {  	_ = 	snop;
	(pc) =	sbr.ind lr, $3  }
0x3a: {  	_ = 	snop  }
0x3b: {  	_ = 	snop  }
0x3c: {  	p2 =	seq.s32 s10, $0x1;
	s10 =	sld [smem:$0x3FB9]  }
0x3d: {  	_ =	shalt  }
0x3e: {  	_ =	shalt  }
0x3f: {  	_ =	shalt  }
0x40: {  	_ =	shalt  }
0x41: {  	_ =	shalt  }
0x42: {  	_ =	shalt  }
0x43: {  	_ =	shalt  }
0x44: {  	_ =	shalt  }
0x45: {  	_ =	shalt  }
0x46: {  	_ =	shalt  }
0x47: {  	_ =	shalt  }
0x48: {  	_ =	shalt  }
0x49: {  	_ =	shalt  }
0x4a: {  	_ =	shalt  }
0x4b: {  	_ =	shalt  }
0x4c: {  	_ =	shalt  }
0x4d: {  	_ =	shalt  }
0x4e: {  	_ =	shalt  }
0x4f: {  	_ =	shalt  }
0x50: {  	_ =	shalt  }
0x51: {  	_ =	shalt  }
0x52: {  	_ =	shalt  }
0x53: {  	_ =	shalt  }
0x54: {  	_ =	shalt  }
0x55: {  	_ =	shalt  }
0x56: {  	_ =	shalt  }
0x57: {  	_ =	shalt  }
0x58: {  	_ =	shalt  }
0x59: {  	_ =	shalt  }
0x5a: {  	_ =	shalt  }
0x5b: {  	_ =	shalt  }
0x5c: {  	_ =	shalt  }
0x5d: {  	_ =	shalt  }
0x5e: {  	_ =	shalt  }
0x5f: {  	_ =	shalt  }
0x60: {  	_ =	shalt  }
0x61: {  	_ =	shalt  }
0x62: {  	_ =	shalt  }
0x63: {  	_ =	shalt  }
0x64: {  	_ =	shalt  }
0x65: {  	_ =	shalt  }
0x66: {  	_ =	shalt  }
0x67: {  	_ =	shalt  }
0x68: {  	_ =	shalt  }
0x69: {  	_ =	shalt  }
0x6a: {  	_ =	shalt  }
0x6b: {  	_ =	shalt  }
0x6c: {  	_ =	shalt  }
0x6d: {  	_ =	shalt  }
0x6e: {  	_ =	shalt  }
0x6f: {  	_ =	shalt  }
0x70: {  	_ =	shalt  }
0x71: {  	_ =	shalt  }
0x72: {  	_ =	shalt  }
0x73: {  	_ =	shalt  }
0x74: {  	_ =	shalt  }
0x75: {  	_ =	shalt  }
0x76: {  	_ =	shalt  }
0x77: {  	_ =	shalt  }
0x78: {  	_ =	shalt  }
0x79: {  	_ =	shalt  }
0x7a: {  	_ =	shalt  }
0x7b: {  	_ =	shalt  }
0x7c: {  	_ =	shalt  }
0x7d: {  	_ =	shalt  }
0x7e: {  	_ =	shalt  }
0x7f: {  	_ =	shalt  }
0x80: {  	_ =	shalt  }
0x81: {  	_ =	shalt  }
0x82: {  	_ =	shalt  }
0x83: {  	_ =	shalt  }
0x84: {  	_ =	shalt  }
0x85: {  	_ =	shalt  }
0x86: {  	_ =	shalt  }
0x87: {  	_ =	shalt  }
.Lfunc_end0:
.L_simem_size_0:
called_computation.1_lowered:
.L_overlay_start_0:
0x88: {  	s2 =	sld [smem:$0x3FD9]  }
0x89: {  	s3 =	sld [smem:$0x3FFE];
	_ =	sdelay $0x1  }
0x8a: {  	s1 =	srdreg.scid  }
0x8b: {  	s0 =	sand.u32 $0x1, s1  }
0x8c: {  	s15 =	sshll.u32 s0, $0xA;
	s2 =	sadd.s32 s3, s2  }
0x8d: {  	s2 =	sadd.s32 s2, s15  }
0x8e: {  	[smem:$0x3FC5] =	sst s2  }
0x8f: {  	_ = 	snop  }
0x90: {  	s2 =	sld [smem:$0x3FD0];
	_ =	sdelay $0x2  }
0x91: {  	s4 =	simm.s32 $0xB;
	s16 =	simm.s32 $0x10  }
0x92: {  	[smem:s16], [sflag:s4] =	dma.local [hbm:s2], $0x1  }
0x93: {  	_ =	swait.eq [sflag:s4], $0x1  }
0x94: {  	[sflag:s4] =	ssyncset.done $0x0  }
0x95: {  	s17 =	sld [smem:$0x10];
	[sflag:s4] =	ssyncadd.s32 $0xFFFFFFFF  }
0x96: {  	s18 =	sld [smem:$0x11];
	(tm) =	ssettm $0x1  }
0x97: {  	s19 =	sld [smem:$0x3FFB];
	_ =	sdelay $0x3  }
0x98: {  	_ =	strace s19  }
0x99: {  	s2 =	sld [smem:$0x3FFC];
	_ =	sdelay $0x3  }
0x9a: {  	_ =	strace s2  }
0x9b: {  	s2 =	sld [smem:$0x3FFD];
	_ =	sdelay $0x3  }
0x9c: {  	_ =	strace s2  }
0x9d: {  	_ =	strace $0x8FFFFFFF  }
0x9e: {  	s20 =	sld [smem:$0x3FDB];
	_ =	sdelay $0x1  }
0x9f: {  	s5 =	simm.s32 $_scs_section_size  }
0xa0: {  	s6 =	simm.s32 $_size__tile_overlayer_lowered;
	s7 =	simm.s32 $_tile_overlayer_lowered  }
0xa1: {  	s8 =	simm.s32 $0x1BFF;
	s21 =	sshll.u32 s7, $0x1;
	s5 =	sadd.s32 s5, s20  }
0xa2: {  	s22 =	simm.s32 $0x0;
	s6 =	sshll.u32 s6, $0x1;
	s7 =	sadd.s32 s21, s5  }
0xa3: {  	[timem:s22], [sflag:s8] =	dma.local [hbm:s7], s6  }
0xa4: {  	_ =	swait.ge [sflag:s8], s6  }
0xa5: {  	s6 =	ssub.s32 $0x0, s6;
	[sflag:s8] =	ssyncset.done $0x0  }
0xa6: {  	[sflag:s8] =	ssyncadd.s32 s6;
	_ =	sdelay $0x1  }
0xa7: {  	s23 =	simm.s32 $0x1B8B  }
0xa8: {  	_ =	swait.ge [sflag:s23], $0x1  }
0xa9: {  	[sflag:s23] =	ssyncset.done $0x0  }
0xaa: {  	[sflag:s23] =	ssyncadd.s32 $0xFFFFFFFF  }
0xab: {  	s6 =	sld [smem:$0x0]  }
0xac: {  	s7 =	sand.u32 $0xFFFFFFFE, s1  }
0xad: {  	p0 =	sne.s32 s1, s7  }
0xae: {  	s7 =	sshll.u32 @p0 s7, $0xE  }
0xaf: {  	s7 =	sadd.s32 @p0 $0x11B8D, s7;
	s8 =	sshll.u32 @p0 s6, $0x11  }
0xb0: {  	s7 =	sor.u32 @p0 s8, s7  }
0xb1: {  	[sflag:s7] =	ssyncadd.remote.s32 @p0 $0x1;
	_ =	sdelay $0x1  }
0xb2: {  	s7 =	simm.s32 @p0 $0x1B8D  }
0xb3: {  	_ =	swait.eq @p0 [sflag:s7], $0x1  }
0xb4: {  	[sflag:s7] =	ssyncadd.s32 @p0 $0xFFFFFFFF  }
0xb5: {  	s8 =	sshll.u32 @!p0 s1, $0xE  }
0xb6: {  	s8 =	sor.u32 @!p0 $0x4000, s8;
	s7 =	simm.s32 @!p0 $0x1B8D  }
0xb7: {  	s6 =	sshll.u32 @!p0 s6, $0x11;
	s8 =	sadd.s32 @!p0 $0x11B8D, s8;
	_ =	swait.eq @!p0 [sflag:s7], $0x1  }
0xb8: {  	s6 =	sor.u32 @!p0 s6, s8;
	[sflag:s7] =	ssyncadd.s32 @!p0 $0xFFFFFFFF  }
0xb9: {  	s25 =	simm.s32 $0x1B8E;
	s24 =	sld [smem:$0x3FFE];
	[sflag:s6] =	ssyncadd.remote.s32 @!p0 $0x1  }
0xba: {  	s26 =	simm.s32 $execute0_lowered;
	[smem:$0x3FD2] =	sst s25  }
0xbb: {  	s7 =	sshll.u32 s26, $0x1;
	_ =	strace $0x80000049;
	[dreg:$0x1] =	wrdreg $0xFFFFFFFF  }
0xbc: {  	s28 =	simm.s32 $_size_execute0_lowered;
	s5 =	sadd.s32 s5, s7;
	[dreg:$0x0] =	wrdreg $0x0  }
0xbd: {  	s7 =	sshll.u32 s28, $0x1;
	[dreg:$0x2] =	wrdreg s5  }
0xbe: {  	[dreg:$0x3] =	wrdreg s7  }
0xbf: {  	[dreg:$0x4] =	wrdreg $0xC0  }
0xc0: {  	_ =	task [dreg:s22], $0x5FFFF  }
0xc1: {  	[dreg:$0x1] =	wrdreg $0xFFFFFFFF  }
0xc2: {  	[dreg:$0x0] =	wrdreg $0x60  }
0xc3: {  	[dreg:$0x2] =	wrdreg s24  }
0xc4: {  	[dreg:$0x3] =	wrdreg s18  }
0xc5: {  	[dreg:$0x4] =	wrdreg s17  }
0xc6: {  	[dreg:$0x5] =	wrdreg $0xA  }
0xc7: {  	_ =	task.clear_ibuf [dreg:s22], $0x6FFFF;
	_ =	strace $0x90000049  }
0xc8: {  	s29 =	simm.s32 $0xA;
	_ =	strace $0x8000004B  }
0xc9: {  	_ =	swait.ge [sflag:s29], $0x1  }
0xca: {  	[sflag:s29] =	ssyncadd.s32 $0xFFFFFFFF  }
0xcb: {  	_ =	strace $0x9000004B  }
0xcc: {  	_ =	sfence  }
0xcd: {  	s30 =	sld [smem:$0x0];
	_ =	sdelay $0x2  }
0xce: {  	s31 =	sshll.u32 s1, $0xD;
	s1 =	sshrl.u32 s1, $0x2  }
0xcf: {  	s4 =	sand.u32 $0x4000, s31;
	s1 =	sadd.s32 s1, s30  }
0xd0: {  	s0 =	sor.u32 s4, s0;
	s1 =	sshll.u32 s1, $0x11  }
0xd1: {  	s0 =	sor.u32 s1, s0  }
0xd2: {  	s0 =	sadd.s32 $0x8F2B, s0  }
0xd3: {  	[sflag:s0] =	ssyncadd.remote.s32 $0x1  }
0xd4: {  	_ =	sfence.sel $0xFFFF  }
0xd5: {  	[dreg:$0x0] =	wrdreg $0xFFFFFFFF;
	(pc) =	sbr.abs _section_cstart, $3  }
0xd6: {  	[dreg:$0x1] =	wrdreg $0xFFFFFFFF  }
0xd7: {  	_ =	task.clear_ibuf [dreg:s22], $0x2FFFF;
	_ =	strace $0x9FFFFFFF  }
0xd8: {  	(tm) =	ssettm $0x7FFFFFFF  }
0xd9: {  	_ =	shalt  }
tec
execute0_lowered:
.L_overlay_start_1:
0x0: {  	(tag) =	ssettag $0x1  }
0x1: {  	s3 =	rddreg [dreg:$0x0]  }
0x2: {  	s4 =	rddreg [dreg:$0x1]  }
0x3: {  	s5 =	rddreg [dreg:$0x2]  }
0x4: {  	s0 =	rddreg [dreg:$0x3];
	s6 =	srdreg.scid  }
0x5: {  	s1 =	stileid.u32;
	s2 =	simm.s32 $0x0;
	s9 =	simm.s32 $0x8400  }
0x6: {  	s10 =	simm.s32 $0x0;
	s6 =	sand.u32 $0x1, s6;
	s7 =	sshll.u32 s1, $0x1  }
0x7: {  	[smem:$0x7FF] =	sst s2;
	s7 =	sor.u32 s6, s7;
	s6 =	ssub.s32 $0x2, s6  }
0x8: {  	_ =	strace $0x8000004A;
	s8 =	sshll.u32 s7, $0xC;
	s31 =	sshrl.u32 s6, $0x1  }
0x9: {  	s7 =	sshll.u32 s7, $0x7;
	s3 =	sadd.s32 s8, s3;
	s6 =	ssub.s32 s6, s31  }
0xa: {  	s4 =	sadd.s32 s4, s7;
	s5 =	sadd.s32 s5, s7;
	s7 =	simm.s32 $0x1  }
0xb: {  	v0 =	vlaneseq.u32;
	v1 =	vimm.s32 $0x0;
	s8 =	simm.s32 $0x8000;
	s3 =	sadd.s32 $0x24200, s3;
	s6 =	smax.u32 s6, $0x1  }
.LBB2_1:
0xc: {  	v2 =	vor.u32 s2, v0  }
0xd: {  	v3 =	vshll.u32 v2, $0x6  }
0xe: {  	[tilespmem:s2], [sflag:$0x1] =	stream.linear.gather [hbm4b:s3+s2], $0x8000, $0x38;
	v4 =	vor.u32 $0x1, v3;
	[tilespmem:$0x8800] =	vst v63  }
0xf: {  	_ =	swait.ge [sflag:s7], $0x8000  }
0x10: {  	[sflag:s7] =	ssyncset.done $0x0  }
0x11: {  	[sflag:s7] =	ssyncadd.s32 $0xFFFF8000  }
0x12: {  	v6 =	vld.idx.msk [tilespmem:v3+s2+$0x0], $0xffff  }
0x13: {  	v5 =	vor.u32 $0x2, v3;
	v4 =	vld.idx.msk [tilespmem:v4+s2+$0x0], $0xffff;
	_ =	sdelay $0x2  }
0x14: {  	v7 =	vor.u32 $0x3, v3  }
0x15: {  	v9 =	vimm.s32 $0x0  }
0x16: {  	v5 =	vld.idx.msk [tilespmem:v5+s2+$0x0], $0xffff;
	vm0 =	vgt.f32 v6, $-Inf;
	vm8 =	vlt.f32 v4, $-Inf;
	vm1 =	vgt.f32 v4, $-Inf  }
0x17: {  	v8 =	vor.u32 $0x4, v3;
	v6 =	vnsel vm0, $0xFF800000, v6;
	vm0 =	vmor vm1, vm8  }
0x18: {  	vm14 =	vgt.f32 v4, v6;
	v9 =	vsel vm0, $0xFFFFFFFF, v9  }
0x19: {  	v7 =	vld.idx.msk [tilespmem:v7+s2+$0x0], $0xffff;
	vm1 =	vmneg vm14;
	[tilespmem:$0x1FBF0] =	vst v9;
	v9 =	vnsel vm0, $0xFF800000, v4  }
0x1a: {  	v9 =	vsel vm1, v9, v6  }
0x1b: {  	v10 =	vor.u32 $0x5, v3;
	v4 =	vsel vm1, v6, v4;
	vm15 =	vgt.f32 v5, v9  }
0x1c: {  	v6 =	vld.idx.msk [tilespmem:v8+s2+$0x0], $0xffff;
	vm2 =	vgt.f32 v5, v4;
	v8 =	vsel vm15, v5, v9  }
0x1d: {  	v9 =	vor.u32 $0x6, v3;
	v8 =	vsel vm2, v4, v8  }
0x1e: {  	v4 =	vsel vm2, v5, v4;
	v5 =	vimm.s32 $0x0;
	vm9 =	vgt.f32 v7, v8  }
0x1f: {  	vm3 =	vgt.f32 v7, v4;
	v5 =	vsel vm9, $0xFFFFFFFF, v5;
	v8 =	vsel vm9, v7, v8  }
0x20: {  	[tilespmem:$0x1FC00] =	vst v5;
	v5 =	vld.idx.msk [tilespmem:v10+s2+$0x0], $0xffff;
	v8 =	vsel vm3, v4, v8  }
0x21: {  	v4 =	vsel vm3, v7, v4;
	v7 =	vimm.s32 $0x0;
	vm10 =	vgt.f32 v6, v8  }
0x22: {  	v10 =	vor.u32 $0x7, v3;
	v7 =	vsel vm10, $0xFFFFFFFF, v7  }
0x23: {  	vm4 =	vgt.f32 v6, v4;
	v8 =	vsel vm10, v6, v8;
	[tilespmem:$0x1FC10] =	vst v7;
	v7 =	vld.idx.msk [tilespmem:v9+s2+$0x0], $0xffff  }
0x24: {  	v9 =	vor.u32 $0x8, v3;
	v8 =	vsel vm4, v4, v8  }
0x25: {  	v4 =	vsel vm4, v6, v4;
	v6 =	vimm.s32 $0x0;
	vm11 =	vgt.f32 v5, v8  }
0x26: {  	vm5 =	vgt.f32 v5, v4;
	v6 =	vsel vm11, $0xFFFFFFFF, v6;
	v8 =	vsel vm11, v5, v8  }
0x27: {  	[tilespmem:$0x1FC20] =	vst v6;
	v6 =	vld.idx.msk [tilespmem:v10+s2+$0x0], $0xffff;
	v8 =	vsel vm5, v4, v8  }
0x28: {  	v4 =	vsel vm5, v5, v4;
	v5 =	vimm.s32 $0x0;
	vm12 =	vgt.f32 v7, v8  }
0x29: {  	v10 =	vor.u32 $0x9, v3;
	v5 =	vsel vm12, $0xFFFFFFFF, v5  }
0x2a: {  	vm6 =	vgt.f32 v7, v4;
	v8 =	vsel vm12, v7, v8;
	[tilespmem:$0x1FC30] =	vst v5;
	v5 =	vld.idx.msk [tilespmem:v9+s2+$0x0], $0xffff  }
0x2b: {  	v9 =	vor.u32 $0xA, v3;
	v8 =	vsel vm6, v4, v8  }
0x2c: {  	v4 =	vsel vm6, v7, v4;
	v7 =	vimm.s32 $0x0;
	vm13 =	vgt.f32 v6, v8  }
0x2d: {  	vm7 =	vgt.f32 v6, v4;
	v7 =	vsel vm13, $0xFFFFFFFF, v7;
	v8 =	vsel vm13, v6, v8  }
0x2e: {  	[tilespmem:$0x1FC40] =	vst v7;
	v7 =	vld.idx.msk [tilespmem:v10+s2+$0x0], $0xffff;
	v8 =	vsel vm7, v4, v8  }
0x2f: {  	v4 =	vsel vm7, v6, v4;
	v6 =	vimm.s32 $0x0;
	vm8 =	vgt.f32 v5, v8  }
0x30: {  	v10 =	vor.u32 $0xB, v3;
	v6 =	vsel vm8, $0xFFFFFFFF, v6  }
0x31: {  	v8 =	vsel vm8, v5, v8;
	vm8 =	vgt.f32 v5, v4;
	[tilespmem:$0x1FC50] =	vst v6;
	v6 =	vld.idx.msk [tilespmem:v9+s2+$0x0], $0xffff  }
0x32: {  	v9 =	vor.u32 $0xC, v3;
	v8 =	vsel vm8, v4, v8  }
0x33: {  	v4 =	vsel vm8, v5, v4;
	v5 =	vimm.s32 $0x0;
	vm9 =	vgt.f32 v7, v8  }
0x34: {  	v5 =	vsel vm9, $0xFFFFFFFF, v5;
	v8 =	vsel vm9, v7, v8;
	vm9 =	vgt.f32 v7, v4  }
0x35: {  	[tilespmem:$0x1FC60] =	vst v5;
	v5 =	vld.idx.msk [tilespmem:v10+s2+$0x0], $0xffff;
	v8 =	vsel vm9, v4, v8  }
0x36: {  	v4 =	vsel vm9, v7, v4;
	v7 =	vimm.s32 $0x0;
	vm10 =	vgt.f32 v6, v8  }
0x37: {  	v10 =	vor.u32 $0xD, v3;
	v7 =	vsel vm10, $0xFFFFFFFF, v7  }
0x38: {  	v8 =	vsel vm10, v6, v8;
	vm10 =	vgt.f32 v6, v4;
	[tilespmem:$0x1FC70] =	vst v7;
	v7 =	vld.idx.msk [tilespmem:v9+s2+$0x0], $0xffff  }
0x39: {  	v9 =	vor.u32 $0xE, v3;
	v8 =	vsel vm10, v4, v8  }
0x3a: {  	v4 =	vsel vm10, v6, v4;
	v6 =	vimm.s32 $0x0;
	vm11 =	vgt.f32 v5, v8  }
0x3b: {  	v6 =	vsel vm11, $0xFFFFFFFF, v6;
	v8 =	vsel vm11, v5, v8;
	vm11 =	vgt.f32 v5, v4  }
0x3c: {  	[tilespmem:$0x1FC80] =	vst v6;
	v6 =	vld.idx.msk [tilespmem:v10+s2+$0x0], $0xffff;
	v8 =	vsel vm11, v4, v8  }
0x3d: {  	v4 =	vsel vm11, v5, v4;
	v5 =	vimm.s32 $0x0;
	vm12 =	vgt.f32 v7, v8  }
0x3e: {  	v10 =	vor.u32 $0xF, v3;
	v5 =	vsel vm12, $0xFFFFFFFF, v5  }
0x3f: {  	v8 =	vsel vm12, v7, v8;
	vm12 =	vgt.f32 v7, v4;
	[tilespmem:$0x1FC90] =	vst v5;
	v5 =	vld.idx.msk [tilespmem:v9+s2+$0x0], $0xffff  }
0x40: {  	v8 =	vsel vm12, v4, v8  }
0x41: {  	v11 =	vld [tilespmem:$0x1FBF0];
	v4 =	vsel vm12, v7, v4;
	v7 =	vimm.s32 $0x0;
	vm13 =	vgt.f32 v6, v8  }
0x42: {  	v7 =	vsel vm13, $0xFFFFFFFF, v7;
	v8 =	vsel vm13, v6, v8;
	vm13 =	vgt.f32 v6, v4  }
0x43: {  	v9 =	vor.u32 $0x10, v3;
	[tilespmem:$0x1FCA0] =	vst v7;
	v7 =	vld.idx.msk [tilespmem:v10+s2+$0x0], $0xffff;
	v8 =	vsel vm13, v4, v8  }
0x44: {  	v4 =	vsel vm13, v6, v4;
	v6 =	vimm.s32 $0x0;
	vm0 =	vgt.f32 v5, v8  }
0x45: {  	v10 =	vor.u32 $0x11, v3;
	v6 =	vsel vm0, $0xFFFFFFFF, v6;
	v8 =	vsel vm0, v5, v8  }
0x46: {  	vm0 =	vnez.u8 v11;
	[tilespmem:$0x1FCB0] =	vst v6;
	v6 =	vsel vm14, $0x1, v1;
	vm14 =	vgt.f32 v5, v4  }
0x47: {  	vm0 =	vmand vm0, vm1;
	v8 =	vsel vm14, v4, v8  }
0x48: {  	v9 =	vld.idx.msk [tilespmem:v9+s2+$0x0], $0xffff;
	v12 =	vsel vm0, $0x1, v1;
	v4 =	vsel vm14, v5, v4;
	vm0 =	vgt.f32 v7, v8  }
0x49: {  	vm1 =	vgt.f32 v7, v4;
	v8 =	vsel vm0, v7, v8  }
0x4a: {  	v5 =	vimm.s32 $0x0;
	v8 =	vsel vm1, v4, v8;
	v4 =	vsel vm1, v7, v4;
	v7 =	vld [tilespmem:$0x1FC00]  }
0x4b: {  	v10 =	vld.idx.msk [tilespmem:v10+s2+$0x0], $0xffff;
	v5 =	vsel vm0, $0xFFFFFFFF, v5  }
0x4c: {  	[tilespmem:$0x1FCC0] =	vst v5;
	v5 =	vsel vm15, $0x2, v12  }
0x4d: {  	v11 =	vor.u32 $0x12, v3;
	v5 =	vsel vm2, v6, v5;
	vm15 =	vgt.f32 v9, v8  }
0x4e: {  	v6 =	vsel vm2, $0x2, v6;
	vm2 =	vgt.f32 v9, v4;
	v8 =	vsel vm15, v9, v8  }
0x4f: {  	v8 =	vsel vm2, v4, v8;
	v4 =	vsel vm2, v9, v4;
	vm0 =	vnez.u8 v7  }
0x50: {  	v9 =	vimm.s32 $0x0;
	v5 =	vsel vm0, $0x3, v5;
	vm0 =	vgt.f32 v10, v8  }
0x51: {  	v9 =	vsel vm0, $0xFFFFFFFF, v9  }
0x52: {  	[tilespmem:$0x1FCD0] =	vst v9;
	v9 =	vld [tilespmem:$0x1FC10];
	_ =	sdelay $0x2  }
0x53: {  	v7 =	vld.idx.msk [tilespmem:v11+s2+$0x0], $0xffff;
	_ =	sdelay $0x1  }
0x54: {  	v5 =	vsel vm3, v6, v5;
	v6 =	vsel vm3, $0x3, v6;
	vm3 =	vnez.u8 v9  }
0x55: {  	v8 =	vsel vm0, v10, v8;
	v5 =	vsel vm3, $0x4, v5;
	vm3 =	vgt.f32 v10, v4  }
0x56: {  	v12 =	vor.u32 $0x13, v3;
	v8 =	vsel vm3, v4, v8  }
0x57: {  	v4 =	vsel vm3, v10, v4;
	v10 =	vimm.s32 $0x0;
	vm0 =	vgt.f32 v7, v8  }
0x58: {  	v10 =	vsel vm0, $0xFFFFFFFF, v10  }
0x59: {  	[tilespmem:$0x1FCE0] =	vst v10;
	v10 =	vld [tilespmem:$0x1FC20];
	_ =	sdelay $0x2  }
0x5a: {  	v9 =	vld.idx.msk [tilespmem:v12+s2+$0x0], $0xffff;
	_ =	sdelay $0x1  }
0x5b: {  	v5 =	vsel vm4, v6, v5;
	v6 =	vsel vm4, $0x4, v6;
	vm4 =	vnez.u8 v10  }
0x5c: {  	v8 =	vsel vm0, v7, v8;
	v5 =	vsel vm4, $0x5, v5;
	vm4 =	vgt.f32 v7, v4  }
0x5d: {  	v11 =	vor.u32 $0x14, v3;
	v13 =	vsel vm5, $0x5, v6;
	v8 =	vsel vm4, v4, v8  }
0x5e: {  	v5 =	vsel vm5, v6, v5;
	v6 =	vimm.s32 $0x0;
	vm0 =	vgt.f32 v9, v8  }
0x5f: {  	v6 =	vsel vm0, $0xFFFFFFFF, v6  }
0x60: {  	[tilespmem:$0x1FCF0] =	vst v6;
	v6 =	vld [tilespmem:$0x1FC30];
	_ =	sdelay $0x2  }
0x61: {  	v10 =	vld.idx.msk [tilespmem:v11+s2+$0x0], $0xffff;
	_ =	sdelay $0x1  }
0x62: {  	v4 =	vsel vm4, v7, v4;
	vm5 =	vnez.u8 v6  }
0x63: {  	v7 =	vsel vm0, v9, v8;
	v5 =	vsel vm5, $0x6, v5;
	vm5 =	vgt.f32 v9, v4  }
0x64: {  	v12 =	vor.u32 $0x15, v3;
	v7 =	vsel vm5, v4, v7  }
0x65: {  	v4 =	vsel vm5, v9, v4;
	v9 =	vimm.s32 $0x0;
	vm0 =	vgt.f32 v10, v7  }
0x66: {  	v9 =	vsel vm0, $0xFFFFFFFF, v9  }
0x67: {  	[tilespmem:$0x1FD00] =	vst v9;
	v9 =	vld [tilespmem:$0x1FC40];
	_ =	sdelay $0x2  }
0x68: {  	v6 =	vld.idx.msk [tilespmem:v12+s2+$0x0], $0xffff;
	_ =	sdelay $0x1  }
0x69: {  	v12 =	vsel vm6, $0x6, v13;
	v5 =	vsel vm6, v13, v5;
	vm6 =	vnez.u8 v9  }
0x6a: {  	v7 =	vsel vm0, v10, v7;
	v5 =	vsel vm6, $0x7, v5;
	vm6 =	vgt.f32 v10, v4  }
0x6b: {  	v11 =	vor.u32 $0x16, v3;
	v7 =	vsel vm6, v4, v7  }
0x6c: {  	v4 =	vsel vm6, v10, v4;
	v10 =	vimm.s32 $0x0;
	vm0 =	vgt.f32 v6, v7  }
0x6d: {  	v10 =	vsel vm0, $0xFFFFFFFF, v10  }
0x6e: {  	[tilespmem:$0x1FD10] =	vst v10;
	v10 =	vld [tilespmem:$0x1FC50];
	_ =	sdelay $0x2  }
0x6f: {  	v9 =	vld.idx.msk [tilespmem:v11+s2+$0x0], $0xffff;
	_ =	sdelay $0x1  }
0x70: {  	v5 =	vsel vm7, v12, v5;
	v12 =	vsel vm7, $0x7, v12;
	vm7 =	vnez.u8 v10  }
0x71: {  	v7 =	vsel vm0, v6, v7;
	v5 =	vsel vm7, $0x8, v5;
	vm7 =	vgt.f32 v6, v4  }
0x72: {  	v8 =	vor.u32 $0x17, v3;
	v7 =	vsel vm7, v4, v7  }
0x73: {  	v4 =	vsel vm7, v6, v4;
	v6 =	vimm.s32 $0x0;
	vm0 =	vgt.f32 v9, v7  }
0x74: {  	v6 =	vsel vm0, $0xFFFFFFFF, v6  }
0x75: {  	[tilespmem:$0x1FD20] =	vst v6;
	v6 =	vld [tilespmem:$0x1FC60];
	_ =	sdelay $0x2  }
0x76: {  	v8 =	vld.idx.msk [tilespmem:v8+s2+$0x0], $0xffff;
	_ =	sdelay $0x1  }
0x77: {  	v5 =	vsel vm8, v12, v5;
	v12 =	vsel vm8, $0x8, v12;
	vm8 =	vnez.u8 v6  }
0x78: {  	v7 =	vsel vm0, v9, v7;
	v5 =	vsel vm8, $0x9, v5;
	vm8 =	vgt.f32 v9, v4  }
0x79: {  	v11 =	vor.u32 $0x18, v3;
	v7 =	vsel vm8, v4, v7  }
0x7a: {  	v4 =	vsel vm8, v9, v4;
	v9 =	vimm.s32 $0x0;
	vm0 =	vgt.f32 v8, v7  }
0x7b: {  	v9 =	vsel vm0, $0xFFFFFFFF, v9  }
0x7c: {  	[tilespmem:$0x1FD30] =	vst v9;
	v9 =	vld [tilespmem:$0x1FC70];
	_ =	sdelay $0x2  }
0x7d: {  	v6 =	vld.idx.msk [tilespmem:v11+s2+$0x0], $0xffff;
	_ =	sdelay $0x1  }
0x7e: {  	v5 =	vsel vm9, v12, v5;
	v12 =	vsel vm9, $0x9, v12;
	vm9 =	vnez.u8 v9  }
0x7f: {  	v7 =	vsel vm0, v8, v7;
	v5 =	vsel vm9, $0xA, v5;
	vm9 =	vgt.f32 v8, v4  }
0x80: {  	v10 =	vor.u32 $0x19, v3;
	v7 =	vsel vm9, v4, v7  }
0x81: {  	v4 =	vsel vm9, v8, v4;
	v8 =	vimm.s32 $0x0;
	vm0 =	vgt.f32 v6, v7  }
0x82: {  	v8 =	vsel vm0, $0xFFFFFFFF, v8  }
0x83: {  	[tilespmem:$0x1FD40] =	vst v8;
	v8 =	vld [tilespmem:$0x1FC80];
	_ =	sdelay $0x2  }
0x84: {  	v9 =	vld.idx.msk [tilespmem:v10+s2+$0x0], $0xffff;
	_ =	sdelay $0x1  }
0x85: {  	v5 =	vsel vm10, v12, v5;
	v12 =	vsel vm10, $0xA, v12;
	vm10 =	vnez.u8 v8  }
0x86: {  	v7 =	vsel vm0, v6, v7;
	v5 =	vsel vm10, $0xB, v5;
	vm10 =	vgt.f32 v6, v4  }
0x87: {  	v11 =	vor.u32 $0x1A, v3;
	v7 =	vsel vm10, v4, v7  }
0x88: {  	v4 =	vsel vm10, v6, v4;
	v6 =	vimm.s32 $0x0;
	vm0 =	vgt.f32 v9, v7  }
0x89: {  	v6 =	vsel vm0, $0xFFFFFFFF, v6  }
0x8a: {  	[tilespmem:$0x1FD50] =	vst v6;
	v6 =	vld [tilespmem:$0x1FC90];
	_ =	sdelay $0x2  }
0x8b: {  	v8 =	vld.idx.msk [tilespmem:v11+s2+$0x0], $0xffff;
	_ =	sdelay $0x1  }
0x8c: {  	v5 =	vsel vm11, v12, v5;
	v12 =	vsel vm11, $0xB, v12;
	vm11 =	vnez.u8 v6  }
0x8d: {  	v7 =	vsel vm0, v9, v7;
	v5 =	vsel vm11, $0xC, v5;
	vm11 =	vgt.f32 v9, v4  }
0x8e: {  	v10 =	vor.u32 $0x1B, v3;
	v7 =	vsel vm11, v4, v7  }
0x8f: {  	v4 =	vsel vm11, v9, v4;
	v9 =	vimm.s32 $0x0;
	vm0 =	vgt.f32 v8, v7  }
0x90: {  	v9 =	vsel vm0, $0xFFFFFFFF, v9  }
0x91: {  	[tilespmem:$0x1FD60] =	vst v9;
	v9 =	vld [tilespmem:$0x1FCA0];
	_ =	sdelay $0x2  }
0x92: {  	v6 =	vld.idx.msk [tilespmem:v10+s2+$0x0], $0xffff  }
0x93: {  	v11 =	vor.u32 $0x1C, v3  }
0x94: {  	v5 =	vsel vm12, v12, v5;
	v12 =	vsel vm12, $0xC, v12;
	vm12 =	vnez.u8 v9  }
0x95: {  	v7 =	vsel vm0, v8, v7;
	v5 =	vsel vm12, $0xD, v5;
	vm12 =	vgt.f32 v8, v4  }
0x96: {  	v5 =	vsel vm13, v12, v5;
	v7 =	vsel vm12, v4, v7;
	v12 =	vsel vm13, $0xD, v12  }
0x97: {  	v4 =	vsel vm12, v8, v4;
	v8 =	vimm.s32 $0x0;
	vm13 =	vgt.f32 v6, v7  }
0x98: {  	v8 =	vsel vm13, $0xFFFFFFFF, v8  }
0x99: {  	[tilespmem:$0x1FD70] =	vst v8;
	v8 =	vld [tilespmem:$0x1FCB0]  }
0x9a: {  	v9 =	vld.idx.msk [tilespmem:v11+s2+$0x0], $0xffff;
	_ =	sdelay $0x2  }
0x9b: {  	v10 =	vor.u32 $0x1D, v3;
	v7 =	vsel vm13, v6, v7;
	vm13 =	vgt.f32 v6, v4  }
0x9c: {  	v7 =	vsel vm13, v4, v7;
	v4 =	vsel vm13, v6, v4;
	vm0 =	vnez.u8 v8  }
0x9d: {  	v6 =	vimm.s32 $0x0;
	v5 =	vsel vm0, $0xE, v5;
	vm0 =	vgt.f32 v9, v7  }
0x9e: {  	v6 =	vsel vm0, $0xFFFFFFFF, v6  }
0x9f: {  	[tilespmem:$0x1FD80] =	vst v6;
	v6 =	vld [tilespmem:$0x1FCC0]  }
0xa0: {  	v11 =	vor.u32 $0x1E, v3;
	_ =	sdelay $0x1  }
0xa1: {  	v8 =	vld.idx.msk [tilespmem:v10+s2+$0x0], $0xffff;
	_ =	sdelay $0x1  }
0xa2: {  	v5 =	vsel vm14, v12, v5;
	v12 =	vsel vm14, $0xE, v12;
	vm14 =	vnez.u8 v6  }
0xa3: {  	v7 =	vsel vm0, v9, v7;
	v6 =	vld.idx.msk [tilespmem:v11+s2+$0x0], $0xffff;
	v5 =	vsel vm14, $0xF, v5;
	vm14 =	vgt.f32 v9, v4  }
0xa4: {  	v10 =	vor.u32 $0x1F, v3;
	v5 =	vsel vm1, v12, v5;
	v7 =	vsel vm14, v4, v7  }
0xa5: {  	v4 =	vsel vm14, v9, v4;
	v9 =	vimm.s32 $0x0;
	vm0 =	vgt.f32 v8, v7  }
0xa6: {  	v5 =	vsel vm15, $0x10, v5;
	vm15 =	vgt.f32 v8, v4;
	v7 =	vsel vm0, v8, v7  }
0xa7: {  	v9 =	vsel vm0, $0xFFFFFFFF, v9;
	v7 =	vsel vm15, v4, v7  }
0xa8: {  	v4 =	vsel vm15, v8, v4;
	v8 =	vimm.s32 $0x0;
	vm0 =	vgt.f32 v6, v7  }
0xa9: {  	v8 =	vsel vm0, $0xFFFFFFFF, v8  }
0xaa: {  	[tilespmem:$0x1FDA0] =	vst v8;
	v8 =	vld [tilespmem:$0x1FCD0]  }
0xab: {  	[tilespmem:$0x1FD90] =	vst v9;
	v9 =	vld.idx.msk [tilespmem:v10+s2+$0x0], $0xffff;
	_ =	sdelay $0x1  }
0xac: {  	v11 =	vor.u32 $0x20, v3;
	v12 =	vsel vm1, $0xF, v12  }
0xad: {  	v5 =	vsel vm2, v12, v5;
	v7 =	vsel vm0, v6, v7;
	vm0 =	vgt.f32 v6, v4  }
0xae: {  	v7 =	vsel vm0, v4, v7;
	v4 =	vsel vm0, v6, v4;
	vm1 =	vnez.u8 v8  }
0xaf: {  	v6 =	vimm.s32 $0x0;
	v5 =	vsel vm1, $0x11, v5;
	vm1 =	vgt.f32 v9, v7  }
0xb0: {  	v6 =	vsel vm1, $0xFFFFFFFF, v6  }
0xb1: {  	v10 =	vor.u32 $0x21, v3;
	[tilespmem:$0x1FDB0] =	vst v6;
	v6 =	vld [tilespmem:$0x1FCE0]  }
0xb2: {  	v8 =	vld.idx.msk [tilespmem:v11+s2+$0x0], $0xffff  }
0xb3: {  	v12 =	vsel vm2, $0x10, v12  }
0xb4: {  	v5 =	vsel vm3, v12, v5  }
0xb5: {  	v12 =	vsel vm3, $0x11, v12;
	v7 =	vsel vm1, v9, v7;
	vm3 =	vgt.f32 v9, v4  }
0xb6: {  	v7 =	vsel vm3, v4, v7;
	vm2 =	vnez.u8 v6;
	v6 =	vld.idx.msk [tilespmem:v10+s2+$0x0], $0xffff  }
0xb7: {  	v4 =	vsel vm3, v9, v4;
	v9 =	vimm.s32 $0x0;
	vm1 =	vgt.f32 v8, v7  }
0xb8: {  	v9 =	vsel vm1, $0xFFFFFFFF, v9  }
0xb9: {  	v11 =	vor.u32 $0x22, v3;
	v7 =	vsel vm1, v8, v7;
	vm1 =	vgt.f32 v8, v4;
	[tilespmem:$0x1FDC0] =	vst v9;
	v9 =	vld [tilespmem:$0x1FCF0]  }
0xba: {  	v7 =	vsel vm1, v4, v7;
	v4 =	vsel vm1, v8, v4  }
0xbb: {  	v8 =	vimm.s32 $0x0;
	v5 =	vsel vm2, $0x12, v5;
	vm2 =	vgt.f32 v6, v7  }
0xbc: {  	v8 =	vsel vm2, $0xFFFFFFFF, v8  }
0xbd: {  	[tilespmem:$0x1FDD0] =	vst v8;
	v8 =	vld [tilespmem:$0x1FD00]  }
0xbe: {  	v5 =	vsel vm4, v12, v5;
	v12 =	vsel vm4, $0x12, v12;
	vm4 =	vnez.u8 v9;
	v9 =	vld.idx.msk [tilespmem:v11+s2+$0x0], $0xffff;
	_ =	sdelay $0x1  }
0xbf: {  	v10 =	vor.u32 $0x23, v3;
	v5 =	vsel vm4, $0x13, v5  }
0xc0: {  	v5 =	vsel vm5, v12, v5;
	v7 =	vsel vm2, v6, v7;
	vm2 =	vgt.f32 v6, v4  }
0xc1: {  	v7 =	vsel vm2, v4, v7;
	v4 =	vsel vm2, v6, v4;
	vm4 =	vnez.u8 v8  }
0xc2: {  	v6 =	vimm.s32 $0x0;
	v5 =	vsel vm4, $0x14, v5;
	vm4 =	vgt.f32 v9, v7  }
0xc3: {  	v6 =	vsel vm4, $0xFFFFFFFF, v6  }
0xc4: {  	v11 =	vor.u32 $0x24, v3;
	[tilespmem:$0x1FDE0] =	vst v6;
	v6 =	vld [tilespmem:$0x1FD10]  }
0xc5: {  	v8 =	vld.idx.msk [tilespmem:v10+s2+$0x0], $0xffff;
	_ =	sdelay $0x1  }
0xc6: {  	v7 =	vsel vm4, v9, v7;
	vm4 =	vgt.f32 v9, v4  }
0xc7: {  	v13 =	vsel vm5, $0x13, v12;
	v7 =	vsel vm4, v4, v7  }
0xc8: {  	v4 =	vsel vm4, v9, v4;
	vm5 =	vnez.u8 v6;
	v6 =	vld.idx.msk [tilespmem:v11+s2+$0x0], $0xffff;
	v11 =	vimm.s32 $0x0  }
0xc9: {  	v9 =	vimm.s32 $0x0;
	v11 =	vsel vm4, $0xFFFFFFFF, v11;
	vm4 =	vgt.f32 v8, v7  }
0xca: {  	v9 =	vsel vm4, $0xFFFFFFFF, v9  }
0xcb: {  	[tilespmem:$0x1FE00] =	vst v9;
	v9 =	vld [tilespmem:$0x1FD20];
	_ =	sdelay $0x2  }
0xcc: {  	v5 =	vsel vm6, v13, v5  }
0xcd: {  	v12 =	vsel vm6, $0x14, v13;
	v5 =	vsel vm5, $0x15, v5  }
0xce: {  	v5 =	vsel vm7, v12, v5;
	vm5 =	vnez.u8 v9  }
0xcf: {  	v7 =	vsel vm4, v8, v7;
	v5 =	vsel vm5, $0x16, v5;
	vm5 =	vgt.f32 v8, v4  }
0xd0: {  	v10 =	vor.u32 $0x25, v3;
	v7 =	vsel vm5, v4, v7  }
0xd1: {  	v4 =	vsel vm5, v8, v4;
	v8 =	vimm.s32 $0x0;
	vm4 =	vgt.f32 v6, v7  }
0xd2: {  	v8 =	vsel vm4, $0xFFFFFFFF, v8  }
0xd3: {  	[tilespmem:$0x1FE10] =	vst v8;
	v8 =	vld [tilespmem:$0x1FD30]  }
0xd4: {  	[tilespmem:$0x1FDF0] =	vst v11;
	v11 =	vor.u32 $0x26, v3;
	_ =	sdelay $0x1  }
0xd5: {  	v9 =	vld.idx.msk [tilespmem:v10+s2+$0x0], $0xffff  }
0xd6: {  	v12 =	vsel vm7, $0x15, v12  }
0xd7: {  	v5 =	vsel vm8, v12, v5;
	vm6 =	vnez.u8 v8  }
0xd8: {  	v7 =	vsel vm4, v6, v7;
	v8 =	vld.idx.msk [tilespmem:v11+s2+$0x0], $0xffff;
	v5 =	vsel vm6, $0x17, v5;
	vm6 =	vgt.f32 v6, v4  }
0xd9: {  	v7 =	vsel vm6, v4, v7  }
0xda: {  	v4 =	vsel vm6, v6, v4;
	v6 =	vimm.s32 $0x0;
	vm4 =	vgt.f32 v9, v7  }
0xdb: {  	v6 =	vsel vm4, $0xFFFFFFFF, v6;
	v7 =	vsel vm4, v9, v7;
	vm4 =	vgt.f32 v9, v4  }
0xdc: {  	v10 =	vor.u32 $0x27, v3;
	[tilespmem:$0x1FE20] =	vst v6;
	v6 =	vld [tilespmem:$0x1FD40];
	v7 =	vsel vm4, v4, v7  }
0xdd: {  	v4 =	vsel vm4, v9, v4;
	v9 =	vimm.s32 $0x0;
	vm7 =	vgt.f32 v8, v7  }
0xde: {  	v9 =	vsel vm7, $0xFFFFFFFF, v9  }
0xdf: {  	v11 =	vor.u32 $0x28, v3;
	[tilespmem:$0x1FE30] =	vst v9;
	v9 =	vld [tilespmem:$0x1FD50]  }
0xe0: {  	v13 =	vsel vm8, $0x16, v12  }
0xe1: {  	v12 =	vsel vm9, $0x17, v13;
	v5 =	vsel vm9, v13, v5;
	vm9 =	vnez.u8 v6;
	v6 =	vld.idx.msk [tilespmem:v10+s2+$0x0], $0xffff;
	_ =	sdelay $0x1  }
0xe2: {  	v7 =	vsel vm7, v8, v7;
	v5 =	vsel vm9, $0x18, v5;
	vm9 =	vgt.f32 v8, v4  }
0xe3: {  	v5 =	vsel vm10, v12, v5;
	v12 =	vsel vm10, $0x18, v12;
	vm8 =	vnez.u8 v9;
	v9 =	vld.idx.msk [tilespmem:v11+s2+$0x0], $0xffff  }
0xe4: {  	v7 =	vsel vm9, v4, v7;
	v4 =	vsel vm9, v8, v4;
	v5 =	vsel vm8, $0x19, v5  }
0xe5: {  	v5 =	vsel vm11, v12, v5;
	v12 =	vsel vm11, $0x19, v12;
	vm11 =	vgt.f32 v6, v7  }
0xe6: {  	vm7 =	vgt.f32 v6, v4;
	v7 =	vsel vm11, v6, v7  }
0xe7: {  	v10 =	vor.u32 $0x29, v3;
	v7 =	vsel vm7, v4, v7  }
0xe8: {  	v8 =	vld [tilespmem:$0x1FD60];
	v4 =	vsel vm7, v6, v4;
	v6 =	vimm.s32 $0x0;
	vm8 =	vgt.f32 v9, v7  }
0xe9: {  	v6 =	vsel vm8, $0xFFFFFFFF, v6  }
0xea: {  	[tilespmem:$0x1FE50] =	vst v6;
	v6 =	vld [tilespmem:$0x1FD70];
	_ =	sdelay $0x1  }
0xeb: {  	v11 =	vimm.s32 $0x0  }
0xec: {  	v11 =	vsel vm9, $0xFFFFFFFF, v11;
	vm10 =	vnez.u8 v8;
	v8 =	vld.idx.msk [tilespmem:v10+s2+$0x0], $0xffff  }
0xed: {  	[tilespmem:$0x1FE40] =	vst v11;
	v11 =	vor.u32 $0x2A, v3;
	v5 =	vsel vm10, $0x1A, v5  }
0xee: {  	v5 =	vsel vm12, v12, v5;
	v12 =	vsel vm12, $0x1A, v12;
	vm12 =	vnez.u8 v6  }
0xef: {  	v7 =	vsel vm8, v9, v7;
	v5 =	vsel vm12, $0x1B, v5;
	vm12 =	vgt.f32 v9, v4  }
0xf0: {  	v5 =	vsel vm13, v12, v5;
	v7 =	vsel vm12, v4, v7;
	v12 =	vsel vm13, $0x1B, v12  }
0xf1: {  	v4 =	vsel vm12, v9, v4;
	v9 =	vimm.s32 $0x0;
	vm13 =	vgt.f32 v8, v7  }
0xf2: {  	v9 =	vsel vm13, $0xFFFFFFFF, v9  }
0xf3: {  	[tilespmem:$0x1FE70] =	vst v9;
	v9 =	vld [tilespmem:$0x1FD80]  }
0xf4: {  	v6 =	vld.idx.msk [tilespmem:v11+s2+$0x0], $0xffff;
	_ =	sdelay $0x1  }
0xf5: {  	v10 =	vor.u32 $0x2B, v3;
	v11 =	vimm.s32 $0x0  }
0xf6: {  	v11 =	vsel vm12, $0xFFFFFFFF, v11;
	v7 =	vsel vm13, v8, v7;
	vm13 =	vgt.f32 v8, v4  }
0xf7: {  	v7 =	vsel vm13, v4, v7;
	v4 =	vsel vm13, v8, v4;
	vm12 =	vnez.u8 v9  }
0xf8: {  	v8 =	vimm.s32 $0x0;
	v5 =	vsel vm12, $0x1C, v5;
	vm12 =	vgt.f32 v6, v7  }
0xf9: {  	[tilespmem:$0x1FE60] =	vst v11;
	v8 =	vsel vm12, $0xFFFFFFFF, v8  }
0xfa: {  	v11 =	vor.u32 $0x2C, v3;
	[tilespmem:$0x1FE90] =	vst v8;
	v8 =	vld [tilespmem:$0x1FD90];
	_ =	sdelay $0x1  }
0xfb: {  	v9 =	vld.idx.msk [tilespmem:v10+s2+$0x0], $0xffff;
	v10 =	vimm.s32 $0x0  }
0xfc: {  	v10 =	vsel vm13, $0xFFFFFFFF, v10;
	v5 =	vsel vm14, v12, v5  }
0xfd: {  	v12 =	vsel vm14, $0x1C, v12;
	v7 =	vsel vm12, v6, v7;
	vm14 =	vgt.f32 v6, v4  }
0xfe: {  	v7 =	vsel vm14, v4, v7;
	v4 =	vsel vm14, v6, v4;
	vm13 =	vnez.u8 v8;
	v8 =	vld.idx.msk [tilespmem:v11+s2+$0x0], $0xffff  }
0xff: {  	v6 =	vimm.s32 $0x0;
	v11 =	vimm.s32 $0x0;
	v5 =	vsel vm13, $0x1D, v5  }
0x100: {  	v5 =	vsel vm15, v12, v5;
	v12 =	vsel vm15, $0x1D, v12;
	vm15 =	vgt.f32 v9, v7  }
0x101: {  	[tilespmem:$0x1FE80] =	vst v10;
	vm13 =	vgt.f32 v9, v4;
	v6 =	vsel vm15, $0xFFFFFFFF, v6;
	v7 =	vsel vm15, v9, v7  }
0x102: {  	v10 =	vor.u32 $0x2D, v3;
	v11 =	vsel vm14, $0xFFFFFFFF, v11;
	[tilespmem:$0x1FEB0] =	vst v6;
	v6 =	vld [tilespmem:$0x1FDA0];
	v7 =	vsel vm13, v4, v7  }
0x103: {  	v4 =	vsel vm13, v9, v4;
	v9 =	vimm.s32 $0x0;
	vm14 =	vgt.f32 v8, v7  }
0x104: {  	[tilespmem:$0x1FEA0] =	vst v11;
	v9 =	vsel vm14, $0xFFFFFFFF, v9  }
0x105: {  	v11 =	vor.u32 $0x2E, v3;
	[tilespmem:$0x1FED0] =	vst v9;
	v9 =	vld [tilespmem:$0x1FDB0];
	_ =	sdelay $0x1  }
0x106: {  	vm12 =	vnez.u8 v6;
	v6 =	vld.idx.msk [tilespmem:v10+s2+$0x0], $0xffff  }
0x107: {  	vm10 =	vgt.f32 v8, v4;
	v7 =	vsel vm14, v8, v7  }
0x108: {  	v7 =	vsel vm10, v4, v7;
	v5 =	vsel vm12, $0x1E, v5  }
0x109: {  	v4 =	vsel vm10, v8, v4;
	v5 =	vsel vm0, v12, v5;
	vm15 =	vnez.u8 v9;
	v9 =	vld.idx.msk [tilespmem:v11+s2+$0x0], $0xffff  }
0x10a: {  	v10 =	vimm.s32 $0x0;
	v12 =	vsel vm0, $0x1E, v12;
	v5 =	vsel vm15, $0x1F, v5  }
0x10b: {  	v13 =	vsel vm3, $0x1F, v12;
	v5 =	vsel vm3, v12, v5;
	vm3 =	vgt.f32 v6, v7  }
0x10c: {  	v10 =	vsel vm13, $0xFFFFFFFF, v10;
	vm0 =	vgt.f32 v6, v4;
	v7 =	vsel vm3, v6, v7  }
0x10d: {  	v8 =	vld [tilespmem:$0x1FDC0];
	[tilespmem:$0x1FEC0] =	vst v10;
	v10 =	vor.u32 $0x2F, v3;
	v7 =	vsel vm0, v4, v7  }
0x10e: {  	v4 =	vsel vm0, v6, v4;
	v6 =	vimm.s32 $0x0;
	vm12 =	vgt.f32 v9, v7  }
0x10f: {  	v6 =	vsel vm12, $0xFFFFFFFF, v6  }
0x110: {  	v11 =	vor.u32 $0x30, v3;
	[tilespmem:$0x1FEE0] =	vst v6;
	v6 =	vld [tilespmem:$0x1FDD0];
	_ =	sdelay $0x1  }
0x111: {  	vm9 =	vnez.u8 v8;
	v8 =	vld.idx.msk [tilespmem:v10+s2+$0x0], $0xffff  }
0x112: {  	v5 =	vsel vm9, $0x20, v5  }
0x113: {  	v12 =	vsel vm1, $0x20, v13;
	v5 =	vsel vm1, v13, v5  }
0x114: {  	vm1 =	vgt.f32 v9, v4;
	v7 =	vsel vm12, v9, v7;
	vm13 =	vnez.u8 v6;
	v6 =	vld.idx.msk [tilespmem:v11+s2+$0x0], $0xffff  }
0x115: {  	v7 =	vsel vm1, v4, v7  }
0x116: {  	v4 =	vsel vm1, v9, v4;
	v9 =	vimm.s32 $0x0;
	vm14 =	vgt.f32 v8, v7  }
0x117: {  	v9 =	vsel vm14, $0xFFFFFFFF, v9;
	v7 =	vsel vm14, v8, v7;
	vm14 =	vgt.f32 v8, v4  }
0x118: {  	v10 =	vor.u32 $0x31, v3;
	v7 =	vsel vm14, v4, v7;
	v4 =	vsel vm14, v8, v4  }
0x119: {  	[tilespmem:$0x1FEF0] =	vst v9;
	v9 =	vld [tilespmem:$0x1FDE0];
	v8 =	vimm.s32 $0x0;
	v5 =	vsel vm13, $0x21, v5;
	vm13 =	vgt.f32 v6, v7  }
0x11a: {  	v13 =	vld [tilespmem:$0x1FDF0];
	v8 =	vsel vm13, $0xFFFFFFFF, v8  }
0x11b: {  	[tilespmem:$0x1FF00] =	vst v8;
	v8 =	vld [tilespmem:$0x1FE00];
	_ =	sdelay $0x1  }
0x11c: {  	v11 =	vor.u32 $0x32, v3  }
0x11d: {  	v5 =	vsel vm2, v12, v5;
	vm15 =	vnez.u8 v9;
	v9 =	vld.idx.msk [tilespmem:v10+s2+$0x0], $0xffff  }
0x11e: {  	vm12 =	vnez.u8 v13;
	v12 =	vsel vm2, $0x21, v12;
	v5 =	vsel vm15, $0x22, v5  }
0x11f: {  	v5 =	vsel vm12, v12, v5;
	vm15 =	vnez.u8 v8  }
0x120: {  	v7 =	vsel vm13, v6, v7;
	v5 =	vsel vm15, $0x23, v5;
	vm15 =	vgt.f32 v6, v4  }
0x121: {  	v12 =	vsel vm12, $0x22, v12;
	v8 =	vld.idx.msk [tilespmem:v11+s2+$0x0], $0xffff;
	v7 =	vsel vm15, v4, v7  }
0x122: {  	v4 =	vsel vm15, v6, v4;
	v6 =	vimm.s32 $0x0;
	vm12 =	vgt.f32 v9, v7  }
0x123: {  	v10 =	vor.u32 $0x33, v3;
	v5 =	vsel vm5, v12, v5;
	v6 =	vsel vm12, $0xFFFFFFFF, v6  }
0x124: {  	v12 =	vsel vm5, $0x23, v12;
	vm5 =	vgt.f32 v9, v4;
	v7 =	vsel vm12, v9, v7;
	[tilespmem:$0x1FF10] =	vst v6;
	v6 =	vld [tilespmem:$0x1FE10]  }
0x125: {  	v7 =	vsel vm5, v4, v7  }
0x126: {  	v4 =	vsel vm5, v9, v4;
	v9 =	vimm.s32 $0x0;
	vm8 =	vgt.f32 v8, v7  }
0x127: {  	v9 =	vsel vm8, $0xFFFFFFFF, v9  }
0x128: {  	[tilespmem:$0x1FF30] =	vst v9;
	v9 =	vld [tilespmem:$0x1FE20]  }
0x129: {  	v11 =	vor.u32 $0x34, v3;
	vm13 =	vnez.u8 v6;
	v6 =	vld.idx.msk [tilespmem:v10+s2+$0x0], $0xffff  }
0x12a: {  	v13 =	vld [tilespmem:$0x1FE40]  }
0x12b: {  	vm12 =	vgt.f32 v8, v4;
	v7 =	vsel vm8, v8, v7  }
0x12c: {  	v7 =	vsel vm12, v4, v7;
	v4 =	vsel vm12, v8, v4;
	v10 =	vimm.s32 $0x0  }
0x12d: {  	v8 =	vimm.s32 $0x0;
	v5 =	vsel vm13, $0x24, v5;
	v10 =	vsel vm5, $0xFFFFFFFF, v10  }
0x12e: {  	vm9 =	vnez.u8 v9;
	v9 =	vld.idx.msk [tilespmem:v11+s2+$0x0], $0xffff;
	v11 =	vimm.s32 $0x0;
	vm13 =	vgt.f32 v6, v7  }
0x12f: {  	[tilespmem:$0x1FF20] =	vst v10;
	v11 =	vsel vm12, $0xFFFFFFFF, v11;
	vm12 =	vnez.u8 v13;
	v13 =	vld [tilespmem:$0x1FE50];
	v8 =	vsel vm13, $0xFFFFFFFF, v8  }
0x130: {  	v10 =	vor.u32 $0x35, v3;
	[tilespmem:$0x1FF50] =	vst v8;
	v8 =	vld [tilespmem:$0x1FE30]  }
0x131: {  	v5 =	vsel vm6, v12, v5  }
0x132: {  	v12 =	vsel vm6, $0x24, v12;
	v5 =	vsel vm9, $0x25, v5;
	[tilespmem:$0x1FF40] =	vst v11;
	v11 =	vor.u32 $0x36, v3  }
0x133: {  	v5 =	vsel vm4, v12, v5;
	vm9 =	vgt.f32 v6, v4;
	v7 =	vsel vm13, v6, v7  }
0x134: {  	v7 =	vsel vm9, v4, v7;
	v4 =	vsel vm9, v6, v4;
	vm6 =	vnez.u8 v13;
	v13 =	vld [tilespmem:$0x1FE60]  }
0x135: {  	v6 =	vimm.s32 $0x0;
	vm13 =	vgt.f32 v9, v7;
	vm8 =	vnez.u8 v8;
	v8 =	vld.idx.msk [tilespmem:v10+s2+$0x0], $0xffff  }
0x136: {  	v12 =	vsel vm4, $0x25, v12;
	v6 =	vsel vm13, $0xFFFFFFFF, v6;
	v7 =	vsel vm13, v9, v7  }
0x137: {  	vm13 =	vgt.f32 v9, v4;
	[tilespmem:$0x1FF70] =	vst v6;
	v6 =	vsel vm12, $0x26, v12;
	v5 =	vsel vm8, $0x26, v5  }
0x138: {  	v11 =	vld.idx.msk [tilespmem:v11+s2+$0x0], $0xffff;
	v7 =	vsel vm13, v4, v7;
	v10 =	vimm.s32 $0x0;
	v5 =	vsel vm12, v12, v5  }
0x139: {  	v4 =	vsel vm13, v9, v4;
	v10 =	vsel vm9, $0xFFFFFFFF, v10;
	v5 =	vsel vm11, $0x27, v5  }
0x13a: {  	vm9 =	vnez.u8 v13;
	v5 =	vsel vm7, v6, v5;
	vm8 =	vgt.f32 v8, v7  }
0x13b: {  	v6 =	vsel vm7, $0x27, v6;
	vm12 =	vgt.f32 v8, v4;
	v7 =	vsel vm8, v8, v7  }
0x13c: {  	v5 =	vsel vm6, $0x28, v5;
	v13 =	vsel vm9, $0x28, v6;
	v7 =	vsel vm12, v4, v7  }
0x13d: {  	v5 =	vsel vm9, v6, v5;
	v6 =	vimm.s32 $0x0;
	vm11 =	vgt.f32 v11, v7  }
0x13e: {  	v6 =	vsel vm11, $0xFFFFFFFF, v6  }
0x13f: {  	v12 =	vor.u32 $0x38, v3;
	[tilespmem:$0x1FF90] =	vst v6;
	v6 =	vld [tilespmem:$0x1FE70];
	_ =	sdelay $0x2  }
0x140: {  	[tilespmem:$0x1FF60] =	vst v10;
	v10 =	vor.u32 $0x37, v3;
	_ =	sdelay $0x1  }
0x141: {  	vm7 =	vnez.u8 v6;
	v6 =	vld.idx.msk [tilespmem:v12+s2+$0x0], $0xffff  }
0x142: {  	v9 =	vimm.s32 $0x0;
	v12 =	vld [tilespmem:$0x1FE80]  }
0x143: {  	v9 =	vsel vm8, $0xFFFFFFFF, v9  }
0x144: {  	[tilespmem:$0x1FF80] =	vst v9;
	v9 =	vld.idx.msk [tilespmem:v10+s2+$0x0], $0xffff  }
0x145: {  	v4 =	vsel vm12, v8, v4  }
0x146: {  	vm9 =	vgt.f32 v11, v4  }
0x147: {  	v7 =	vsel vm11, v11, v7;
	v5 =	vsel vm7, $0x29, v5;
	vm8 =	vnez.u8 v12  }
0x148: {  	v7 =	vsel vm9, v4, v7;
	v12 =	vsel vm8, $0x29, v13;
	v5 =	vsel vm8, v13, v5;
	v13 =	vld [tilespmem:$0x1FEA0]  }
0x149: {  	v4 =	vsel vm9, v11, v4;
	v11 =	vimm.s32 $0x0;
	vm11 =	vgt.f32 v9, v7  }
0x14a: {  	v11 =	vsel vm11, $0xFFFFFFFF, v11  }
0x14b: {  	[tilespmem:$0x1FFA0] =	vst v11;
	v11 =	vld [tilespmem:$0x1FE90]  }
0x14c: {  	v10 =	vor.u32 $0x39, v3  }
0x14d: {  	vm2 =	vnez.u8 v13;
	v13 =	vld [tilespmem:$0x1FEB0];
	_ =	sdelay $0x2  }
0x14e: {  	vm8 =	vnez.u8 v11  }
0x14f: {  	v10 =	vld.idx.msk [tilespmem:v10+s2+$0x0], $0xffff;
	v7 =	vsel vm11, v9, v7;
	v5 =	vsel vm8, $0x2A, v5;
	vm8 =	vgt.f32 v9, v4  }
0x150: {  	v7 =	vsel vm8, v4, v7;
	v5 =	vsel vm2, v12, v5;
	vm11 =	vnez.u8 v13  }
0x151: {  	v4 =	vsel vm8, v9, v4;
	v5 =	vsel vm11, $0x2B, v5;
	vm11 =	vgt.f32 v6, v7  }
0x152: {  	v9 =	vimm.s32 $0x0;
	vm7 =	vgt.f32 v6, v4;
	v7 =	vsel vm11, v6, v7  }
0x153: {  	v8 =	vor.u32 $0x3A, v3;
	v9 =	vsel vm11, $0xFFFFFFFF, v9;
	v7 =	vsel vm7, v4, v7  }
0x154: {  	v4 =	vsel vm7, v6, v4;
	v6 =	vimm.s32 $0x0;
	vm11 =	vgt.f32 v10, v7  }
0x155: {  	v13 =	vld [tilespmem:$0x1FEC0];
	v6 =	vsel vm11, $0xFFFFFFFF, v6  }
0x156: {  	[tilespmem:$0x1FFC0] =	vst v6;
	v6 =	vld [tilespmem:$0x1FED0]  }
0x157: {  	v11 =	vor.u32 $0x3B, v3;
	_ =	sdelay $0x1  }
0x158: {  	v8 =	vld.idx.msk [tilespmem:v8+s2+$0x0], $0xffff  }
0x159: {  	[tilespmem:$0x1FFB0] =	vst v9;
	v9 =	vsel vm2, $0x2A, v12;
	vm6 =	vnez.u8 v13  }
0x15a: {  	v5 =	vsel vm6, v9, v5;
	v9 =	vsel vm6, $0x2B, v9;
	vm6 =	vnez.u8 v6  }
0x15b: {  	v7 =	vsel vm11, v10, v7;
	v6 =	vld.idx.msk [tilespmem:v11+s2+$0x0], $0xffff;
	v5 =	vsel vm6, $0x2C, v5;
	vm6 =	vgt.f32 v10, v4  }
0x15c: {  	v7 =	vsel vm6, v4, v7  }
0x15d: {  	v4 =	vsel vm6, v10, v4;
	vm11 =	vgt.f32 v8, v7  }
0x15e: {  	vm5 =	vgt.f32 v8, v4;
	v7 =	vsel vm11, v8, v7  }
0x15f: {  	v12 =	vor.u32 $0x3C, v3;
	v7 =	vsel vm5, v4, v7  }
0x160: {  	v4 =	vsel vm5, v8, v4;
	v8 =	vimm.s32 $0x0;
	vm4 =	vgt.f32 v6, v7  }
0x161: {  	v11 =	vor.u32 $0x3D, v3;
	v5 =	vsel vm10, v9, v5;
	v8 =	vsel vm4, $0xFFFFFFFF, v8  }
0x162: {  	v9 =	vsel vm10, $0x2C, v9;
	v10 =	vimm.s32 $0x0;
	v5 =	vsel vm3, $0x2D, v5;
	[tilespmem:$0x1FFE0] =	vst v8;
	v8 =	vld [tilespmem:$0x1FEE0]  }
0x163: {  	v13 =	vsel vm0, $0x2D, v9;
	v10 =	vsel vm11, $0xFFFFFFFF, v10;
	v5 =	vsel vm0, v9, v5;
	v9 =	vld [tilespmem:$0x1FEF0]  }
0x164: {  	[tilespmem:$0x1FFD0] =	vst v10;
	v10 =	vld.idx.msk [tilespmem:v12+s2+$0x0], $0xffff;
	_ =	sdelay $0x1  }
0x165: {  	v7 =	vsel vm4, v6, v7;
	vm4 =	vgt.f32 v6, v4  }
0x166: {  	v7 =	vsel vm4, v4, v7;
	v4 =	vsel vm4, v6, v4;
	vm10 =	vnez.u8 v8;
	v8 =	vld.idx.msk [tilespmem:v11+s2+$0x0], $0xffff  }
0x167: {  	v6 =	vimm.s32 $0x0;
	vm11 =	vnez.u8 v9;
	v5 =	vsel vm10, $0x2E, v5  }
0x168: {  	vm3 =	vgt.f32 v10, v4;
	vm10 =	vgt.f32 v10, v7;
	v5 =	vsel vm1, v13, v5  }
0x169: {  	v6 =	vsel vm10, $0xFFFFFFFF, v6;
	v7 =	vsel vm10, v10, v7;
	v5 =	vsel vm11, $0x2F, v5  }
0x16a: {  	[tilespmem:$0x1FFF0] =	vst v6;
	v6 =	vsel vm1, $0x2E, v13;
	v7 =	vsel vm3, v4, v7;
	v4 =	vsel vm3, v10, v4  }
0x16b: {  	v10 =	vld [tilespmem:$0x1FF00];
	v5 =	vsel vm14, v6, v5;
	v6 =	vsel vm14, $0x2F, v6;
	vm14 =	vgt.f32 v8, v7  }
0x16c: {  	vm2 =	vgt.f32 v8, v4;
	v7 =	vsel vm14, v8, v7  }
0x16d: {  	v7 =	vsel vm2, v4, v7;
	v4 =	vsel vm2, v8, v4;
	v8 =	vld [tilespmem:$0x1FF10];
	_ =	sdelay $0x2  }
0x16e: {  	vm11 =	vnez.u8 v10  }
0x16f: {  	v12 =	vor.u32 $0x3E, v3;
	v5 =	vsel vm11, $0x30, v5  }
0x170: {  	v5 =	vsel vm15, v6, v5;
	v6 =	vsel vm15, $0x30, v6;
	vm15 =	vnez.u8 v8;
	v8 =	vld [tilespmem:$0x1FF20];
	_ =	sdelay $0x2  }
0x171: {  	v3 =	vor.u32 $0x3F, v3  }
0x172: {  	v9 =	vld.idx.msk [tilespmem:v12+s2+$0x0], $0xffff  }
0x173: {  	vm10 =	vnez.u8 v8;
	v8 =	vld [tilespmem:$0x1FF30];
	_ =	sdelay $0x2  }
0x174: {  	v3 =	vld.idx.msk [tilespmem:v3+s2+$0x0], $0xffff;
	_ =	sdelay $0x1  }
0x175: {  	vm11 =	vgt.f32 v9, v7;
	vm0 =	vnez.u8 v8;
	v8 =	vld [tilespmem:$0x1FF40]  }
0x176: {  	v7 =	vsel vm11, v9, v7;
	v5 =	vsel vm15, $0x31, v5;
	vm15 =	vgt.f32 v9, v4  }
0x177: {  	v7 =	vsel vm15, v4, v7;
	v4 =	vsel vm15, v9, v4  }
0x178: {  	v5 =	vsel vm10, v6, v5;
	v6 =	vsel vm10, $0x31, v6;
	vm10 =	vgt.f32 v3, v7  }
0x179: {  	vm1 =	vgt.f32 v3, v4;
	v7 =	vsel vm10, v3, v7  }
0x17a: {  	v3 =	vsel vm1, v3, v4;
	v5 =	vsel vm0, $0x32, v5;
	vm0 =	vnez.u8 v8  }
0x17b: {  	v7 =	vsel vm1, v4, v7;
	v5 =	vsel vm0, v6, v5;
	v4 =	vsel vm0, $0x32, v6;
	v6 =	vld [tilespmem:$0x1FF50];
	_ =	sdelay $0x4  }
0x17c: {  	vm0 =	vnez.u8 v6;
	v6 =	vld [tilespmem:$0x1FF60];
	_ =	sdelay $0x4  }
0x17d: {  	v5 =	vsel vm0, $0x33, v5;
	vm0 =	vnez.u8 v6;
	v6 =	vld [tilespmem:$0x1FF70];
	_ =	sdelay $0x4  }
0x17e: {  	v5 =	vsel vm0, v4, v5;
	v4 =	vsel vm0, $0x33, v4;
	vm0 =	vnez.u8 v6;
	v6 =	vld [tilespmem:$0x1FF80];
	_ =	sdelay $0x1  }
0x17f: {  	v3 =	vsub.f32 v7, v3;
	_ =	sdelay $0x1  }
0x180: {  	v3 =	vmul.f32 $1.442695020e+00, v3;
	v5 =	vsel vm0, $0x34, v5  }
0x181: {  	v5 =	vsel vm13, v4, v5;
	v4 =	vsel vm13, $0x34, v4;
	vm13 =	vnez.u8 v6  }
0x182: {  	v5 =	vsel vm13, $0x35, v5  }
0x183: {  	(erf) = vpow2.f32 v3;
	v3 =	vsel vm12, v4, v5;
	v5 =	vld [tilespmem:$0x1FF90];
	_ =	sdelay $0x4  }
0x184: {  	vm13 =	vnez.u8 v5;
	v5 =	vld [tilespmem:$0x1FFA0];
	_ =	sdelay $0x4  }
0x185: {  	v4 =	vsel vm12, $0x35, v4;
	vm12 =	vnez.u8 v5;
	v5 =	vld [tilespmem:$0x1FFB0];
	_ =	sdelay $0x4  }
0x186: {  	v3 =	vsel vm13, $0x36, v3;
	vm13 =	vnez.u8 v5;
	v5 =	vld [tilespmem:$0x1FFC0]  }
0x187: {  	v6 =	vld [tilespmem:$0x1FFD0];
	_ =	sdelay $0x1  }
0x188: {  	v3 =	vsel vm9, v4, v3  }
0x189: {  	v4 =	vsel vm9, $0x36, v4;
	v3 =	vsel vm12, $0x37, v3  }
0x18a: {  	v3 =	vsel vm8, v4, v3;
	v4 =	vsel vm8, $0x37, v4;
	vm8 =	vnez.u8 v5;
	v5 =	vpop (erf)  }
0x18b: {  	v7 =	vld [tilespmem:$0x1FFE0];
	vm9 =	vnez.u8 v6;
	v3 =	vsel vm13, $0x38, v3;
	v6 =	vadd.f32 $1.000000000e+00, v5  }
0x18c: {  	v3 =	vsel vm7, v4, v3  }
0x18d: {  	v4 =	vsel vm7, $0x38, v4;
	v3 =	vsel vm8, $0x39, v3;
	(erf) = vrcp.f32 v6;
	v6 =	vld [tilespmem:$0x1FFF0]  }
0x18e: {  	v3 =	vsel vm6, v4, v3  }
0x18f: {  	v4 =	vsel vm6, $0x39, v4;
	v3 =	vsel vm9, $0x3A, v3  }
0x190: {  	vm12 =	vnez.u8 v7;
	v3 =	vsel vm5, v4, v3  }
0x191: {  	v4 =	vsel vm5, $0x3A, v4;
	v3 =	vsel vm12, $0x3B, v3  }
0x192: {  	v3 =	vsel vm4, v4, v3;
	vm13 =	vnez.u8 v6  }
0x193: {  	v4 =	vsel vm4, $0x3B, v4;
	v3 =	vsel vm13, $0x3C, v3  }
0x194: {  	v3 =	vsel vm3, v4, v3  }
0x195: {  	v4 =	vsel vm3, $0x3C, v4;
	v3 =	vsel vm14, $0x3D, v3  }
0x196: {  	v3 =	vsel vm2, v4, v3  }
0x197: {  	v12 =	vshll.u32 v2, $0x1;
	v4 =	vsel vm2, $0x3D, v4;
	v3 =	vsel vm11, $0x3E, v3  }
0x198: {  	v15 =	vor.u32 $0x1, v12;
	v2 =	vsel vm15, v4, v3  }
0x199: {  	s11 =	simm.s32 $0x10;
	v6 =	vsel vm15, $0x3E, v4;
	v2 =	vsel vm10, $0x3F, v2  }
0x19a: {  	v7 =	vpop (erf);
	v4 =	vsel vm1, v6, v2;
	v2 =	vor.u32 s11, v0  }
0x19b: {  	v8 =	vmul.f32 v7, v5;
	v13 =	vsel vm1, $0x3F, v6;
	v3 =	vshll.u32 v2, $0x6  }
0x19c: {  	[tilespmem:v12+s8+$0x0] =	vst.idx.msk $0xffff, v7;
	v19 =	vor.u32 $0x1, v3;
	v9 =	vor.u32 $0x2, v3;
	v20 =	vor.u32 $0x3, v3  }
0x19d: {  	[tilespmem:v15+s8+$0x0] =	vst.idx.msk $0xffff, v8;
	v5 =	vor.u32 $0x4, v3;
	v6 =	vor.u32 $0x5, v3;
	v7 =	vor.u32 $0x6, v3  }
0x19e: {  	s11 =	simm.s32 $0x20;
	[tilespmem:v12+s9+$0x0] =	vst.idx.msk $0xffff, v13;
	v8 =	vor.u32 $0x7, v3;
	v10 =	vor.u32 $0x8, v3;
	v11 =	vor.u32 $0x9, v3  }
.LBB2_2:
0x19f: {  	p0 =	sne.s32 s11, $0x1F0;
	v12 =	vor.u32 $0xA, v3;
	v13 =	vor.u32 $0xB, v3;
	v14 =	vor.u32 $0xC, v3;
	[tilespmem:v15+s9+$0x0] =	vst.idx.msk $0xffff, v4;
	s12 =	smov.u32 s11;
	s11 =	sadd.s32 $0x10, s11  }
0x1a0: {  	v16 =	vor.u32 $0xD, v3;
	v17 =	vor.u32 $0xE, v3;
	v18 =	vor.u32 $0xF, v3;
	v4 =	vld.idx.msk [tilespmem:v3+s2+$0x0], $0xffff  }
0x1a1: {  	v15 =	vor.u32 $0x11, v3;
	v27 =	vor.u32 $0x12, v3;
	v35 =	vld.idx.msk [tilespmem:v19+s2+$0x0], $0xffff;
	v19 =	vor.u32 $0x10, v3  }
0x1a2: {  	v24 =	vor.u32 $0x13, v3;
	v25 =	vor.u32 $0x14, v3;
	v26 =	vor.u32 $0x15, v3  }
0x1a3: {  	v21 =	vor.u32 $0x16, v3;
	v22 =	vor.u32 $0x17, v3;
	v30 =	vor.u32 $0x18, v3  }
0x1a4: {  	v29 =	vor.u32 $0x19, v3;
	v28 =	vor.u32 $0x1A, v3;
	v34 =	vor.u32 $0x1B, v3  }
0x1a5: {  	v31 =	vor.u32 $0x1C, v3;
	v33 =	vor.u32 $0x1D, v3;
	v32 =	vor.u32 $0x1E, v3;
	v36 =	vld.idx.msk [tilespmem:v9+s2+$0x0], $0xffff  }
0x1a6: {  	v23 =	vor.u32 $0x1F, v3;
	vm0 =	vgt.f32 v4, $-Inf;
	v9 =	vor.u32 $0x20, v3  }
0x1a7: {  	v37 =	vnsel vm0, $0xFF800000, v4;
	vm0 =	vlt.f32 v35, $-Inf;
	vm1 =	vgt.f32 v35, $-Inf  }
0x1a8: {  	v4 =	vor.u32 $0x21, v3;
	vm2 =	vgt.f32 v35, v37;
	vm0 =	vmor vm1, vm0;
	v20 =	vld.idx.msk [tilespmem:v20+s2+$0x0], $0xffff  }
0x1a9: {  	vm1 =	vmneg vm2;
	v38 =	vnsel vm0, $0xFF800000, v35;
	v39 =	vsel vm2, $0x1, v1  }
0x1aa: {  	v38 =	vsel vm1, v38, v37;
	vm0 =	vmand vm0, vm1;
	v35 =	vsel vm1, v37, v35  }
0x1ab: {  	v37 =	vsel vm0, $0x1, v1;
	vm0 =	vgt.f32 v36, v38;
	v40 =	vld.idx.msk [tilespmem:v5+s2+$0x0], $0xffff;
	v5 =	vor.u32 $0x22, v3  }
0x1ac: {  	vm1 =	vgt.f32 v36, v35;
	v38 =	vsel vm0, v36, v38;
	v37 =	vsel vm0, $0x2, v37  }
0x1ad: {  	v38 =	vsel vm1, v35, v38;
	v37 =	vsel vm1, v39, v37;
	v35 =	vsel vm1, v36, v35  }
0x1ae: {  	v36 =	vsel vm1, $0x2, v39;
	vm0 =	vgt.f32 v20, v38;
	v39 =	vld.idx.msk [tilespmem:v6+s2+$0x0], $0xffff;
	v6 =	vor.u32 $0x23, v3  }
0x1af: {  	vm1 =	vgt.f32 v20, v35;
	v38 =	vsel vm0, v20, v38;
	v37 =	vsel vm0, $0x3, v37  }
0x1b0: {  	v20 =	vsel vm1, v20, v35;
	v38 =	vsel vm1, v35, v38;
	v37 =	vsel vm1, v36, v37  }
0x1b1: {  	v35 =	vsel vm1, $0x3, v36;
	vm0 =	vgt.f32 v40, v38;
	v36 =	vld.idx.msk [tilespmem:v7+s2+$0x0], $0xffff;
	v7 =	vor.u32 $0x24, v3  }
0x1b2: {  	vm1 =	vgt.f32 v40, v20;
	v38 =	vsel vm0, v40, v38;
	v37 =	vsel vm0, $0x4, v37  }
0x1b3: {  	v38 =	vsel vm1, v20, v38;
	v37 =	vsel vm1, v35, v37;
	v20 =	vsel vm1, v40, v20  }
0x1b4: {  	v35 =	vsel vm1, $0x4, v35;
	vm0 =	vgt.f32 v39, v38;
	v40 =	vld.idx.msk [tilespmem:v8+s2+$0x0], $0xffff;
	v8 =	vor.u32 $0x25, v3  }
0x1b5: {  	vm1 =	vgt.f32 v39, v20;
	v38 =	vsel vm0, v39, v38;
	v37 =	vsel vm0, $0x5, v37  }
0x1b6: {  	v38 =	vsel vm1, v20, v38;
	v20 =	vsel vm1, v39, v20;
	v39 =	vsel vm1, $0x5, v35  }
0x1b7: {  	v35 =	vsel vm1, v35, v37;
	vm0 =	vgt.f32 v36, v38;
	v37 =	vld.idx.msk [tilespmem:v10+s2+$0x0], $0xffff;
	v10 =	vor.u32 $0x26, v3  }
0x1b8: {  	vm1 =	vgt.f32 v36, v20;
	v38 =	vsel vm0, v36, v38;
	v35 =	vsel vm0, $0x6, v35  }
0x1b9: {  	v38 =	vsel vm1, v20, v38;
	v35 =	vsel vm1, v39, v35;
	v39 =	vsel vm1, $0x6, v39  }
0x1ba: {  	v20 =	vsel vm1, v36, v20;
	vm0 =	vgt.f32 v40, v38;
	v36 =	vld.idx.msk [tilespmem:v11+s2+$0x0], $0xffff;
	v11 =	vor.u32 $0x27, v3  }
0x1bb: {  	vm1 =	vgt.f32 v40, v20;
	v38 =	vsel vm0, v40, v38;
	v35 =	vsel vm0, $0x7, v35  }
0x1bc: {  	v38 =	vsel vm1, v20, v38;
	v35 =	vsel vm1, v39, v35;
	v39 =	vsel vm1, $0x7, v39  }
0x1bd: {  	v20 =	vsel vm1, v40, v20;
	vm0 =	vgt.f32 v37, v38;
	v40 =	vld.idx.msk [tilespmem:v12+s2+$0x0], $0xffff;
	v12 =	vor.u32 $0x28, v3  }
0x1be: {  	vm1 =	vgt.f32 v37, v20;
	v38 =	vsel vm0, v37, v38;
	v35 =	vsel vm0, $0x8, v35  }
0x1bf: {  	v38 =	vsel vm1, v20, v38;
	v35 =	vsel vm1, v39, v35;
	v39 =	vsel vm1, $0x8, v39  }
0x1c0: {  	v20 =	vsel vm1, v37, v20;
	vm0 =	vgt.f32 v36, v38;
	v37 =	vld.idx.msk [tilespmem:v13+s2+$0x0], $0xffff;
	v13 =	vor.u32 $0x29, v3  }
0x1c1: {  	vm1 =	vgt.f32 v36, v20;
	v38 =	vsel vm0, v36, v38;
	v35 =	vsel vm0, $0x9, v35  }
0x1c2: {  	v38 =	vsel vm1, v20, v38;
	v35 =	vsel vm1, v39, v35;
	v39 =	vsel vm1, $0x9, v39  }
0x1c3: {  	v20 =	vsel vm1, v36, v20;
	vm0 =	vgt.f32 v40, v38;
	v36 =	vld.idx.msk [tilespmem:v14+s2+$0x0], $0xffff;
	v14 =	vor.u32 $0x2A, v3  }
0x1c4: {  	vm1 =	vgt.f32 v40, v20;
	v38 =	vsel vm0, v40, v38;
	v35 =	vsel vm0, $0xA, v35  }
0x1c5: {  	v38 =	vsel vm1, v20, v38;
	v35 =	vsel vm1, v39, v35;
	v20 =	vsel vm1, v40, v20  }
0x1c6: {  	v39 =	vsel vm1, $0xA, v39;
	vm0 =	vgt.f32 v37, v38;
	v40 =	vld.idx.msk [tilespmem:v16+s2+$0x0], $0xffff;
	v16 =	vor.u32 $0x2B, v3  }
0x1c7: {  	vm1 =	vgt.f32 v37, v20;
	v38 =	vsel vm0, v37, v38;
	v35 =	vsel vm0, $0xB, v35  }
0x1c8: {  	v38 =	vsel vm1, v20, v38;
	v35 =	vsel vm1, v39, v35;
	v20 =	vsel vm1, v37, v20  }
0x1c9: {  	v37 =	vsel vm1, $0xB, v39;
	vm0 =	vgt.f32 v36, v38;
	v39 =	vld.idx.msk [tilespmem:v17+s2+$0x0], $0xffff;
	v17 =	vor.u32 $0x2C, v3  }
0x1ca: {  	vm1 =	vgt.f32 v36, v20;
	v38 =	vsel vm0, v36, v38;
	v35 =	vsel vm0, $0xC, v35  }
0x1cb: {  	v38 =	vsel vm1, v20, v38;
	v35 =	vsel vm1, v37, v35;
	v37 =	vsel vm1, $0xC, v37  }
0x1cc: {  	v20 =	vsel vm1, v36, v20;
	vm0 =	vgt.f32 v40, v38;
	v36 =	vld.idx.msk [tilespmem:v18+s2+$0x0], $0xffff;
	v18 =	vor.u32 $0x2D, v3  }
0x1cd: {  	vm1 =	vgt.f32 v40, v20;
	v38 =	vsel vm0, v40, v38;
	v35 =	vsel vm0, $0xD, v35  }
0x1ce: {  	v38 =	vsel vm1, v20, v38;
	v35 =	vsel vm1, v37, v35;
	v37 =	vsel vm1, $0xD, v37  }
0x1cf: {  	v20 =	vsel vm1, v40, v20;
	vm0 =	vgt.f32 v39, v38;
	v40 =	vld.idx.msk [tilespmem:v19+s2+$0x0], $0xffff;
	v19 =	vor.u32 $0x2E, v3  }
0x1d0: {  	vm1 =	vgt.f32 v39, v20;
	v38 =	vsel vm0, v39, v38;
	v35 =	vsel vm0, $0xE, v35  }
0x1d1: {  	v39 =	vsel vm1, v39, v20;
	v38 =	vsel vm1, v20, v38;
	v35 =	vsel vm1, v37, v35  }
0x1d2: {  	v37 =	vsel vm1, $0xE, v37;
	v20 =	vor.u32 $0x2F, v3;
	vm0 =	vgt.f32 v36, v38;
	v41 =	vld.idx.msk [tilespmem:v15+s2+$0x0], $0xffff  }
0x1d3: {  	vm1 =	vgt.f32 v36, v39;
	v15 =	vsel vm0, v36, v38;
	v35 =	vsel vm0, $0xF, v35  }
0x1d4: {  	v38 =	vsel vm1, v39, v15;
	v35 =	vsel vm1, v37, v35;
	v15 =	vor.u32 $0x30, v3  }
0x1d5: {  	v36 =	vsel vm1, v36, v39;
	v37 =	vsel vm1, $0xF, v37;
	vm0 =	vgt.f32 v40, v38;
	v27 =	vld.idx.msk [tilespmem:v27+s2+$0x0], $0xffff  }
0x1d6: {  	vm1 =	vgt.f32 v40, v36;
	v38 =	vsel vm0, v40, v38;
	v35 =	vsel vm0, $0x10, v35  }
0x1d7: {  	v38 =	vsel vm1, v36, v38;
	v35 =	vsel vm1, v37, v35;
	v37 =	vsel vm1, $0x10, v37  }
0x1d8: {  	v36 =	vsel vm1, v40, v36;
	vm0 =	vgt.f32 v41, v38;
	v39 =	vld.idx.msk [tilespmem:v24+s2+$0x0], $0xffff;
	v24 =	vor.u32 $0x31, v3  }
0x1d9: {  	vm1 =	vgt.f32 v41, v36;
	v38 =	vsel vm0, v41, v38;
	v35 =	vsel vm0, $0x11, v35  }
0x1da: {  	v38 =	vsel vm1, v36, v38;
	v35 =	vsel vm1, v37, v35;
	v36 =	vsel vm1, v41, v36  }
0x1db: {  	v37 =	vsel vm1, $0x11, v37;
	vm0 =	vgt.f32 v27, v38;
	v40 =	vld.idx.msk [tilespmem:v25+s2+$0x0], $0xffff;
	v25 =	vor.u32 $0x32, v3  }
0x1dc: {  	vm1 =	vgt.f32 v27, v36;
	v38 =	vsel vm0, v27, v38;
	v35 =	vsel vm0, $0x12, v35  }
0x1dd: {  	v27 =	vsel vm1, v27, v36;
	v38 =	vsel vm1, v36, v38;
	v35 =	vsel vm1, v37, v35  }
0x1de: {  	v36 =	vsel vm1, $0x12, v37;
	vm0 =	vgt.f32 v39, v38;
	v37 =	vld.idx.msk [tilespmem:v26+s2+$0x0], $0xffff;
	v26 =	vor.u32 $0x33, v3  }
0x1df: {  	vm1 =	vgt.f32 v39, v27;
	v38 =	vsel vm0, v39, v38;
	v35 =	vsel vm0, $0x13, v35  }
0x1e0: {  	v39 =	vsel vm1, v39, v27;
	v41 =	vsel vm1, $0x13, v36;
	v38 =	vsel vm1, v27, v38  }
0x1e1: {  	v35 =	vsel vm1, v36, v35;
	v27 =	vor.u32 $0x34, v3;
	vm0 =	vgt.f32 v40, v38;
	v36 =	vld.idx.msk [tilespmem:v21+s2+$0x0], $0xffff  }
0x1e2: {  	vm1 =	vgt.f32 v40, v39;
	v21 =	vsel vm0, v40, v38;
	v35 =	vsel vm0, $0x14, v35  }
0x1e3: {  	v38 =	vsel vm1, v39, v21;
	v35 =	vsel vm1, v41, v35;
	v21 =	vor.u32 $0x35, v3  }
0x1e4: {  	v39 =	vsel vm1, v40, v39;
	v40 =	vsel vm1, $0x14, v41;
	vm0 =	vgt.f32 v37, v38;
	v41 =	vld.idx.msk [tilespmem:v22+s2+$0x0], $0xffff  }
0x1e5: {  	vm1 =	vgt.f32 v37, v39;
	v22 =	vsel vm0, v37, v38;
	v35 =	vsel vm0, $0x15, v35  }
0x1e6: {  	v38 =	vsel vm1, v39, v22;
	v35 =	vsel vm1, v40, v35;
	v22 =	vor.u32 $0x36, v3  }
0x1e7: {  	v37 =	vsel vm1, v37, v39;
	v39 =	vsel vm1, $0x15, v40;
	vm0 =	vgt.f32 v36, v38;
	v40 =	vld.idx.msk [tilespmem:v30+s2+$0x0], $0xffff  }
0x1e8: {  	vm1 =	vgt.f32 v36, v37;
	v30 =	vsel vm0, v36, v38;
	v35 =	vsel vm0, $0x16, v35  }
0x1e9: {  	v36 =	vsel vm1, v36, v37;
	v30 =	vsel vm1, v37, v30;
	v37 =	vsel vm1, $0x16, v39  }
0x1ea: {  	v35 =	vsel vm1, v39, v35;
	vm0 =	vgt.f32 v41, v30;
	v38 =	vld.idx.msk [tilespmem:v29+s2+$0x0], $0xffff;
	v29 =	vor.u32 $0x37, v3  }
0x1eb: {  	vm1 =	vgt.f32 v41, v36;
	v30 =	vsel vm0, v41, v30;
	v35 =	vsel vm0, $0x17, v35  }
0x1ec: {  	v39 =	vsel vm1, v36, v30;
	v35 =	vsel vm1, v37, v35;
	v37 =	vsel vm1, $0x17, v37  }
0x1ed: {  	v36 =	vsel vm1, v41, v36;
	v30 =	vor.u32 $0x38, v3;
	vm0 =	vgt.f32 v40, v39;
	v41 =	vld.idx.msk [tilespmem:v28+s2+$0x0], $0xffff  }
0x1ee: {  	vm1 =	vgt.f32 v40, v36;
	v28 =	vsel vm0, v40, v39;
	v35 =	vsel vm0, $0x18, v35  }
0x1ef: {  	v39 =	vsel vm1, v36, v28;
	v35 =	vsel vm1, v37, v35;
	v28 =	vor.u32 $0x39, v3  }
0x1f0: {  	v36 =	vsel vm1, v40, v36;
	v37 =	vsel vm1, $0x18, v37;
	vm0 =	vgt.f32 v38, v39;
	v34 =	vld.idx.msk [tilespmem:v34+s2+$0x0], $0xffff  }
0x1f1: {  	vm1 =	vgt.f32 v38, v36;
	v39 =	vsel vm0, v38, v39;
	v35 =	vsel vm0, $0x19, v35  }
0x1f2: {  	v39 =	vsel vm1, v36, v39;
	v35 =	vsel vm1, v37, v35;
	v37 =	vsel vm1, $0x19, v37  }
0x1f3: {  	v36 =	vsel vm1, v38, v36;
	vm0 =	vgt.f32 v41, v39;
	v38 =	vld.idx.msk [tilespmem:v31+s2+$0x0], $0xffff;
	v31 =	vor.u32 $0x3A, v3  }
0x1f4: {  	vm1 =	vgt.f32 v41, v36;
	v39 =	vsel vm0, v41, v39;
	v35 =	vsel vm0, $0x1A, v35  }
0x1f5: {  	v39 =	vsel vm1, v36, v39;
	v35 =	vsel vm1, v37, v35;
	v37 =	vsel vm1, $0x1A, v37  }
0x1f6: {  	v36 =	vsel vm1, v41, v36;
	vm0 =	vgt.f32 v34, v39;
	v40 =	vld.idx.msk [tilespmem:v33+s2+$0x0], $0xffff;
	v33 =	vor.u32 $0x3B, v3  }
0x1f7: {  	vm1 =	vgt.f32 v34, v36;
	v39 =	vsel vm0, v34, v39;
	v35 =	vsel vm0, $0x1B, v35  }
0x1f8: {  	v39 =	vsel vm1, v36, v39;
	v35 =	vsel vm1, v37, v35;
	v37 =	vsel vm1, $0x1B, v37  }
0x1f9: {  	v34 =	vsel vm1, v34, v36;
	vm0 =	vgt.f32 v38, v39;
	v36 =	vld.idx.msk [tilespmem:v32+s2+$0x0], $0xffff;
	v32 =	vor.u32 $0x3C, v3  }
0x1fa: {  	vm1 =	vgt.f32 v38, v34;
	v39 =	vsel vm0, v38, v39;
	v35 =	vsel vm0, $0x1C, v35  }
0x1fb: {  	v39 =	vsel vm1, v34, v39;
	v35 =	vsel vm1, v37, v35;
	v37 =	vsel vm1, $0x1C, v37  }
0x1fc: {  	v34 =	vsel vm1, v38, v34;
	vm0 =	vgt.f32 v40, v39;
	v38 =	vld.idx.msk [tilespmem:v23+s2+$0x0], $0xffff;
	v23 =	vor.u32 $0x3D, v3  }
0x1fd: {  	vm1 =	vgt.f32 v40, v34;
	v39 =	vsel vm0, v40, v39;
	v35 =	vsel vm0, $0x1D, v35  }
0x1fe: {  	v39 =	vsel vm1, v34, v39;
	v35 =	vsel vm1, v37, v35;
	v37 =	vsel vm1, $0x1D, v37  }
0x1ff: {  	v34 =	vsel vm1, v40, v34;
	vm0 =	vgt.f32 v36, v39;
	v40 =	vld.idx.msk [tilespmem:v9+s2+$0x0], $0xffff;
	v9 =	vor.u32 $0x3E, v3  }
0x200: {  	vm1 =	vgt.f32 v36, v34;
	v39 =	vsel vm0, v36, v39;
	v35 =	vsel vm0, $0x1E, v35  }
0x201: {  	v3 =	vor.u32 $0x3F, v3;
	v39 =	vsel vm1, v34, v39;
	v35 =	vsel vm1, v37, v35  }
0x202: {  	v34 =	vsel vm1, v36, v34;
	vm0 =	vgt.f32 v38, v39;
	v4 =	vld.idx.msk [tilespmem:v4+s2+$0x0], $0xffff  }
0x203: {  	v36 =	vsel vm1, $0x1E, v37;
	vm1 =	vgt.f32 v38, v34;
	v37 =	vsel vm0, v38, v39  }
0x204: {  	v35 =	vsel vm0, $0x1F, v35;
	v39 =	vsel vm1, $0x1F, v36;
	v37 =	vsel vm1, v34, v37  }
0x205: {  	v35 =	vsel vm1, v36, v35;
	v34 =	vsel vm1, v38, v34;
	vm0 =	vgt.f32 v40, v37;
	v5 =	vld.idx.msk [tilespmem:v5+s2+$0x0], $0xffff  }
0x206: {  	vm1 =	vgt.f32 v40, v34;
	v36 =	vsel vm0, v40, v37;
	v35 =	vsel vm0, $0x20, v35  }
0x207: {  	v37 =	vsel vm1, $0x20, v39;
	v36 =	vsel vm1, v34, v36;
	v35 =	vsel vm1, v39, v35  }
0x208: {  	v34 =	vsel vm1, v40, v34;
	vm0 =	vgt.f32 v4, v36;
	v6 =	vld.idx.msk [tilespmem:v6+s2+$0x0], $0xffff  }
0x209: {  	vm1 =	vgt.f32 v4, v34;
	v36 =	vsel vm0, v4, v36;
	v35 =	vsel vm0, $0x21, v35  }
0x20a: {  	v36 =	vsel vm1, v34, v36;
	v35 =	vsel vm1, v37, v35;
	v37 =	vsel vm1, $0x21, v37  }
0x20b: {  	v4 =	vsel vm1, v4, v34;
	vm0 =	vgt.f32 v5, v36;
	v7 =	vld.idx.msk [tilespmem:v7+s2+$0x0], $0xffff  }
0x20c: {  	vm1 =	vgt.f32 v5, v4;
	v34 =	vsel vm0, v5, v36;
	v35 =	vsel vm0, $0x22, v35  }
0x20d: {  	v34 =	vsel vm1, v4, v34;
	v35 =	vsel vm1, v37, v35;
	v4 =	vsel vm1, v5, v4  }
0x20e: {  	v5 =	vsel vm1, $0x22, v37;
	vm0 =	vgt.f32 v6, v34;
	v8 =	vld.idx.msk [tilespmem:v8+s2+$0x0], $0xffff  }
0x20f: {  	vm1 =	vgt.f32 v6, v4;
	v34 =	vsel vm0, v6, v34;
	v35 =	vsel vm0, $0x23, v35  }
0x210: {  	v34 =	vsel vm1, v4, v34;
	v35 =	vsel vm1, v5, v35  }
0x211: {  	v4 =	vsel vm1, v6, v4;
	v5 =	vsel vm1, $0x23, v5;
	vm0 =	vgt.f32 v7, v34;
	v6 =	vld.idx.msk [tilespmem:v10+s2+$0x0], $0xffff  }
0x212: {  	vm1 =	vgt.f32 v7, v4;
	v10 =	vsel vm0, v7, v34;
	v34 =	vsel vm0, $0x24, v35  }
0x213: {  	v10 =	vsel vm1, v4, v10;
	v34 =	vsel vm1, v5, v34  }
0x214: {  	v4 =	vsel vm1, v7, v4;
	v5 =	vsel vm1, $0x24, v5;
	vm0 =	vgt.f32 v8, v10;
	v7 =	vld.idx.msk [tilespmem:v11+s2+$0x0], $0xffff  }
0x215: {  	vm1 =	vgt.f32 v8, v4;
	v10 =	vsel vm0, v8, v10;
	v11 =	vsel vm0, $0x25, v34  }
0x216: {  	v10 =	vsel vm1, v4, v10;
	v11 =	vsel vm1, v5, v11;
	v4 =	vsel vm1, v8, v4  }
0x217: {  	vm0 =	vgt.f32 v6, v10;
	v8 =	vld.idx.msk [tilespmem:v12+s2+$0x0], $0xffff  }
0x218: {  	vm2 =	vgt.f32 v6, v4;
	v10 =	vsel vm0, v6, v10  }
0x219: {  	v5 =	vsel vm1, $0x25, v5;
	v11 =	vsel vm0, $0x26, v11;
	v10 =	vsel vm2, v4, v10  }
0x21a: {  	v11 =	vsel vm2, v5, v11;
	v4 =	vsel vm2, v6, v4;
	vm0 =	vgt.f32 v7, v10;
	v6 =	vld.idx.msk [tilespmem:v13+s2+$0x0], $0xffff  }
0x21b: {  	vm1 =	vgt.f32 v7, v4;
	v10 =	vsel vm0, v7, v10;
	v11 =	vsel vm0, $0x27, v11  }
0x21c: {  	v5 =	vsel vm2, $0x26, v5;
	v10 =	vsel vm1, v4, v10  }
0x21d: {  	v11 =	vsel vm1, v5, v11;
	v4 =	vsel vm1, v7, v4;
	vm0 =	vgt.f32 v8, v10;
	v7 =	vld.idx.msk [tilespmem:v14+s2+$0x0], $0xffff  }
0x21e: {  	vm2 =	vgt.f32 v8, v4;
	v10 =	vsel vm0, v8, v10;
	v11 =	vsel vm0, $0x28, v11  }
0x21f: {  	v5 =	vsel vm1, $0x27, v5;
	v10 =	vsel vm2, v4, v10  }
0x220: {  	v4 =	vsel vm2, v8, v4;
	v8 =	vsel vm2, $0x28, v5;
	vm0 =	vgt.f32 v6, v10;
	v12 =	vld.idx.msk [tilespmem:v16+s2+$0x0], $0xffff  }
0x221: {  	v5 =	vsel vm2, v5, v11;
	vm1 =	vgt.f32 v6, v4;
	v10 =	vsel vm0, v6, v10  }
0x222: {  	v5 =	vsel vm0, $0x29, v5;
	v11 =	vsel vm1, $0x29, v8;
	v10 =	vsel vm1, v4, v10  }
0x223: {  	v5 =	vsel vm1, v8, v5;
	v4 =	vsel vm1, v6, v4;
	vm0 =	vgt.f32 v7, v10;
	v6 =	vld.idx.msk [tilespmem:v17+s2+$0x0], $0xffff  }
0x224: {  	vm1 =	vgt.f32 v7, v4;
	v8 =	vsel vm0, v7, v10;
	v5 =	vsel vm0, $0x2A, v5  }
0x225: {  	v8 =	vsel vm1, v4, v8;
	v5 =	vsel vm1, v11, v5;
	v4 =	vsel vm1, v7, v4  }
0x226: {  	vm0 =	vgt.f32 v12, v8;
	v7 =	vld.idx.msk [tilespmem:v18+s2+$0x0], $0xffff  }
0x227: {  	vm2 =	vgt.f32 v12, v4;
	v8 =	vsel vm0, v12, v8;
	v5 =	vsel vm0, $0x2B, v5  }
0x228: {  	v10 =	vsel vm1, $0x2A, v11;
	v8 =	vsel vm2, v4, v8;
	v4 =	vsel vm2, v12, v4  }
0x229: {  	v5 =	vsel vm2, v10, v5;
	v10 =	vsel vm2, $0x2B, v10;
	vm0 =	vgt.f32 v6, v8;
	v11 =	vld.idx.msk [tilespmem:v19+s2+$0x0], $0xffff  }
0x22a: {  	vm1 =	vgt.f32 v6, v4;
	v8 =	vsel vm0, v6, v8;
	v5 =	vsel vm0, $0x2C, v5  }
0x22b: {  	v8 =	vsel vm1, v4, v8;
	v5 =	vsel vm1, v10, v5  }
0x22c: {  	v4 =	vsel vm1, v6, v4;
	v6 =	vsel vm1, $0x2C, v10;
	vm0 =	vgt.f32 v7, v8;
	v10 =	vld.idx.msk [tilespmem:v20+s2+$0x0], $0xffff  }
0x22d: {  	vm1 =	vgt.f32 v7, v4;
	v8 =	vsel vm0, v7, v8;
	v5 =	vsel vm0, $0x2D, v5  }
0x22e: {  	v12 =	vsel vm1, $0x2D, v6;
	v8 =	vsel vm1, v4, v8  }
0x22f: {  	v5 =	vsel vm1, v6, v5;
	v4 =	vsel vm1, v7, v4;
	vm0 =	vgt.f32 v11, v8;
	v6 =	vld.idx.msk [tilespmem:v15+s2+$0x0], $0xffff  }
0x230: {  	vm1 =	vgt.f32 v11, v4;
	v7 =	vsel vm0, v11, v8;
	v5 =	vsel vm0, $0x2E, v5  }
0x231: {  	v7 =	vsel vm1, v4, v7;
	v5 =	vsel vm1, v12, v5;
	v4 =	vsel vm1, v11, v4  }
0x232: {  	vm0 =	vgt.f32 v10, v7;
	v8 =	vld.idx.msk [tilespmem:v24+s2+$0x0], $0xffff  }
0x233: {  	vm2 =	vgt.f32 v10, v4;
	v7 =	vsel vm0, v10, v7;
	v5 =	vsel vm0, $0x2F, v5  }
0x234: {  	v11 =	vsel vm1, $0x2E, v12;
	v7 =	vsel vm2, v4, v7;
	v4 =	vsel vm2, v10, v4  }
0x235: {  	v5 =	vsel vm2, v11, v5;
	v10 =	vsel vm2, $0x2F, v11;
	vm0 =	vgt.f32 v6, v7;
	v11 =	vld.idx.msk [tilespmem:v25+s2+$0x0], $0xffff  }
0x236: {  	vm1 =	vgt.f32 v6, v4;
	v7 =	vsel vm0, v6, v7;
	v5 =	vsel vm0, $0x30, v5  }
0x237: {  	v7 =	vsel vm1, v4, v7;
	v5 =	vsel vm1, v10, v5  }
0x238: {  	v4 =	vsel vm1, v6, v4;
	v6 =	vsel vm1, $0x30, v10;
	vm0 =	vgt.f32 v8, v7;
	v10 =	vld.idx.msk [tilespmem:v26+s2+$0x0], $0xffff  }
0x239: {  	vm1 =	vgt.f32 v8, v4;
	v7 =	vsel vm0, v8, v7;
	v5 =	vsel vm0, $0x31, v5  }
0x23a: {  	v7 =	vsel vm1, v4, v7;
	v5 =	vsel vm1, v6, v5;
	v6 =	vsel vm1, $0x31, v6  }
0x23b: {  	v4 =	vsel vm1, v8, v4;
	vm0 =	vgt.f32 v11, v7;
	v8 =	vld.idx.msk [tilespmem:v27+s2+$0x0], $0xffff  }
0x23c: {  	vm1 =	vgt.f32 v11, v4;
	v7 =	vsel vm0, v11, v7;
	v5 =	vsel vm0, $0x32, v5  }
0x23d: {  	v7 =	vsel vm1, v4, v7;
	v5 =	vsel vm1, v6, v5;
	v6 =	vsel vm1, $0x32, v6  }
0x23e: {  	v4 =	vsel vm1, v11, v4;
	vm0 =	vgt.f32 v10, v7;
	v11 =	vld.idx.msk [tilespmem:v21+s2+$0x0], $0xffff  }
0x23f: {  	vm1 =	vgt.f32 v10, v4;
	v7 =	vsel vm0, v10, v7;
	v5 =	vsel vm0, $0x33, v5  }
0x240: {  	v7 =	vsel vm1, v4, v7;
	v5 =	vsel vm1, v6, v5  }
0x241: {  	v4 =	vsel vm1, v10, v4;
	v6 =	vsel vm1, $0x33, v6;
	vm0 =	vgt.f32 v8, v7;
	v10 =	vld.idx.msk [tilespmem:v22+s2+$0x0], $0xffff  }
0x242: {  	vm1 =	vgt.f32 v8, v4;
	v7 =	vsel vm0, v8, v7;
	v5 =	vsel vm0, $0x34, v5  }
0x243: {  	v7 =	vsel vm1, v4, v7;
	v5 =	vsel vm1, v6, v5;
	v6 =	vsel vm1, $0x34, v6  }
0x244: {  	v4 =	vsel vm1, v8, v4;
	vm0 =	vgt.f32 v11, v7;
	v8 =	vld.idx.msk [tilespmem:v29+s2+$0x0], $0xffff  }
0x245: {  	vm1 =	vgt.f32 v11, v4;
	v7 =	vsel vm0, v11, v7;
	v5 =	vsel vm0, $0x35, v5  }
0x246: {  	v7 =	vsel vm1, v4, v7;
	v5 =	vsel vm1, v6, v5;
	v6 =	vsel vm1, $0x35, v6  }
0x247: {  	v4 =	vsel vm1, v11, v4;
	vm0 =	vgt.f32 v10, v7;
	v11 =	vld.idx.msk [tilespmem:v30+s2+$0x0], $0xffff  }
0x248: {  	vm1 =	vgt.f32 v10, v4;
	v7 =	vsel vm0, v10, v7;
	v5 =	vsel vm0, $0x36, v5  }
0x249: {  	v7 =	vsel vm1, v4, v7;
	v5 =	vsel vm1, v6, v5  }
0x24a: {  	v4 =	vsel vm1, v10, v4;
	v6 =	vsel vm1, $0x36, v6;
	vm0 =	vgt.f32 v8, v7;
	v10 =	vld.idx.msk [tilespmem:v28+s2+$0x0], $0xffff  }
0x24b: {  	vm1 =	vgt.f32 v8, v4;
	v7 =	vsel vm0, v8, v7;
	v5 =	vsel vm0, $0x37, v5  }
0x24c: {  	v7 =	vsel vm1, v4, v7;
	v5 =	vsel vm1, v6, v5  }
0x24d: {  	v4 =	vsel vm1, v8, v4;
	v6 =	vsel vm1, $0x37, v6;
	vm0 =	vgt.f32 v11, v7;
	v8 =	vld.idx.msk [tilespmem:v31+s2+$0x0], $0xffff  }
0x24e: {  	vm1 =	vgt.f32 v11, v4;
	v7 =	vsel vm0, v11, v7;
	v5 =	vsel vm0, $0x38, v5  }
0x24f: {  	v7 =	vsel vm1, v4, v7;
	v5 =	vsel vm1, v6, v5;
	v12 =	vld.idx.msk [tilespmem:v33+s2+$0x0], $0xffff  }
0x250: {  	v4 =	vsel vm1, v11, v4;
	v6 =	vsel vm1, $0x38, v6;
	vm0 =	vgt.f32 v10, v7  }
0x251: {  	vm1 =	vgt.f32 v10, v4;
	v7 =	vsel vm0, v10, v7;
	v5 =	vsel vm0, $0x39, v5  }
0x252: {  	v7 =	vsel vm1, v4, v7;
	v5 =	vsel vm1, v6, v5;
	v4 =	vsel vm1, v10, v4  }
0x253: {  	v6 =	vsel vm1, $0x39, v6;
	vm0 =	vgt.f32 v8, v4;
	vm1 =	vgt.f32 v8, v7;
	v10 =	vld.idx.msk [tilespmem:v32+s2+$0x0], $0xffff  }
0x254: {  	v7 =	vsel vm1, v8, v7;
	v5 =	vsel vm1, $0x3A, v5;
	v8 =	vsel vm0, v8, v4  }
0x255: {  	v4 =	vsel vm0, v4, v7;
	v5 =	vsel vm0, v6, v5;
	vm1 =	vgt.f32 v12, v8  }
0x256: {  	v6 =	vsel vm0, $0x3A, v6;
	vm0 =	vgt.f32 v12, v4;
	v7 =	vld.idx.msk [tilespmem:v23+s2+$0x0], $0xffff  }
0x257: {  	v11 =	vsel vm1, v12, v8;
	v4 =	vsel vm0, v12, v4;
	v5 =	vsel vm0, $0x3B, v5  }
0x258: {  	v4 =	vsel vm1, v8, v4;
	v5 =	vsel vm1, v6, v5  }
0x259: {  	v6 =	vsel vm1, $0x3B, v6;
	vm0 =	vgt.f32 v10, v4;
	v8 =	vld.idx.msk [tilespmem:v9+s2+$0x0], $0xffff  }
0x25a: {  	vm1 =	vgt.f32 v10, v11;
	v4 =	vsel vm0, v10, v4;
	v5 =	vsel vm0, $0x3C, v5  }
0x25b: {  	v9 =	vsel vm1, v10, v11;
	v4 =	vsel vm1, v11, v4;
	v5 =	vsel vm1, v6, v5  }
0x25c: {  	v6 =	vsel vm1, $0x3C, v6;
	vm0 =	vgt.f32 v7, v4;
	v3 =	vld.idx.msk [tilespmem:v3+s2+$0x0], $0xffff  }
0x25d: {  	vm1 =	vgt.f32 v7, v9;
	v4 =	vsel vm0, v7, v4;
	v5 =	vsel vm0, $0x3D, v5  }
0x25e: {  	v4 =	vsel vm1, v9, v4;
	v5 =	vsel vm1, v6, v5;
	v6 =	vsel vm1, $0x3D, v6  }
0x25f: {  	v7 =	vsel vm1, v7, v9;
	vm0 =	vgt.f32 v8, v4  }
0x260: {  	vm1 =	vgt.f32 v8, v7;
	v4 =	vsel vm0, v8, v4;
	v5 =	vsel vm0, $0x3E, v5  }
0x261: {  	v4 =	vsel vm1, v7, v4;
	v5 =	vsel vm1, v6, v5  }
0x262: {  	v7 =	vsel vm1, v8, v7;
	v6 =	vsel vm1, $0x3E, v6;
	vm1 =	vgt.f32 v3, v4  }
0x263: {  	vm0 =	vgt.f32 v3, v7;
	v4 =	vsel vm1, v3, v4;
	v5 =	vsel vm1, $0x3F, v5  }
0x264: {  	v3 =	vsel vm0, v3, v7;
	v8 =	vsel vm0, v7, v4;
	v4 =	vsel vm0, v6, v5  }
0x265: {  	v3 =	vsub.f32 v8, v3;
	_ =	sdelay $0x1  }
0x266: {  	v3 =	vmul.f32 $1.442695020e+00, v3;
	_ =	sdelay $0x1  }
0x267: {  	(erf) = vpow2.f32 v3;
	_ =	sdelay $0x8  }
0x268: {  	v5 =	vpop (erf)  }
0x269: {  	v3 =	vadd.f32 $1.000000000e+00, v5;
	_ =	sdelay $0x1  }
0x26a: {  	(erf) = vrcp.f32 v3;
	_ =	sdelay $0x4  }
0x26b: {  	v12 =	vshll.u32 v2, $0x1;
	_ =	sdelay $0x1  }
0x26c: {  	v15 =	vor.u32 $0x1, v12;
	_ =	sdelay $0x1  }
.Ltmp0:
0x26d: {  	v2 =	vor.u32 s12, v0;
	v7 =	vpop (erf);
	(pc) =	sbr.rel @p0 .LBB2_2-.Ltmp0, $4  }
0x26e: {  	v13 =	vsel vm0, $0x3F, v6;
	v3 =	vshll.u32 v2, $0x6;
	[tilespmem:v12+s8+$0x0] =	vst.idx.msk $0xffff, v7;
	v8 =	vmul.f32 v7, v5  }
0x26f: {  	v19 =	vor.u32 $0x1, v3;
	v9 =	vor.u32 $0x2, v3;
	v20 =	vor.u32 $0x3, v3  }
0x270: {  	v6 =	vor.u32 $0x5, v3;
	v5 =	vor.u32 $0x4, v3;
	v7 =	vor.u32 $0x6, v3;
	[tilespmem:v15+s8+$0x0] =	vst.idx.msk $0xffff, v8  }
0x271: {  	v10 =	vor.u32 $0x8, v3;
	v11 =	vor.u32 $0x9, v3;
	v8 =	vor.u32 $0x7, v3;
	[tilespmem:v12+s9+$0x0] =	vst.idx.msk $0xffff, v13  }
0x272: {  	_ =	sdelay $0x3  }
0x273: {  	[tilespmem:v15+s9+$0x0] =	vst.idx.msk $0xffff, v4  }
0x274: {  	v4 =	vld.idx.msk [tilespmem:v3+s2+$0x0], $0xffff  }
0x275: {  	v13 =	vimm.s32 $0x0;
	v12 =	vld.idx.msk [tilespmem:v19+s2+$0x0], $0xffff  }
0x276: {  	v44 =	vimm.s32 $0x0;
	v46 =	vimm.s32 $0x0;
	v48 =	vimm.s32 $0x0  }
0x277: {  	v49 =	vimm.s32 $0x0;
	v52 =	vimm.s32 $0x0;
	v54 =	vor.u32 $0xA, v3  }
0x278: {  	v55 =	vimm.s32 $0x0;
	v57 =	vor.u32 $0xB, v3;
	v58 =	vimm.s32 $0x0  }
0x279: {  	v60 =	vor.u32 $0xC, v3;
	v61 =	vimm.s32 $0x0;
	v9 =	vld.idx.msk [tilespmem:v9+s2+$0x0], $0xffff;
	vm0 =	vgt.f32 v4, $-Inf  }
0x27a: {  	vm8 =	vlt.f32 v12, $-Inf;
	vm2 =	vgt.f32 v12, $-Inf;
	v4 =	vnsel vm0, $0xFF800000, v4  }
0x27b: {  	v63 =	vor.u32 $0xD, v3;
	vm0 =	vmor vm2, vm8;
	vm15 =	vgt.f32 v12, v4  }
0x27c: {  	v16 =	vor.u32 $0xF, v3;
	v43 =	vld.idx.msk [tilespmem:v20+s2+$0x0], $0xffff;
	v14 =	vnsel vm0, $0xFF800000, v12;
	vm1 =	vmneg vm15  }
0x27d: {  	v17 =	vimm.s32 $0x0;
	v22 =	vor.u32 $0x11, v3;
	v14 =	vsel vm1, v14, v4  }
0x27e: {  	v23 =	vimm.s32 $0x0;
	v4 =	vsel vm1, v4, v12;
	vm9 =	vgt.f32 v9, v14  }
0x27f: {  	v5 =	vld.idx.msk [tilespmem:v5+s2+$0x0], $0xffff;
	vm2 =	vgt.f32 v9, v4;
	v12 =	vsel vm9, $0xFFFFFFFF, v44;
	v45 =	vsel vm9, v9, v14  }
0x280: {  	v25 =	vor.u32 $0x12, v3;
	v26 =	vimm.s32 $0x0;
	[tilespmem:$0x1F770] =	vst v12;
	v12 =	vsel vm2, v4, v45  }
0x281: {  	v28 =	vimm.s32 $0x0;
	v4 =	vsel vm2, v9, v4;
	vm10 =	vgt.f32 v43, v12  }
0x282: {  	v6 =	vld.idx.msk [tilespmem:v6+s2+$0x0], $0xffff;
	vm3 =	vgt.f32 v43, v4;
	v9 =	vsel vm10, $0xFFFFFFFF, v46;
	v47 =	vsel vm10, v43, v12  }
0x283: {  	v29 =	vor.u32 $0x13, v3;
	v30 =	vimm.s32 $0x0;
	[tilespmem:$0x1F780] =	vst v9;
	v9 =	vsel vm3, v4, v47  }
0x284: {  	v32 =	vimm.s32 $0x0;
	v4 =	vsel vm3, v43, v4;
	vm11 =	vgt.f32 v5, v9  }
0x285: {  	v34 =	vor.u32 $0x14, v3;
	v7 =	vld.idx.msk [tilespmem:v7+s2+$0x0], $0xffff;
	vm4 =	vgt.f32 v5, v4;
	v9 =	vsel vm11, v5, v9  }
0x286: {  	v36 =	vimm.s32 $0x0;
	v38 =	vimm.s32 $0x0;
	v9 =	vsel vm4, v4, v9  }
0x287: {  	v40 =	vor.u32 $0x15, v3;
	v50 =	vld.idx.msk [tilespmem:v8+s2+$0x0], $0xffff;
	v4 =	vsel vm4, v5, v4;
	vm12 =	vgt.f32 v6, v9  }
0x288: {  	v41 =	vimm.s32 $0x0;
	v53 =	vld.idx.msk [tilespmem:v10+s2+$0x0], $0xffff;
	vm5 =	vgt.f32 v6, v4;
	v51 =	vsel vm12, v6, v9  }
0x289: {  	v56 =	vld.idx.msk [tilespmem:v11+s2+$0x0], $0xffff;
	v11 =	vimm.s32 $0x0;
	v19 =	vor.u32 $0x10, v3;
	v8 =	vsel vm5, v4, v51  }
0x28a: {  	v20 =	vimm.s32 $0x0;
	v59 =	vld.idx.msk [tilespmem:v54+s2+$0x0], $0xffff;
	v4 =	vsel vm5, v6, v4;
	vm13 =	vgt.f32 v7, v8  }
0x28b: {  	v62 =	vld.idx.msk [tilespmem:v57+s2+$0x0], $0xffff;
	v54 =	vimm.s32 $0x0;
	vm6 =	vgt.f32 v7, v4;
	v8 =	vsel vm13, v7, v8  }
0x28c: {  	v27 =	vld.idx.msk [tilespmem:v22+s2+$0x0], $0xffff;
	v57 =	vor.u32 $0x19, v3;
	v22 =	vimm.s32 $0x0;
	v8 =	vsel vm6, v4, v8  }
0x28d: {  	v31 =	vld.idx.msk [tilespmem:v25+s2+$0x0], $0xffff;
	v25 =	vor.u32 $0x1D, v3;
	v4 =	vsel vm6, v7, v4;
	vm14 =	vgt.f32 v50, v8  }
0x28e: {  	v13 =	vsel vm0, $0xFFFFFFFF, v13;
	vm7 =	vgt.f32 v50, v4;
	v8 =	vsel vm14, v50, v8  }
0x28f: {  	[tilespmem:$0x1F760] =	vst v13;
	v13 =	vor.u32 $0xE, v3;
	v33 =	vsel vm15, $0x1, v1;
	v8 =	vsel vm7, v4, v8  }
0x290: {  	v5 =	vsel vm12, $0xFFFFFFFF, v49;
	v4 =	vsel vm7, v50, v4;
	vm8 =	vgt.f32 v53, v8  }
0x291: {  	[tilespmem:$0x1F7A0] =	vst v5;
	v5 =	vsel vm8, $0xFFFFFFFF, v58;
	v8 =	vsel vm8, v53, v8;
	vm8 =	vgt.f32 v53, v4  }
0x292: {  	v14 =	vimm.s32 $0x0;
	v42 =	vsel vm2, $0x2, v33;
	v8 =	vsel vm8, v4, v8  }
0x293: {  	v35 =	vld [tilespmem:$0x1F760];
	v6 =	vsel vm13, $0xFFFFFFFF, v52;
	v4 =	vsel vm8, v53, v4;
	vm9 =	vgt.f32 v56, v8  }
0x294: {  	[tilespmem:$0x1F7B0] =	vst v6;
	v6 =	vsel vm9, $0xFFFFFFFF, v61;
	v8 =	vsel vm9, v56, v8;
	vm9 =	vgt.f32 v56, v4  }
0x295: {  	v45 =	vor.u32 $0x16, v3;
	v12 =	vsel vm11, $0xFFFFFFFF, v48;
	v8 =	vsel vm9, v4, v8  }
0x296: {  	[tilespmem:$0x1F790] =	vst v12;
	v7 =	vsel vm14, $0xFFFFFFFF, v55;
	v4 =	vsel vm9, v56, v4;
	vm10 =	vgt.f32 v59, v8  }
0x297: {  	v12 =	vld.idx.msk [tilespmem:v60+s2+$0x0], $0xffff;
	[tilespmem:$0x1F7C0] =	vst v7;
	v7 =	vsel vm10, $0xFFFFFFFF, v11;
	v8 =	vsel vm10, v59, v8;
	vm10 =	vgt.f32 v59, v4  }
0x298: {  	vm15 =	vnez.u8 v35;
	v46 =	vimm.s32 $0x0;
	v8 =	vsel vm10, v4, v8  }
0x299: {  	vm1 =	vmand vm15, vm1;
	v4 =	vsel vm10, v59, v4;
	vm11 =	vgt.f32 v62, v8  }
0x29a: {  	v15 =	vld.idx.msk [tilespmem:v63+s2+$0x0], $0xffff;
	[tilespmem:$0x1F7D0] =	vst v5;
	v5 =	vsel vm11, $0xFFFFFFFF, v14;
	v8 =	vsel vm11, v62, v8;
	vm11 =	vgt.f32 v62, v4  }
0x29b: {  	v43 =	vld.idx.msk [tilespmem:v34+s2+$0x0], $0xffff;
	v34 =	vimm.s32 $0x0;
	v37 =	vsel vm1, $0x1, v1;
	v8 =	vsel vm11, v4, v8  }
0x29c: {  	v49 =	vor.u32 $0x17, v3;
	v4 =	vsel vm11, v62, v4;
	vm12 =	vgt.f32 v12, v8  }
0x29d: {  	v18 =	vld.idx.msk [tilespmem:v13+s2+$0x0], $0xffff;
	[tilespmem:$0x1F7E0] =	vst v6;
	v6 =	vsel vm12, $0xFFFFFFFF, v17;
	v8 =	vsel vm12, v12, v8;
	vm12 =	vgt.f32 v12, v4  }
0x29e: {  	v51 =	vld.idx.msk [tilespmem:v45+s2+$0x0], $0xffff;
	v45 =	vor.u32 $0x22, v3;
	v61 =	vor.u32 $0x1A, v3;
	v8 =	vsel vm12, v4, v8  }
0x29f: {  	v17 =	vor.u32 $0x1B, v3;
	v4 =	vsel vm12, v12, v4;
	vm13 =	vgt.f32 v15, v8  }
0x2a0: {  	v21 =	vld.idx.msk [tilespmem:v16+s2+$0x0], $0xffff;
	[tilespmem:$0x1F7F0] =	vst v7;
	v7 =	vsel vm13, $0xFFFFFFFF, v20;
	v8 =	vsel vm13, v15, v8;
	vm13 =	vgt.f32 v15, v4  }
0x2a1: {  	v50 =	vimm.s32 $0x0;
	v58 =	vimm.s32 $0x0;
	v8 =	vsel vm13, v4, v8  }
0x2a2: {  	v53 =	vor.u32 $0x18, v3;
	v4 =	vsel vm13, v15, v4;
	vm14 =	vgt.f32 v18, v8  }
0x2a3: {  	v24 =	vld.idx.msk [tilespmem:v19+s2+$0x0], $0xffff;
	[tilespmem:$0x1F800] =	vst v5;
	v5 =	vsel vm14, $0xFFFFFFFF, v23;
	v8 =	vsel vm14, v18, v8;
	vm14 =	vgt.f32 v18, v4  }
0x2a4: {  	v19 =	vld.idx.msk [tilespmem:v61+s2+$0x0], $0xffff;
	v61 =	vor.u32 $0x25, v3;
	v62 =	vimm.s32 $0x0;
	v8 =	vsel vm14, v4, v8  }
0x2a5: {  	v23 =	vld.idx.msk [tilespmem:v17+s2+$0x0], $0xffff;
	v17 =	vor.u32 $0x26, v3;
	v4 =	vsel vm14, v18, v4;
	vm0 =	vgt.f32 v21, v8  }
0x2a6: {  	[tilespmem:$0x1F810] =	vst v6;
	v6 =	vsel vm0, $0xFFFFFFFF, v26;
	v8 =	vsel vm0, v21, v8;
	vm0 =	vgt.f32 v21, v4  }
0x2a7: {  	v18 =	vimm.s32 $0x0;
	v26 =	vimm.s32 $0x0;
	v8 =	vsel vm0, v4, v8  }
0x2a8: {  	v39 =	vld [tilespmem:$0x1F770];
	v10 =	vsel vm0, $0xFFFFFFFF, v28;
	v4 =	vsel vm0, v21, v4;
	vm0 =	vgt.f32 v24, v8  }
0x2a9: {  	[tilespmem:$0x1F820] =	vst v7;
	v7 =	vsel vm0, $0xFFFFFFFF, v30;
	v8 =	vsel vm0, v24, v8;
	vm0 =	vgt.f32 v24, v4  }
0x2aa: {  	v21 =	vor.u32 $0x1C, v3;
	[tilespmem:$0x1F850] =	vst v10;
	v10 =	vld.idx.msk [tilespmem:v29+s2+$0x0], $0xffff;
	v29 =	vor.u32 $0x1E, v3;
	v8 =	vsel vm0, v4, v8  }
0x2ab: {  	v30 =	vimm.s32 $0x0;
	v4 =	vsel vm0, v24, v4;
	vm15 =	vgt.f32 v27, v8  }
0x2ac: {  	v44 =	vld [tilespmem:$0x1F780];
	[tilespmem:$0x1F830] =	vst v5;
	v9 =	vsel vm0, $0xFFFFFFFF, v32;
	vm0 =	vgt.f32 v27, v4;
	v5 =	vsel vm15, $0xFFFFFFFF, v36  }
0x2ad: {  	v55 =	vld.idx.msk [tilespmem:v49+s2+$0x0], $0xffff;
	[tilespmem:$0x1F860] =	vst v7;
	v8 =	vsel vm15, v27, v8;
	v12 =	vsel vm0, $0xFFFFFFFF, v38;
	vm15 =	vnez.u8 v39  }
0x2ae: {  	v49 =	vld [tilespmem:$0x1F860];
	v38 =	vimm.s32 $0x0;
	[tilespmem:$0x1F880] =	vst v5;
	v5 =	vsel vm15, $0x2, v37;
	v8 =	vsel vm0, v4, v8  }
0x2af: {  	v4 =	vsel vm0, v27, v4;
	v27 =	vld.idx.msk [tilespmem:v21+s2+$0x0], $0xffff;
	v37 =	vor.u32 $0x20, v3;
	v21 =	vor.u32 $0x27, v3  }
0x2b0: {  	v35 =	vld.idx.msk [tilespmem:v29+s2+$0x0], $0xffff;
	v29 =	vor.u32 $0x29, v3;
	v5 =	vsel vm2, v33, v5;
	vm15 =	vgt.f32 v31, v8  }
0x2b1: {  	v48 =	vld [tilespmem:$0x1F790];
	[tilespmem:$0x1F840] =	vst v6;
	vm2 =	vgt.f32 v31, v4;
	v33 =	vor.u32 $0x1F, v3;
	v6 =	vsel vm15, $0xFFFFFFFF, v41  }
0x2b2: {  	v8 =	vsel vm15, v31, v8;
	vm15 =	vnez.u8 v44;
	v41 =	vor.u32 $0x21, v3  }
0x2b3: {  	v5 =	vsel vm15, $0x3, v5;
	v8 =	vsel vm2, v4, v8;
	v4 =	vsel vm2, v31, v4  }
0x2b4: {  	[tilespmem:$0x1F8A0] =	vst v6;
	v6 =	vsel vm3, $0x3, v42;
	v31 =	vld.idx.msk [tilespmem:v25+s2+$0x0], $0xffff;
	vm0 =	vnez.u8 v49;
	v25 =	vor.u32 $0x28, v3  }
0x2b5: {  	v49 =	vimm.s32 $0x0;
	v5 =	vsel vm3, v42, v5;
	vm15 =	vgt.f32 v10, v8  }
0x2b6: {  	v52 =	vld [tilespmem:$0x1F7A0];
	v7 =	vsel vm15, $0xFFFFFFFF, v46;
	v8 =	vsel vm15, v10, v8;
	vm15 =	vnez.u8 v48  }
0x2b7: {  	v47 =	vld.idx.msk [tilespmem:v40+s2+$0x0], $0xffff;
	vm3 =	vgt.f32 v10, v4;
	v42 =	vimm.s32 $0x0;
	v5 =	vsel vm15, $0x4, v5  }
0x2b8: {  	v8 =	vsel vm3, v4, v8;
	v4 =	vsel vm3, v10, v4;
	v39 =	vld.idx.msk [tilespmem:v33+s2+$0x0], $0xffff;
	v33 =	vor.u32 $0x2A, v3  }
0x2b9: {  	v46 =	vld [tilespmem:$0x1F850];
	v5 =	vsel vm4, v6, v5;
	vm15 =	vgt.f32 v43, v8;
	v6 =	vsel vm4, $0x4, v6  }
0x2ba: {  	v56 =	vld [tilespmem:$0x1F7B0];
	vm4 =	vgt.f32 v43, v4;
	v10 =	vsel vm15, $0xFFFFFFFF, v50;
	v8 =	vsel vm15, v43, v8  }
0x2bb: {  	vm15 =	vnez.u8 v52;
	v50 =	vor.u32 $0x23, v3;
	v52 =	vimm.s32 $0x0  }
0x2bc: {  	v5 =	vsel vm15, $0x5, v5;
	v8 =	vsel vm4, v4, v8;
	v4 =	vsel vm4, v43, v4  }
0x2bd: {  	v5 =	vsel vm5, v6, v5;
	vm15 =	vgt.f32 v47, v8;
	v6 =	vsel vm5, $0x5, v6  }
0x2be: {  	v60 =	vld [tilespmem:$0x1F7C0];
	vm5 =	vgt.f32 v47, v4;
	vm1 =	vnez.u8 v46;
	v46 =	vor.u32 $0x2D, v3  }
0x2bf: {  	[tilespmem:$0x1F870] =	vst v9;
	v9 =	vsel vm15, $0xFFFFFFFF, v54;
	v8 =	vsel vm15, v47, v8;
	vm15 =	vnez.u8 v56  }
0x2c0: {  	v54 =	vimm.s32 $0x0;
	v56 =	vor.u32 $0x24, v3;
	v5 =	vsel vm15, $0x6, v5  }
0x2c1: {  	v8 =	vsel vm5, v4, v8;
	v4 =	vsel vm5, v47, v4;
	v47 =	vimm.s32 $0x0  }
0x2c2: {  	v16 =	vld [tilespmem:$0x1F7D0];
	v5 =	vsel vm6, v6, v5;
	vm15 =	vgt.f32 v51, v8;
	v6 =	vsel vm6, $0x6, v6  }
0x2c3: {  	[tilespmem:$0x1F8B0] =	vst v7;
	v7 =	vsel vm15, $0xFFFFFFFF, v58;
	v8 =	vsel vm15, v51, v8;
	vm15 =	vnez.u8 v60  }
0x2c4: {  	v59 =	vld.idx.msk [tilespmem:v53+s2+$0x0], $0xffff;
	vm6 =	vgt.f32 v51, v4;
	v58 =	vimm.s32 $0x0;
	v5 =	vsel vm15, $0x7, v5  }
0x2c5: {  	v8 =	vsel vm6, v4, v8;
	v4 =	vsel vm6, v51, v4;
	v5 =	vsel vm7, v6, v5  }
0x2c6: {  	v20 =	vld [tilespmem:$0x1F7E0];
	vm15 =	vgt.f32 v55, v8;
	v6 =	vsel vm7, $0x7, v6;
	vm7 =	vgt.f32 v55, v4  }
0x2c7: {  	[tilespmem:$0x1F8C0] =	vst v10;
	v10 =	vsel vm15, $0xFFFFFFFF, v62;
	v8 =	vsel vm15, v55, v8;
	vm15 =	vnez.u8 v16  }
0x2c8: {  	v63 =	vld.idx.msk [tilespmem:v57+s2+$0x0], $0xffff;
	v62 =	vimm.s32 $0x0;
	v5 =	vsel vm15, $0x8, v5;
	v8 =	vsel vm7, v4, v8  }
0x2c9: {  	v24 =	vld [tilespmem:$0x1F7F0];
	v4 =	vsel vm7, v55, v4;
	v5 =	vsel vm8, v6, v5;
	vm15 =	vgt.f32 v59, v8  }
0x2ca: {  	[tilespmem:$0x1F8D0] =	vst v9;
	v6 =	vsel vm8, $0x8, v6;
	vm8 =	vgt.f32 v59, v4;
	v9 =	vsel vm15, $0xFFFFFFFF, v18  }
0x2cb: {  	v8 =	vsel vm15, v59, v8;
	vm15 =	vnez.u8 v20;
	v18 =	vimm.s32 $0x0  }
0x2cc: {  	v5 =	vsel vm15, $0x9, v5;
	v8 =	vsel vm8, v4, v8;
	v4 =	vsel vm8, v59, v4  }
0x2cd: {  	v28 =	vld [tilespmem:$0x1F800];
	v5 =	vsel vm9, v6, v5;
	vm15 =	vgt.f32 v63, v8;
	v6 =	vsel vm9, $0x9, v6  }
0x2ce: {  	[tilespmem:$0x1F8E0] =	vst v7;
	v7 =	vsel vm15, $0xFFFFFFFF, v22;
	v8 =	vsel vm15, v63, v8;
	vm15 =	vnez.u8 v24  }
0x2cf: {  	vm9 =	vgt.f32 v63, v4;
	v22 =	vimm.s32 $0x0;
	v5 =	vsel vm15, $0xA, v5  }
0x2d0: {  	v8 =	vsel vm9, v4, v8;
	v4 =	vsel vm9, v63, v4;
	v63 =	vld.idx.msk [tilespmem:v56+s2+$0x0], $0xffff;
	v56 =	vimm.s32 $0x0  }
0x2d1: {  	v32 =	vld [tilespmem:$0x1F810];
	v5 =	vsel vm10, v6, v5;
	vm15 =	vgt.f32 v19, v8;
	v6 =	vsel vm10, $0xA, v6  }
0x2d2: {  	[tilespmem:$0x1F8F0] =	vst v10;
	v10 =	vsel vm15, $0xFFFFFFFF, v26;
	v8 =	vsel vm15, v19, v8;
	vm15 =	vnez.u8 v28  }
0x2d3: {  	vm10 =	vgt.f32 v19, v4;
	v26 =	vimm.s32 $0x0;
	v5 =	vsel vm15, $0xB, v5  }
0x2d4: {  	v8 =	vsel vm10, v4, v8;
	v4 =	vsel vm10, v19, v4;
	v19 =	vld.idx.msk [tilespmem:v61+s2+$0x0], $0xffff;
	v61 =	vimm.s32 $0x0  }
0x2d5: {  	v5 =	vsel vm11, v6, v5;
	vm15 =	vgt.f32 v23, v8;
	v6 =	vsel vm11, $0xB, v6  }
0x2d6: {  	v36 =	vld [tilespmem:$0x1F820];
	[tilespmem:$0x1F900] =	vst v9;
	v9 =	vsel vm15, $0xFFFFFFFF, v30;
	v8 =	vsel vm15, v23, v8;
	vm15 =	vnez.u8 v32  }
0x2d7: {  	vm11 =	vgt.f32 v23, v4;
	v30 =	vimm.s32 $0x0;
	v5 =	vsel vm15, $0xC, v5  }
0x2d8: {  	v8 =	vsel vm11, v4, v8;
	v4 =	vsel vm11, v23, v4;
	v23 =	vld.idx.msk [tilespmem:v17+s2+$0x0], $0xffff;
	v17 =	vor.u32 $0x31, v3  }
0x2d9: {  	v5 =	vsel vm12, v6, v5;
	vm15 =	vgt.f32 v27, v8;
	v6 =	vsel vm12, $0xC, v6  }
0x2da: {  	v40 =	vld [tilespmem:$0x1F830];
	[tilespmem:$0x1F910] =	vst v7;
	vm12 =	vgt.f32 v27, v4;
	v7 =	vsel vm15, $0xFFFFFFFF, v34;
	v8 =	vsel vm15, v27, v8  }
0x2db: {  	vm15 =	vnez.u8 v36;
	v34 =	vimm.s32 $0x0;
	v36 =	vimm.s32 $0x0  }
0x2dc: {  	v5 =	vsel vm15, $0xD, v5;
	v8 =	vsel vm12, v4, v8;
	v4 =	vsel vm12, v27, v4  }
0x2dd: {  	v44 =	vld [tilespmem:$0x1F840];
	v5 =	vsel vm13, v6, v5;
	vm15 =	vgt.f32 v31, v8;
	v6 =	vsel vm13, $0xD, v6  }
0x2de: {  	[tilespmem:$0x1F920] =	vst v10;
	vm13 =	vgt.f32 v31, v4;
	v10 =	vsel vm15, $0xFFFFFFFF, v38;
	v8 =	vsel vm15, v31, v8  }
0x2df: {  	vm15 =	vnez.u8 v40;
	v38 =	vor.u32 $0x2B, v3;
	v40 =	vld.idx.msk [tilespmem:v33+s2+$0x0], $0xffff;
	v33 =	vimm.s32 $0x0  }
0x2e0: {  	v51 =	vld [tilespmem:$0x1F870];
	v5 =	vsel vm15, $0xE, v5;
	v8 =	vsel vm13, v4, v8;
	v4 =	vsel vm13, v31, v4  }
0x2e1: {  	[tilespmem:$0x1F890] =	vst v12;
	v5 =	vsel vm14, v6, v5;
	vm15 =	vgt.f32 v35, v8;
	v6 =	vsel vm14, $0xE, v6  }
0x2e2: {  	[tilespmem:$0x1F930] =	vst v9;
	v9 =	vsel vm15, $0xFFFFFFFF, v42;
	v8 =	vsel vm15, v35, v8;
	vm15 =	vnez.u8 v44  }
0x2e3: {  	v57 =	vld [tilespmem:$0x1F890];
	vm14 =	vgt.f32 v35, v4;
	v42 =	vor.u32 $0x2C, v3;
	v5 =	vsel vm15, $0xF, v5  }
0x2e4: {  	v55 =	vld [tilespmem:$0x1F880];
	v8 =	vsel vm14, v4, v8;
	v4 =	vsel vm14, v35, v4;
	v5 =	vsel vm1, v6, v5  }
0x2e5: {  	v43 =	vld.idx.msk [tilespmem:v37+s2+$0x0], $0xffff;
	vm15 =	vgt.f32 v39, v8;
	v6 =	vsel vm1, $0xF, v6;
	vm1 =	vnez.u8 v51  }
0x2e6: {  	[tilespmem:$0x1F940] =	vst v7;
	v44 =	vld.idx.msk [tilespmem:v38+s2+$0x0], $0xffff;
	v51 =	vor.u32 $0x2E, v3;
	v38 =	vimm.s32 $0x0;
	v7 =	vsel vm15, $0xFFFFFFFF, v47  }
0x2e7: {  	v8 =	vsel vm15, v39, v8;
	vm15 =	vgt.f32 v39, v4;
	v5 =	vsel vm0, $0x10, v5  }
0x2e8: {  	v47 =	vimm.s32 $0x0;
	v8 =	vsel vm15, v4, v8;
	v5 =	vsel vm1, v6, v5  }
0x2e9: {  	v4 =	vsel vm15, v39, v4;
	v6 =	vsel vm1, $0x10, v6;
	vm1 =	vnez.u8 v55  }
0x2ea: {  	v48 =	vld.idx.msk [tilespmem:v41+s2+$0x0], $0xffff;
	v39 =	vimm.s32 $0x0;
	v55 =	vor.u32 $0x2F, v3;
	vm0 =	vgt.f32 v43, v8  }
0x2eb: {  	v60 =	vld [tilespmem:$0x1F8A0];
	v5 =	vsel vm1, $0x11, v5;
	vm1 =	vnez.u8 v57;
	v57 =	vimm.s32 $0x0  }
0x2ec: {  	[tilespmem:$0x1F950] =	vst v10;
	v10 =	vsel vm0, $0xFFFFFFFF, v52;
	v8 =	vsel vm0, v43, v8;
	vm0 =	vgt.f32 v43, v4  }
0x2ed: {  	v5 =	vsel vm1, v6, v5;
	v6 =	vsel vm1, $0x11, v6;
	v52 =	vimm.s32 $0x0  }
0x2ee: {  	v53 =	vld.idx.msk [tilespmem:v45+s2+$0x0], $0xffff;
	v11 =	vsel vm0, $0xFFFFFFFF, v54;
	v8 =	vsel vm0, v4, v8;
	v4 =	vsel vm0, v43, v4  }
0x2ef: {  	v16 =	vld [tilespmem:$0x1F8B0];
	v43 =	vimm.s32 $0x0;
	vm0 =	vgt.f32 v48, v8;
	vm1 =	vgt.f32 v48, v4  }
0x2f0: {  	v59 =	vld.idx.msk [tilespmem:v50+s2+$0x0], $0xffff;
	[tilespmem:$0x1F960] =	vst v9;
	v9 =	vsel vm0, $0xFFFFFFFF, v58;
	v8 =	vsel vm0, v48, v8;
	vm0 =	vnez.u8 v60  }
0x2f1: {  	v58 =	vld.idx.msk [tilespmem:v51+s2+$0x0], $0xffff;
	v60 =	vor.u32 $0x30, v3;
	v51 =	vor.u32 $0x38, v3;
	v5 =	vsel vm0, $0x12, v5  }
0x2f2: {  	v8 =	vsel vm1, v4, v8;
	v4 =	vsel vm1, v48, v4;
	v48 =	vld.idx.msk [tilespmem:v42+s2+$0x0], $0xffff;
	v42 =	vimm.s32 $0x0  }
0x2f3: {  	v5 =	vsel vm2, v6, v5;
	vm0 =	vgt.f32 v53, v8;
	v6 =	vsel vm2, $0x12, v6  }
0x2f4: {  	v20 =	vld [tilespmem:$0x1F8C0];
	[tilespmem:$0x1F970] =	vst v7;
	v7 =	vsel vm0, $0xFFFFFFFF, v62;
	v8 =	vsel vm0, v53, v8;
	vm0 =	vnez.u8 v16  }
0x2f5: {  	vm2 =	vgt.f32 v53, v4;
	v62 =	vld.idx.msk [tilespmem:v55+s2+$0x0], $0xffff;
	v55 =	vor.u32 $0x39, v3;
	v5 =	vsel vm0, $0x13, v5  }
0x2f6: {  	v8 =	vsel vm2, v4, v8;
	v4 =	vsel vm2, v53, v4;
	v53 =	vld.idx.msk [tilespmem:v46+s2+$0x0], $0xffff;
	v46 =	vor.u32 $0x37, v3  }
0x2f7: {  	v5 =	vsel vm3, v6, v5;
	vm0 =	vgt.f32 v59, v8;
	v6 =	vsel vm3, $0x13, v6  }
0x2f8: {  	v24 =	vld [tilespmem:$0x1F8D0];
	[tilespmem:$0x1F980] =	vst v10;
	vm3 =	vgt.f32 v59, v4;
	v10 =	vsel vm0, $0xFFFFFFFF, v18;
	v8 =	vsel vm0, v59, v8  }
0x2f9: {  	vm0 =	vnez.u8 v20;
	v18 =	vimm.s32 $0x0;
	v20 =	vimm.s32 $0x0  }
0x2fa: {  	v5 =	vsel vm0, $0x14, v5;
	v8 =	vsel vm3, v4, v8;
	v4 =	vsel vm3, v59, v4  }
0x2fb: {  	v5 =	vsel vm4, v6, v5;
	vm0 =	vgt.f32 v63, v8;
	v6 =	vsel vm4, $0x14, v6  }
0x2fc: {  	v28 =	vld [tilespmem:$0x1F8E0];
	[tilespmem:$0x1F9A0] =	vst v9;
	vm4 =	vgt.f32 v63, v4;
	v9 =	vsel vm0, $0xFFFFFFFF, v22;
	v8 =	vsel vm0, v63, v8  }
0x2fd: {  	vm0 =	vnez.u8 v24;
	v22 =	vor.u32 $0x32, v3;
	v24 =	vimm.s32 $0x0  }
0x2fe: {  	v5 =	vsel vm0, $0x15, v5;
	v8 =	vsel vm4, v4, v8;
	v4 =	vsel vm4, v63, v4  }
0x2ff: {  	v63 =	vimm.s32 $0x0;
	v5 =	vsel vm5, v6, v5;
	vm0 =	vgt.f32 v19, v8  }
0x300: {  	v32 =	vld [tilespmem:$0x1F8F0];
	[tilespmem:$0x1F9B0] =	vst v7;
	v6 =	vsel vm5, $0x15, v6;
	vm5 =	vgt.f32 v19, v4;
	v7 =	vsel vm0, $0xFFFFFFFF, v26  }
0x301: {  	v8 =	vsel vm0, v19, v8;
	vm0 =	vnez.u8 v28;
	v26 =	vor.u32 $0x33, v3  }
0x302: {  	v27 =	vld.idx.msk [tilespmem:v21+s2+$0x0], $0xffff;
	v28 =	vimm.s32 $0x0;
	v5 =	vsel vm0, $0x16, v5;
	v8 =	vsel vm5, v4, v8  }
0x303: {  	v4 =	vsel vm5, v19, v4;
	v5 =	vsel vm6, v6, v5;
	vm0 =	vgt.f32 v23, v8  }
0x304: {  	v37 =	vld [tilespmem:$0x1F900];
	[tilespmem:$0x1F9C0] =	vst v10;
	v6 =	vsel vm6, $0x16, v6;
	vm6 =	vgt.f32 v23, v4;
	v10 =	vsel vm0, $0xFFFFFFFF, v30  }
0x305: {  	v8 =	vsel vm0, v23, v8;
	vm0 =	vnez.u8 v32;
	v32 =	vimm.s32 $0x0  }
0x306: {  	v31 =	vld.idx.msk [tilespmem:v25+s2+$0x0], $0xffff;
	v5 =	vsel vm0, $0x17, v5;
	v8 =	vsel vm6, v4, v8;
	v4 =	vsel vm6, v23, v4  }
0x307: {  	v23 =	vld.idx.msk [tilespmem:v17+s2+$0x0], $0xffff;
	v17 =	vimm.s32 $0x0;
	v5 =	vsel vm7, v6, v5;
	vm0 =	vgt.f32 v27, v8  }
0x308: {  	v41 =	vld [tilespmem:$0x1F910];
	[tilespmem:$0x1F9D0] =	vst v9;
	v6 =	vsel vm7, $0x17, v6;
	vm7 =	vgt.f32 v27, v4;
	v9 =	vsel vm0, $0xFFFFFFFF, v34  }
0x309: {  	v8 =	vsel vm0, v27, v8;
	v12 =	vsel vm7, $0xFFFFFFFF, v36;
	vm0 =	vnez.u8 v37  }
0x30a: {  	v34 =	vld.idx.msk [tilespmem:v26+s2+$0x0], $0xffff;
	v36 =	vor.u32 $0x35, v3;
	v37 =	vimm.s32 $0x0;
	v26 =	vimm.s32 $0x0  }
0x30b: {  	v35 =	vld.idx.msk [tilespmem:v29+s2+$0x0], $0xffff;
	v5 =	vsel vm0, $0x18, v5;
	v8 =	vsel vm7, v4, v8;
	v4 =	vsel vm7, v27, v4  }
0x30c: {  	v45 =	vld [tilespmem:$0x1F920];
	v5 =	vsel vm8, v6, v5;
	vm7 =	vgt.f32 v31, v8;
	v6 =	vsel vm8, $0x18, v6  }
0x30d: {  	[tilespmem:$0x1F9E0] =	vst v7;
	v7 =	vsel vm7, $0xFFFFFFFF, v39;
	v8 =	vsel vm7, v31, v8;
	vm7 =	vnez.u8 v41  }
0x30e: {  	vm8 =	vgt.f32 v31, v4;
	v41 =	vor.u32 $0x36, v3;
	v5 =	vsel vm7, $0x19, v5  }
0x30f: {  	v50 =	vld [tilespmem:$0x1F930];
	v8 =	vsel vm8, v4, v8;
	v4 =	vsel vm8, v31, v4;
	v31 =	vor.u32 $0x34, v3  }
0x310: {  	v5 =	vsel vm9, v6, v5;
	vm7 =	vgt.f32 v35, v8;
	v6 =	vsel vm9, $0x19, v6  }
0x311: {  	[tilespmem:$0x1F9F0] =	vst v10;
	v10 =	vsel vm7, $0xFFFFFFFF, v43;
	v8 =	vsel vm7, v35, v8;
	vm7 =	vnez.u8 v45  }
0x312: {  	vm9 =	vgt.f32 v35, v4;
	v43 =	vimm.s32 $0x0;
	v5 =	vsel vm7, $0x1A, v5  }
0x313: {  	v54 =	vld [tilespmem:$0x1F940];
	v8 =	vsel vm9, v4, v8;
	v4 =	vsel vm9, v35, v4;
	v5 =	vsel vm10, v6, v5  }
0x314: {  	v59 =	vld [tilespmem:$0x1F950];
	vm7 =	vgt.f32 v40, v8;
	v6 =	vsel vm10, $0x1A, v6;
	vm10 =	vnez.u8 v50  }
0x315: {  	[tilespmem:$0x1FA00] =	vst v9;
	v9 =	vsel vm7, $0xFFFFFFFF, v47;
	v8 =	vsel vm7, v40, v8;
	vm7 =	vgt.f32 v40, v4  }
0x316: {  	[tilespmem:$0x1F990] =	vst v11;
	v5 =	vsel vm10, $0x1B, v5;
	v39 =	vld.idx.msk [tilespmem:v31+s2+$0x0], $0xffff;
	v31 =	vimm.s32 $0x0;
	v11 =	vsel vm7, $0xFFFFFFFF, v49  }
0x317: {  	v8 =	vsel vm7, v4, v8;
	v5 =	vsel vm11, v6, v5;
	v4 =	vsel vm7, v40, v4  }
0x318: {  	v16 =	vld [tilespmem:$0x1F960];
	v6 =	vsel vm11, $0x1B, v6;
	vm11 =	vnez.u8 v54;
	vm10 =	vgt.f32 v44, v8  }
0x319: {  	vm7 =	vgt.f32 v44, v4;
	v5 =	vsel vm11, $0x1C, v5;
	vm11 =	vnez.u8 v59  }
0x31a: {  	[tilespmem:$0x1FA20] =	vst v7;
	v59 =	vor.u32 $0x3A, v3;
	v7 =	vsel vm10, $0xFFFFFFFF, v52;
	v8 =	vsel vm10, v44, v8  }
0x31b: {  	v13 =	vsel vm7, $0xFFFFFFFF, v56;
	v5 =	vsel vm12, v6, v5;
	v6 =	vsel vm12, $0x1C, v6  }
0x31c: {  	v52 =	vimm.s32 $0x0;
	v56 =	vimm.s32 $0x0;
	v8 =	vsel vm7, v4, v8  }
0x31d: {  	v21 =	vld [tilespmem:$0x1F970];
	v4 =	vsel vm7, v44, v4;
	v5 =	vsel vm11, $0x1D, v5;
	vm11 =	vnez.u8 v16  }
0x31e: {  	v16 =	vor.u32 $0x3B, v3;
	vm10 =	vgt.f32 v48, v8;
	vm12 =	vgt.f32 v48, v4  }
0x31f: {  	v5 =	vsel vm13, v6, v5;
	v6 =	vsel vm13, $0x1D, v6;
	v8 =	vsel vm10, v48, v8  }
0x320: {  	v25 =	vld [tilespmem:$0x1F980];
	[tilespmem:$0x1FA30] =	vst v10;
	v10 =	vsel vm10, $0xFFFFFFFF, v57;
	v5 =	vsel vm11, $0x1E, v5;
	v8 =	vsel vm12, v4, v8  }
0x321: {  	v30 =	vld [tilespmem:$0x1F9A0];
	v4 =	vsel vm12, v48, v4;
	v5 =	vsel vm14, v6, v5;
	v6 =	vsel vm14, $0x1E, v6  }
0x322: {  	v27 =	vld [tilespmem:$0x1F990];
	vm14 =	vnez.u8 v21;
	v48 =	vimm.s32 $0x0;
	v21 =	vimm.s32 $0x0  }
0x323: {  	[tilespmem:$0x1FA10] =	vst v12;
	vm7 =	vgt.f32 v53, v8;
	vm10 =	vgt.f32 v53, v4;
	v5 =	vsel vm14, $0x1F, v5  }
0x324: {  	[tilespmem:$0x1FA40] =	vst v9;
	v9 =	vsel vm7, $0xFFFFFFFF, v61;
	v8 =	vsel vm7, v53, v8;
	v12 =	vsel vm10, $0xFFFFFFFF, v63  }
0x325: {  	v5 =	vsel vm15, v6, v5;
	v6 =	vsel vm15, $0x1F, v6;
	vm15 =	vnez.u8 v25  }
0x326: {  	v61 =	vimm.s32 $0x0;
	v8 =	vsel vm10, v4, v8;
	v4 =	vsel vm10, v53, v4  }
0x327: {  	[tilespmem:$0x1FA50] =	vst v11;
	v5 =	vsel vm15, $0x20, v5;
	vm10 =	vnez.u8 v27;
	vm15 =	vnez.u8 v30  }
0x328: {  	v25 =	vld [tilespmem:$0x1FA50];
	vm13 =	vgt.f32 v58, v8;
	vm7 =	vgt.f32 v58, v4;
	v5 =	vsel vm10, v6, v5  }
0x329: {  	v19 =	vld.idx.msk [tilespmem:v60+s2+$0x0], $0xffff;
	[tilespmem:$0x1FA60] =	vst v7;
	v6 =	vsel vm10, $0x20, v6;
	v7 =	vsel vm13, $0xFFFFFFFF, v18;
	v8 =	vsel vm13, v58, v8  }
0x32a: {  	v40 =	vld [tilespmem:$0x1F9C0];
	v11 =	vsel vm7, $0xFFFFFFFF, v20;
	v5 =	vsel vm15, $0x21, v5;
	v20 =	vor.u32 $0x3C, v3  }
0x32b: {  	v8 =	vsel vm7, v4, v8;
	v4 =	vsel vm7, v58, v4;
	v5 =	vsel vm1, v6, v5  }
0x32c: {  	v35 =	vld [tilespmem:$0x1F9B0];
	v6 =	vsel vm1, $0x21, v6;
	vm13 =	vgt.f32 v62, v8;
	vm7 =	vgt.f32 v62, v4  }
0x32d: {  	[tilespmem:$0x1FAA0] =	vst v12;
	vm0 =	vnez.u8 v25;
	v8 =	vsel vm13, v62, v8;
	v12 =	vsel vm7, $0xFFFFFFFF, v24  }
0x32e: {  	v24 =	vor.u32 $0x3D, v3;
	v8 =	vsel vm7, v4, v8;
	v4 =	vsel vm7, v62, v4  }
0x32f: {  	[tilespmem:$0x1FA70] =	vst v13;
	vm7 =	vnez.u8 v40;
	vm11 =	vgt.f32 v19, v8;
	vm14 =	vgt.f32 v19, v4  }
0x330: {  	v45 =	vld [tilespmem:$0x1F9D0];
	[tilespmem:$0x1FA90] =	vst v9;
	v9 =	vsel vm11, $0xFFFFFFFF, v28;
	v8 =	vsel vm11, v19, v8;
	v13 =	vsel vm14, $0xFFFFFFFF, v32  }
0x331: {  	v29 =	vld.idx.msk [tilespmem:v22+s2+$0x0], $0xffff;
	v8 =	vsel vm14, v4, v8;
	v4 =	vsel vm14, v19, v4;
	vm14 =	vnez.u8 v35  }
0x332: {  	[tilespmem:$0x1FAB0] =	vst v7;
	vm10 =	vgt.f32 v23, v8;
	vm11 =	vgt.f32 v23, v4;
	v5 =	vsel vm14, $0x22, v5  }
0x333: {  	v50 =	vld [tilespmem:$0x1F9E0];
	[tilespmem:$0x1FAF0] =	vst v13;
	v7 =	vsel vm10, $0xFFFFFFFF, v33;
	v8 =	vsel vm10, v23, v8;
	v13 =	vsel vm11, $0xFFFFFFFF, v37  }
0x334: {  	v5 =	vsel vm2, v6, v5;
	v6 =	vsel vm2, $0x22, v6;
	v8 =	vsel vm11, v4, v8  }
0x335: {  	v4 =	vsel vm11, v23, v4;
	v5 =	vsel vm7, $0x23, v5;
	vm11 =	vnez.u8 v45  }
0x336: {  	vm15 =	vgt.f32 v29, v8;
	vm1 =	vgt.f32 v29, v4;
	v5 =	vsel vm3, v6, v5  }
0x337: {  	v60 =	vld [tilespmem:$0x1FA10];
	[tilespmem:$0x1FA80] =	vst v10;
	v6 =	vsel vm3, $0x23, v6;
	v10 =	vsel vm15, $0xFFFFFFFF, v38;
	v8 =	vsel vm15, v29, v8  }
0x338: {  	v54 =	vld [tilespmem:$0x1F9F0];
	[tilespmem:$0x1FB10] =	vst v13;
	v13 =	vsel vm1, $0xFFFFFFFF, v42;
	v5 =	vsel vm11, $0x24, v5;
	vm15 =	vnez.u8 v50  }
0x339: {  	v57 =	vld [tilespmem:$0x1FA00];
	v8 =	vsel vm1, v4, v8;
	v4 =	vsel vm1, v29, v4;
	v5 =	vsel vm4, v6, v5  }
0x33a: {  	v62 =	vld [tilespmem:$0x1FA20];
	v6 =	vsel vm4, $0x24, v6;
	v29 =	vor.u32 $0x3E, v3;
	v3 =	vor.u32 $0x3F, v3  }
0x33b: {  	vm10 =	vgt.f32 v34, v8;
	vm1 =	vgt.f32 v34, v4;
	v5 =	vsel vm15, $0x25, v5  }
0x33c: {  	[tilespmem:$0x1FAE0] =	vst v9;
	vm15 =	vnez.u8 v60;
	v9 =	vsel vm10, $0xFFFFFFFF, v43;
	v8 =	vsel vm10, v34, v8  }
0x33d: {  	v5 =	vsel vm5, v6, v5;
	v6 =	vsel vm5, $0x25, v6;
	vm5 =	vnez.u8 v54  }
0x33e: {  	v19 =	vld [tilespmem:$0x1FA30];
	vm10 =	vnez.u8 v57;
	v8 =	vsel vm1, v4, v8;
	v4 =	vsel vm1, v34, v4  }
0x33f: {  	v44 =	vld.idx.msk [tilespmem:v36+s2+$0x0], $0xffff;
	v5 =	vsel vm5, $0x26, v5;
	vm5 =	vnez.u8 v62;
	v34 =	vimm.s32 $0x0  }
0x340: {  	v23 =	vld [tilespmem:$0x1FA40];
	vm14 =	vgt.f32 v39, v8;
	v5 =	vsel vm6, v6, v5;
	v6 =	vsel vm6, $0x26, v6  }
0x341: {  	[tilespmem:$0x1FB00] =	vst v7;
	v7 =	vsel vm14, $0xFFFFFFFF, v48;
	v8 =	vsel vm14, v39, v8;
	vm14 =	vgt.f32 v39, v4  }
0x342: {  	v49 =	vld.idx.msk [tilespmem:v41+s2+$0x0], $0xffff;
	v5 =	vsel vm10, $0x27, v5;
	v8 =	vsel vm14, v4, v8;
	v4 =	vsel vm14, v39, v4  }
0x343: {  	v27 =	vld [tilespmem:$0x1FA60];
	v5 =	vsel vm15, v6, v5;
	v6 =	vsel vm15, $0x27, v6;
	vm15 =	vnez.u8 v19  }
0x344: {  	vm4 =	vgt.f32 v44, v8;
	vm11 =	vgt.f32 v44, v4;
	v5 =	vsel vm5, $0x28, v5  }
0x345: {  	v53 =	vld.idx.msk [tilespmem:v46+s2+$0x0], $0xffff;
	[tilespmem:$0x1FB20] =	vst v10;
	vm5 =	vnez.u8 v23;
	v10 =	vsel vm4, $0xFFFFFFFF, v52;
	v8 =	vsel vm4, v44, v8  }
0x346: {  	v5 =	vsel vm8, v6, v5;
	v6 =	vsel vm8, $0x28, v6;
	v8 =	vsel vm11, v4, v8  }
0x347: {  	[tilespmem:$0x1FAC0] =	vst v11;
	v58 =	vld.idx.msk [tilespmem:v51+s2+$0x0], $0xffff;
	v4 =	vsel vm11, v44, v4;
	v5 =	vsel vm15, $0x29, v5;
	vm7 =	vgt.f32 v49, v8  }
0x348: {  	v40 =	vld [tilespmem:$0x1FAC0];
	vm15 =	vnez.u8 v27;
	vm10 =	vgt.f32 v49, v4;
	v8 =	vsel vm7, v49, v8  }
0x349: {  	v5 =	vsel vm9, v6, v5;
	v6 =	vsel vm9, $0x29, v6;
	v8 =	vsel vm10, v4, v8  }
0x34a: {  	v33 =	vld [tilespmem:$0x1FA80];
	[tilespmem:$0x1FB40] =	vst v9;
	v9 =	vsel vm7, $0xFFFFFFFF, v56;
	v4 =	vsel vm10, v49, v4;
	vm4 =	vgt.f32 v53, v8  }
0x34b: {  	v63 =	vld.idx.msk [tilespmem:v55+s2+$0x0], $0xffff;
	v5 =	vsel vm5, $0x2A, v5;
	vm7 =	vgt.f32 v53, v4;
	v8 =	vsel vm4, v53, v8  }
0x34c: {  	v5 =	vsel vm0, v6, v5;
	v6 =	vsel vm0, $0x2A, v6;
	v8 =	vsel vm7, v4, v8  }
0x34d: {  	v30 =	vld [tilespmem:$0x1FA70];
	vm0 =	vnez.u8 v40;
	v4 =	vsel vm7, v53, v4;
	vm6 =	vgt.f32 v58, v8  }
0x34e: {  	v18 =	vld.idx.msk [tilespmem:v59+s2+$0x0], $0xffff;
	v5 =	vsel vm15, $0x2B, v5;
	vm8 =	vgt.f32 v58, v4;
	v8 =	vsel vm6, v58, v8  }
0x34f: {  	[tilespmem:$0x1FB60] =	vst v7;
	vm15 =	vnez.u8 v33;
	v7 =	vsel vm4, $0xFFFFFFFF, v61;
	v8 =	vsel vm8, v4, v8  }
0x350: {  	v37 =	vld [tilespmem:$0x1FAA0];
	[tilespmem:$0x1FB70] =	vst v10;
	v10 =	vsel vm6, $0xFFFFFFFF, v17;
	v4 =	vsel vm8, v58, v4;
	vm4 =	vgt.f32 v63, v8  }
0x351: {  	v22 =	vld.idx.msk [tilespmem:v16+s2+$0x0], $0xffff;
	[tilespmem:$0x1FB80] =	vst v9;
	vm9 =	vgt.f32 v63, v4;
	v9 =	vsel vm4, $0xFFFFFFFF, v21;
	v8 =	vsel vm4, v63, v8  }
0x352: {  	vm4 =	vnez.u8 v30;
	v8 =	vsel vm9, v4, v8;
	v4 =	vsel vm9, v63, v4  }
0x353: {  	v36 =	vld [tilespmem:$0x1FA90];
	v5 =	vsel vm4, v6, v5;
	v6 =	vsel vm4, $0x2B, v6;
	vm6 =	vgt.f32 v18, v8  }
0x354: {  	v28 =	vld.idx.msk [tilespmem:v20+s2+$0x0], $0xffff;
	[tilespmem:$0x1FB90] =	vst v7;
	v7 =	vsel vm6, $0xFFFFFFFF, v26;
	v8 =	vsel vm6, v18, v8;
	vm6 =	vgt.f32 v18, v4  }
0x355: {  	v5 =	vsel vm15, $0x2C, v5;
	vm15 =	vnez.u8 v37;
	v8 =	vsel vm6, v4, v8  }
0x356: {  	v38 =	vld [tilespmem:$0x1FAB0];
	v5 =	vsel vm12, v6, v5;
	v4 =	vsel vm6, v18, v4;
	vm5 =	vgt.f32 v22, v8  }
0x357: {  	v32 =	vld.idx.msk [tilespmem:v24+s2+$0x0], $0xffff;
	[tilespmem:$0x1FBA0] =	vst v10;
	v10 =	vsel vm5, $0xFFFFFFFF, v31;
	v8 =	vsel vm5, v22, v8;
	vm5 =	vgt.f32 v22, v4  }
0x358: {  	v6 =	vsel vm12, $0x2C, v6;
	vm12 =	vnez.u8 v36;
	v8 =	vsel vm5, v4, v8  }
0x359: {  	[tilespmem:$0x1FAD0] =	vst v12;
	v5 =	vsel vm12, $0x2D, v5;
	v4 =	vsel vm5, v22, v4;
	vm4 =	vgt.f32 v28, v8  }
0x35a: {  	v35 =	vld.idx.msk [tilespmem:v29+s2+$0x0], $0xffff;
	[tilespmem:$0x1FBB0] =	vst v9;
	v9 =	vsel vm4, $0xFFFFFFFF, v34;
	v8 =	vsel vm4, v28, v8;
	vm4 =	vgt.f32 v28, v4  }
0x35b: {  	v41 =	vld [tilespmem:$0x1FAD0];
	v11 =	vsel vm15, $0x2D, v6;
	vm12 =	vnez.u8 v38;
	v8 =	vsel vm4, v4, v8  }
0x35c: {  	v5 =	vsel vm15, v6, v5;
	v4 =	vsel vm4, v28, v4;
	vm15 =	vgt.f32 v32, v8  }
0x35d: {  	v3 =	vld.idx.msk [tilespmem:v3+s2+$0x0], $0xffff;
	v5 =	vsel vm12, $0x2E, v5;
	vm3 =	vgt.f32 v32, v4;
	v39 =	vsel vm15, v32, v8  }
0x35e: {  	[tilespmem:$0x1FBC0] =	vst v7;
	v7 =	vsel vm0, $0x2E, v11;
	v5 =	vsel vm0, v11, v5;
	v6 =	vsel vm3, v4, v39  }
0x35f: {  	v5 =	vsel vm13, $0x2F, v5;
	v4 =	vsel vm3, v32, v4;
	vm13 =	vgt.f32 v35, v6  }
0x360: {  	vm12 =	vnez.u8 v41;
	vm2 =	vgt.f32 v35, v4;
	v6 =	vsel vm13, v35, v6  }
0x361: {  	v47 =	vimm.s32 $0x0;
	v42 =	vld [tilespmem:$0x1FAE0];
	v5 =	vsel vm12, v7, v5;
	v6 =	vsel vm2, v4, v6  }
0x362: {  	v43 =	vld [tilespmem:$0x1FAF0];
	v7 =	vsel vm12, $0x2F, v7;
	v4 =	vsel vm2, v35, v4;
	vm12 =	vgt.f32 v3, v6  }
0x363: {  	[tilespmem:$0x1FB30] =	vst v13;
	v13 =	vsel vm1, $0xFFFFFFFF, v47;
	vm1 =	vgt.f32 v3, v4;
	v6 =	vsel vm12, v3, v6  }
0x364: {  	v45 =	vld [tilespmem:$0x1FB00];
	v3 =	vsel vm1, v3, v4;
	v6 =	vsel vm1, v4, v6  }
0x365: {  	v46 =	vld [tilespmem:$0x1FB10];
	v3 =	vsub.f32 v6, v3  }
0x366: {  	v47 =	vld [tilespmem:$0x1FB20];
	vm0 =	vnez.u8 v42  }
0x367: {  	v48 =	vld [tilespmem:$0x1FB30];
	v5 =	vsel vm0, $0x30, v5;
	vm0 =	vnez.u8 v43;
	v3 =	vmul.f32 $1.442695020e+00, v3  }
0x368: {  	[tilespmem:$0x1FB50] =	vst v13;
	v49 =	vld [tilespmem:$0x1FB40];
	v5 =	vsel vm0, v7, v5  }
0x369: {  	v44 =	vsel vm0, $0x30, v7;
	vm0 =	vnez.u8 v45;
	(erf) = vpow2.f32 v3;
	v3 =	vld [tilespmem:$0x1FB50]  }
0x36a: {  	v50 =	vld [tilespmem:$0x1FB60];
	v5 =	vsel vm0, $0x31, v5;
	vm0 =	vnez.u8 v46  }
0x36b: {  	v5 =	vsel vm0, v44, v5;
	v4 =	vsel vm0, $0x31, v44;
	vm0 =	vnez.u8 v47  }
0x36c: {  	v51 =	vld [tilespmem:$0x1FB70];
	v5 =	vsel vm0, $0x32, v5;
	vm0 =	vnez.u8 v48  }
0x36d: {  	v5 =	vsel vm0, v4, v5;
	v4 =	vsel vm0, $0x32, v4;
	vm0 =	vnez.u8 v49  }
0x36e: {  	v52 =	vld [tilespmem:$0x1FB80];
	v5 =	vsel vm0, $0x33, v5;
	vm0 =	vnez.u8 v3  }
0x36f: {  	v3 =	vsel vm0, v4, v5;
	v4 =	vsel vm0, $0x33, v4;
	vm0 =	vnez.u8 v50  }
0x370: {  	v53 =	vld [tilespmem:$0x1FB90];
	v3 =	vsel vm0, $0x34, v3  }
0x371: {  	v3 =	vsel vm14, v4, v3;
	v4 =	vsel vm14, $0x34, v4;
	vm14 =	vnez.u8 v51  }
0x372: {  	v55 =	vld [tilespmem:$0x1FBA0];
	v3 =	vsel vm14, $0x35, v3  }
0x373: {  	v3 =	vsel vm11, v4, v3;
	v4 =	vsel vm11, $0x35, v4;
	vm11 =	vnez.u8 v52  }
0x374: {  	v57 =	vld [tilespmem:$0x1FBB0];
	v3 =	vsel vm11, $0x36, v3  }
0x375: {  	vm14 =	vnez.u8 v53;
	v3 =	vsel vm10, v4, v3  }
0x376: {  	v58 =	vld [tilespmem:$0x1FBC0];
	v4 =	vsel vm10, $0x36, v4;
	v3 =	vsel vm14, $0x37, v3  }
0x377: {  	[tilespmem:$0x1FBD0] =	vst v10;
	v54 =	vpop (erf);
	v3 =	vsel vm7, v4, v3;
	v4 =	vsel vm7, $0x37, v4;
	vm7 =	vnez.u8 v55  }
0x378: {  	v59 =	vld [tilespmem:$0x1FBD0];
	v56 =	vadd.f32 $1.000000000e+00, v54;
	v3 =	vsel vm7, $0x38, v3  }
0x379: {  	[tilespmem:$0x1FBE0] =	vst v9;
	v3 =	vsel vm8, v4, v3;
	v4 =	vsel vm8, $0x38, v4;
	vm8 =	vnez.u8 v57  }
0x37a: {  	v60 =	vld [tilespmem:$0x1FBE0];
	(erf) = vrcp.f32 v56;
	v3 =	vsel vm8, $0x39, v3  }
0x37b: {  	vm10 =	vnez.u8 v58;
	v3 =	vsel vm9, v4, v3  }
0x37c: {  	v4 =	vsel vm9, $0x39, v4;
	v3 =	vsel vm10, $0x3A, v3  }
0x37d: {  	vm11 =	vnez.u8 v59;
	v3 =	vsel vm6, v4, v3  }
0x37e: {  	v4 =	vsel vm6, $0x3A, v4;
	v3 =	vsel vm11, $0x3B, v3  }
0x37f: {  	vm14 =	vnez.u8 v60;
	v3 =	vsel vm5, v4, v3  }
0x380: {  	v2 =	vshll.u32 v2, $0x1;
	v4 =	vsel vm5, $0x3B, v4;
	v3 =	vsel vm14, $0x3C, v3  }
0x381: {  	v61 =	vor.u32 $0x1, v2;
	v3 =	vsel vm4, v4, v3  }
0x382: {  	v4 =	vsel vm4, $0x3C, v4;
	v3 =	vsel vm15, $0x3D, v3  }
0x383: {  	v62 =	vpop (erf);
	v3 =	vsel vm3, v4, v3  }
0x384: {  	v5 =	vmul.f32 v62, v54;
	v4 =	vsel vm3, $0x3D, v4;
	v3 =	vsel vm13, $0x3E, v3  }
0x385: {  	[tilespmem:v2+s8+$0x0] =	vst.idx.msk $0xffff, v62;
	v3 =	vsel vm2, v4, v3;
	v4 =	vsel vm2, $0x3E, v4  }
0x386: {  	[tilespmem:v61+s8+$0x0] =	vst.idx.msk $0xffff, v5;
	v3 =	vsel vm12, $0x3F, v3;
	v63 =	vsel vm1, $0x3F, v4  }
0x387: {  	v3 =	vsel vm1, v4, v3;
	[tilespmem:v2+s9+$0x0] =	vst.idx.msk $0xffff, v63  }
0x388: {  	[tilespmem:v61+s9+$0x0] =	vst.idx.msk $0xffff, v3  }
0x389: {  	[hbm4b:s4+s2] =	stream.linear.scatter [tilespmem:s8], [sflag:$0x1], $0x400, $0x38;
	[tilespmem:$0x8800] =	vst v63  }
0x38a: {  	s10 =	sadd.s32 $0x1, s10;
	_ =	swait.ge [sflag:s7], $0x400  }
0x38b: {  	p0 =	sne.s32 s10, s6;
	[sflag:s7] =	ssyncset.done $0x0  }
.Ltmp1:
0x38c: {  	[sflag:s7] =	ssyncadd.s32 $0xFFFFFC00;
	(pc) =	sbr.rel @p0 .LBB2_1-.Ltmp1, $4  }
0x38d: {  	[hbm4b:s5+s2] =	stream.linear.scatter [tilespmem:s9], [sflag:$0x1], $0x400, $0x38;
	[tilespmem:$0x8800] =	vst v63  }
0x38e: {  	_ =	swait.ge [sflag:s7], $0x400  }
0x38f: {  	[sflag:s7] =	ssyncset.done $0x0  }
0x390: {  	[sflag:s7] =	ssyncadd.s32 $0xFFFFFC00  }
0x391: {  	_ =	sfence.sel $0x180000  }
0x392: {  	[bflag:$0x0] =	sbarrier.arrive $0xFFFF  }
0x393: {  	p0 =	sne.s32 s1, $0x0;
	_ =	strace $0x9000004A  }
0x394: {  	s0 =	sadd.s32 @!p0 $0x100000, s0;
	[bflag:$0x2] =	sbarrier.arrive $0xFFFF  }
0x395: {  	[sflag:s0] =	ssyncadd.tile.s32 @!p0 $0x1;
	_ =	shalt  }
.Lfunc_end2:
_tile_overlayer_lowered:
.L_overlay_start_2:
0x396: {  	(tag) =	ssettag $0x2  }
0x397: {  	s0 =	rddreg [dreg:$0x0];
	s2 =	stileid.u32  }
0x398: {  	s1 =	rddreg [dreg:$0x1];
	p0 =	sne.s32 s2, $0x0  }
0x399: {  	s3 =	rddreg [dreg:$0x2];
	[bflag:$0x3] =	sbarrier.arrive $0xFFFF;
	s2 =	simm.s32 @!p0 $0x1C01  }
0x39a: {  	[timem:s3], [sflag:s2] =	dma.local @!p0 [hbm:s0], s1  }
0x39b: {  	s0 =	simm.s32 @!p0 $0x1  }
0x39c: {  	_ =	swait.ge @!p0 [sflag:s0], s1  }
0x39d: {  	s1 =	ssub.s32 @!p0 $0x0, s1;
	[sflag:s0] =	ssyncset.done @!p0 $0x0  }
0x39e: {  	[sflag:s0] =	ssyncadd.s32 @!p0 s1  }
0x39f: {  	[bflag:$0x3] =	sbarrier.arrive $0xFFFF  }
0x3a0: {  	_ =	shalt  }

</sc_bundles>
